<compile_context>
chip_gen: v7x
topology: tpu7x:2x2x1
jax: 0.10.2.dev20260603
libtpu: 0.0.44.dev20260713+nightly
codegen_flags: <defaults>
</compile_context>

<pallas_src>
import functools

import jax
import jax.numpy as jnp
from jax import lax
from jax.experimental import pallas as pl
from jax.experimental.pallas import tpu as pltpu
from jax.experimental.pallas import tpu_sc as plsc

_NUM_CORES = 2
_NUM_SUBCORES = 16
_NUM_WORKERS = _NUM_CORES * _NUM_SUBCORES
_ROWS_PER_CHUNK = 8
_BLOCK_OUT = 512
_GROUP = 16


@functools.cache
def _build(n_b, n_f, n_in, n_out, n_neigh):
  n_rows = n_b * n_f
  assert n_f % _ROWS_PER_CHUNK == 0
  assert n_rows % (_NUM_WORKERS * _ROWS_PER_CHUNK) == 0
  assert n_out >= _BLOCK_OUT and n_out % 8 == 0 and _BLOCK_OUT % 8 == 0
  rounds = n_rows // (_NUM_WORKERS * _ROWS_PER_CHUNK)
  n_blocks = -(-n_out // _BLOCK_OUT)
  n_blocks += n_blocks % 2
  groups = _BLOCK_OUT // _GROUP
  blk_idx = _BLOCK_OUT * n_neigh

  mesh = plsc.VectorSubcoreMesh(
      core_axis_name="c", subcore_axis_name="s",
      num_cores=_NUM_CORES, num_subcores=_NUM_SUBCORES)

  @functools.partial(
      pl.kernel,
      mesh=mesh,
      out_type=jax.ShapeDtypeStruct((n_b, n_f, n_out), jnp.float32),
      scratch_types=[
          pltpu.VMEM((_ROWS_PER_CHUNK, n_in), jnp.float32),
          pltpu.VMEM((2, n_neigh, _BLOCK_OUT), jnp.int32),
          pltpu.VMEM((2, _ROWS_PER_CHUNK, _BLOCK_OUT), jnp.float32),
          pltpu.SemaphoreType.DMA,
          pltpu.SemaphoreType.DMA,
          pltpu.SemaphoreType.DMA,
          pltpu.SemaphoreType.DMA,
      ],
      compiler_params=pltpu.CompilerParams(
          use_tc_tiling_on_sc=False, needs_layout_passes=False),
  )
  def k(x2_hbm, nbt_hbm, out_hbm, slab, nb, ost, sn0, sn1, so0, so1):
    wid = lax.axis_index("s") * _NUM_CORES + lax.axis_index("c")
    nsem = (sn0, sn1)
    osem = (so0, so1)

    def col_of(ob):
      return jnp.minimum(ob * _BLOCK_OUT, n_out - _BLOCK_OUT)

    def nb_start(ob, par):
      pltpu.async_copy(
          nbt_hbm.at[:, pl.ds(col_of(ob), _BLOCK_OUT)],
          nb.at[par], nsem[par])

    def nb_wait(par):
      pltpu.make_async_copy(
          nbt_hbm.at[:, pl.ds(0, _BLOCK_OUT)], nb.at[par], nsem[par]).wait()

    def out_wait(par):
      pltpu.make_async_copy(
          ost.at[par],
          out_hbm.at[0, pl.ds(0, _ROWS_PER_CHUNK), pl.ds(0, _BLOCK_OUT)],
          osem[par]).wait()

    chunks_per_b = n_f // _ROWS_PER_CHUNK

    def round_body(r, carry):
      rc = wid * rounds + r
      bb = rc // chunks_per_b
      f0 = (rc % chunks_per_b) * _ROWS_PER_CHUNK
      nb_start(0, 0)
      pltpu.sync_copy(
          x2_hbm.at[bb, pl.ds(f0, _ROWS_PER_CHUNK), :], slab)

      def pair_body(ob2, carry):
        for par in (0, 1):
          ob = ob2 * 2 + par
          col0 = col_of(ob)
          nb_wait(par)

          @pl.when(ob + 1 < n_blocks)
          def _():
            nb_start(ob + 1, 1 - par)

          @pl.when((r > 0) | (ob2 > 0))
          def _():
            out_wait(par)

          @plsc.parallel_loop(0, groups, unroll=2)
          def group_body(og):
            g0 = og * _GROUP
            idxs = [nb[par, j, pl.ds(g0, _GROUP)] for j in range(n_neigh)]
            for f in range(_ROWS_PER_CHUNK):
              rowv = jnp.full((_GROUP,), f, jnp.int32)
              vals = [
                  plsc.load_gather(slab, [rowv, idxs[j]])
                  for j in range(n_neigh)
              ]
              while len(vals) > 1:
                vals = [jnp.maximum(a, b) for a, b in zip(vals[::2], vals[1::2])]
              ost[par, f, pl.ds(g0, _GROUP)] = vals[0]
          pltpu.async_copy(
              ost.at[par],
              out_hbm.at[bb, pl.ds(f0, _ROWS_PER_CHUNK),
                         pl.ds(col0, _BLOCK_OUT)],
              osem[par])
        return carry

      lax.fori_loop(0, n_blocks // 2, pair_body, 0)
      return carry

    lax.fori_loop(0, rounds, round_body, 0)
    out_wait(0)
    out_wait(1)

  return k


def kernel(x, neighborhood):
  b, f, n_in = x.shape
  n_out, n_neigh = neighborhood.shape

  nbt = neighborhood.astype(jnp.int32).T
  return _build(b, f, n_in, n_out, n_neigh)(x, nbt)

# --- scband reference (transcript-rebuilt; emitter-appended) ---
"""Pipeline reference for scband-max-pool-local-30021821399291 (READ-ONLY COPY).

The authoritative reference and input builder live on the scoring server;
editing this copy changes nothing except your own understanding.
"""

import jax, jax.numpy as jnp
import numpy as np

B = 8
F = 128
N_IN = 10000
N_OUT = 5000
NEIGH = 16


def setup_inputs(seed: int = 0) -> dict:
    key = jax.random.key(seed)
    kx, kn = jax.random.split(key)
    x = jax.random.normal(kx, (B, F, N_IN), dtype=jnp.float32)
    # neighborhood table normally produced by addGSO via graphTools.computeNeighborhood;
    # here materialized directly as indices into the input node dimension.
    neighborhood = jax.random.randint(kn, (N_OUT, NEIGH), 0, N_IN, dtype=jnp.int64)
    return {"x": x, "neighborhood": neighborhood}


def reference(x, neighborhood):
    # Faithful translation of MaxPoolLocal.forward:
    # x: [B, F, N_in] -> repeat along a new neighbor axis and gather, then max.
    # Equivalent (and exact) formulation: gather neighbors along node axis, max over them.
    # xNeighbors[b, f, o, j] = x[b, f, neighborhood[o, j]]
    xNeighbors = jnp.take(x, neighborhood, axis=2)  # [B, F, N_out, NEIGH]
    v = jnp.max(xNeighbors, axis=3)  # [B, F, N_out]
    return v

if __name__ == "__main__":
    import jax
    _d = setup_inputs()
    print(jax.jit(kernel)(*tuple(_d.values())))

</pallas_src>

<mosaic_0001>
#map = affine_map<(d0, d1) -> (0, 0, 0)>
#map1 = affine_map<(d0, d1) -> (0, 0)>
module attributes {stable_mosaic.version = 14 : i64} {
  func.func @k(%arg0: i32, %arg1: i32, %arg2: memref<8x128x10000xf32, #tpu.memory_space<hbm>>, %arg3: memref<16x5000xi32, #tpu.memory_space<hbm>>, %arg4: memref<8x128x5000xf32, #tpu.memory_space<hbm>>, %arg5: memref<8x10000xf32, #tpu.memory_space<vmem>>, %arg6: memref<2x16x512xi32, #tpu.memory_space<vmem>>, %arg7: memref<2x8x512xf32, #tpu.memory_space<vmem>>, %arg8: memref<!tpu.dma_semaphore, #tpu.memory_space<semaphore_mem>>, %arg9: memref<!tpu.dma_semaphore, #tpu.memory_space<semaphore_mem>>, %arg10: memref<!tpu.dma_semaphore, #tpu.memory_space<semaphore_mem>>, %arg11: memref<!tpu.dma_semaphore, #tpu.memory_space<semaphore_mem>>) attributes {dimension_semantics = [#tpu.dimension_semantics<core_parallel>, #tpu.dimension_semantics<subcore_parallel>], iteration_bounds = array<i64: 2, 16>, scalar_prefetch = 0 : i64, scratch_operands = 7 : i64, tpu.core_type = #tpu.core_type<sc_vector_subcore>, window_params = [{transform_indices = #map}, {transform_indices = #map1}, {transform_indices = #map}]} {
    %mul3A = arith.constant 2 : i32
    %mul3A_0 = arith.muli %arg1, %mul3A : i32
    %add3A = arith.addi %mul3A_0, %arg0 : i32
    %scan3A = arith.constant 0 : i32
    %scan3A_1 = arith.constant 0 : i32
    %scan3A_2 = arith.constant 4 : i32
    %scan3A_3 = arith.addi %scan3A_1, %scan3A_2 : i32
    %scan3A_4 = arith.constant 1 : i32
    scf.for %scan3A_41 = %scan3A_1 to %scan3A_3 step %scan3A_4  : i32 {
      %mul3A_42 = arith.constant 4 : i32
      %mul3A_43 = arith.muli %add3A, %mul3A_42 : i32
      %add3A_44 = arith.addi %mul3A_43, %scan3A_41 : i32
      %jit3A = arith.constant 16 : i32
      %div3A = arith.divsi %add3A_44, %jit3A : i32
      %sign3A = arith.constant 0 : i32
      %sign3A_45 = arith.cmpi sgt, %add3A_44, %sign3A : i32
      %sign3A_46 = arith.extui %sign3A_45 : i1 to i32
      %sign3A_47 = arith.constant 0 : i32
      %sign3A_48 = arith.cmpi slt, %add3A_44, %sign3A_47 : i32
      %sign3A_49 = arith.extui %sign3A_48 : i1 to i32
      %sign3A_50 = arith.subi %sign3A_46, %sign3A_49 : i32
      %sign3A_51 = arith.constant 0 : i32
      %sign3A_52 = arith.cmpi sgt, %jit3A, %sign3A_51 : i32
      %sign3A_53 = arith.extui %sign3A_52 : i1 to i32
      %sign3A_54 = arith.constant 0 : i32
      %sign3A_55 = arith.cmpi slt, %jit3A, %sign3A_54 : i32
      %sign3A_56 = arith.extui %sign3A_55 : i1 to i32
      %sign3A_57 = arith.subi %sign3A_53, %sign3A_56 : i32
      %ne3A = arith.cmpi ne, %sign3A_50, %sign3A_57 : i32
      %rem3A = arith.remsi %add3A_44, %jit3A : i32
      %ne3A_58 = arith.constant 0 : i32
      %ne3A_59 = arith.cmpi ne, %rem3A, %ne3A_58 : i32
      %and3A = arith.andi %ne3A, %ne3A_59 : i1
      %sub3A = arith.constant 1 : i32
      %sub3A_60 = arith.subi %div3A, %sub3A : i32
      %select_n3A = arith.select %and3A, %sub3A_60, %div3A : i32
      %jit3A_61 = arith.constant 16 : i32
      %eq3A = arith.constant 0 : i32
      %eq3A_62 = arith.cmpi eq, %jit3A_61, %eq3A : i32
      %jit3A_63 = arith.constant 1 : i32
      %select_n3A_64 = arith.select %eq3A_62, %jit3A_63, %jit3A_61 : i32
      %rem3A_65 = arith.remsi %add3A_44, %select_n3A_64 : i32
      %ne3A_66 = arith.constant 0 : i32
      %ne3A_67 = arith.cmpi ne, %rem3A_65, %ne3A_66 : i32
      %lt3A = arith.constant 0 : i32
      %lt3A_68 = arith.cmpi slt, %rem3A_65, %lt3A : i32
      %lt3A_69 = arith.constant 0 : i32
      %lt3A_70 = arith.cmpi slt, %select_n3A_64, %lt3A_69 : i32
      %ne3A_71 = arith.xori %lt3A_68, %lt3A_70 : i1
      %and3A_72 = arith.andi %ne3A_71, %ne3A_67 : i1
      %add3A_73 = arith.addi %rem3A_65, %select_n3A_64 : i32
      %select_n3A_74 = arith.select %and3A_72, %add3A_73, %rem3A_65 : i32
      %mul3A_75 = arith.constant 8 : i32
      %mul3A_76 = arith.muli %select_n3A_74, %mul3A_75 : i32
      %min3A = arith.constant 0 : i32
      %min3A_77 = arith.constant 4488 : i32
      %min3A_78 = arith.minsi %min3A, %min3A_77 : i32
      %dma_start3A = arith.constant 0 : i32
      %dma_start3A_79 = arith.constant 0 : i32
      %dma_start3A_80 = arith.constant 0 : i32
      %dma_start3A_81 = tpu.memref_slice %arg6[%dma_start3A, %dma_start3A_79, %dma_start3A_80] : memref<2x16x512xi32, #tpu.memory_space<vmem>> -> memref<1x16x512xi32, #tpu.memory_space<vmem>>
      %dma_start3A_82 = tpu.memref_squeeze %dma_start3A_81 : memref<1x16x512xi32, #tpu.memory_space<vmem>> -> memref<16x512xi32, #tpu.memory_space<vmem>>
      %dma_start3A_83 = arith.constant 0 : i32
      %dma_start3A_84 = tpu.memref_slice %arg3[%dma_start3A_83, %min3A_78] : memref<16x5000xi32, #tpu.memory_space<hbm>> -> memref<16x512xi32, #tpu.memory_space<hbm>>
      %dma_start3A_85 = arith.constant 0 : i32
      %dma_start3A_86 = arith.constant 0 : i32
      %dma_start3A_87 = tpu.memref_slice %arg6[%dma_start3A, %dma_start3A_85, %dma_start3A_86] : memref<2x16x512xi32, #tpu.memory_space<vmem>> -> memref<1x16x512xi32, #tpu.memory_space<vmem>>
      %dma_start3A_88 = tpu.memref_squeeze %dma_start3A_87 : memref<1x16x512xi32, #tpu.memory_space<vmem>> -> memref<16x512xi32, #tpu.memory_space<vmem>>
      %dma_start3A_89 = arith.constant 0 : i32
      %dma_start3A_90 = tpu.memref_slice %arg3[%dma_start3A_89, %min3A_78] : memref<16x5000xi32, #tpu.memory_space<hbm>> -> memref<16x512xi32, #tpu.memory_space<hbm>>
      tpu.enqueue_dma source(%dma_start3A_90 : memref<16x512xi32, #tpu.memory_space<hbm>>) target(%dma_start3A_88 : memref<16x512xi32, #tpu.memory_space<vmem>>) target_semaphore(%arg8 : memref<!tpu.dma_semaphore, #tpu.memory_space<semaphore_mem>>)
      "tpu.region"() ({
        %run_scoped3A = tpu.sem_alloc : memref<!tpu.dma_semaphore, #tpu.memory_space<semaphore_mem>>
        %dma_start3A_97 = arith.constant 0 : i32
        %dma_start3A_98 = tpu.memref_slice %arg2[%select_n3A, %mul3A_76, %dma_start3A_97] : memref<8x128x10000xf32, #tpu.memory_space<hbm>> -> memref<1x8x10000xf32, #tpu.memory_space<hbm>>
        %dma_start3A_99 = tpu.memref_squeeze %dma_start3A_98 : memref<1x8x10000xf32, #tpu.memory_space<hbm>> -> memref<8x10000xf32, #tpu.memory_space<hbm>>
        %dma_start3A_100 = arith.constant 0 : i32
        %dma_start3A_101 = tpu.memref_slice %arg2[%select_n3A, %mul3A_76, %dma_start3A_100] : memref<8x128x10000xf32, #tpu.memory_space<hbm>> -> memref<1x8x10000xf32, #tpu.memory_space<hbm>>
        %dma_start3A_102 = tpu.memref_squeeze %dma_start3A_101 : memref<1x8x10000xf32, #tpu.memory_space<hbm>> -> memref<8x10000xf32, #tpu.memory_space<hbm>>
        tpu.enqueue_dma source(%dma_start3A_102 : memref<8x10000xf32, #tpu.memory_space<hbm>>) target(%arg5 : memref<8x10000xf32, #tpu.memory_space<vmem>>) target_semaphore(%run_scoped3A : memref<!tpu.dma_semaphore, #tpu.memory_space<semaphore_mem>>)
        %dma_wait3A_103 = arith.constant 0 : i32
        %dma_wait3A_104 = tpu.memref_slice %arg2[%select_n3A, %mul3A_76, %dma_wait3A_103] : memref<8x128x10000xf32, #tpu.memory_space<hbm>> -> memref<1x8x10000xf32, #tpu.memory_space<hbm>>
        %dma_wait3A_105 = tpu.memref_squeeze %dma_wait3A_104 : memref<1x8x10000xf32, #tpu.memory_space<hbm>> -> memref<8x10000xf32, #tpu.memory_space<hbm>>
        %dma_wait3A_106 = arith.constant 0 : i32
        %dma_wait3A_107 = tpu.memref_slice %arg2[%select_n3A, %mul3A_76, %dma_wait3A_106] : memref<8x128x10000xf32, #tpu.memory_space<hbm>> -> memref<1x8x10000xf32, #tpu.memory_space<hbm>>
        %dma_wait3A_108 = tpu.memref_squeeze %dma_wait3A_107 : memref<1x8x10000xf32, #tpu.memory_space<hbm>> -> memref<8x10000xf32, #tpu.memory_space<hbm>>
        tpu.wait_dma2 semaphore(%run_scoped3A : memref<!tpu.dma_semaphore, #tpu.memory_space<semaphore_mem>>) src(%dma_wait3A_108 : memref<8x10000xf32, #tpu.memory_space<hbm>>) dst(%arg5 : memref<8x10000xf32, #tpu.memory_space<vmem>>)
        tpu.yield
      }) : () -> ()
      %scan3A_91 = arith.constant 0 : i32
      %scan3A_92 = arith.constant 0 : i32
      %scan3A_93 = arith.constant 5 : i32
      %scan3A_94 = arith.addi %scan3A_92, %scan3A_93 : i32
      %scan3A_95 = arith.constant 1 : i32
      scf.for %scan3A_97 = %scan3A_92 to %scan3A_94 step %scan3A_95  : i32 {
        %mul3A_98 = arith.constant 2 : i32
        %mul3A_99 = arith.muli %scan3A_97, %mul3A_98 : i32
        %add3A_100 = arith.constant 0 : i32
        %add3A_101 = arith.addi %mul3A_99, %add3A_100 : i32
        %mul3A_102 = arith.constant 512 : i32
        %mul3A_103 = arith.muli %add3A_101, %mul3A_102 : i32
        %min3A_104 = arith.constant 4488 : i32
        %min3A_105 = arith.minsi %mul3A_103, %min3A_104 : i32
        %dma_wait3A_106 = arith.constant 0 : i32
        %dma_wait3A_107 = arith.constant 0 : i32
        %dma_wait3A_108 = arith.constant 0 : i32
        %dma_wait3A_109 = tpu.memref_slice %arg6[%dma_wait3A_106, %dma_wait3A_107, %dma_wait3A_108] : memref<2x16x512xi32, #tpu.memory_space<vmem>> -> memref<1x16x512xi32, #tpu.memory_space<vmem>>
        %dma_wait3A_110 = tpu.memref_squeeze %dma_wait3A_109 : memref<1x16x512xi32, #tpu.memory_space<vmem>> -> memref<16x512xi32, #tpu.memory_space<vmem>>
        %dma_wait3A_111 = arith.constant 0 : i32
        %dma_wait3A_112 = arith.constant 0 : i32
        %dma_wait3A_113 = tpu.memref_slice %arg3[%dma_wait3A_111, %dma_wait3A_112] : memref<16x5000xi32, #tpu.memory_space<hbm>> -> memref<16x512xi32, #tpu.memory_space<hbm>>
        %dma_wait3A_114 = arith.constant 0 : i32
        %dma_wait3A_115 = arith.constant 0 : i32
        %dma_wait3A_116 = tpu.memref_slice %arg6[%dma_wait3A_106, %dma_wait3A_114, %dma_wait3A_115] : memref<2x16x512xi32, #tpu.memory_space<vmem>> -> memref<1x16x512xi32, #tpu.memory_space<vmem>>
        %dma_wait3A_117 = tpu.memref_squeeze %dma_wait3A_116 : memref<1x16x512xi32, #tpu.memory_space<vmem>> -> memref<16x512xi32, #tpu.memory_space<vmem>>
        %dma_wait3A_118 = arith.constant 0 : i32
        %dma_wait3A_119 = arith.constant 0 : i32
        %dma_wait3A_120 = tpu.memref_slice %arg3[%dma_wait3A_118, %dma_wait3A_119] : memref<16x5000xi32, #tpu.memory_space<hbm>> -> memref<16x512xi32, #tpu.memory_space<hbm>>
        tpu.wait_dma2 semaphore(%arg8 : memref<!tpu.dma_semaphore, #tpu.memory_space<semaphore_mem>>) src(%dma_wait3A_120 : memref<16x512xi32, #tpu.memory_space<hbm>>) dst(%dma_wait3A_117 : memref<16x512xi32, #tpu.memory_space<vmem>>)
        %add3A_121 = arith.constant 1 : i32
        %add3A_122 = arith.addi %add3A_101, %add3A_121 : i32
        %lt3A_123 = arith.constant 10 : i32
        %lt3A_124 = arith.cmpi slt, %add3A_122, %lt3A_123 : i32
        %convert_element_type3A = arith.extui %lt3A_124 : i1 to i32
        %cond3A = arith.constant 0 : i32
        %cond3A_125 = arith.cmpi ne, %convert_element_type3A, %cond3A : i32
        scf.if %cond3A_125 {
          %add3A_201 = arith.constant 1 : i32
          %add3A_202 = arith.addi %add3A_101, %add3A_201 : i32
          %mul3A_203 = arith.constant 512 : i32
          %mul3A_204 = arith.muli %add3A_202, %mul3A_203 : i32
          %min3A_205 = arith.constant 4488 : i32
          %min3A_206 = arith.minsi %mul3A_204, %min3A_205 : i32
          %dma_start3A_207 = arith.constant 1 : i32
          %dma_start3A_208 = arith.constant 0 : i32
          %dma_start3A_209 = arith.constant 0 : i32
          %dma_start3A_210 = tpu.memref_slice %arg6[%dma_start3A_207, %dma_start3A_208, %dma_start3A_209] : memref<2x16x512xi32, #tpu.memory_space<vmem>> -> memref<1x16x512xi32, #tpu.memory_space<vmem>>
          %dma_start3A_211 = tpu.memref_squeeze %dma_start3A_210 : memref<1x16x512xi32, #tpu.memory_space<vmem>> -> memref<16x512xi32, #tpu.memory_space<vmem>>
          %dma_start3A_212 = arith.constant 0 : i32
          %dma_start3A_213 = tpu.memref_slice %arg3[%dma_start3A_212, %min3A_206] : memref<16x5000xi32, #tpu.memory_space<hbm>> -> memref<16x512xi32, #tpu.memory_space<hbm>>
          %dma_start3A_214 = arith.constant 0 : i32
          %dma_start3A_215 = arith.constant 0 : i32
          %dma_start3A_216 = tpu.memref_slice %arg6[%dma_start3A_207, %dma_start3A_214, %dma_start3A_215] : memref<2x16x512xi32, #tpu.memory_space<vmem>> -> memref<1x16x512xi32, #tpu.memory_space<vmem>>
          %dma_start3A_217 = tpu.memref_squeeze %dma_start3A_216 : memref<1x16x512xi32, #tpu.memory_space<vmem>> -> memref<16x512xi32, #tpu.memory_space<vmem>>
          %dma_start3A_218 = arith.constant 0 : i32
          %dma_start3A_219 = tpu.memref_slice %arg3[%dma_start3A_218, %min3A_206] : memref<16x5000xi32, #tpu.memory_space<hbm>> -> memref<16x512xi32, #tpu.memory_space<hbm>>
          tpu.enqueue_dma source(%dma_start3A_219 : memref<16x512xi32, #tpu.memory_space<hbm>>) target(%dma_start3A_217 : memref<16x512xi32, #tpu.memory_space<vmem>>) target_semaphore(%arg9 : memref<!tpu.dma_semaphore, #tpu.memory_space<semaphore_mem>>)
        } else {
        }
        %gt3A = arith.constant 0 : i32
        %gt3A_126 = arith.cmpi sgt, %scan3A_41, %gt3A : i32
        %gt3A_127 = arith.constant 0 : i32
        %gt3A_128 = arith.cmpi sgt, %scan3A_97, %gt3A_127 : i32
        %or3A = arith.ori %gt3A_126, %gt3A_128 : i1
        %convert_element_type3A_129 = arith.extui %or3A : i1 to i32
        %cond3A_130 = arith.constant 0 : i32
        %cond3A_131 = arith.cmpi ne, %convert_element_type3A_129, %cond3A_130 : i32
        scf.if %cond3A_131 {
          %dma_wait3A_201 = arith.constant 0 : i32
          %dma_wait3A_202 = arith.constant 0 : i32
          %dma_wait3A_203 = arith.constant 0 : i32
          %dma_wait3A_204 = arith.constant 0 : i32
          %dma_wait3A_205 = tpu.memref_slice %arg7[%dma_wait3A_201, %dma_wait3A_203, %dma_wait3A_204] : memref<2x8x512xf32, #tpu.memory_space<vmem>> -> memref<1x8x512xf32, #tpu.memory_space<vmem>>
          %dma_wait3A_206 = tpu.memref_squeeze %dma_wait3A_205 : memref<1x8x512xf32, #tpu.memory_space<vmem>> -> memref<8x512xf32, #tpu.memory_space<vmem>>
          %dma_wait3A_207 = arith.constant 0 : i32
          %dma_wait3A_208 = arith.constant 0 : i32
          %dma_wait3A_209 = tpu.memref_slice %arg4[%dma_wait3A_202, %dma_wait3A_207, %dma_wait3A_208] : memref<8x128x5000xf32, #tpu.memory_space<hbm>> -> memref<1x8x512xf32, #tpu.memory_space<hbm>>
          %dma_wait3A_210 = tpu.memref_squeeze %dma_wait3A_209 : memref<1x8x512xf32, #tpu.memory_space<hbm>> -> memref<8x512xf32, #tpu.memory_space<hbm>>
          %dma_wait3A_211 = arith.constant 0 : i32
          %dma_wait3A_212 = arith.constant 0 : i32
          %dma_wait3A_213 = tpu.memref_slice %arg4[%dma_wait3A_202, %dma_wait3A_211, %dma_wait3A_212] : memref<8x128x5000xf32, #tpu.memory_space<hbm>> -> memref<1x8x512xf32, #tpu.memory_space<hbm>>
          %dma_wait3A_214 = tpu.memref_squeeze %dma_wait3A_213 : memref<1x8x512xf32, #tpu.memory_space<hbm>> -> memref<8x512xf32, #tpu.memory_space<hbm>>
          %dma_wait3A_215 = arith.constant 0 : i32
          %dma_wait3A_216 = arith.constant 0 : i32
          %dma_wait3A_217 = tpu.memref_slice %arg7[%dma_wait3A_201, %dma_wait3A_215, %dma_wait3A_216] : memref<2x8x512xf32, #tpu.memory_space<vmem>> -> memref<1x8x512xf32, #tpu.memory_space<vmem>>
          %dma_wait3A_218 = tpu.memref_squeeze %dma_wait3A_217 : memref<1x8x512xf32, #tpu.memory_space<vmem>> -> memref<8x512xf32, #tpu.memory_space<vmem>>
          tpu.wait_dma2 semaphore(%arg10 : memref<!tpu.dma_semaphore, #tpu.memory_space<semaphore_mem>>) src(%dma_wait3A_218 : memref<8x512xf32, #tpu.memory_space<vmem>>) dst(%dma_wait3A_214 : memref<8x512xf32, #tpu.memory_space<hbm>>)
        } else {
        }
        %parallel_loop3A = arith.constant 0 : i32
        %parallel_loop3A_132 = arith.constant 32 : i32
        %parallel_loop3A_133 = arith.constant 1 : i32
        scf.for %parallel_loop3A_201 = %parallel_loop3A to %parallel_loop3A_132 step %parallel_loop3A_133  : i32 {
          %parallel_loop3A_202 = arith.constant 16 : i32
          %parallel_loop3A_203 = arith.muli %parallel_loop3A_201, %parallel_loop3A_202 : i32
          %parallel_loop3A_204 = arith.constant 0 : i32
          %parallel_loop3A_205 = arith.constant 0 : i32
          %parallel_loop3A_206 = arith.index_cast %parallel_loop3A_204 : i32 to index
          %parallel_loop3A_207 = arith.index_cast %parallel_loop3A_205 : i32 to index
          %parallel_loop3A_208 = arith.index_cast %parallel_loop3A_203 : i32 to index
          %parallel_loop3A_209 = tpu.vector_load %arg6[%parallel_loop3A_206, %parallel_loop3A_207, %parallel_loop3A_208] {strides = array<i32>} : memref<2x16x512xi32, #tpu.memory_space<vmem>>, vector<16xi32>,
          %parallel_loop3A_210 = arith.constant 0 : i32
          %parallel_loop3A_211 = arith.constant 1 : i32
          %parallel_loop3A_212 = arith.index_cast %parallel_loop3A_210 : i32 to index
          %parallel_loop3A_213 = arith.index_cast %parallel_loop3A_211 : i32 to index
          %parallel_loop3A_214 = arith.index_cast %parallel_loop3A_203 : i32 to index
          %parallel_loop3A_215 = tpu.vector_load %arg6[%parallel_loop3A_212, %parallel_loop3A_213, %parallel_loop3A_214] {strides = array<i32>} : memref<2x16x512xi32, #tpu.memory_space<vmem>>, vector<16xi32>,
          %parallel_loop3A_216 = arith.constant 0 : i32
          %parallel_loop3A_217 = arith.constant 2 : i32
          %parallel_loop3A_218 = arith.index_cast %parallel_loop3A_216 : i32 to index
          %parallel_loop3A_219 = arith.index_cast %parallel_loop3A_217 : i32 to index
          %parallel_loop3A_220 = arith.index_cast %parallel_loop3A_203 : i32 to index
          %parallel_loop3A_221 = tpu.vector_load %arg6[%parallel_loop3A_218, %parallel_loop3A_219, %parallel_loop3A_220] {strides = array<i32>} : memref<2x16x512xi32, #tpu.memory_space<vmem>>, vector<16xi32>,
          %parallel_loop3A_222 = arith.constant 0 : i32
          %parallel_loop3A_223 = arith.constant 3 : i32
          %parallel_loop3A_224 = arith.index_cast %parallel_loop3A_222 : i32 to index
          %parallel_loop3A_225 = arith.index_cast %parallel_loop3A_223 : i32 to index
          %parallel_loop3A_226 = arith.index_cast %parallel_loop3A_203 : i32 to index
          %parallel_loop3A_227 = tpu.vector_load %arg6[%parallel_loop3A_224, %parallel_loop3A_225, %parallel_loop3A_226] {strides = array<i32>} : memref<2x16x512xi32, #tpu.memory_space<vmem>>, vector<16xi32>,
          %parallel_loop3A_228 = arith.constant 0 : i32
          %parallel_loop3A_229 = arith.constant 4 : i32
          %parallel_loop3A_230 = arith.index_cast %parallel_loop3A_228 : i32 to index
          %parallel_loop3A_231 = arith.index_cast %parallel_loop3A_229 : i32 to index
          %parallel_loop3A_232 = arith.index_cast %parallel_loop3A_203 : i32 to index
          %parallel_loop3A_233 = tpu.vector_load %arg6[%parallel_loop3A_230, %parallel_loop3A_231, %parallel_loop3A_232] {strides = array<i32>} : memref<2x16x512xi32, #tpu.memory_space<vmem>>, vector<16xi32>,
          %parallel_loop3A_234 = arith.constant 0 : i32
          %parallel_loop3A_235 = arith.constant 5 : i32
          %parallel_loop3A_236 = arith.index_cast %parallel_loop3A_234 : i32 to index
          %parallel_loop3A_237 = arith.index_cast %parallel_loop3A_235 : i32 to index
          %parallel_loop3A_238 = arith.index_cast %parallel_loop3A_203 : i32 to index
          %parallel_loop3A_239 = tpu.vector_load %arg6[%parallel_loop3A_236, %parallel_loop3A_237, %parallel_loop3A_238] {strides = array<i32>} : memref<2x16x512xi32, #tpu.memory_space<vmem>>, vector<16xi32>,
          %parallel_loop3A_240 = arith.constant 0 : i32
          %parallel_loop3A_241 = arith.constant 6 : i32
          %parallel_loop3A_242 = arith.index_cast %parallel_loop3A_240 : i32 to index
          %parallel_loop3A_243 = arith.index_cast %parallel_loop3A_241 : i32 to index
          %parallel_loop3A_244 = arith.index_cast %parallel_loop3A_203 : i32 to index
          %parallel_loop3A_245 = tpu.vector_load %arg6[%parallel_loop3A_242, %parallel_loop3A_243, %parallel_loop3A_244] {strides = array<i32>} : memref<2x16x512xi32, #tpu.memory_space<vmem>>, vector<16xi32>,
          %parallel_loop3A_246 = arith.constant 0 : i32
          %parallel_loop3A_247 = arith.constant 7 : i32
          %parallel_loop3A_248 = arith.index_cast %parallel_loop3A_246 : i32 to index
          %parallel_loop3A_249 = arith.index_cast %parallel_loop3A_247 : i32 to index
          %parallel_loop3A_250 = arith.index_cast %parallel_loop3A_203 : i32 to index
          %parallel_loop3A_251 = tpu.vector_load %arg6[%parallel_loop3A_248, %parallel_loop3A_249, %parallel_loop3A_250] {strides = array<i32>} : memref<2x16x512xi32, #tpu.memory_space<vmem>>, vector<16xi32>,
          %parallel_loop3A_252 = arith.constant 0 : i32
          %parallel_loop3A_253 = arith.constant 8 : i32
          %parallel_loop3A_254 = arith.index_cast %parallel_loop3A_252 : i32 to index
          %parallel_loop3A_255 = arith.index_cast %parallel_loop3A_253 : i32 to index
          %parallel_loop3A_256 = arith.index_cast %parallel_loop3A_203 : i32 to index
          %parallel_loop3A_257 = tpu.vector_load %arg6[%parallel_loop3A_254, %parallel_loop3A_255, %parallel_loop3A_256] {strides = array<i32>} : memref<2x16x512xi32, #tpu.memory_space<vmem>>, vector<16xi32>,
          %parallel_loop3A_258 = arith.constant 0 : i32
          %parallel_loop3A_259 = arith.constant 9 : i32
          %parallel_loop3A_260 = arith.index_cast %parallel_loop3A_258 : i32 to index
          %parallel_loop3A_261 = arith.index_cast %parallel_loop3A_259 : i32 to index
          %parallel_loop3A_262 = arith.index_cast %parallel_loop3A_203 : i32 to index
          %parallel_loop3A_263 = tpu.vector_load %arg6[%parallel_loop3A_260, %parallel_loop3A_261, %parallel_loop3A_262] {strides = array<i32>} : memref<2x16x512xi32, #tpu.memory_space<vmem>>, vector<16xi32>,
          %parallel_loop3A_264 = arith.constant 0 : i32
          %parallel_loop3A_265 = arith.constant 10 : i32
          %parallel_loop3A_266 = arith.index_cast %parallel_loop3A_264 : i32 to index
          %parallel_loop3A_267 = arith.index_cast %parallel_loop3A_265 : i32 to index
          %parallel_loop3A_268 = arith.index_cast %parallel_loop3A_203 : i32 to index
          %parallel_loop3A_269 = tpu.vector_load %arg6[%parallel_loop3A_266, %parallel_loop3A_267, %parallel_loop3A_268] {strides = array<i32>} : memref<2x16x512xi32, #tpu.memory_space<vmem>>, vector<16xi32>,
          %parallel_loop3A_270 = arith.constant 0 : i32
          %parallel_loop3A_271 = arith.constant 11 : i32
          %parallel_loop3A_272 = arith.index_cast %parallel_loop3A_270 : i32 to index
          %parallel_loop3A_273 = arith.index_cast %parallel_loop3A_271 : i32 to index
          %parallel_loop3A_274 = arith.index_cast %parallel_loop3A_203 : i32 to index
          %parallel_loop3A_275 = tpu.vector_load %arg6[%parallel_loop3A_272, %parallel_loop3A_273, %parallel_loop3A_274] {strides = array<i32>} : memref<2x16x512xi32, #tpu.memory_space<vmem>>, vector<16xi32>,
          %parallel_loop3A_276 = arith.constant 0 : i32
          %parallel_loop3A_277 = arith.constant 12 : i32
          %parallel_loop3A_278 = arith.index_cast %parallel_loop3A_276 : i32 to index
          %parallel_loop3A_279 = arith.index_cast %parallel_loop3A_277 : i32 to index
          %parallel_loop3A_280 = arith.index_cast %parallel_loop3A_203 : i32 to index
          %parallel_loop3A_281 = tpu.vector_load %arg6[%parallel_loop3A_278, %parallel_loop3A_279, %parallel_loop3A_280] {strides = array<i32>} : memref<2x16x512xi32, #tpu.memory_space<vmem>>, vector<16xi32>,
          %parallel_loop3A_282 = arith.constant 0 : i32
          %parallel_loop3A_283 = arith.constant 13 : i32
          %parallel_loop3A_284 = arith.index_cast %parallel_loop3A_282 : i32 to index
          %parallel_loop3A_285 = arith.index_cast %parallel_loop3A_283 : i32 to index
          %parallel_loop3A_286 = arith.index_cast %parallel_loop3A_203 : i32 to index
          %parallel_loop3A_287 = tpu.vector_load %arg6[%parallel_loop3A_284, %parallel_loop3A_285, %parallel_loop3A_286] {strides = array<i32>} : memref<2x16x512xi32, #tpu.memory_space<vmem>>, vector<16xi32>,
          %parallel_loop3A_288 = arith.constant 0 : i32
          %parallel_loop3A_289 = arith.constant 14 : i32
          %parallel_loop3A_290 = arith.index_cast %parallel_loop3A_288 : i32 to index
          %parallel_loop3A_291 = arith.index_cast %parallel_loop3A_289 : i32 to index
          %parallel_loop3A_292 = arith.index_cast %parallel_loop3A_203 : i32 to index
          %parallel_loop3A_293 = tpu.vector_load %arg6[%parallel_loop3A_290, %parallel_loop3A_291, %parallel_loop3A_292] {strides = array<i32>} : memref<2x16x512xi32, #tpu.memory_space<vmem>>, vector<16xi32>,
          %parallel_loop3A_294 = arith.constant 0 : i32
          %parallel_loop3A_295 = arith.constant 15 : i32
          %parallel_loop3A_296 = arith.index_cast %parallel_loop3A_294 : i32 to index
          %parallel_loop3A_297 = arith.index_cast %parallel_loop3A_295 : i32 to index
          %parallel_loop3A_298 = arith.index_cast %parallel_loop3A_203 : i32 to index
          %parallel_loop3A_299 = tpu.vector_load %arg6[%parallel_loop3A_296, %parallel_loop3A_297, %parallel_loop3A_298] {strides = array<i32>} : memref<2x16x512xi32, #tpu.memory_space<vmem>>, vector<16xi32>,
          %parallel_loop3A_300 = arith.constant 0 : i32
          %parallel_loop3A_301 = vector.broadcast %parallel_loop3A_300 : i32 to vector<16xi32>
          %parallel_loop3A_302 = tpu.vector_load_idx %arg5[%parallel_loop3A_301, %parallel_loop3A_209] : memref<8x10000xf32, #tpu.memory_space<vmem>>[vector<16xi32>, vector<16xi32>], vector<16xf32>,
          %parallel_loop3A_303 = tpu.vector_load_idx %arg5[%parallel_loop3A_301, %parallel_loop3A_215] : memref<8x10000xf32, #tpu.memory_space<vmem>>[vector<16xi32>, vector<16xi32>], vector<16xf32>,
          %parallel_loop3A_304 = tpu.vector_load_idx %arg5[%parallel_loop3A_301, %parallel_loop3A_221] : memref<8x10000xf32, #tpu.memory_space<vmem>>[vector<16xi32>, vector<16xi32>], vector<16xf32>,
          %parallel_loop3A_305 = tpu.vector_load_idx %arg5[%parallel_loop3A_301, %parallel_loop3A_227] : memref<8x10000xf32, #tpu.memory_space<vmem>>[vector<16xi32>, vector<16xi32>], vector<16xf32>,
          %parallel_loop3A_306 = tpu.vector_load_idx %arg5[%parallel_loop3A_301, %parallel_loop3A_233] : memref<8x10000xf32, #tpu.memory_space<vmem>>[vector<16xi32>, vector<16xi32>], vector<16xf32>,
          %parallel_loop3A_307 = tpu.vector_load_idx %arg5[%parallel_loop3A_301, %parallel_loop3A_239] : memref<8x10000xf32, #tpu.memory_space<vmem>>[vector<16xi32>, vector<16xi32>], vector<16xf32>,
          %parallel_loop3A_308 = tpu.vector_load_idx %arg5[%parallel_loop3A_301, %parallel_loop3A_245] : memref<8x10000xf32, #tpu.memory_space<vmem>>[vector<16xi32>, vector<16xi32>], vector<16xf32>,
          %parallel_loop3A_309 = tpu.vector_load_idx %arg5[%parallel_loop3A_301, %parallel_loop3A_251] : memref<8x10000xf32, #tpu.memory_space<vmem>>[vector<16xi32>, vector<16xi32>], vector<16xf32>,
          %parallel_loop3A_310 = tpu.vector_load_idx %arg5[%parallel_loop3A_301, %parallel_loop3A_257] : memref<8x10000xf32, #tpu.memory_space<vmem>>[vector<16xi32>, vector<16xi32>], vector<16xf32>,
          %parallel_loop3A_311 = tpu.vector_load_idx %arg5[%parallel_loop3A_301, %parallel_loop3A_263] : memref<8x10000xf32, #tpu.memory_space<vmem>>[vector<16xi32>, vector<16xi32>], vector<16xf32>,
          %parallel_loop3A_312 = tpu.vector_load_idx %arg5[%parallel_loop3A_301, %parallel_loop3A_269] : memref<8x10000xf32, #tpu.memory_space<vmem>>[vector<16xi32>, vector<16xi32>], vector<16xf32>,
          %parallel_loop3A_313 = tpu.vector_load_idx %arg5[%parallel_loop3A_301, %parallel_loop3A_275] : memref<8x10000xf32, #tpu.memory_space<vmem>>[vector<16xi32>, vector<16xi32>], vector<16xf32>,
          %parallel_loop3A_314 = tpu.vector_load_idx %arg5[%parallel_loop3A_301, %parallel_loop3A_281] : memref<8x10000xf32, #tpu.memory_space<vmem>>[vector<16xi32>, vector<16xi32>], vector<16xf32>,
          %parallel_loop3A_315 = tpu.vector_load_idx %arg5[%parallel_loop3A_301, %parallel_loop3A_287] : memref<8x10000xf32, #tpu.memory_space<vmem>>[vector<16xi32>, vector<16xi32>], vector<16xf32>,
          %parallel_loop3A_316 = tpu.vector_load_idx %arg5[%parallel_loop3A_301, %parallel_loop3A_293] : memref<8x10000xf32, #tpu.memory_space<vmem>>[vector<16xi32>, vector<16xi32>], vector<16xf32>,
          %parallel_loop3A_317 = tpu.vector_load_idx %arg5[%parallel_loop3A_301, %parallel_loop3A_299] : memref<8x10000xf32, #tpu.memory_space<vmem>>[vector<16xi32>, vector<16xi32>], vector<16xf32>,
          %parallel_loop3A_318 = arith.maximumf %parallel_loop3A_302, %parallel_loop3A_303 : vector<16xf32>
          %parallel_loop3A_319 = arith.maximumf %parallel_loop3A_304, %parallel_loop3A_305 : vector<16xf32>
          %parallel_loop3A_320 = arith.maximumf %parallel_loop3A_306, %parallel_loop3A_307 : vector<16xf32>
          %parallel_loop3A_321 = arith.maximumf %parallel_loop3A_308, %parallel_loop3A_309 : vector<16xf32>
          %parallel_loop3A_322 = arith.maximumf %parallel_loop3A_310, %parallel_loop3A_311 : vector<16xf32>
          %parallel_loop3A_323 = arith.maximumf %parallel_loop3A_312, %parallel_loop3A_313 : vector<16xf32>
          %parallel_loop3A_324 = arith.maximumf %parallel_loop3A_314, %parallel_loop3A_315 : vector<16xf32>
          %parallel_loop3A_325 = arith.maximumf %parallel_loop3A_316, %parallel_loop3A_317 : vector<16xf32>
          %parallel_loop3A_326 = arith.maximumf %parallel_loop3A_318, %parallel_loop3A_319 : vector<16xf32>
          %parallel_loop3A_327 = arith.maximumf %parallel_loop3A_320, %parallel_loop3A_321 : vector<16xf32>
          %parallel_loop3A_328 = arith.maximumf %parallel_loop3A_322, %parallel_loop3A_323 : vector<16xf32>
          %parallel_loop3A_329 = arith.maximumf %parallel_loop3A_324, %parallel_loop3A_325 : vector<16xf32>
          %parallel_loop3A_330 = arith.maximumf %parallel_loop3A_326, %parallel_loop3A_327 : vector<16xf32>
          %parallel_loop3A_331 = arith.maximumf %parallel_loop3A_328, %parallel_loop3A_329 : vector<16xf32>
          %parallel_loop3A_332 = arith.maximumf %parallel_loop3A_330, %parallel_loop3A_331 : vector<16xf32>
          %parallel_loop3A_333 = arith.constant 0 : i32
          %parallel_loop3A_334 = arith.constant 0 : i32
          %parallel_loop3A_335 = arith.index_cast %parallel_loop3A_333 : i32 to index
          %parallel_loop3A_336 = arith.index_cast %parallel_loop3A_334 : i32 to index
          %parallel_loop3A_337 = arith.index_cast %parallel_loop3A_203 : i32 to index
          %parallel_loop3A_338 = tpu.vector_load %arg7[%parallel_loop3A_335, %parallel_loop3A_336, %parallel_loop3A_337] {strides = array<i32>} : memref<2x8x512xf32, #tpu.memory_space<vmem>>, vector<16xf32>,
          tpu.vector_store %arg7[%parallel_loop3A_335, %parallel_loop3A_336, %parallel_loop3A_337], %parallel_loop3A_332 {strides = array<i32>} : memref<2x8x512xf32, #tpu.memory_space<vmem>>, vector<16xf32>,
          %parallel_loop3A_339 = arith.constant 1 : i32
          %parallel_loop3A_340 = vector.broadcast %parallel_loop3A_339 : i32 to vector<16xi32>
          %parallel_loop3A_341 = tpu.vector_load_idx %arg5[%parallel_loop3A_340, %parallel_loop3A_209] : memref<8x10000xf32, #tpu.memory_space<vmem>>[vector<16xi32>, vector<16xi32>], vector<16xf32>,
          %parallel_loop3A_342 = tpu.vector_load_idx %arg5[%parallel_loop3A_340, %parallel_loop3A_215] : memref<8x10000xf32, #tpu.memory_space<vmem>>[vector<16xi32>, vector<16xi32>], vector<16xf32>,
          %parallel_loop3A_343 = tpu.vector_load_idx %arg5[%parallel_loop3A_340, %parallel_loop3A_221] : memref<8x10000xf32, #tpu.memory_space<vmem>>[vector<16xi32>, vector<16xi32>], vector<16xf32>,
          %parallel_loop3A_344 = tpu.vector_load_idx %arg5[%parallel_loop3A_340, %parallel_loop3A_227] : memref<8x10000xf32, #tpu.memory_space<vmem>>[vector<16xi32>, vector<16xi32>], vector<16xf32>,
          %parallel_loop3A_345 = tpu.vector_load_idx %arg5[%parallel_loop3A_340, %parallel_loop3A_233] : memref<8x10000xf32, #tpu.memory_space<vmem>>[vector<16xi32>, vector<16xi32>], vector<16xf32>,
          %parallel_loop3A_346 = tpu.vector_load_idx %arg5[%parallel_loop3A_340, %parallel_loop3A_239] : memref<8x10000xf32, #tpu.memory_space<vmem>>[vector<16xi32>, vector<16xi32>], vector<16xf32>,
          %parallel_loop3A_347 = tpu.vector_load_idx %arg5[%parallel_loop3A_340, %parallel_loop3A_245] : memref<8x10000xf32, #tpu.memory_space<vmem>>[vector<16xi32>, vector<16xi32>], vector<16xf32>,
          %parallel_loop3A_348 = tpu.vector_load_idx %arg5[%parallel_loop3A_340, %parallel_loop3A_251] : memref<8x10000xf32, #tpu.memory_space<vmem>>[vector<16xi32>, vector<16xi32>], vector<16xf32>,
          %parallel_loop3A_349 = tpu.vector_load_idx %arg5[%parallel_loop3A_340, %parallel_loop3A_257] : memref<8x10000xf32, #tpu.memory_space<vmem>>[vector<16xi32>, vector<16xi32>], vector<16xf32>,
          %parallel_loop3A_350 = tpu.vector_load_idx %arg5[%parallel_loop3A_340, %parallel_loop3A_263] : memref<8x10000xf32, #tpu.memory_space<vmem>>[vector<16xi32>, vector<16xi32>], vector<16xf32>,
          %parallel_loop3A_351 = tpu.vector_load_idx %arg5[%parallel_loop3A_340, %parallel_loop3A_269] : memref<8x10000xf32, #tpu.memory_space<vmem>>[vector<16xi32>, vector<16xi32>], vector<16xf32>,
          %parallel_loop3A_352 = tpu.vector_load_idx %arg5[%parallel_loop3A_340, %parallel_loop3A_275] : memref<8x10000xf32, #tpu.memory_space<vmem>>[vector<16xi32>, vector<16xi32>], vector<16xf32>,
          %parallel_loop3A_353 = tpu.vector_load_idx %arg5[%parallel_loop3A_340, %parallel_loop3A_281] : memref<8x10000xf32, #tpu.memory_space<vmem>>[vector<16xi32>, vector<16xi32>], vector<16xf32>,
          %parallel_loop3A_354 = tpu.vector_load_idx %arg5[%parallel_loop3A_340, %parallel_loop3A_287] : memref<8x10000xf32, #tpu.memory_space<vmem>>[vector<16xi32>, vector<16xi32>], vector<16xf32>,
          %parallel_loop3A_355 = tpu.vector_load_idx %arg5[%parallel_loop3A_340, %parallel_loop3A_293] : memref<8x10000xf32, #tpu.memory_space<vmem>>[vector<16xi32>, vector<16xi32>], vector<16xf32>,
          %parallel_loop3A_356 = tpu.vector_load_idx %arg5[%parallel_loop3A_340, %parallel_loop3A_299] : memref<8x10000xf32, #tpu.memory_space<vmem>>[vector<16xi32>, vector<16xi32>], vector<16xf32>,
          %parallel_loop3A_357 = arith.maximumf %parallel_loop3A_341, %parallel_loop3A_342 : vector<16xf32>
          %parallel_loop3A_358 = arith.maximumf %parallel_loop3A_343, %parallel_loop3A_344 : vector<16xf32>
          %parallel_loop3A_359 = arith.maximumf %parallel_loop3A_345, %parallel_loop3A_346 : vector<16xf32>
          %parallel_loop3A_360 = arith.maximumf %parallel_loop3A_347, %parallel_loop3A_348 : vector<16xf32>
          %parallel_loop3A_361 = arith.maximumf %parallel_loop3A_349, %parallel_loop3A_350 : vector<16xf32>
          %parallel_loop3A_362 = arith.maximumf %parallel_loop3A_351, %parallel_loop3A_352 : vector<16xf32>
          %parallel_loop3A_363 = arith.maximumf %parallel_loop3A_353, %parallel_loop3A_354 : vector<16xf32>
          %parallel_loop3A_364 = arith.maximumf %parallel_loop3A_355, %parallel_loop3A_356 : vector<16xf32>
          %parallel_loop3A_365 = arith.maximumf %parallel_loop3A_357, %parallel_loop3A_358 : vector<16xf32>
          %parallel_loop3A_366 = arith.maximumf %parallel_loop3A_359, %parallel_loop3A_360 : vector<16xf32>
          %parallel_loop3A_367 = arith.maximumf %parallel_loop3A_361, %parallel_loop3A_362 : vector<16xf32>
          %parallel_loop3A_368 = arith.maximumf %parallel_loop3A_363, %parallel_loop3A_364 : vector<16xf32>
          %parallel_loop3A_369 = arith.maximumf %parallel_loop3A_365, %parallel_loop3A_366 : vector<16xf32>
          %parallel_loop3A_370 = arith.maximumf %parallel_loop3A_367, %parallel_loop3A_368 : vector<16xf32>
          %parallel_loop3A_371 = arith.maximumf %parallel_loop3A_369, %parallel_loop3A_370 : vector<16xf32>
          %parallel_loop3A_372 = arith.constant 0 : i32
          %parallel_loop3A_373 = arith.constant 1 : i32
          %parallel_loop3A_374 = arith.index_cast %parallel_loop3A_372 : i32 to index
          %parallel_loop3A_375 = arith.index_cast %parallel_loop3A_373 : i32 to index
          %parallel_loop3A_376 = arith.index_cast %parallel_loop3A_203 : i32 to index
          %parallel_loop3A_377 = tpu.vector_load %arg7[%parallel_loop3A_374, %parallel_loop3A_375, %parallel_loop3A_376] {strides = array<i32>} : memref<2x8x512xf32, #tpu.memory_space<vmem>>, vector<16xf32>,
          tpu.vector_store %arg7[%parallel_loop3A_374, %parallel_loop3A_375, %parallel_loop3A_376], %parallel_loop3A_371 {strides = array<i32>} : memref<2x8x512xf32, #tpu.memory_space<vmem>>, vector<16xf32>,
          %parallel_loop3A_378 = arith.constant 2 : i32
          %parallel_loop3A_379 = vector.broadcast %parallel_loop3A_378 : i32 to vector<16xi32>
          %parallel_loop3A_380 = tpu.vector_load_idx %arg5[%parallel_loop3A_379, %parallel_loop3A_209] : memref<8x10000xf32, #tpu.memory_space<vmem>>[vector<16xi32>, vector<16xi32>], vector<16xf32>,
          %parallel_loop3A_381 = tpu.vector_load_idx %arg5[%parallel_loop3A_379, %parallel_loop3A_215] : memref<8x10000xf32, #tpu.memory_space<vmem>>[vector<16xi32>, vector<16xi32>], vector<16xf32>,
          %parallel_loop3A_382 = tpu.vector_load_idx %arg5[%parallel_loop3A_379, %parallel_loop3A_221] : memref<8x10000xf32, #tpu.memory_space<vmem>>[vector<16xi32>, vector<16xi32>], vector<16xf32>,
          %parallel_loop3A_383 = tpu.vector_load_idx %arg5[%parallel_loop3A_379, %parallel_loop3A_227] : memref<8x10000xf32, #tpu.memory_space<vmem>>[vector<16xi32>, vector<16xi32>], vector<16xf32>,
          %parallel_loop3A_384 = tpu.vector_load_idx %arg5[%parallel_loop3A_379, %parallel_loop3A_233] : memref<8x10000xf32, #tpu.memory_space<vmem>>[vector<16xi32>, vector<16xi32>], vector<16xf32>,
          %parallel_loop3A_385 = tpu.vector_load_idx %arg5[%parallel_loop3A_379, %parallel_loop3A_239] : memref<8x10000xf32, #tpu.memory_space<vmem>>[vector<16xi32>, vector<16xi32>], vector<16xf32>,
          %parallel_loop3A_386 = tpu.vector_load_idx %arg5[%parallel_loop3A_379, %parallel_loop3A_245] : memref<8x10000xf32, #tpu.memory_space<vmem>>[vector<16xi32>, vector<16xi32>], vector<16xf32>,
          %parallel_loop3A_387 = tpu.vector_load_idx %arg5[%parallel_loop3A_379, %parallel_loop3A_251] : memref<8x10000xf32, #tpu.memory_space<vmem>>[vector<16xi32>, vector<16xi32>], vector<16xf32>,
          %parallel_loop3A_388 = tpu.vector_load_idx %arg5[%parallel_loop3A_379, %parallel_loop3A_257] : memref<8x10000xf32, #tpu.memory_space<vmem>>[vector<16xi32>, vector<16xi32>], vector<16xf32>,
          %parallel_loop3A_389 = tpu.vector_load_idx %arg5[%parallel_loop3A_379, %parallel_loop3A_263] : memref<8x10000xf32, #tpu.memory_space<vmem>>[vector<16xi32>, vector<16xi32>], vector<16xf32>,
          %parallel_loop3A_390 = tpu.vector_load_idx %arg5[%parallel_loop3A_379, %parallel_loop3A_269] : memref<8x10000xf32, #tpu.memory_space<vmem>>[vector<16xi32>, vector<16xi32>], vector<16xf32>,
          %parallel_loop3A_391 = tpu.vector_load_idx %arg5[%parallel_loop3A_379, %parallel_loop3A_275] : memref<8x10000xf32, #tpu.memory_space<vmem>>[vector<16xi32>, vector<16xi32>], vector<16xf32>,
          %parallel_loop3A_392 = tpu.vector_load_idx %arg5[%parallel_loop3A_379, %parallel_loop3A_281] : memref<8x10000xf32, #tpu.memory_space<vmem>>[vector<16xi32>, vector<16xi32>], vector<16xf32>,
          %parallel_loop3A_393 = tpu.vector_load_idx %arg5[%parallel_loop3A_379, %parallel_loop3A_287] : memref<8x10000xf32, #tpu.memory_space<vmem>>[vector<16xi32>, vector<16xi32>], vector<16xf32>,
          %parallel_loop3A_394 = tpu.vector_load_idx %arg5[%parallel_loop3A_379, %parallel_loop3A_293] : memref<8x10000xf32, #tpu.memory_space<vmem>>[vector<16xi32>, vector<16xi32>], vector<16xf32>,
          %parallel_loop3A_395 = tpu.vector_load_idx %arg5[%parallel_loop3A_379, %parallel_loop3A_299] : memref<8x10000xf32, #tpu.memory_space<vmem>>[vector<16xi32>, vector<16xi32>], vector<16xf32>,
          %parallel_loop3A_396 = arith.maximumf %parallel_loop3A_380, %parallel_loop3A_381 : vector<16xf32>
          %parallel_loop3A_397 = arith.maximumf %parallel_loop3A_382, %parallel_loop3A_383 : vector<16xf32>
          %parallel_loop3A_398 = arith.maximumf %parallel_loop3A_384, %parallel_loop3A_385 : vector<16xf32>
          %parallel_loop3A_399 = arith.maximumf %parallel_loop3A_386, %parallel_loop3A_387 : vector<16xf32>
          %parallel_loop3A_400 = arith.maximumf %parallel_loop3A_388, %parallel_loop3A_389 : vector<16xf32>
          %parallel_loop3A_401 = arith.maximumf %parallel_loop3A_390, %parallel_loop3A_391 : vector<16xf32>
          %parallel_loop3A_402 = arith.maximumf %parallel_loop3A_392, %parallel_loop3A_393 : vector<16xf32>
          %parallel_loop3A_403 = arith.maximumf %parallel_loop3A_394, %parallel_loop3A_395 : vector<16xf32>
          %parallel_loop3A_404 = arith.maximumf %parallel_loop3A_396, %parallel_loop3A_397 : vector<16xf32>
          %parallel_loop3A_405 = arith.maximumf %parallel_loop3A_398, %parallel_loop3A_399 : vector<16xf32>
          %parallel_loop3A_406 = arith.maximumf %parallel_loop3A_400, %parallel_loop3A_401 : vector<16xf32>
          %parallel_loop3A_407 = arith.maximumf %parallel_loop3A_402, %parallel_loop3A_403 : vector<16xf32>
          %parallel_loop3A_408 = arith.maximumf %parallel_loop3A_404, %parallel_loop3A_405 : vector<16xf32>
          %parallel_loop3A_409 = arith.maximumf %parallel_loop3A_406, %parallel_loop3A_407 : vector<16xf32>
          %parallel_loop3A_410 = arith.maximumf %parallel_loop3A_408, %parallel_loop3A_409 : vector<16xf32>
          %parallel_loop3A_411 = arith.constant 0 : i32
          %parallel_loop3A_412 = arith.constant 2 : i32
          %parallel_loop3A_413 = arith.index_cast %parallel_loop3A_411 : i32 to index
          %parallel_loop3A_414 = arith.index_cast %parallel_loop3A_412 : i32 to index
          %parallel_loop3A_415 = arith.index_cast %parallel_loop3A_203 : i32 to index
          %parallel_loop3A_416 = tpu.vector_load %arg7[%parallel_loop3A_413, %parallel_loop3A_414, %parallel_loop3A_415] {strides = array<i32>} : memref<2x8x512xf32, #tpu.memory_space<vmem>>, vector<16xf32>,
          tpu.vector_store %arg7[%parallel_loop3A_413, %parallel_loop3A_414, %parallel_loop3A_415], %parallel_loop3A_410 {strides = array<i32>} : memref<2x8x512xf32, #tpu.memory_space<vmem>>, vector<16xf32>,
          %parallel_loop3A_417 = arith.constant 3 : i32
          %parallel_loop3A_418 = vector.broadcast %parallel_loop3A_417 : i32 to vector<16xi32>
          %parallel_loop3A_419 = tpu.vector_load_idx %arg5[%parallel_loop3A_418, %parallel_loop3A_209] : memref<8x10000xf32, #tpu.memory_space<vmem>>[vector<16xi32>, vector<16xi32>], vector<16xf32>,
          %parallel_loop3A_420 = tpu.vector_load_idx %arg5[%parallel_loop3A_418, %parallel_loop3A_215] : memref<8x10000xf32, #tpu.memory_space<vmem>>[vector<16xi32>, vector<16xi32>], vector<16xf32>,
          %parallel_loop3A_421 = tpu.vector_load_idx %arg5[%parallel_loop3A_418, %parallel_loop3A_221] : memref<8x10000xf32, #tpu.memory_space<vmem>>[vector<16xi32>, vector<16xi32>], vector<16xf32>,
          %parallel_loop3A_422 = tpu.vector_load_idx %arg5[%parallel_loop3A_418, %parallel_loop3A_227] : memref<8x10000xf32, #tpu.memory_space<vmem>>[vector<16xi32>, vector<16xi32>], vector<16xf32>,
          %parallel_loop3A_423 = tpu.vector_load_idx %arg5[%parallel_loop3A_418, %parallel_loop3A_233] : memref<8x10000xf32, #tpu.memory_space<vmem>>[vector<16xi32>, vector<16xi32>], vector<16xf32>,
          %parallel_loop3A_424 = tpu.vector_load_idx %arg5[%parallel_loop3A_418, %parallel_loop3A_239] : memref<8x10000xf32, #tpu.memory_space<vmem>>[vector<16xi32>, vector<16xi32>], vector<16xf32>,
          %parallel_loop3A_425 = tpu.vector_load_idx %arg5[%parallel_loop3A_418, %parallel_loop3A_245] : memref<8x10000xf32, #tpu.memory_space<vmem>>[vector<16xi32>, vector<16xi32>], vector<16xf32>,
          %parallel_loop3A_426 = tpu.vector_load_idx %arg5[%parallel_loop3A_418, %parallel_loop3A_251] : memref<8x10000xf32, #tpu.memory_space<vmem>>[vector<16xi32>, vector<16xi32>], vector<16xf32>,
          %parallel_loop3A_427 = tpu.vector_load_idx %arg5[%parallel_loop3A_418, %parallel_loop3A_257] : memref<8x10000xf32, #tpu.memory_space<vmem>>[vector<16xi32>, vector<16xi32>], vector<16xf32>,
          %parallel_loop3A_428 = tpu.vector_load_idx %arg5[%parallel_loop3A_418, %parallel_loop3A_263] : memref<8x10000xf32, #tpu.memory_space<vmem>>[vector<16xi32>, vector<16xi32>], vector<16xf32>,
          %parallel_loop3A_429 = tpu.vector_load_idx %arg5[%parallel_loop3A_418, %parallel_loop3A_269] : memref<8x10000xf32, #tpu.memory_space<vmem>>[vector<16xi32>, vector<16xi32>], vector<16xf32>,
          %parallel_loop3A_430 = tpu.vector_load_idx %arg5[%parallel_loop3A_418, %parallel_loop3A_275] : memref<8x10000xf32, #tpu.memory_space<vmem>>[vector<16xi32>, vector<16xi32>], vector<16xf32>,
          %parallel_loop3A_431 = tpu.vector_load_idx %arg5[%parallel_loop3A_418, %parallel_loop3A_281] : memref<8x10000xf32, #tpu.memory_space<vmem>>[vector<16xi32>, vector<16xi32>], vector<16xf32>,
          %parallel_loop3A_432 = tpu.vector_load_idx %arg5[%parallel_loop3A_418, %parallel_loop3A_287] : memref<8x10000xf32, #tpu.memory_space<vmem>>[vector<16xi32>, vector<16xi32>], vector<16xf32>,
          %parallel_loop3A_433 = tpu.vector_load_idx %arg5[%parallel_loop3A_418, %parallel_loop3A_293] : memref<8x10000xf32, #tpu.memory_space<vmem>>[vector<16xi32>, vector<16xi32>], vector<16xf32>,
          %parallel_loop3A_434 = tpu.vector_load_idx %arg5[%parallel_loop3A_418, %parallel_loop3A_299] : memref<8x10000xf32, #tpu.memory_space<vmem>>[vector<16xi32>, vector<16xi32>], vector<16xf32>,
          %parallel_loop3A_435 = arith.maximumf %parallel_loop3A_419, %parallel_loop3A_420 : vector<16xf32>
          %parallel_loop3A_436 = arith.maximumf %parallel_loop3A_421, %parallel_loop3A_422 : vector<16xf32>
          %parallel_loop3A_437 = arith.maximumf %parallel_loop3A_423, %parallel_loop3A_424 : vector<16xf32>
          %parallel_loop3A_438 = arith.maximumf %parallel_loop3A_425, %parallel_loop3A_426 : vector<16xf32>
          %parallel_loop3A_439 = arith.maximumf %parallel_loop3A_427, %parallel_loop3A_428 : vector<16xf32>
          %parallel_loop3A_440 = arith.maximumf %parallel_loop3A_429, %parallel_loop3A_430 : vector<16xf32>
          %parallel_loop3A_441 = arith.maximumf %parallel_loop3A_431, %parallel_loop3A_432 : vector<16xf32>
          %parallel_loop3A_442 = arith.maximumf %parallel_loop3A_433, %parallel_loop3A_434 : vector<16xf32>
          %parallel_loop3A_443 = arith.maximumf %parallel_loop3A_435, %parallel_loop3A_436 : vector<16xf32>
          %parallel_loop3A_444 = arith.maximumf %parallel_loop3A_437, %parallel_loop3A_438 : vector<16xf32>
          %parallel_loop3A_445 = arith.maximumf %parallel_loop3A_439, %parallel_loop3A_440 : vector<16xf32>
          %parallel_loop3A_446 = arith.maximumf %parallel_loop3A_441, %parallel_loop3A_442 : vector<16xf32>
          %parallel_loop3A_447 = arith.maximumf %parallel_loop3A_443, %parallel_loop3A_444 : vector<16xf32>
          %parallel_loop3A_448 = arith.maximumf %parallel_loop3A_445, %parallel_loop3A_446 : vector<16xf32>
          %parallel_loop3A_449 = arith.maximumf %parallel_loop3A_447, %parallel_loop3A_448 : vector<16xf32>
          %parallel_loop3A_450 = arith.constant 0 : i32
          %parallel_loop3A_451 = arith.constant 3 : i32
          %parallel_loop3A_452 = arith.index_cast %parallel_loop3A_450 : i32 to index
          %parallel_loop3A_453 = arith.index_cast %parallel_loop3A_451 : i32 to index
          %parallel_loop3A_454 = arith.index_cast %parallel_loop3A_203 : i32 to index
          %parallel_loop3A_455 = tpu.vector_load %arg7[%parallel_loop3A_452, %parallel_loop3A_453, %parallel_loop3A_454] {strides = array<i32>} : memref<2x8x512xf32, #tpu.memory_space<vmem>>, vector<16xf32>,
          tpu.vector_store %arg7[%parallel_loop3A_452, %parallel_loop3A_453, %parallel_loop3A_454], %parallel_loop3A_449 {strides = array<i32>} : memref<2x8x512xf32, #tpu.memory_space<vmem>>, vector<16xf32>,
          %parallel_loop3A_456 = arith.constant 4 : i32
          %parallel_loop3A_457 = vector.broadcast %parallel_loop3A_456 : i32 to vector<16xi32>
          %parallel_loop3A_458 = tpu.vector_load_idx %arg5[%parallel_loop3A_457, %parallel_loop3A_209] : memref<8x10000xf32, #tpu.memory_space<vmem>>[vector<16xi32>, vector<16xi32>], vector<16xf32>,
          %parallel_loop3A_459 = tpu.vector_load_idx %arg5[%parallel_loop3A_457, %parallel_loop3A_215] : memref<8x10000xf32, #tpu.memory_space<vmem>>[vector<16xi32>, vector<16xi32>], vector<16xf32>,
          %parallel_loop3A_460 = tpu.vector_load_idx %arg5[%parallel_loop3A_457, %parallel_loop3A_221] : memref<8x10000xf32, #tpu.memory_space<vmem>>[vector<16xi32>, vector<16xi32>], vector<16xf32>,
          %parallel_loop3A_461 = tpu.vector_load_idx %arg5[%parallel_loop3A_457, %parallel_loop3A_227] : memref<8x10000xf32, #tpu.memory_space<vmem>>[vector<16xi32>, vector<16xi32>], vector<16xf32>,
          %parallel_loop3A_462 = tpu.vector_load_idx %arg5[%parallel_loop3A_457, %parallel_loop3A_233] : memref<8x10000xf32, #tpu.memory_space<vmem>>[vector<16xi32>, vector<16xi32>], vector<16xf32>,
          %parallel_loop3A_463 = tpu.vector_load_idx %arg5[%parallel_loop3A_457, %parallel_loop3A_239] : memref<8x10000xf32, #tpu.memory_space<vmem>>[vector<16xi32>, vector<16xi32>], vector<16xf32>,
          %parallel_loop3A_464 = tpu.vector_load_idx %arg5[%parallel_loop3A_457, %parallel_loop3A_245] : memref<8x10000xf32, #tpu.memory_space<vmem>>[vector<16xi32>, vector<16xi32>], vector<16xf32>,
          %parallel_loop3A_465 = tpu.vector_load_idx %arg5[%parallel_loop3A_457, %parallel_loop3A_251] : memref<8x10000xf32, #tpu.memory_space<vmem>>[vector<16xi32>, vector<16xi32>], vector<16xf32>,
          %parallel_loop3A_466 = tpu.vector_load_idx %arg5[%parallel_loop3A_457, %parallel_loop3A_257] : memref<8x10000xf32, #tpu.memory_space<vmem>>[vector<16xi32>, vector<16xi32>], vector<16xf32>,
          %parallel_loop3A_467 = tpu.vector_load_idx %arg5[%parallel_loop3A_457, %parallel_loop3A_263] : memref<8x10000xf32, #tpu.memory_space<vmem>>[vector<16xi32>, vector<16xi32>], vector<16xf32>,
          %parallel_loop3A_468 = tpu.vector_load_idx %arg5[%parallel_loop3A_457, %parallel_loop3A_269] : memref<8x10000xf32, #tpu.memory_space<vmem>>[vector<16xi32>, vector<16xi32>], vector<16xf32>,
          %parallel_loop3A_469 = tpu.vector_load_idx %arg5[%parallel_loop3A_457, %parallel_loop3A_275] : memref<8x10000xf32, #tpu.memory_space<vmem>>[vector<16xi32>, vector<16xi32>], vector<16xf32>,
          %parallel_loop3A_470 = tpu.vector_load_idx %arg5[%parallel_loop3A_457, %parallel_loop3A_281] : memref<8x10000xf32, #tpu.memory_space<vmem>>[vector<16xi32>, vector<16xi32>], vector<16xf32>,
          %parallel_loop3A_471 = tpu.vector_load_idx %arg5[%parallel_loop3A_457, %parallel_loop3A_287] : memref<8x10000xf32, #tpu.memory_space<vmem>>[vector<16xi32>, vector<16xi32>], vector<16xf32>,
          %parallel_loop3A_472 = tpu.vector_load_idx %arg5[%parallel_loop3A_457, %parallel_loop3A_293] : memref<8x10000xf32, #tpu.memory_space<vmem>>[vector<16xi32>, vector<16xi32>], vector<16xf32>,
          %parallel_loop3A_473 = tpu.vector_load_idx %arg5[%parallel_loop3A_457, %parallel_loop3A_299] : memref<8x10000xf32, #tpu.memory_space<vmem>>[vector<16xi32>, vector<16xi32>], vector<16xf32>,
          %parallel_loop3A_474 = arith.maximumf %parallel_loop3A_458, %parallel_loop3A_459 : vector<16xf32>
          %parallel_loop3A_475 = arith.maximumf %parallel_loop3A_460, %parallel_loop3A_461 : vector<16xf32>
          %parallel_loop3A_476 = arith.maximumf %parallel_loop3A_462, %parallel_loop3A_463 : vector<16xf32>
          %parallel_loop3A_477 = arith.maximumf %parallel_loop3A_464, %parallel_loop3A_465 : vector<16xf32>
          %parallel_loop3A_478 = arith.maximumf %parallel_loop3A_466, %parallel_loop3A_467 : vector<16xf32>
          %parallel_loop3A_479 = arith.maximumf %parallel_loop3A_468, %parallel_loop3A_469 : vector<16xf32>
          %parallel_loop3A_480 = arith.maximumf %parallel_loop3A_470, %parallel_loop3A_471 : vector<16xf32>
          %parallel_loop3A_481 = arith.maximumf %parallel_loop3A_472, %parallel_loop3A_473 : vector<16xf32>
          %parallel_loop3A_482 = arith.maximumf %parallel_loop3A_474, %parallel_loop3A_475 : vector<16xf32>
          %parallel_loop3A_483 = arith.maximumf %parallel_loop3A_476, %parallel_loop3A_477 : vector<16xf32>
          %parallel_loop3A_484 = arith.maximumf %parallel_loop3A_478, %parallel_loop3A_479 : vector<16xf32>
          %parallel_loop3A_485 = arith.maximumf %parallel_loop3A_480, %parallel_loop3A_481 : vector<16xf32>
          %parallel_loop3A_486 = arith.maximumf %parallel_loop3A_482, %parallel_loop3A_483 : vector<16xf32>
          %parallel_loop3A_487 = arith.maximumf %parallel_loop3A_484, %parallel_loop3A_485 : vector<16xf32>
          %parallel_loop3A_488 = arith.maximumf %parallel_loop3A_486, %parallel_loop3A_487 : vector<16xf32>
          %parallel_loop3A_489 = arith.constant 0 : i32
          %parallel_loop3A_490 = arith.constant 4 : i32
          %parallel_loop3A_491 = arith.index_cast %parallel_loop3A_489 : i32 to index
          %parallel_loop3A_492 = arith.index_cast %parallel_loop3A_490 : i32 to index
          %parallel_loop3A_493 = arith.index_cast %parallel_loop3A_203 : i32 to index
          %parallel_loop3A_494 = tpu.vector_load %arg7[%parallel_loop3A_491, %parallel_loop3A_492, %parallel_loop3A_493] {strides = array<i32>} : memref<2x8x512xf32, #tpu.memory_space<vmem>>, vector<16xf32>,
          tpu.vector_store %arg7[%parallel_loop3A_491, %parallel_loop3A_492, %parallel_loop3A_493], %parallel_loop3A_488 {strides = array<i32>} : memref<2x8x512xf32, #tpu.memory_space<vmem>>, vector<16xf32>,
          %parallel_loop3A_495 = arith.constant 5 : i32
          %parallel_loop3A_496 = vector.broadcast %parallel_loop3A_495 : i32 to vector<16xi32>
          %parallel_loop3A_497 = tpu.vector_load_idx %arg5[%parallel_loop3A_496, %parallel_loop3A_209] : memref<8x10000xf32, #tpu.memory_space<vmem>>[vector<16xi32>, vector<16xi32>], vector<16xf32>,
          %parallel_loop3A_498 = tpu.vector_load_idx %arg5[%parallel_loop3A_496, %parallel_loop3A_215] : memref<8x10000xf32, #tpu.memory_space<vmem>>[vector<16xi32>, vector<16xi32>], vector<16xf32>,
          %parallel_loop3A_499 = tpu.vector_load_idx %arg5[%parallel_loop3A_496, %parallel_loop3A_221] : memref<8x10000xf32, #tpu.memory_space<vmem>>[vector<16xi32>, vector<16xi32>], vector<16xf32>,
          %parallel_loop3A_500 = tpu.vector_load_idx %arg5[%parallel_loop3A_496, %parallel_loop3A_227] : memref<8x10000xf32, #tpu.memory_space<vmem>>[vector<16xi32>, vector<16xi32>], vector<16xf32>,
          %parallel_loop3A_501 = tpu.vector_load_idx %arg5[%parallel_loop3A_496, %parallel_loop3A_233] : memref<8x10000xf32, #tpu.memory_space<vmem>>[vector<16xi32>, vector<16xi32>], vector<16xf32>,
          %parallel_loop3A_502 = tpu.vector_load_idx %arg5[%parallel_loop3A_496, %parallel_loop3A_239] : memref<8x10000xf32, #tpu.memory_space<vmem>>[vector<16xi32>, vector<16xi32>], vector<16xf32>,
          %parallel_loop3A_503 = tpu.vector_load_idx %arg5[%parallel_loop3A_496, %parallel_loop3A_245] : memref<8x10000xf32, #tpu.memory_space<vmem>>[vector<16xi32>, vector<16xi32>], vector<16xf32>,
          %parallel_loop3A_504 = tpu.vector_load_idx %arg5[%parallel_loop3A_496, %parallel_loop3A_251] : memref<8x10000xf32, #tpu.memory_space<vmem>>[vector<16xi32>, vector<16xi32>], vector<16xf32>,
          %parallel_loop3A_505 = tpu.vector_load_idx %arg5[%parallel_loop3A_496, %parallel_loop3A_257] : memref<8x10000xf32, #tpu.memory_space<vmem>>[vector<16xi32>, vector<16xi32>], vector<16xf32>,
          %parallel_loop3A_506 = tpu.vector_load_idx %arg5[%parallel_loop3A_496, %parallel_loop3A_263] : memref<8x10000xf32, #tpu.memory_space<vmem>>[vector<16xi32>, vector<16xi32>], vector<16xf32>,
          %parallel_loop3A_507 = tpu.vector_load_idx %arg5[%parallel_loop3A_496, %parallel_loop3A_269] : memref<8x10000xf32, #tpu.memory_space<vmem>>[vector<16xi32>, vector<16xi32>], vector<16xf32>,
          %parallel_loop3A_508 = tpu.vector_load_idx %arg5[%parallel_loop3A_496, %parallel_loop3A_275] : memref<8x10000xf32, #tpu.memory_space<vmem>>[vector<16xi32>, vector<16xi32>], vector<16xf32>,
          %parallel_loop3A_509 = tpu.vector_load_idx %arg5[%parallel_loop3A_496, %parallel_loop3A_281] : memref<8x10000xf32, #tpu.memory_space<vmem>>[vector<16xi32>, vector<16xi32>], vector<16xf32>,
          %parallel_loop3A_510 = tpu.vector_load_idx %arg5[%parallel_loop3A_496, %parallel_loop3A_287] : memref<8x10000xf32, #tpu.memory_space<vmem>>[vector<16xi32>, vector<16xi32>], vector<16xf32>,
          %parallel_loop3A_511 = tpu.vector_load_idx %arg5[%parallel_loop3A_496, %parallel_loop3A_293] : memref<8x10000xf32, #tpu.memory_space<vmem>>[vector<16xi32>, vector<16xi32>], vector<16xf32>,
          %parallel_loop3A_512 = tpu.vector_load_idx %arg5[%parallel_loop3A_496, %parallel_loop3A_299] : memref<8x10000xf32, #tpu.memory_space<vmem>>[vector<16xi32>, vector<16xi32>], vector<16xf32>,
          %parallel_loop3A_513 = arith.maximumf %parallel_loop3A_497, %parallel_loop3A_498 : vector<16xf32>
          %parallel_loop3A_514 = arith.maximumf %parallel_loop3A_499, %parallel_loop3A_500 : vector<16xf32>
          %parallel_loop3A_515 = arith.maximumf %parallel_loop3A_501, %parallel_loop3A_502 : vector<16xf32>
          %parallel_loop3A_516 = arith.maximumf %parallel_loop3A_503, %parallel_loop3A_504 : vector<16xf32>
          %parallel_loop3A_517 = arith.maximumf %parallel_loop3A_505, %parallel_loop3A_506 : vector<16xf32>
          %parallel_loop3A_518 = arith.maximumf %parallel_loop3A_507, %parallel_loop3A_508 : vector<16xf32>
          %parallel_loop3A_519 = arith.maximumf %parallel_loop3A_509, %parallel_loop3A_510 : vector<16xf32>
          %parallel_loop3A_520 = arith.maximumf %parallel_loop3A_511, %parallel_loop3A_512 : vector<16xf32>
          %parallel_loop3A_521 = arith.maximumf %parallel_loop3A_513, %parallel_loop3A_514 : vector<16xf32>
          %parallel_loop3A_522 = arith.maximumf %parallel_loop3A_515, %parallel_loop3A_516 : vector<16xf32>
          %parallel_loop3A_523 = arith.maximumf %parallel_loop3A_517, %parallel_loop3A_518 : vector<16xf32>
          %parallel_loop3A_524 = arith.maximumf %parallel_loop3A_519, %parallel_loop3A_520 : vector<16xf32>
          %parallel_loop3A_525 = arith.maximumf %parallel_loop3A_521, %parallel_loop3A_522 : vector<16xf32>
          %parallel_loop3A_526 = arith.maximumf %parallel_loop3A_523, %parallel_loop3A_524 : vector<16xf32>
          %parallel_loop3A_527 = arith.maximumf %parallel_loop3A_525, %parallel_loop3A_526 : vector<16xf32>
          %parallel_loop3A_528 = arith.constant 0 : i32
          %parallel_loop3A_529 = arith.constant 5 : i32
          %parallel_loop3A_530 = arith.index_cast %parallel_loop3A_528 : i32 to index
          %parallel_loop3A_531 = arith.index_cast %parallel_loop3A_529 : i32 to index
          %parallel_loop3A_532 = arith.index_cast %parallel_loop3A_203 : i32 to index
          %parallel_loop3A_533 = tpu.vector_load %arg7[%parallel_loop3A_530, %parallel_loop3A_531, %parallel_loop3A_532] {strides = array<i32>} : memref<2x8x512xf32, #tpu.memory_space<vmem>>, vector<16xf32>,
          tpu.vector_store %arg7[%parallel_loop3A_530, %parallel_loop3A_531, %parallel_loop3A_532], %parallel_loop3A_527 {strides = array<i32>} : memref<2x8x512xf32, #tpu.memory_space<vmem>>, vector<16xf32>,
          %parallel_loop3A_534 = arith.constant 6 : i32
          %parallel_loop3A_535 = vector.broadcast %parallel_loop3A_534 : i32 to vector<16xi32>
          %parallel_loop3A_536 = tpu.vector_load_idx %arg5[%parallel_loop3A_535, %parallel_loop3A_209] : memref<8x10000xf32, #tpu.memory_space<vmem>>[vector<16xi32>, vector<16xi32>], vector<16xf32>,
          %parallel_loop3A_537 = tpu.vector_load_idx %arg5[%parallel_loop3A_535, %parallel_loop3A_215] : memref<8x10000xf32, #tpu.memory_space<vmem>>[vector<16xi32>, vector<16xi32>], vector<16xf32>,
          %parallel_loop3A_538 = tpu.vector_load_idx %arg5[%parallel_loop3A_535, %parallel_loop3A_221] : memref<8x10000xf32, #tpu.memory_space<vmem>>[vector<16xi32>, vector<16xi32>], vector<16xf32>,
          %parallel_loop3A_539 = tpu.vector_load_idx %arg5[%parallel_loop3A_535, %parallel_loop3A_227] : memref<8x10000xf32, #tpu.memory_space<vmem>>[vector<16xi32>, vector<16xi32>], vector<16xf32>,
          %parallel_loop3A_540 = tpu.vector_load_idx %arg5[%parallel_loop3A_535, %parallel_loop3A_233] : memref<8x10000xf32, #tpu.memory_space<vmem>>[vector<16xi32>, vector<16xi32>], vector<16xf32>,
          %parallel_loop3A_541 = tpu.vector_load_idx %arg5[%parallel_loop3A_535, %parallel_loop3A_239] : memref<8x10000xf32, #tpu.memory_space<vmem>>[vector<16xi32>, vector<16xi32>], vector<16xf32>,
          %parallel_loop3A_542 = tpu.vector_load_idx %arg5[%parallel_loop3A_535, %parallel_loop3A_245] : memref<8x10000xf32, #tpu.memory_space<vmem>>[vector<16xi32>, vector<16xi32>], vector<16xf32>,
          %parallel_loop3A_543 = tpu.vector_load_idx %arg5[%parallel_loop3A_535, %parallel_loop3A_251] : memref<8x10000xf32, #tpu.memory_space<vmem>>[vector<16xi32>, vector<16xi32>], vector<16xf32>,
          %parallel_loop3A_544 = tpu.vector_load_idx %arg5[%parallel_loop3A_535, %parallel_loop3A_257] : memref<8x10000xf32, #tpu.memory_space<vmem>>[vector<16xi32>, vector<16xi32>], vector<16xf32>,
          %parallel_loop3A_545 = tpu.vector_load_idx %arg5[%parallel_loop3A_535, %parallel_loop3A_263] : memref<8x10000xf32, #tpu.memory_space<vmem>>[vector<16xi32>, vector<16xi32>], vector<16xf32>,
          %parallel_loop3A_546 = tpu.vector_load_idx %arg5[%parallel_loop3A_535, %parallel_loop3A_269] : memref<8x10000xf32, #tpu.memory_space<vmem>>[vector<16xi32>, vector<16xi32>], vector<16xf32>,
          %parallel_loop3A_547 = tpu.vector_load_idx %arg5[%parallel_loop3A_535, %parallel_loop3A_275] : memref<8x10000xf32, #tpu.memory_space<vmem>>[vector<16xi32>, vector<16xi32>], vector<16xf32>,
          %parallel_loop3A_548 = tpu.vector_load_idx %arg5[%parallel_loop3A_535, %parallel_loop3A_281] : memref<8x10000xf32, #tpu.memory_space<vmem>>[vector<16xi32>, vector<16xi32>], vector<16xf32>,
          %parallel_loop3A_549 = tpu.vector_load_idx %arg5[%parallel_loop3A_535, %parallel_loop3A_287] : memref<8x10000xf32, #tpu.memory_space<vmem>>[vector<16xi32>, vector<16xi32>], vector<16xf32>,
          %parallel_loop3A_550 = tpu.vector_load_idx %arg5[%parallel_loop3A_535, %parallel_loop3A_293] : memref<8x10000xf32, #tpu.memory_space<vmem>>[vector<16xi32>, vector<16xi32>], vector<16xf32>,
          %parallel_loop3A_551 = tpu.vector_load_idx %arg5[%parallel_loop3A_535, %parallel_loop3A_299] : memref<8x10000xf32, #tpu.memory_space<vmem>>[vector<16xi32>, vector<16xi32>], vector<16xf32>,
          %parallel_loop3A_552 = arith.maximumf %parallel_loop3A_536, %parallel_loop3A_537 : vector<16xf32>
          %parallel_loop3A_553 = arith.maximumf %parallel_loop3A_538, %parallel_loop3A_539 : vector<16xf32>
          %parallel_loop3A_554 = arith.maximumf %parallel_loop3A_540, %parallel_loop3A_541 : vector<16xf32>
          %parallel_loop3A_555 = arith.maximumf %parallel_loop3A_542, %parallel_loop3A_543 : vector<16xf32>
          %parallel_loop3A_556 = arith.maximumf %parallel_loop3A_544, %parallel_loop3A_545 : vector<16xf32>
          %parallel_loop3A_557 = arith.maximumf %parallel_loop3A_546, %parallel_loop3A_547 : vector<16xf32>
          %parallel_loop3A_558 = arith.maximumf %parallel_loop3A_548, %parallel_loop3A_549 : vector<16xf32>
          %parallel_loop3A_559 = arith.maximumf %parallel_loop3A_550, %parallel_loop3A_551 : vector<16xf32>
          %parallel_loop3A_560 = arith.maximumf %parallel_loop3A_552, %parallel_loop3A_553 : vector<16xf32>
          %parallel_loop3A_561 = arith.maximumf %parallel_loop3A_554, %parallel_loop3A_555 : vector<16xf32>
          %parallel_loop3A_562 = arith.maximumf %parallel_loop3A_556, %parallel_loop3A_557 : vector<16xf32>
          %parallel_loop3A_563 = arith.maximumf %parallel_loop3A_558, %parallel_loop3A_559 : vector<16xf32>
          %parallel_loop3A_564 = arith.maximumf %parallel_loop3A_560, %parallel_loop3A_561 : vector<16xf32>
          %parallel_loop3A_565 = arith.maximumf %parallel_loop3A_562, %parallel_loop3A_563 : vector<16xf32>
          %parallel_loop3A_566 = arith.maximumf %parallel_loop3A_564, %parallel_loop3A_565 : vector<16xf32>
          %parallel_loop3A_567 = arith.constant 0 : i32
          %parallel_loop3A_568 = arith.constant 6 : i32
          %parallel_loop3A_569 = arith.index_cast %parallel_loop3A_567 : i32 to index
          %parallel_loop3A_570 = arith.index_cast %parallel_loop3A_568 : i32 to index
          %parallel_loop3A_571 = arith.index_cast %parallel_loop3A_203 : i32 to index
          %parallel_loop3A_572 = tpu.vector_load %arg7[%parallel_loop3A_569, %parallel_loop3A_570, %parallel_loop3A_571] {strides = array<i32>} : memref<2x8x512xf32, #tpu.memory_space<vmem>>, vector<16xf32>,
          tpu.vector_store %arg7[%parallel_loop3A_569, %parallel_loop3A_570, %parallel_loop3A_571], %parallel_loop3A_566 {strides = array<i32>} : memref<2x8x512xf32, #tpu.memory_space<vmem>>, vector<16xf32>,
          %parallel_loop3A_573 = arith.constant 7 : i32
          %parallel_loop3A_574 = vector.broadcast %parallel_loop3A_573 : i32 to vector<16xi32>
          %parallel_loop3A_575 = tpu.vector_load_idx %arg5[%parallel_loop3A_574, %parallel_loop3A_209] : memref<8x10000xf32, #tpu.memory_space<vmem>>[vector<16xi32>, vector<16xi32>], vector<16xf32>,
          %parallel_loop3A_576 = tpu.vector_load_idx %arg5[%parallel_loop3A_574, %parallel_loop3A_215] : memref<8x10000xf32, #tpu.memory_space<vmem>>[vector<16xi32>, vector<16xi32>], vector<16xf32>,
          %parallel_loop3A_577 = tpu.vector_load_idx %arg5[%parallel_loop3A_574, %parallel_loop3A_221] : memref<8x10000xf32, #tpu.memory_space<vmem>>[vector<16xi32>, vector<16xi32>], vector<16xf32>,
          %parallel_loop3A_578 = tpu.vector_load_idx %arg5[%parallel_loop3A_574, %parallel_loop3A_227] : memref<8x10000xf32, #tpu.memory_space<vmem>>[vector<16xi32>, vector<16xi32>], vector<16xf32>,
          %parallel_loop3A_579 = tpu.vector_load_idx %arg5[%parallel_loop3A_574, %parallel_loop3A_233] : memref<8x10000xf32, #tpu.memory_space<vmem>>[vector<16xi32>, vector<16xi32>], vector<16xf32>,
          %parallel_loop3A_580 = tpu.vector_load_idx %arg5[%parallel_loop3A_574, %parallel_loop3A_239] : memref<8x10000xf32, #tpu.memory_space<vmem>>[vector<16xi32>, vector<16xi32>], vector<16xf32>,
          %parallel_loop3A_581 = tpu.vector_load_idx %arg5[%parallel_loop3A_574, %parallel_loop3A_245] : memref<8x10000xf32, #tpu.memory_space<vmem>>[vector<16xi32>, vector<16xi32>], vector<16xf32>,
          %parallel_loop3A_582 = tpu.vector_load_idx %arg5[%parallel_loop3A_574, %parallel_loop3A_251] : memref<8x10000xf32, #tpu.memory_space<vmem>>[vector<16xi32>, vector<16xi32>], vector<16xf32>,
          %parallel_loop3A_583 = tpu.vector_load_idx %arg5[%parallel_loop3A_574, %parallel_loop3A_257] : memref<8x10000xf32, #tpu.memory_space<vmem>>[vector<16xi32>, vector<16xi32>], vector<16xf32>,
          %parallel_loop3A_584 = tpu.vector_load_idx %arg5[%parallel_loop3A_574, %parallel_loop3A_263] : memref<8x10000xf32, #tpu.memory_space<vmem>>[vector<16xi32>, vector<16xi32>], vector<16xf32>,
          %parallel_loop3A_585 = tpu.vector_load_idx %arg5[%parallel_loop3A_574, %parallel_loop3A_269] : memref<8x10000xf32, #tpu.memory_space<vmem>>[vector<16xi32>, vector<16xi32>], vector<16xf32>,
          %parallel_loop3A_586 = tpu.vector_load_idx %arg5[%parallel_loop3A_574, %parallel_loop3A_275] : memref<8x10000xf32, #tpu.memory_space<vmem>>[vector<16xi32>, vector<16xi32>], vector<16xf32>,
          %parallel_loop3A_587 = tpu.vector_load_idx %arg5[%parallel_loop3A_574, %parallel_loop3A_281] : memref<8x10000xf32, #tpu.memory_space<vmem>>[vector<16xi32>, vector<16xi32>], vector<16xf32>,
          %parallel_loop3A_588 = tpu.vector_load_idx %arg5[%parallel_loop3A_574, %parallel_loop3A_287] : memref<8x10000xf32, #tpu.memory_space<vmem>>[vector<16xi32>, vector<16xi32>], vector<16xf32>,
          %parallel_loop3A_589 = tpu.vector_load_idx %arg5[%parallel_loop3A_574, %parallel_loop3A_293] : memref<8x10000xf32, #tpu.memory_space<vmem>>[vector<16xi32>, vector<16xi32>], vector<16xf32>,
          %parallel_loop3A_590 = tpu.vector_load_idx %arg5[%parallel_loop3A_574, %parallel_loop3A_299] : memref<8x10000xf32, #tpu.memory_space<vmem>>[vector<16xi32>, vector<16xi32>], vector<16xf32>,
          %parallel_loop3A_591 = arith.maximumf %parallel_loop3A_575, %parallel_loop3A_576 : vector<16xf32>
          %parallel_loop3A_592 = arith.maximumf %parallel_loop3A_577, %parallel_loop3A_578 : vector<16xf32>
          %parallel_loop3A_593 = arith.maximumf %parallel_loop3A_579, %parallel_loop3A_580 : vector<16xf32>
          %parallel_loop3A_594 = arith.maximumf %parallel_loop3A_581, %parallel_loop3A_582 : vector<16xf32>
          %parallel_loop3A_595 = arith.maximumf %parallel_loop3A_583, %parallel_loop3A_584 : vector<16xf32>
          %parallel_loop3A_596 = arith.maximumf %parallel_loop3A_585, %parallel_loop3A_586 : vector<16xf32>
          %parallel_loop3A_597 = arith.maximumf %parallel_loop3A_587, %parallel_loop3A_588 : vector<16xf32>
          %parallel_loop3A_598 = arith.maximumf %parallel_loop3A_589, %parallel_loop3A_590 : vector<16xf32>
          %parallel_loop3A_599 = arith.maximumf %parallel_loop3A_591, %parallel_loop3A_592 : vector<16xf32>
          %parallel_loop3A_600 = arith.maximumf %parallel_loop3A_593, %parallel_loop3A_594 : vector<16xf32>
          %parallel_loop3A_601 = arith.maximumf %parallel_loop3A_595, %parallel_loop3A_596 : vector<16xf32>
          %parallel_loop3A_602 = arith.maximumf %parallel_loop3A_597, %parallel_loop3A_598 : vector<16xf32>
          %parallel_loop3A_603 = arith.maximumf %parallel_loop3A_599, %parallel_loop3A_600 : vector<16xf32>
          %parallel_loop3A_604 = arith.maximumf %parallel_loop3A_601, %parallel_loop3A_602 : vector<16xf32>
          %parallel_loop3A_605 = arith.maximumf %parallel_loop3A_603, %parallel_loop3A_604 : vector<16xf32>
          %parallel_loop3A_606 = arith.constant 0 : i32
          %parallel_loop3A_607 = arith.constant 7 : i32
          %parallel_loop3A_608 = arith.index_cast %parallel_loop3A_606 : i32 to index
          %parallel_loop3A_609 = arith.index_cast %parallel_loop3A_607 : i32 to index
          %parallel_loop3A_610 = arith.index_cast %parallel_loop3A_203 : i32 to index
          %parallel_loop3A_611 = tpu.vector_load %arg7[%parallel_loop3A_608, %parallel_loop3A_609, %parallel_loop3A_610] {strides = array<i32>} : memref<2x8x512xf32, #tpu.memory_space<vmem>>, vector<16xf32>,
          tpu.vector_store %arg7[%parallel_loop3A_608, %parallel_loop3A_609, %parallel_loop3A_610], %parallel_loop3A_605 {strides = array<i32>} : memref<2x8x512xf32, #tpu.memory_space<vmem>>, vector<16xf32>,
        } {sc.loop_unroll_factor = 2 : i64, sc.parallel_access}
        %dma_start3A_134 = arith.constant 0 : i32
        %dma_start3A_135 = arith.constant 0 : i32
        %dma_start3A_136 = arith.constant 0 : i32
        %dma_start3A_137 = tpu.memref_slice %arg7[%dma_start3A_134, %dma_start3A_135, %dma_start3A_136] : memref<2x8x512xf32, #tpu.memory_space<vmem>> -> memref<1x8x512xf32, #tpu.memory_space<vmem>>
        %dma_start3A_138 = tpu.memref_squeeze %dma_start3A_137 : memref<1x8x512xf32, #tpu.memory_space<vmem>> -> memref<8x512xf32, #tpu.memory_space<vmem>>
        %dma_start3A_139 = tpu.memref_slice %arg4[%select_n3A, %mul3A_76, %min3A_105] : memref<8x128x5000xf32, #tpu.memory_space<hbm>> -> memref<1x8x512xf32, #tpu.memory_space<hbm>>
        %dma_start3A_140 = tpu.memref_squeeze %dma_start3A_139 : memref<1x8x512xf32, #tpu.memory_space<hbm>> -> memref<8x512xf32, #tpu.memory_space<hbm>>
        %dma_start3A_141 = tpu.memref_slice %arg4[%select_n3A, %mul3A_76, %min3A_105] : memref<8x128x5000xf32, #tpu.memory_space<hbm>> -> memref<1x8x512xf32, #tpu.memory_space<hbm>>
        %dma_start3A_142 = tpu.memref_squeeze %dma_start3A_141 : memref<1x8x512xf32, #tpu.memory_space<hbm>> -> memref<8x512xf32, #tpu.memory_space<hbm>>
        %dma_start3A_143 = arith.constant 0 : i32
        %dma_start3A_144 = arith.constant 0 : i32
        %dma_start3A_145 = tpu.memref_slice %arg7[%dma_start3A_134, %dma_start3A_143, %dma_start3A_144] : memref<2x8x512xf32, #tpu.memory_space<vmem>> -> memref<1x8x512xf32, #tpu.memory_space<vmem>>
        %dma_start3A_146 = tpu.memref_squeeze %dma_start3A_145 : memref<1x8x512xf32, #tpu.memory_space<vmem>> -> memref<8x512xf32, #tpu.memory_space<vmem>>
        tpu.enqueue_dma source(%dma_start3A_146 : memref<8x512xf32, #tpu.memory_space<vmem>>) target(%dma_start3A_142 : memref<8x512xf32, #tpu.memory_space<hbm>>) target_semaphore(%arg10 : memref<!tpu.dma_semaphore, #tpu.memory_space<semaphore_mem>>)
        %mul3A_147 = arith.constant 2 : i32
        %mul3A_148 = arith.muli %scan3A_97, %mul3A_147 : i32
        %add3A_149 = arith.constant 1 : i32
        %add3A_150 = arith.addi %mul3A_148, %add3A_149 : i32
        %mul3A_151 = arith.constant 512 : i32
        %mul3A_152 = arith.muli %add3A_150, %mul3A_151 : i32
        %min3A_153 = arith.constant 4488 : i32
        %min3A_154 = arith.minsi %mul3A_152, %min3A_153 : i32
        %dma_wait3A_155 = arith.constant 1 : i32
        %dma_wait3A_156 = arith.constant 0 : i32
        %dma_wait3A_157 = arith.constant 0 : i32
        %dma_wait3A_158 = tpu.memref_slice %arg6[%dma_wait3A_155, %dma_wait3A_156, %dma_wait3A_157] : memref<2x16x512xi32, #tpu.memory_space<vmem>> -> memref<1x16x512xi32, #tpu.memory_space<vmem>>
        %dma_wait3A_159 = tpu.memref_squeeze %dma_wait3A_158 : memref<1x16x512xi32, #tpu.memory_space<vmem>> -> memref<16x512xi32, #tpu.memory_space<vmem>>
        %dma_wait3A_160 = arith.constant 0 : i32
        %dma_wait3A_161 = arith.constant 0 : i32
        %dma_wait3A_162 = tpu.memref_slice %arg3[%dma_wait3A_160, %dma_wait3A_161] : memref<16x5000xi32, #tpu.memory_space<hbm>> -> memref<16x512xi32, #tpu.memory_space<hbm>>
        %dma_wait3A_163 = arith.constant 0 : i32
        %dma_wait3A_164 = arith.constant 0 : i32
        %dma_wait3A_165 = tpu.memref_slice %arg6[%dma_wait3A_155, %dma_wait3A_163, %dma_wait3A_164] : memref<2x16x512xi32, #tpu.memory_space<vmem>> -> memref<1x16x512xi32, #tpu.memory_space<vmem>>
        %dma_wait3A_166 = tpu.memref_squeeze %dma_wait3A_165 : memref<1x16x512xi32, #tpu.memory_space<vmem>> -> memref<16x512xi32, #tpu.memory_space<vmem>>
        %dma_wait3A_167 = arith.constant 0 : i32
        %dma_wait3A_168 = arith.constant 0 : i32
        %dma_wait3A_169 = tpu.memref_slice %arg3[%dma_wait3A_167, %dma_wait3A_168] : memref<16x5000xi32, #tpu.memory_space<hbm>> -> memref<16x512xi32, #tpu.memory_space<hbm>>
        tpu.wait_dma2 semaphore(%arg9 : memref<!tpu.dma_semaphore, #tpu.memory_space<semaphore_mem>>) src(%dma_wait3A_169 : memref<16x512xi32, #tpu.memory_space<hbm>>) dst(%dma_wait3A_166 : memref<16x512xi32, #tpu.memory_space<vmem>>)
        %add3A_170 = arith.constant 1 : i32
        %add3A_171 = arith.addi %add3A_150, %add3A_170 : i32
        %lt3A_172 = arith.constant 10 : i32
        %lt3A_173 = arith.cmpi slt, %add3A_171, %lt3A_172 : i32
        %convert_element_type3A_174 = arith.extui %lt3A_173 : i1 to i32
        %cond3A_175 = arith.constant 0 : i32
        %cond3A_176 = arith.cmpi ne, %convert_element_type3A_174, %cond3A_175 : i32
        scf.if %cond3A_176 {
          %add3A_201 = arith.constant 1 : i32
          %add3A_202 = arith.addi %add3A_150, %add3A_201 : i32
          %mul3A_203 = arith.constant 512 : i32
          %mul3A_204 = arith.muli %add3A_202, %mul3A_203 : i32
          %min3A_205 = arith.constant 4488 : i32
          %min3A_206 = arith.minsi %mul3A_204, %min3A_205 : i32
          %dma_start3A_207 = arith.constant 0 : i32
          %dma_start3A_208 = arith.constant 0 : i32
          %dma_start3A_209 = arith.constant 0 : i32
          %dma_start3A_210 = tpu.memref_slice %arg6[%dma_start3A_207, %dma_start3A_208, %dma_start3A_209] : memref<2x16x512xi32, #tpu.memory_space<vmem>> -> memref<1x16x512xi32, #tpu.memory_space<vmem>>
          %dma_start3A_211 = tpu.memref_squeeze %dma_start3A_210 : memref<1x16x512xi32, #tpu.memory_space<vmem>> -> memref<16x512xi32, #tpu.memory_space<vmem>>
          %dma_start3A_212 = arith.constant 0 : i32
          %dma_start3A_213 = tpu.memref_slice %arg3[%dma_start3A_212, %min3A_206] : memref<16x5000xi32, #tpu.memory_space<hbm>> -> memref<16x512xi32, #tpu.memory_space<hbm>>
          %dma_start3A_214 = arith.constant 0 : i32
          %dma_start3A_215 = arith.constant 0 : i32
          %dma_start3A_216 = tpu.memref_slice %arg6[%dma_start3A_207, %dma_start3A_214, %dma_start3A_215] : memref<2x16x512xi32, #tpu.memory_space<vmem>> -> memref<1x16x512xi32, #tpu.memory_space<vmem>>
          %dma_start3A_217 = tpu.memref_squeeze %dma_start3A_216 : memref<1x16x512xi32, #tpu.memory_space<vmem>> -> memref<16x512xi32, #tpu.memory_space<vmem>>
          %dma_start3A_218 = arith.constant 0 : i32
          %dma_start3A_219 = tpu.memref_slice %arg3[%dma_start3A_218, %min3A_206] : memref<16x5000xi32, #tpu.memory_space<hbm>> -> memref<16x512xi32, #tpu.memory_space<hbm>>
          tpu.enqueue_dma source(%dma_start3A_219 : memref<16x512xi32, #tpu.memory_space<hbm>>) target(%dma_start3A_217 : memref<16x512xi32, #tpu.memory_space<vmem>>) target_semaphore(%arg8 : memref<!tpu.dma_semaphore, #tpu.memory_space<semaphore_mem>>)
        } else {
        }
        %gt3A_177 = arith.constant 0 : i32
        %gt3A_178 = arith.cmpi sgt, %scan3A_41, %gt3A_177 : i32
        %gt3A_179 = arith.constant 0 : i32
        %gt3A_180 = arith.cmpi sgt, %scan3A_97, %gt3A_179 : i32
        %or3A_181 = arith.ori %gt3A_178, %gt3A_180 : i1
        %convert_element_type3A_182 = arith.extui %or3A_181 : i1 to i32
        %cond3A_183 = arith.constant 0 : i32
        %cond3A_184 = arith.cmpi ne, %convert_element_type3A_182, %cond3A_183 : i32
        scf.if %cond3A_184 {
          %dma_wait3A_201 = arith.constant 1 : i32
          %dma_wait3A_202 = arith.constant 0 : i32
          %dma_wait3A_203 = arith.constant 0 : i32
          %dma_wait3A_204 = arith.constant 0 : i32
          %dma_wait3A_205 = tpu.memref_slice %arg7[%dma_wait3A_201, %dma_wait3A_203, %dma_wait3A_204] : memref<2x8x512xf32, #tpu.memory_space<vmem>> -> memref<1x8x512xf32, #tpu.memory_space<vmem>>
          %dma_wait3A_206 = tpu.memref_squeeze %dma_wait3A_205 : memref<1x8x512xf32, #tpu.memory_space<vmem>> -> memref<8x512xf32, #tpu.memory_space<vmem>>
          %dma_wait3A_207 = arith.constant 0 : i32
          %dma_wait3A_208 = arith.constant 0 : i32
          %dma_wait3A_209 = tpu.memref_slice %arg4[%dma_wait3A_202, %dma_wait3A_207, %dma_wait3A_208] : memref<8x128x5000xf32, #tpu.memory_space<hbm>> -> memref<1x8x512xf32, #tpu.memory_space<hbm>>
          %dma_wait3A_210 = tpu.memref_squeeze %dma_wait3A_209 : memref<1x8x512xf32, #tpu.memory_space<hbm>> -> memref<8x512xf32, #tpu.memory_space<hbm>>
          %dma_wait3A_211 = arith.constant 0 : i32
          %dma_wait3A_212 = arith.constant 0 : i32
          %dma_wait3A_213 = tpu.memref_slice %arg4[%dma_wait3A_202, %dma_wait3A_211, %dma_wait3A_212] : memref<8x128x5000xf32, #tpu.memory_space<hbm>> -> memref<1x8x512xf32, #tpu.memory_space<hbm>>
          %dma_wait3A_214 = tpu.memref_squeeze %dma_wait3A_213 : memref<1x8x512xf32, #tpu.memory_space<hbm>> -> memref<8x512xf32, #tpu.memory_space<hbm>>
          %dma_wait3A_215 = arith.constant 0 : i32
          %dma_wait3A_216 = arith.constant 0 : i32
          %dma_wait3A_217 = tpu.memref_slice %arg7[%dma_wait3A_201, %dma_wait3A_215, %dma_wait3A_216] : memref<2x8x512xf32, #tpu.memory_space<vmem>> -> memref<1x8x512xf32, #tpu.memory_space<vmem>>
          %dma_wait3A_218 = tpu.memref_squeeze %dma_wait3A_217 : memref<1x8x512xf32, #tpu.memory_space<vmem>> -> memref<8x512xf32, #tpu.memory_space<vmem>>
          tpu.wait_dma2 semaphore(%arg11 : memref<!tpu.dma_semaphore, #tpu.memory_space<semaphore_mem>>) src(%dma_wait3A_218 : memref<8x512xf32, #tpu.memory_space<vmem>>) dst(%dma_wait3A_214 : memref<8x512xf32, #tpu.memory_space<hbm>>)
        } else {
        }
        %parallel_loop3A_185 = arith.constant 0 : i32
        %parallel_loop3A_186 = arith.constant 32 : i32
        %parallel_loop3A_187 = arith.constant 1 : i32
        scf.for %parallel_loop3A_201 = %parallel_loop3A_185 to %parallel_loop3A_186 step %parallel_loop3A_187  : i32 {
          %parallel_loop3A_202 = arith.constant 16 : i32
          %parallel_loop3A_203 = arith.muli %parallel_loop3A_201, %parallel_loop3A_202 : i32
          %parallel_loop3A_204 = arith.constant 1 : i32
          %parallel_loop3A_205 = arith.constant 0 : i32
          %parallel_loop3A_206 = arith.index_cast %parallel_loop3A_204 : i32 to index
          %parallel_loop3A_207 = arith.index_cast %parallel_loop3A_205 : i32 to index
          %parallel_loop3A_208 = arith.index_cast %parallel_loop3A_203 : i32 to index
          %parallel_loop3A_209 = tpu.vector_load %arg6[%parallel_loop3A_206, %parallel_loop3A_207, %parallel_loop3A_208] {strides = array<i32>} : memref<2x16x512xi32, #tpu.memory_space<vmem>>, vector<16xi32>,
          %parallel_loop3A_210 = arith.constant 1 : i32
          %parallel_loop3A_211 = arith.constant 1 : i32
          %parallel_loop3A_212 = arith.index_cast %parallel_loop3A_210 : i32 to index
          %parallel_loop3A_213 = arith.index_cast %parallel_loop3A_211 : i32 to index
          %parallel_loop3A_214 = arith.index_cast %parallel_loop3A_203 : i32 to index
          %parallel_loop3A_215 = tpu.vector_load %arg6[%parallel_loop3A_212, %parallel_loop3A_213, %parallel_loop3A_214] {strides = array<i32>} : memref<2x16x512xi32, #tpu.memory_space<vmem>>, vector<16xi32>,
          %parallel_loop3A_216 = arith.constant 1 : i32
          %parallel_loop3A_217 = arith.constant 2 : i32
          %parallel_loop3A_218 = arith.index_cast %parallel_loop3A_216 : i32 to index
          %parallel_loop3A_219 = arith.index_cast %parallel_loop3A_217 : i32 to index
          %parallel_loop3A_220 = arith.index_cast %parallel_loop3A_203 : i32 to index
          %parallel_loop3A_221 = tpu.vector_load %arg6[%parallel_loop3A_218, %parallel_loop3A_219, %parallel_loop3A_220] {strides = array<i32>} : memref<2x16x512xi32, #tpu.memory_space<vmem>>, vector<16xi32>,
          %parallel_loop3A_222 = arith.constant 1 : i32
          %parallel_loop3A_223 = arith.constant 3 : i32
          %parallel_loop3A_224 = arith.index_cast %parallel_loop3A_222 : i32 to index
          %parallel_loop3A_225 = arith.index_cast %parallel_loop3A_223 : i32 to index
          %parallel_loop3A_226 = arith.index_cast %parallel_loop3A_203 : i32 to index
          %parallel_loop3A_227 = tpu.vector_load %arg6[%parallel_loop3A_224, %parallel_loop3A_225, %parallel_loop3A_226] {strides = array<i32>} : memref<2x16x512xi32, #tpu.memory_space<vmem>>, vector<16xi32>,
          %parallel_loop3A_228 = arith.constant 1 : i32
          %parallel_loop3A_229 = arith.constant 4 : i32
          %parallel_loop3A_230 = arith.index_cast %parallel_loop3A_228 : i32 to index
          %parallel_loop3A_231 = arith.index_cast %parallel_loop3A_229 : i32 to index
          %parallel_loop3A_232 = arith.index_cast %parallel_loop3A_203 : i32 to index
          %parallel_loop3A_233 = tpu.vector_load %arg6[%parallel_loop3A_230, %parallel_loop3A_231, %parallel_loop3A_232] {strides = array<i32>} : memref<2x16x512xi32, #tpu.memory_space<vmem>>, vector<16xi32>,
          %parallel_loop3A_234 = arith.constant 1 : i32
          %parallel_loop3A_235 = arith.constant 5 : i32
          %parallel_loop3A_236 = arith.index_cast %parallel_loop3A_234 : i32 to index
          %parallel_loop3A_237 = arith.index_cast %parallel_loop3A_235 : i32 to index
          %parallel_loop3A_238 = arith.index_cast %parallel_loop3A_203 : i32 to index
          %parallel_loop3A_239 = tpu.vector_load %arg6[%parallel_loop3A_236, %parallel_loop3A_237, %parallel_loop3A_238] {strides = array<i32>} : memref<2x16x512xi32, #tpu.memory_space<vmem>>, vector<16xi32>,
          %parallel_loop3A_240 = arith.constant 1 : i32
          %parallel_loop3A_241 = arith.constant 6 : i32
          %parallel_loop3A_242 = arith.index_cast %parallel_loop3A_240 : i32 to index
          %parallel_loop3A_243 = arith.index_cast %parallel_loop3A_241 : i32 to index
          %parallel_loop3A_244 = arith.index_cast %parallel_loop3A_203 : i32 to index
          %parallel_loop3A_245 = tpu.vector_load %arg6[%parallel_loop3A_242, %parallel_loop3A_243, %parallel_loop3A_244] {strides = array<i32>} : memref<2x16x512xi32, #tpu.memory_space<vmem>>, vector<16xi32>,
          %parallel_loop3A_246 = arith.constant 1 : i32
          %parallel_loop3A_247 = arith.constant 7 : i32
          %parallel_loop3A_248 = arith.index_cast %parallel_loop3A_246 : i32 to index
          %parallel_loop3A_249 = arith.index_cast %parallel_loop3A_247 : i32 to index
          %parallel_loop3A_250 = arith.index_cast %parallel_loop3A_203 : i32 to index
          %parallel_loop3A_251 = tpu.vector_load %arg6[%parallel_loop3A_248, %parallel_loop3A_249, %parallel_loop3A_250] {strides = array<i32>} : memref<2x16x512xi32, #tpu.memory_space<vmem>>, vector<16xi32>,
          %parallel_loop3A_252 = arith.constant 1 : i32
          %parallel_loop3A_253 = arith.constant 8 : i32
          %parallel_loop3A_254 = arith.index_cast %parallel_loop3A_252 : i32 to index
          %parallel_loop3A_255 = arith.index_cast %parallel_loop3A_253 : i32 to index
          %parallel_loop3A_256 = arith.index_cast %parallel_loop3A_203 : i32 to index
          %parallel_loop3A_257 = tpu.vector_load %arg6[%parallel_loop3A_254, %parallel_loop3A_255, %parallel_loop3A_256] {strides = array<i32>} : memref<2x16x512xi32, #tpu.memory_space<vmem>>, vector<16xi32>,
          %parallel_loop3A_258 = arith.constant 1 : i32
          %parallel_loop3A_259 = arith.constant 9 : i32
          %parallel_loop3A_260 = arith.index_cast %parallel_loop3A_258 : i32 to index
          %parallel_loop3A_261 = arith.index_cast %parallel_loop3A_259 : i32 to index
          %parallel_loop3A_262 = arith.index_cast %parallel_loop3A_203 : i32 to index
          %parallel_loop3A_263 = tpu.vector_load %arg6[%parallel_loop3A_260, %parallel_loop3A_261, %parallel_loop3A_262] {strides = array<i32>} : memref<2x16x512xi32, #tpu.memory_space<vmem>>, vector<16xi32>,
          %parallel_loop3A_264 = arith.constant 1 : i32
          %parallel_loop3A_265 = arith.constant 10 : i32
          %parallel_loop3A_266 = arith.index_cast %parallel_loop3A_264 : i32 to index
          %parallel_loop3A_267 = arith.index_cast %parallel_loop3A_265 : i32 to index
          %parallel_loop3A_268 = arith.index_cast %parallel_loop3A_203 : i32 to index
          %parallel_loop3A_269 = tpu.vector_load %arg6[%parallel_loop3A_266, %parallel_loop3A_267, %parallel_loop3A_268] {strides = array<i32>} : memref<2x16x512xi32, #tpu.memory_space<vmem>>, vector<16xi32>,
          %parallel_loop3A_270 = arith.constant 1 : i32
          %parallel_loop3A_271 = arith.constant 11 : i32
          %parallel_loop3A_272 = arith.index_cast %parallel_loop3A_270 : i32 to index
          %parallel_loop3A_273 = arith.index_cast %parallel_loop3A_271 : i32 to index
          %parallel_loop3A_274 = arith.index_cast %parallel_loop3A_203 : i32 to index
          %parallel_loop3A_275 = tpu.vector_load %arg6[%parallel_loop3A_272, %parallel_loop3A_273, %parallel_loop3A_274] {strides = array<i32>} : memref<2x16x512xi32, #tpu.memory_space<vmem>>, vector<16xi32>,
          %parallel_loop3A_276 = arith.constant 1 : i32
          %parallel_loop3A_277 = arith.constant 12 : i32
          %parallel_loop3A_278 = arith.index_cast %parallel_loop3A_276 : i32 to index
          %parallel_loop3A_279 = arith.index_cast %parallel_loop3A_277 : i32 to index
          %parallel_loop3A_280 = arith.index_cast %parallel_loop3A_203 : i32 to index
          %parallel_loop3A_281 = tpu.vector_load %arg6[%parallel_loop3A_278, %parallel_loop3A_279, %parallel_loop3A_280] {strides = array<i32>} : memref<2x16x512xi32, #tpu.memory_space<vmem>>, vector<16xi32>,
          %parallel_loop3A_282 = arith.constant 1 : i32
          %parallel_loop3A_283 = arith.constant 13 : i32
          %parallel_loop3A_284 = arith.index_cast %parallel_loop3A_282 : i32 to index
          %parallel_loop3A_285 = arith.index_cast %parallel_loop3A_283 : i32 to index
          %parallel_loop3A_286 = arith.index_cast %parallel_loop3A_203 : i32 to index
          %parallel_loop3A_287 = tpu.vector_load %arg6[%parallel_loop3A_284, %parallel_loop3A_285, %parallel_loop3A_286] {strides = array<i32>} : memref<2x16x512xi32, #tpu.memory_space<vmem>>, vector<16xi32>,
          %parallel_loop3A_288 = arith.constant 1 : i32
          %parallel_loop3A_289 = arith.constant 14 : i32
          %parallel_loop3A_290 = arith.index_cast %parallel_loop3A_288 : i32 to index
          %parallel_loop3A_291 = arith.index_cast %parallel_loop3A_289 : i32 to index
          %parallel_loop3A_292 = arith.index_cast %parallel_loop3A_203 : i32 to index
          %parallel_loop3A_293 = tpu.vector_load %arg6[%parallel_loop3A_290, %parallel_loop3A_291, %parallel_loop3A_292] {strides = array<i32>} : memref<2x16x512xi32, #tpu.memory_space<vmem>>, vector<16xi32>,
          %parallel_loop3A_294 = arith.constant 1 : i32
          %parallel_loop3A_295 = arith.constant 15 : i32
          %parallel_loop3A_296 = arith.index_cast %parallel_loop3A_294 : i32 to index
          %parallel_loop3A_297 = arith.index_cast %parallel_loop3A_295 : i32 to index
          %parallel_loop3A_298 = arith.index_cast %parallel_loop3A_203 : i32 to index
          %parallel_loop3A_299 = tpu.vector_load %arg6[%parallel_loop3A_296, %parallel_loop3A_297, %parallel_loop3A_298] {strides = array<i32>} : memref<2x16x512xi32, #tpu.memory_space<vmem>>, vector<16xi32>,
          %parallel_loop3A_300 = arith.constant 0 : i32
          %parallel_loop3A_301 = vector.broadcast %parallel_loop3A_300 : i32 to vector<16xi32>
          %parallel_loop3A_302 = tpu.vector_load_idx %arg5[%parallel_loop3A_301, %parallel_loop3A_209] : memref<8x10000xf32, #tpu.memory_space<vmem>>[vector<16xi32>, vector<16xi32>], vector<16xf32>,
          %parallel_loop3A_303 = tpu.vector_load_idx %arg5[%parallel_loop3A_301, %parallel_loop3A_215] : memref<8x10000xf32, #tpu.memory_space<vmem>>[vector<16xi32>, vector<16xi32>], vector<16xf32>,
          %parallel_loop3A_304 = tpu.vector_load_idx %arg5[%parallel_loop3A_301, %parallel_loop3A_221] : memref<8x10000xf32, #tpu.memory_space<vmem>>[vector<16xi32>, vector<16xi32>], vector<16xf32>,
          %parallel_loop3A_305 = tpu.vector_load_idx %arg5[%parallel_loop3A_301, %parallel_loop3A_227] : memref<8x10000xf32, #tpu.memory_space<vmem>>[vector<16xi32>, vector<16xi32>], vector<16xf32>,
          %parallel_loop3A_306 = tpu.vector_load_idx %arg5[%parallel_loop3A_301, %parallel_loop3A_233] : memref<8x10000xf32, #tpu.memory_space<vmem>>[vector<16xi32>, vector<16xi32>], vector<16xf32>,
          %parallel_loop3A_307 = tpu.vector_load_idx %arg5[%parallel_loop3A_301, %parallel_loop3A_239] : memref<8x10000xf32, #tpu.memory_space<vmem>>[vector<16xi32>, vector<16xi32>], vector<16xf32>,
          %parallel_loop3A_308 = tpu.vector_load_idx %arg5[%parallel_loop3A_301, %parallel_loop3A_245] : memref<8x10000xf32, #tpu.memory_space<vmem>>[vector<16xi32>, vector<16xi32>], vector<16xf32>,
          %parallel_loop3A_309 = tpu.vector_load_idx %arg5[%parallel_loop3A_301, %parallel_loop3A_251] : memref<8x10000xf32, #tpu.memory_space<vmem>>[vector<16xi32>, vector<16xi32>], vector<16xf32>,
          %parallel_loop3A_310 = tpu.vector_load_idx %arg5[%parallel_loop3A_301, %parallel_loop3A_257] : memref<8x10000xf32, #tpu.memory_space<vmem>>[vector<16xi32>, vector<16xi32>], vector<16xf32>,
          %parallel_loop3A_311 = tpu.vector_load_idx %arg5[%parallel_loop3A_301, %parallel_loop3A_263] : memref<8x10000xf32, #tpu.memory_space<vmem>>[vector<16xi32>, vector<16xi32>], vector<16xf32>,
          %parallel_loop3A_312 = tpu.vector_load_idx %arg5[%parallel_loop3A_301, %parallel_loop3A_269] : memref<8x10000xf32, #tpu.memory_space<vmem>>[vector<16xi32>, vector<16xi32>], vector<16xf32>,
          %parallel_loop3A_313 = tpu.vector_load_idx %arg5[%parallel_loop3A_301, %parallel_loop3A_275] : memref<8x10000xf32, #tpu.memory_space<vmem>>[vector<16xi32>, vector<16xi32>], vector<16xf32>,
          %parallel_loop3A_314 = tpu.vector_load_idx %arg5[%parallel_loop3A_301, %parallel_loop3A_281] : memref<8x10000xf32, #tpu.memory_space<vmem>>[vector<16xi32>, vector<16xi32>], vector<16xf32>,
          %parallel_loop3A_315 = tpu.vector_load_idx %arg5[%parallel_loop3A_301, %parallel_loop3A_287] : memref<8x10000xf32, #tpu.memory_space<vmem>>[vector<16xi32>, vector<16xi32>], vector<16xf32>,
          %parallel_loop3A_316 = tpu.vector_load_idx %arg5[%parallel_loop3A_301, %parallel_loop3A_293] : memref<8x10000xf32, #tpu.memory_space<vmem>>[vector<16xi32>, vector<16xi32>], vector<16xf32>,
          %parallel_loop3A_317 = tpu.vector_load_idx %arg5[%parallel_loop3A_301, %parallel_loop3A_299] : memref<8x10000xf32, #tpu.memory_space<vmem>>[vector<16xi32>, vector<16xi32>], vector<16xf32>,
          %parallel_loop3A_318 = arith.maximumf %parallel_loop3A_302, %parallel_loop3A_303 : vector<16xf32>
          %parallel_loop3A_319 = arith.maximumf %parallel_loop3A_304, %parallel_loop3A_305 : vector<16xf32>
          %parallel_loop3A_320 = arith.maximumf %parallel_loop3A_306, %parallel_loop3A_307 : vector<16xf32>
          %parallel_loop3A_321 = arith.maximumf %parallel_loop3A_308, %parallel_loop3A_309 : vector<16xf32>
          %parallel_loop3A_322 = arith.maximumf %parallel_loop3A_310, %parallel_loop3A_311 : vector<16xf32>
          %parallel_loop3A_323 = arith.maximumf %parallel_loop3A_312, %parallel_loop3A_313 : vector<16xf32>
          %parallel_loop3A_324 = arith.maximumf %parallel_loop3A_314, %parallel_loop3A_315 : vector<16xf32>
          %parallel_loop3A_325 = arith.maximumf %parallel_loop3A_316, %parallel_loop3A_317 : vector<16xf32>
          %parallel_loop3A_326 = arith.maximumf %parallel_loop3A_318, %parallel_loop3A_319 : vector<16xf32>
          %parallel_loop3A_327 = arith.maximumf %parallel_loop3A_320, %parallel_loop3A_321 : vector<16xf32>
          %parallel_loop3A_328 = arith.maximumf %parallel_loop3A_322, %parallel_loop3A_323 : vector<16xf32>
          %parallel_loop3A_329 = arith.maximumf %parallel_loop3A_324, %parallel_loop3A_325 : vector<16xf32>
          %parallel_loop3A_330 = arith.maximumf %parallel_loop3A_326, %parallel_loop3A_327 : vector<16xf32>
          %parallel_loop3A_331 = arith.maximumf %parallel_loop3A_328, %parallel_loop3A_329 : vector<16xf32>
          %parallel_loop3A_332 = arith.maximumf %parallel_loop3A_330, %parallel_loop3A_331 : vector<16xf32>
          %parallel_loop3A_333 = arith.constant 1 : i32
          %parallel_loop3A_334 = arith.constant 0 : i32
          %parallel_loop3A_335 = arith.index_cast %parallel_loop3A_333 : i32 to index
          %parallel_loop3A_336 = arith.index_cast %parallel_loop3A_334 : i32 to index
          %parallel_loop3A_337 = arith.index_cast %parallel_loop3A_203 : i32 to index
          %parallel_loop3A_338 = tpu.vector_load %arg7[%parallel_loop3A_335, %parallel_loop3A_336, %parallel_loop3A_337] {strides = array<i32>} : memref<2x8x512xf32, #tpu.memory_space<vmem>>, vector<16xf32>,
          tpu.vector_store %arg7[%parallel_loop3A_335, %parallel_loop3A_336, %parallel_loop3A_337], %parallel_loop3A_332 {strides = array<i32>} : memref<2x8x512xf32, #tpu.memory_space<vmem>>, vector<16xf32>,
          %parallel_loop3A_339 = arith.constant 1 : i32
          %parallel_loop3A_340 = vector.broadcast %parallel_loop3A_339 : i32 to vector<16xi32>
          %parallel_loop3A_341 = tpu.vector_load_idx %arg5[%parallel_loop3A_340, %parallel_loop3A_209] : memref<8x10000xf32, #tpu.memory_space<vmem>>[vector<16xi32>, vector<16xi32>], vector<16xf32>,
          %parallel_loop3A_342 = tpu.vector_load_idx %arg5[%parallel_loop3A_340, %parallel_loop3A_215] : memref<8x10000xf32, #tpu.memory_space<vmem>>[vector<16xi32>, vector<16xi32>], vector<16xf32>,
          %parallel_loop3A_343 = tpu.vector_load_idx %arg5[%parallel_loop3A_340, %parallel_loop3A_221] : memref<8x10000xf32, #tpu.memory_space<vmem>>[vector<16xi32>, vector<16xi32>], vector<16xf32>,
          %parallel_loop3A_344 = tpu.vector_load_idx %arg5[%parallel_loop3A_340, %parallel_loop3A_227] : memref<8x10000xf32, #tpu.memory_space<vmem>>[vector<16xi32>, vector<16xi32>], vector<16xf32>,
          %parallel_loop3A_345 = tpu.vector_load_idx %arg5[%parallel_loop3A_340, %parallel_loop3A_233] : memref<8x10000xf32, #tpu.memory_space<vmem>>[vector<16xi32>, vector<16xi32>], vector<16xf32>,
          %parallel_loop3A_346 = tpu.vector_load_idx %arg5[%parallel_loop3A_340, %parallel_loop3A_239] : memref<8x10000xf32, #tpu.memory_space<vmem>>[vector<16xi32>, vector<16xi32>], vector<16xf32>,
          %parallel_loop3A_347 = tpu.vector_load_idx %arg5[%parallel_loop3A_340, %parallel_loop3A_245] : memref<8x10000xf32, #tpu.memory_space<vmem>>[vector<16xi32>, vector<16xi32>], vector<16xf32>,
          %parallel_loop3A_348 = tpu.vector_load_idx %arg5[%parallel_loop3A_340, %parallel_loop3A_251] : memref<8x10000xf32, #tpu.memory_space<vmem>>[vector<16xi32>, vector<16xi32>], vector<16xf32>,
          %parallel_loop3A_349 = tpu.vector_load_idx %arg5[%parallel_loop3A_340, %parallel_loop3A_257] : memref<8x10000xf32, #tpu.memory_space<vmem>>[vector<16xi32>, vector<16xi32>], vector<16xf32>,
          %parallel_loop3A_350 = tpu.vector_load_idx %arg5[%parallel_loop3A_340, %parallel_loop3A_263] : memref<8x10000xf32, #tpu.memory_space<vmem>>[vector<16xi32>, vector<16xi32>], vector<16xf32>,
          %parallel_loop3A_351 = tpu.vector_load_idx %arg5[%parallel_loop3A_340, %parallel_loop3A_269] : memref<8x10000xf32, #tpu.memory_space<vmem>>[vector<16xi32>, vector<16xi32>], vector<16xf32>,
          %parallel_loop3A_352 = tpu.vector_load_idx %arg5[%parallel_loop3A_340, %parallel_loop3A_275] : memref<8x10000xf32, #tpu.memory_space<vmem>>[vector<16xi32>, vector<16xi32>], vector<16xf32>,
          %parallel_loop3A_353 = tpu.vector_load_idx %arg5[%parallel_loop3A_340, %parallel_loop3A_281] : memref<8x10000xf32, #tpu.memory_space<vmem>>[vector<16xi32>, vector<16xi32>], vector<16xf32>,
          %parallel_loop3A_354 = tpu.vector_load_idx %arg5[%parallel_loop3A_340, %parallel_loop3A_287] : memref<8x10000xf32, #tpu.memory_space<vmem>>[vector<16xi32>, vector<16xi32>], vector<16xf32>,
          %parallel_loop3A_355 = tpu.vector_load_idx %arg5[%parallel_loop3A_340, %parallel_loop3A_293] : memref<8x10000xf32, #tpu.memory_space<vmem>>[vector<16xi32>, vector<16xi32>], vector<16xf32>,
          %parallel_loop3A_356 = tpu.vector_load_idx %arg5[%parallel_loop3A_340, %parallel_loop3A_299] : memref<8x10000xf32, #tpu.memory_space<vmem>>[vector<16xi32>, vector<16xi32>], vector<16xf32>,
          %parallel_loop3A_357 = arith.maximumf %parallel_loop3A_341, %parallel_loop3A_342 : vector<16xf32>
          %parallel_loop3A_358 = arith.maximumf %parallel_loop3A_343, %parallel_loop3A_344 : vector<16xf32>
          %parallel_loop3A_359 = arith.maximumf %parallel_loop3A_345, %parallel_loop3A_346 : vector<16xf32>
          %parallel_loop3A_360 = arith.maximumf %parallel_loop3A_347, %parallel_loop3A_348 : vector<16xf32>
          %parallel_loop3A_361 = arith.maximumf %parallel_loop3A_349, %parallel_loop3A_350 : vector<16xf32>
          %parallel_loop3A_362 = arith.maximumf %parallel_loop3A_351, %parallel_loop3A_352 : vector<16xf32>
          %parallel_loop3A_363 = arith.maximumf %parallel_loop3A_353, %parallel_loop3A_354 : vector<16xf32>
          %parallel_loop3A_364 = arith.maximumf %parallel_loop3A_355, %parallel_loop3A_356 : vector<16xf32>
          %parallel_loop3A_365 = arith.maximumf %parallel_loop3A_357, %parallel_loop3A_358 : vector<16xf32>
          %parallel_loop3A_366 = arith.maximumf %parallel_loop3A_359, %parallel_loop3A_360 : vector<16xf32>
          %parallel_loop3A_367 = arith.maximumf %parallel_loop3A_361, %parallel_loop3A_362 : vector<16xf32>
          %parallel_loop3A_368 = arith.maximumf %parallel_loop3A_363, %parallel_loop3A_364 : vector<16xf32>
          %parallel_loop3A_369 = arith.maximumf %parallel_loop3A_365, %parallel_loop3A_366 : vector<16xf32>
          %parallel_loop3A_370 = arith.maximumf %parallel_loop3A_367, %parallel_loop3A_368 : vector<16xf32>
          %parallel_loop3A_371 = arith.maximumf %parallel_loop3A_369, %parallel_loop3A_370 : vector<16xf32>
          %parallel_loop3A_372 = arith.constant 1 : i32
          %parallel_loop3A_373 = arith.constant 1 : i32
          %parallel_loop3A_374 = arith.index_cast %parallel_loop3A_372 : i32 to index
          %parallel_loop3A_375 = arith.index_cast %parallel_loop3A_373 : i32 to index
          %parallel_loop3A_376 = arith.index_cast %parallel_loop3A_203 : i32 to index
          %parallel_loop3A_377 = tpu.vector_load %arg7[%parallel_loop3A_374, %parallel_loop3A_375, %parallel_loop3A_376] {strides = array<i32>} : memref<2x8x512xf32, #tpu.memory_space<vmem>>, vector<16xf32>,
          tpu.vector_store %arg7[%parallel_loop3A_374, %parallel_loop3A_375, %parallel_loop3A_376], %parallel_loop3A_371 {strides = array<i32>} : memref<2x8x512xf32, #tpu.memory_space<vmem>>, vector<16xf32>,
          %parallel_loop3A_378 = arith.constant 2 : i32
          %parallel_loop3A_379 = vector.broadcast %parallel_loop3A_378 : i32 to vector<16xi32>
          %parallel_loop3A_380 = tpu.vector_load_idx %arg5[%parallel_loop3A_379, %parallel_loop3A_209] : memref<8x10000xf32, #tpu.memory_space<vmem>>[vector<16xi32>, vector<16xi32>], vector<16xf32>,
          %parallel_loop3A_381 = tpu.vector_load_idx %arg5[%parallel_loop3A_379, %parallel_loop3A_215] : memref<8x10000xf32, #tpu.memory_space<vmem>>[vector<16xi32>, vector<16xi32>], vector<16xf32>,
          %parallel_loop3A_382 = tpu.vector_load_idx %arg5[%parallel_loop3A_379, %parallel_loop3A_221] : memref<8x10000xf32, #tpu.memory_space<vmem>>[vector<16xi32>, vector<16xi32>], vector<16xf32>,
          %parallel_loop3A_383 = tpu.vector_load_idx %arg5[%parallel_loop3A_379, %parallel_loop3A_227] : memref<8x10000xf32, #tpu.memory_space<vmem>>[vector<16xi32>, vector<16xi32>], vector<16xf32>,
          %parallel_loop3A_384 = tpu.vector_load_idx %arg5[%parallel_loop3A_379, %parallel_loop3A_233] : memref<8x10000xf32, #tpu.memory_space<vmem>>[vector<16xi32>, vector<16xi32>], vector<16xf32>,
          %parallel_loop3A_385 = tpu.vector_load_idx %arg5[%parallel_loop3A_379, %parallel_loop3A_239] : memref<8x10000xf32, #tpu.memory_space<vmem>>[vector<16xi32>, vector<16xi32>], vector<16xf32>,
          %parallel_loop3A_386 = tpu.vector_load_idx %arg5[%parallel_loop3A_379, %parallel_loop3A_245] : memref<8x10000xf32, #tpu.memory_space<vmem>>[vector<16xi32>, vector<16xi32>], vector<16xf32>,
          %parallel_loop3A_387 = tpu.vector_load_idx %arg5[%parallel_loop3A_379, %parallel_loop3A_251] : memref<8x10000xf32, #tpu.memory_space<vmem>>[vector<16xi32>, vector<16xi32>], vector<16xf32>,
          %parallel_loop3A_388 = tpu.vector_load_idx %arg5[%parallel_loop3A_379, %parallel_loop3A_257] : memref<8x10000xf32, #tpu.memory_space<vmem>>[vector<16xi32>, vector<16xi32>], vector<16xf32>,
          %parallel_loop3A_389 = tpu.vector_load_idx %arg5[%parallel_loop3A_379, %parallel_loop3A_263] : memref<8x10000xf32, #tpu.memory_space<vmem>>[vector<16xi32>, vector<16xi32>], vector<16xf32>,
          %parallel_loop3A_390 = tpu.vector_load_idx %arg5[%parallel_loop3A_379, %parallel_loop3A_269] : memref<8x10000xf32, #tpu.memory_space<vmem>>[vector<16xi32>, vector<16xi32>], vector<16xf32>,
          %parallel_loop3A_391 = tpu.vector_load_idx %arg5[%parallel_loop3A_379, %parallel_loop3A_275] : memref<8x10000xf32, #tpu.memory_space<vmem>>[vector<16xi32>, vector<16xi32>], vector<16xf32>,
          %parallel_loop3A_392 = tpu.vector_load_idx %arg5[%parallel_loop3A_379, %parallel_loop3A_281] : memref<8x10000xf32, #tpu.memory_space<vmem>>[vector<16xi32>, vector<16xi32>], vector<16xf32>,
          %parallel_loop3A_393 = tpu.vector_load_idx %arg5[%parallel_loop3A_379, %parallel_loop3A_287] : memref<8x10000xf32, #tpu.memory_space<vmem>>[vector<16xi32>, vector<16xi32>], vector<16xf32>,
          %parallel_loop3A_394 = tpu.vector_load_idx %arg5[%parallel_loop3A_379, %parallel_loop3A_293] : memref<8x10000xf32, #tpu.memory_space<vmem>>[vector<16xi32>, vector<16xi32>], vector<16xf32>,
          %parallel_loop3A_395 = tpu.vector_load_idx %arg5[%parallel_loop3A_379, %parallel_loop3A_299] : memref<8x10000xf32, #tpu.memory_space<vmem>>[vector<16xi32>, vector<16xi32>], vector<16xf32>,
          %parallel_loop3A_396 = arith.maximumf %parallel_loop3A_380, %parallel_loop3A_381 : vector<16xf32>
          %parallel_loop3A_397 = arith.maximumf %parallel_loop3A_382, %parallel_loop3A_383 : vector<16xf32>
          %parallel_loop3A_398 = arith.maximumf %parallel_loop3A_384, %parallel_loop3A_385 : vector<16xf32>
          %parallel_loop3A_399 = arith.maximumf %parallel_loop3A_386, %parallel_loop3A_387 : vector<16xf32>
          %parallel_loop3A_400 = arith.maximumf %parallel_loop3A_388, %parallel_loop3A_389 : vector<16xf32>
          %parallel_loop3A_401 = arith.maximumf %parallel_loop3A_390, %parallel_loop3A_391 : vector<16xf32>
          %parallel_loop3A_402 = arith.maximumf %parallel_loop3A_392, %parallel_loop3A_393 : vector<16xf32>
          %parallel_loop3A_403 = arith.maximumf %parallel_loop3A_394, %parallel_loop3A_395 : vector<16xf32>
          %parallel_loop3A_404 = arith.maximumf %parallel_loop3A_396, %parallel_loop3A_397 : vector<16xf32>
          %parallel_loop3A_405 = arith.maximumf %parallel_loop3A_398, %parallel_loop3A_399 : vector<16xf32>
          %parallel_loop3A_406 = arith.maximumf %parallel_loop3A_400, %parallel_loop3A_401 : vector<16xf32>
          %parallel_loop3A_407 = arith.maximumf %parallel_loop3A_402, %parallel_loop3A_403 : vector<16xf32>
          %parallel_loop3A_408 = arith.maximumf %parallel_loop3A_404, %parallel_loop3A_405 : vector<16xf32>
          %parallel_loop3A_409 = arith.maximumf %parallel_loop3A_406, %parallel_loop3A_407 : vector<16xf32>
          %parallel_loop3A_410 = arith.maximumf %parallel_loop3A_408, %parallel_loop3A_409 : vector<16xf32>
          %parallel_loop3A_411 = arith.constant 1 : i32
          %parallel_loop3A_412 = arith.constant 2 : i32
          %parallel_loop3A_413 = arith.index_cast %parallel_loop3A_411 : i32 to index
          %parallel_loop3A_414 = arith.index_cast %parallel_loop3A_412 : i32 to index
          %parallel_loop3A_415 = arith.index_cast %parallel_loop3A_203 : i32 to index
          %parallel_loop3A_416 = tpu.vector_load %arg7[%parallel_loop3A_413, %parallel_loop3A_414, %parallel_loop3A_415] {strides = array<i32>} : memref<2x8x512xf32, #tpu.memory_space<vmem>>, vector<16xf32>,
          tpu.vector_store %arg7[%parallel_loop3A_413, %parallel_loop3A_414, %parallel_loop3A_415], %parallel_loop3A_410 {strides = array<i32>} : memref<2x8x512xf32, #tpu.memory_space<vmem>>, vector<16xf32>,
          %parallel_loop3A_417 = arith.constant 3 : i32
          %parallel_loop3A_418 = vector.broadcast %parallel_loop3A_417 : i32 to vector<16xi32>
          %parallel_loop3A_419 = tpu.vector_load_idx %arg5[%parallel_loop3A_418, %parallel_loop3A_209] : memref<8x10000xf32, #tpu.memory_space<vmem>>[vector<16xi32>, vector<16xi32>], vector<16xf32>,
          %parallel_loop3A_420 = tpu.vector_load_idx %arg5[%parallel_loop3A_418, %parallel_loop3A_215] : memref<8x10000xf32, #tpu.memory_space<vmem>>[vector<16xi32>, vector<16xi32>], vector<16xf32>,
          %parallel_loop3A_421 = tpu.vector_load_idx %arg5[%parallel_loop3A_418, %parallel_loop3A_221] : memref<8x10000xf32, #tpu.memory_space<vmem>>[vector<16xi32>, vector<16xi32>], vector<16xf32>,
          %parallel_loop3A_422 = tpu.vector_load_idx %arg5[%parallel_loop3A_418, %parallel_loop3A_227] : memref<8x10000xf32, #tpu.memory_space<vmem>>[vector<16xi32>, vector<16xi32>], vector<16xf32>,
          %parallel_loop3A_423 = tpu.vector_load_idx %arg5[%parallel_loop3A_418, %parallel_loop3A_233] : memref<8x10000xf32, #tpu.memory_space<vmem>>[vector<16xi32>, vector<16xi32>], vector<16xf32>,
          %parallel_loop3A_424 = tpu.vector_load_idx %arg5[%parallel_loop3A_418, %parallel_loop3A_239] : memref<8x10000xf32, #tpu.memory_space<vmem>>[vector<16xi32>, vector<16xi32>], vector<16xf32>,
          %parallel_loop3A_425 = tpu.vector_load_idx %arg5[%parallel_loop3A_418, %parallel_loop3A_245] : memref<8x10000xf32, #tpu.memory_space<vmem>>[vector<16xi32>, vector<16xi32>], vector<16xf32>,
          %parallel_loop3A_426 = tpu.vector_load_idx %arg5[%parallel_loop3A_418, %parallel_loop3A_251] : memref<8x10000xf32, #tpu.memory_space<vmem>>[vector<16xi32>, vector<16xi32>], vector<16xf32>,
          %parallel_loop3A_427 = tpu.vector_load_idx %arg5[%parallel_loop3A_418, %parallel_loop3A_257] : memref<8x10000xf32, #tpu.memory_space<vmem>>[vector<16xi32>, vector<16xi32>], vector<16xf32>,
          %parallel_loop3A_428 = tpu.vector_load_idx %arg5[%parallel_loop3A_418, %parallel_loop3A_263] : memref<8x10000xf32, #tpu.memory_space<vmem>>[vector<16xi32>, vector<16xi32>], vector<16xf32>,
          %parallel_loop3A_429 = tpu.vector_load_idx %arg5[%parallel_loop3A_418, %parallel_loop3A_269] : memref<8x10000xf32, #tpu.memory_space<vmem>>[vector<16xi32>, vector<16xi32>], vector<16xf32>,
          %parallel_loop3A_430 = tpu.vector_load_idx %arg5[%parallel_loop3A_418, %parallel_loop3A_275] : memref<8x10000xf32, #tpu.memory_space<vmem>>[vector<16xi32>, vector<16xi32>], vector<16xf32>,
          %parallel_loop3A_431 = tpu.vector_load_idx %arg5[%parallel_loop3A_418, %parallel_loop3A_281] : memref<8x10000xf32, #tpu.memory_space<vmem>>[vector<16xi32>, vector<16xi32>], vector<16xf32>,
          %parallel_loop3A_432 = tpu.vector_load_idx %arg5[%parallel_loop3A_418, %parallel_loop3A_287] : memref<8x10000xf32, #tpu.memory_space<vmem>>[vector<16xi32>, vector<16xi32>], vector<16xf32>,
          %parallel_loop3A_433 = tpu.vector_load_idx %arg5[%parallel_loop3A_418, %parallel_loop3A_293] : memref<8x10000xf32, #tpu.memory_space<vmem>>[vector<16xi32>, vector<16xi32>], vector<16xf32>,
          %parallel_loop3A_434 = tpu.vector_load_idx %arg5[%parallel_loop3A_418, %parallel_loop3A_299] : memref<8x10000xf32, #tpu.memory_space<vmem>>[vector<16xi32>, vector<16xi32>], vector<16xf32>,
          %parallel_loop3A_435 = arith.maximumf %parallel_loop3A_419, %parallel_loop3A_420 : vector<16xf32>
          %parallel_loop3A_436 = arith.maximumf %parallel_loop3A_421, %parallel_loop3A_422 : vector<16xf32>
          %parallel_loop3A_437 = arith.maximumf %parallel_loop3A_423, %parallel_loop3A_424 : vector<16xf32>
          %parallel_loop3A_438 = arith.maximumf %parallel_loop3A_425, %parallel_loop3A_426 : vector<16xf32>
          %parallel_loop3A_439 = arith.maximumf %parallel_loop3A_427, %parallel_loop3A_428 : vector<16xf32>
          %parallel_loop3A_440 = arith.maximumf %parallel_loop3A_429, %parallel_loop3A_430 : vector<16xf32>
          %parallel_loop3A_441 = arith.maximumf %parallel_loop3A_431, %parallel_loop3A_432 : vector<16xf32>
          %parallel_loop3A_442 = arith.maximumf %parallel_loop3A_433, %parallel_loop3A_434 : vector<16xf32>
          %parallel_loop3A_443 = arith.maximumf %parallel_loop3A_435, %parallel_loop3A_436 : vector<16xf32>
          %parallel_loop3A_444 = arith.maximumf %parallel_loop3A_437, %parallel_loop3A_438 : vector<16xf32>
          %parallel_loop3A_445 = arith.maximumf %parallel_loop3A_439, %parallel_loop3A_440 : vector<16xf32>
          %parallel_loop3A_446 = arith.maximumf %parallel_loop3A_441, %parallel_loop3A_442 : vector<16xf32>
          %parallel_loop3A_447 = arith.maximumf %parallel_loop3A_443, %parallel_loop3A_444 : vector<16xf32>
          %parallel_loop3A_448 = arith.maximumf %parallel_loop3A_445, %parallel_loop3A_446 : vector<16xf32>
          %parallel_loop3A_449 = arith.maximumf %parallel_loop3A_447, %parallel_loop3A_448 : vector<16xf32>
          %parallel_loop3A_450 = arith.constant 1 : i32
          %parallel_loop3A_451 = arith.constant 3 : i32
          %parallel_loop3A_452 = arith.index_cast %parallel_loop3A_450 : i32 to index
          %parallel_loop3A_453 = arith.index_cast %parallel_loop3A_451 : i32 to index
          %parallel_loop3A_454 = arith.index_cast %parallel_loop3A_203 : i32 to index
          %parallel_loop3A_455 = tpu.vector_load %arg7[%parallel_loop3A_452, %parallel_loop3A_453, %parallel_loop3A_454] {strides = array<i32>} : memref<2x8x512xf32, #tpu.memory_space<vmem>>, vector<16xf32>,
          tpu.vector_store %arg7[%parallel_loop3A_452, %parallel_loop3A_453, %parallel_loop3A_454], %parallel_loop3A_449 {strides = array<i32>} : memref<2x8x512xf32, #tpu.memory_space<vmem>>, vector<16xf32>,
          %parallel_loop3A_456 = arith.constant 4 : i32
          %parallel_loop3A_457 = vector.broadcast %parallel_loop3A_456 : i32 to vector<16xi32>
          %parallel_loop3A_458 = tpu.vector_load_idx %arg5[%parallel_loop3A_457, %parallel_loop3A_209] : memref<8x10000xf32, #tpu.memory_space<vmem>>[vector<16xi32>, vector<16xi32>], vector<16xf32>,
          %parallel_loop3A_459 = tpu.vector_load_idx %arg5[%parallel_loop3A_457, %parallel_loop3A_215] : memref<8x10000xf32, #tpu.memory_space<vmem>>[vector<16xi32>, vector<16xi32>], vector<16xf32>,
          %parallel_loop3A_460 = tpu.vector_load_idx %arg5[%parallel_loop3A_457, %parallel_loop3A_221] : memref<8x10000xf32, #tpu.memory_space<vmem>>[vector<16xi32>, vector<16xi32>], vector<16xf32>,
          %parallel_loop3A_461 = tpu.vector_load_idx %arg5[%parallel_loop3A_457, %parallel_loop3A_227] : memref<8x10000xf32, #tpu.memory_space<vmem>>[vector<16xi32>, vector<16xi32>], vector<16xf32>,
          %parallel_loop3A_462 = tpu.vector_load_idx %arg5[%parallel_loop3A_457, %parallel_loop3A_233] : memref<8x10000xf32, #tpu.memory_space<vmem>>[vector<16xi32>, vector<16xi32>], vector<16xf32>,
          %parallel_loop3A_463 = tpu.vector_load_idx %arg5[%parallel_loop3A_457, %parallel_loop3A_239] : memref<8x10000xf32, #tpu.memory_space<vmem>>[vector<16xi32>, vector<16xi32>], vector<16xf32>,
          %parallel_loop3A_464 = tpu.vector_load_idx %arg5[%parallel_loop3A_457, %parallel_loop3A_245] : memref<8x10000xf32, #tpu.memory_space<vmem>>[vector<16xi32>, vector<16xi32>], vector<16xf32>,
          %parallel_loop3A_465 = tpu.vector_load_idx %arg5[%parallel_loop3A_457, %parallel_loop3A_251] : memref<8x10000xf32, #tpu.memory_space<vmem>>[vector<16xi32>, vector<16xi32>], vector<16xf32>,
          %parallel_loop3A_466 = tpu.vector_load_idx %arg5[%parallel_loop3A_457, %parallel_loop3A_257] : memref<8x10000xf32, #tpu.memory_space<vmem>>[vector<16xi32>, vector<16xi32>], vector<16xf32>,
          %parallel_loop3A_467 = tpu.vector_load_idx %arg5[%parallel_loop3A_457, %parallel_loop3A_263] : memref<8x10000xf32, #tpu.memory_space<vmem>>[vector<16xi32>, vector<16xi32>], vector<16xf32>,
          %parallel_loop3A_468 = tpu.vector_load_idx %arg5[%parallel_loop3A_457, %parallel_loop3A_269] : memref<8x10000xf32, #tpu.memory_space<vmem>>[vector<16xi32>, vector<16xi32>], vector<16xf32>,
          %parallel_loop3A_469 = tpu.vector_load_idx %arg5[%parallel_loop3A_457, %parallel_loop3A_275] : memref<8x10000xf32, #tpu.memory_space<vmem>>[vector<16xi32>, vector<16xi32>], vector<16xf32>,
          %parallel_loop3A_470 = tpu.vector_load_idx %arg5[%parallel_loop3A_457, %parallel_loop3A_281] : memref<8x10000xf32, #tpu.memory_space<vmem>>[vector<16xi32>, vector<16xi32>], vector<16xf32>,
          %parallel_loop3A_471 = tpu.vector_load_idx %arg5[%parallel_loop3A_457, %parallel_loop3A_287] : memref<8x10000xf32, #tpu.memory_space<vmem>>[vector<16xi32>, vector<16xi32>], vector<16xf32>,
          %parallel_loop3A_472 = tpu.vector_load_idx %arg5[%parallel_loop3A_457, %parallel_loop3A_293] : memref<8x10000xf32, #tpu.memory_space<vmem>>[vector<16xi32>, vector<16xi32>], vector<16xf32>,
          %parallel_loop3A_473 = tpu.vector_load_idx %arg5[%parallel_loop3A_457, %parallel_loop3A_299] : memref<8x10000xf32, #tpu.memory_space<vmem>>[vector<16xi32>, vector<16xi32>], vector<16xf32>,
          %parallel_loop3A_474 = arith.maximumf %parallel_loop3A_458, %parallel_loop3A_459 : vector<16xf32>
          %parallel_loop3A_475 = arith.maximumf %parallel_loop3A_460, %parallel_loop3A_461 : vector<16xf32>
          %parallel_loop3A_476 = arith.maximumf %parallel_loop3A_462, %parallel_loop3A_463 : vector<16xf32>
          %parallel_loop3A_477 = arith.maximumf %parallel_loop3A_464, %parallel_loop3A_465 : vector<16xf32>
          %parallel_loop3A_478 = arith.maximumf %parallel_loop3A_466, %parallel_loop3A_467 : vector<16xf32>
          %parallel_loop3A_479 = arith.maximumf %parallel_loop3A_468, %parallel_loop3A_469 : vector<16xf32>
          %parallel_loop3A_480 = arith.maximumf %parallel_loop3A_470, %parallel_loop3A_471 : vector<16xf32>
          %parallel_loop3A_481 = arith.maximumf %parallel_loop3A_472, %parallel_loop3A_473 : vector<16xf32>
          %parallel_loop3A_482 = arith.maximumf %parallel_loop3A_474, %parallel_loop3A_475 : vector<16xf32>
          %parallel_loop3A_483 = arith.maximumf %parallel_loop3A_476, %parallel_loop3A_477 : vector<16xf32>
          %parallel_loop3A_484 = arith.maximumf %parallel_loop3A_478, %parallel_loop3A_479 : vector<16xf32>
          %parallel_loop3A_485 = arith.maximumf %parallel_loop3A_480, %parallel_loop3A_481 : vector<16xf32>
          %parallel_loop3A_486 = arith.maximumf %parallel_loop3A_482, %parallel_loop3A_483 : vector<16xf32>
          %parallel_loop3A_487 = arith.maximumf %parallel_loop3A_484, %parallel_loop3A_485 : vector<16xf32>
          %parallel_loop3A_488 = arith.maximumf %parallel_loop3A_486, %parallel_loop3A_487 : vector<16xf32>
          %parallel_loop3A_489 = arith.constant 1 : i32
          %parallel_loop3A_490 = arith.constant 4 : i32
          %parallel_loop3A_491 = arith.index_cast %parallel_loop3A_489 : i32 to index
          %parallel_loop3A_492 = arith.index_cast %parallel_loop3A_490 : i32 to index
          %parallel_loop3A_493 = arith.index_cast %parallel_loop3A_203 : i32 to index
          %parallel_loop3A_494 = tpu.vector_load %arg7[%parallel_loop3A_491, %parallel_loop3A_492, %parallel_loop3A_493] {strides = array<i32>} : memref<2x8x512xf32, #tpu.memory_space<vmem>>, vector<16xf32>,
          tpu.vector_store %arg7[%parallel_loop3A_491, %parallel_loop3A_492, %parallel_loop3A_493], %parallel_loop3A_488 {strides = array<i32>} : memref<2x8x512xf32, #tpu.memory_space<vmem>>, vector<16xf32>,
          %parallel_loop3A_495 = arith.constant 5 : i32
          %parallel_loop3A_496 = vector.broadcast %parallel_loop3A_495 : i32 to vector<16xi32>
          %parallel_loop3A_497 = tpu.vector_load_idx %arg5[%parallel_loop3A_496, %parallel_loop3A_209] : memref<8x10000xf32, #tpu.memory_space<vmem>>[vector<16xi32>, vector<16xi32>], vector<16xf32>,
          %parallel_loop3A_498 = tpu.vector_load_idx %arg5[%parallel_loop3A_496, %parallel_loop3A_215] : memref<8x10000xf32, #tpu.memory_space<vmem>>[vector<16xi32>, vector<16xi32>], vector<16xf32>,
          %parallel_loop3A_499 = tpu.vector_load_idx %arg5[%parallel_loop3A_496, %parallel_loop3A_221] : memref<8x10000xf32, #tpu.memory_space<vmem>>[vector<16xi32>, vector<16xi32>], vector<16xf32>,
          %parallel_loop3A_500 = tpu.vector_load_idx %arg5[%parallel_loop3A_496, %parallel_loop3A_227] : memref<8x10000xf32, #tpu.memory_space<vmem>>[vector<16xi32>, vector<16xi32>], vector<16xf32>,
          %parallel_loop3A_501 = tpu.vector_load_idx %arg5[%parallel_loop3A_496, %parallel_loop3A_233] : memref<8x10000xf32, #tpu.memory_space<vmem>>[vector<16xi32>, vector<16xi32>], vector<16xf32>,
          %parallel_loop3A_502 = tpu.vector_load_idx %arg5[%parallel_loop3A_496, %parallel_loop3A_239] : memref<8x10000xf32, #tpu.memory_space<vmem>>[vector<16xi32>, vector<16xi32>], vector<16xf32>,
          %parallel_loop3A_503 = tpu.vector_load_idx %arg5[%parallel_loop3A_496, %parallel_loop3A_245] : memref<8x10000xf32, #tpu.memory_space<vmem>>[vector<16xi32>, vector<16xi32>], vector<16xf32>,
          %parallel_loop3A_504 = tpu.vector_load_idx %arg5[%parallel_loop3A_496, %parallel_loop3A_251] : memref<8x10000xf32, #tpu.memory_space<vmem>>[vector<16xi32>, vector<16xi32>], vector<16xf32>,
          %parallel_loop3A_505 = tpu.vector_load_idx %arg5[%parallel_loop3A_496, %parallel_loop3A_257] : memref<8x10000xf32, #tpu.memory_space<vmem>>[vector<16xi32>, vector<16xi32>], vector<16xf32>,
          %parallel_loop3A_506 = tpu.vector_load_idx %arg5[%parallel_loop3A_496, %parallel_loop3A_263] : memref<8x10000xf32, #tpu.memory_space<vmem>>[vector<16xi32>, vector<16xi32>], vector<16xf32>,
          %parallel_loop3A_507 = tpu.vector_load_idx %arg5[%parallel_loop3A_496, %parallel_loop3A_269] : memref<8x10000xf32, #tpu.memory_space<vmem>>[vector<16xi32>, vector<16xi32>], vector<16xf32>,
          %parallel_loop3A_508 = tpu.vector_load_idx %arg5[%parallel_loop3A_496, %parallel_loop3A_275] : memref<8x10000xf32, #tpu.memory_space<vmem>>[vector<16xi32>, vector<16xi32>], vector<16xf32>,
          %parallel_loop3A_509 = tpu.vector_load_idx %arg5[%parallel_loop3A_496, %parallel_loop3A_281] : memref<8x10000xf32, #tpu.memory_space<vmem>>[vector<16xi32>, vector<16xi32>], vector<16xf32>,
          %parallel_loop3A_510 = tpu.vector_load_idx %arg5[%parallel_loop3A_496, %parallel_loop3A_287] : memref<8x10000xf32, #tpu.memory_space<vmem>>[vector<16xi32>, vector<16xi32>], vector<16xf32>,
          %parallel_loop3A_511 = tpu.vector_load_idx %arg5[%parallel_loop3A_496, %parallel_loop3A_293] : memref<8x10000xf32, #tpu.memory_space<vmem>>[vector<16xi32>, vector<16xi32>], vector<16xf32>,
          %parallel_loop3A_512 = tpu.vector_load_idx %arg5[%parallel_loop3A_496, %parallel_loop3A_299] : memref<8x10000xf32, #tpu.memory_space<vmem>>[vector<16xi32>, vector<16xi32>], vector<16xf32>,
          %parallel_loop3A_513 = arith.maximumf %parallel_loop3A_497, %parallel_loop3A_498 : vector<16xf32>
          %parallel_loop3A_514 = arith.maximumf %parallel_loop3A_499, %parallel_loop3A_500 : vector<16xf32>
          %parallel_loop3A_515 = arith.maximumf %parallel_loop3A_501, %parallel_loop3A_502 : vector<16xf32>
          %parallel_loop3A_516 = arith.maximumf %parallel_loop3A_503, %parallel_loop3A_504 : vector<16xf32>
          %parallel_loop3A_517 = arith.maximumf %parallel_loop3A_505, %parallel_loop3A_506 : vector<16xf32>
          %parallel_loop3A_518 = arith.maximumf %parallel_loop3A_507, %parallel_loop3A_508 : vector<16xf32>
          %parallel_loop3A_519 = arith.maximumf %parallel_loop3A_509, %parallel_loop3A_510 : vector<16xf32>
          %parallel_loop3A_520 = arith.maximumf %parallel_loop3A_511, %parallel_loop3A_512 : vector<16xf32>
          %parallel_loop3A_521 = arith.maximumf %parallel_loop3A_513, %parallel_loop3A_514 : vector<16xf32>
          %parallel_loop3A_522 = arith.maximumf %parallel_loop3A_515, %parallel_loop3A_516 : vector<16xf32>
          %parallel_loop3A_523 = arith.maximumf %parallel_loop3A_517, %parallel_loop3A_518 : vector<16xf32>
          %parallel_loop3A_524 = arith.maximumf %parallel_loop3A_519, %parallel_loop3A_520 : vector<16xf32>
          %parallel_loop3A_525 = arith.maximumf %parallel_loop3A_521, %parallel_loop3A_522 : vector<16xf32>
          %parallel_loop3A_526 = arith.maximumf %parallel_loop3A_523, %parallel_loop3A_524 : vector<16xf32>
          %parallel_loop3A_527 = arith.maximumf %parallel_loop3A_525, %parallel_loop3A_526 : vector<16xf32>
          %parallel_loop3A_528 = arith.constant 1 : i32
          %parallel_loop3A_529 = arith.constant 5 : i32
          %parallel_loop3A_530 = arith.index_cast %parallel_loop3A_528 : i32 to index
          %parallel_loop3A_531 = arith.index_cast %parallel_loop3A_529 : i32 to index
          %parallel_loop3A_532 = arith.index_cast %parallel_loop3A_203 : i32 to index
          %parallel_loop3A_533 = tpu.vector_load %arg7[%parallel_loop3A_530, %parallel_loop3A_531, %parallel_loop3A_532] {strides = array<i32>} : memref<2x8x512xf32, #tpu.memory_space<vmem>>, vector<16xf32>,
          tpu.vector_store %arg7[%parallel_loop3A_530, %parallel_loop3A_531, %parallel_loop3A_532], %parallel_loop3A_527 {strides = array<i32>} : memref<2x8x512xf32, #tpu.memory_space<vmem>>, vector<16xf32>,
          %parallel_loop3A_534 = arith.constant 6 : i32
          %parallel_loop3A_535 = vector.broadcast %parallel_loop3A_534 : i32 to vector<16xi32>
          %parallel_loop3A_536 = tpu.vector_load_idx %arg5[%parallel_loop3A_535, %parallel_loop3A_209] : memref<8x10000xf32, #tpu.memory_space<vmem>>[vector<16xi32>, vector<16xi32>], vector<16xf32>,
          %parallel_loop3A_537 = tpu.vector_load_idx %arg5[%parallel_loop3A_535, %parallel_loop3A_215] : memref<8x10000xf32, #tpu.memory_space<vmem>>[vector<16xi32>, vector<16xi32>], vector<16xf32>,
          %parallel_loop3A_538 = tpu.vector_load_idx %arg5[%parallel_loop3A_535, %parallel_loop3A_221] : memref<8x10000xf32, #tpu.memory_space<vmem>>[vector<16xi32>, vector<16xi32>], vector<16xf32>,
          %parallel_loop3A_539 = tpu.vector_load_idx %arg5[%parallel_loop3A_535, %parallel_loop3A_227] : memref<8x10000xf32, #tpu.memory_space<vmem>>[vector<16xi32>, vector<16xi32>], vector<16xf32>,
          %parallel_loop3A_540 = tpu.vector_load_idx %arg5[%parallel_loop3A_535, %parallel_loop3A_233] : memref<8x10000xf32, #tpu.memory_space<vmem>>[vector<16xi32>, vector<16xi32>], vector<16xf32>,
          %parallel_loop3A_541 = tpu.vector_load_idx %arg5[%parallel_loop3A_535, %parallel_loop3A_239] : memref<8x10000xf32, #tpu.memory_space<vmem>>[vector<16xi32>, vector<16xi32>], vector<16xf32>,
          %parallel_loop3A_542 = tpu.vector_load_idx %arg5[%parallel_loop3A_535, %parallel_loop3A_245] : memref<8x10000xf32, #tpu.memory_space<vmem>>[vector<16xi32>, vector<16xi32>], vector<16xf32>,
          %parallel_loop3A_543 = tpu.vector_load_idx %arg5[%parallel_loop3A_535, %parallel_loop3A_251] : memref<8x10000xf32, #tpu.memory_space<vmem>>[vector<16xi32>, vector<16xi32>], vector<16xf32>,
          %parallel_loop3A_544 = tpu.vector_load_idx %arg5[%parallel_loop3A_535, %parallel_loop3A_257] : memref<8x10000xf32, #tpu.memory_space<vmem>>[vector<16xi32>, vector<16xi32>], vector<16xf32>,
          %parallel_loop3A_545 = tpu.vector_load_idx %arg5[%parallel_loop3A_535, %parallel_loop3A_263] : memref<8x10000xf32, #tpu.memory_space<vmem>>[vector<16xi32>, vector<16xi32>], vector<16xf32>,
          %parallel_loop3A_546 = tpu.vector_load_idx %arg5[%parallel_loop3A_535, %parallel_loop3A_269] : memref<8x10000xf32, #tpu.memory_space<vmem>>[vector<16xi32>, vector<16xi32>], vector<16xf32>,
          %parallel_loop3A_547 = tpu.vector_load_idx %arg5[%parallel_loop3A_535, %parallel_loop3A_275] : memref<8x10000xf32, #tpu.memory_space<vmem>>[vector<16xi32>, vector<16xi32>], vector<16xf32>,
          %parallel_loop3A_548 = tpu.vector_load_idx %arg5[%parallel_loop3A_535, %parallel_loop3A_281] : memref<8x10000xf32, #tpu.memory_space<vmem>>[vector<16xi32>, vector<16xi32>], vector<16xf32>,
          %parallel_loop3A_549 = tpu.vector_load_idx %arg5[%parallel_loop3A_535, %parallel_loop3A_287] : memref<8x10000xf32, #tpu.memory_space<vmem>>[vector<16xi32>, vector<16xi32>], vector<16xf32>,
          %parallel_loop3A_550 = tpu.vector_load_idx %arg5[%parallel_loop3A_535, %parallel_loop3A_293] : memref<8x10000xf32, #tpu.memory_space<vmem>>[vector<16xi32>, vector<16xi32>], vector<16xf32>,
          %parallel_loop3A_551 = tpu.vector_load_idx %arg5[%parallel_loop3A_535, %parallel_loop3A_299] : memref<8x10000xf32, #tpu.memory_space<vmem>>[vector<16xi32>, vector<16xi32>], vector<16xf32>,
          %parallel_loop3A_552 = arith.maximumf %parallel_loop3A_536, %parallel_loop3A_537 : vector<16xf32>
          %parallel_loop3A_553 = arith.maximumf %parallel_loop3A_538, %parallel_loop3A_539 : vector<16xf32>
          %parallel_loop3A_554 = arith.maximumf %parallel_loop3A_540, %parallel_loop3A_541 : vector<16xf32>
          %parallel_loop3A_555 = arith.maximumf %parallel_loop3A_542, %parallel_loop3A_543 : vector<16xf32>
          %parallel_loop3A_556 = arith.maximumf %parallel_loop3A_544, %parallel_loop3A_545 : vector<16xf32>
          %parallel_loop3A_557 = arith.maximumf %parallel_loop3A_546, %parallel_loop3A_547 : vector<16xf32>
          %parallel_loop3A_558 = arith.maximumf %parallel_loop3A_548, %parallel_loop3A_549 : vector<16xf32>
          %parallel_loop3A_559 = arith.maximumf %parallel_loop3A_550, %parallel_loop3A_551 : vector<16xf32>
          %parallel_loop3A_560 = arith.maximumf %parallel_loop3A_552, %parallel_loop3A_553 : vector<16xf32>
          %parallel_loop3A_561 = arith.maximumf %parallel_loop3A_554, %parallel_loop3A_555 : vector<16xf32>
          %parallel_loop3A_562 = arith.maximumf %parallel_loop3A_556, %parallel_loop3A_557 : vector<16xf32>
          %parallel_loop3A_563 = arith.maximumf %parallel_loop3A_558, %parallel_loop3A_559 : vector<16xf32>
          %parallel_loop3A_564 = arith.maximumf %parallel_loop3A_560, %parallel_loop3A_561 : vector<16xf32>
          %parallel_loop3A_565 = arith.maximumf %parallel_loop3A_562, %parallel_loop3A_563 : vector<16xf32>
          %parallel_loop3A_566 = arith.maximumf %parallel_loop3A_564, %parallel_loop3A_565 : vector<16xf32>
          %parallel_loop3A_567 = arith.constant 1 : i32
          %parallel_loop3A_568 = arith.constant 6 : i32
          %parallel_loop3A_569 = arith.index_cast %parallel_loop3A_567 : i32 to index
          %parallel_loop3A_570 = arith.index_cast %parallel_loop3A_568 : i32 to index
          %parallel_loop3A_571 = arith.index_cast %parallel_loop3A_203 : i32 to index
          %parallel_loop3A_572 = tpu.vector_load %arg7[%parallel_loop3A_569, %parallel_loop3A_570, %parallel_loop3A_571] {strides = array<i32>} : memref<2x8x512xf32, #tpu.memory_space<vmem>>, vector<16xf32>,
          tpu.vector_store %arg7[%parallel_loop3A_569, %parallel_loop3A_570, %parallel_loop3A_571], %parallel_loop3A_566 {strides = array<i32>} : memref<2x8x512xf32, #tpu.memory_space<vmem>>, vector<16xf32>,
          %parallel_loop3A_573 = arith.constant 7 : i32
          %parallel_loop3A_574 = vector.broadcast %parallel_loop3A_573 : i32 to vector<16xi32>
          %parallel_loop3A_575 = tpu.vector_load_idx %arg5[%parallel_loop3A_574, %parallel_loop3A_209] : memref<8x10000xf32, #tpu.memory_space<vmem>>[vector<16xi32>, vector<16xi32>], vector<16xf32>,
          %parallel_loop3A_576 = tpu.vector_load_idx %arg5[%parallel_loop3A_574, %parallel_loop3A_215] : memref<8x10000xf32, #tpu.memory_space<vmem>>[vector<16xi32>, vector<16xi32>], vector<16xf32>,
          %parallel_loop3A_577 = tpu.vector_load_idx %arg5[%parallel_loop3A_574, %parallel_loop3A_221] : memref<8x10000xf32, #tpu.memory_space<vmem>>[vector<16xi32>, vector<16xi32>], vector<16xf32>,
          %parallel_loop3A_578 = tpu.vector_load_idx %arg5[%parallel_loop3A_574, %parallel_loop3A_227] : memref<8x10000xf32, #tpu.memory_space<vmem>>[vector<16xi32>, vector<16xi32>], vector<16xf32>,
          %parallel_loop3A_579 = tpu.vector_load_idx %arg5[%parallel_loop3A_574, %parallel_loop3A_233] : memref<8x10000xf32, #tpu.memory_space<vmem>>[vector<16xi32>, vector<16xi32>], vector<16xf32>,
          %parallel_loop3A_580 = tpu.vector_load_idx %arg5[%parallel_loop3A_574, %parallel_loop3A_239] : memref<8x10000xf32, #tpu.memory_space<vmem>>[vector<16xi32>, vector<16xi32>], vector<16xf32>,
          %parallel_loop3A_581 = tpu.vector_load_idx %arg5[%parallel_loop3A_574, %parallel_loop3A_245] : memref<8x10000xf32, #tpu.memory_space<vmem>>[vector<16xi32>, vector<16xi32>], vector<16xf32>,
          %parallel_loop3A_582 = tpu.vector_load_idx %arg5[%parallel_loop3A_574, %parallel_loop3A_251] : memref<8x10000xf32, #tpu.memory_space<vmem>>[vector<16xi32>, vector<16xi32>], vector<16xf32>,
          %parallel_loop3A_583 = tpu.vector_load_idx %arg5[%parallel_loop3A_574, %parallel_loop3A_257] : memref<8x10000xf32, #tpu.memory_space<vmem>>[vector<16xi32>, vector<16xi32>], vector<16xf32>,
          %parallel_loop3A_584 = tpu.vector_load_idx %arg5[%parallel_loop3A_574, %parallel_loop3A_263] : memref<8x10000xf32, #tpu.memory_space<vmem>>[vector<16xi32>, vector<16xi32>], vector<16xf32>,
          %parallel_loop3A_585 = tpu.vector_load_idx %arg5[%parallel_loop3A_574, %parallel_loop3A_269] : memref<8x10000xf32, #tpu.memory_space<vmem>>[vector<16xi32>, vector<16xi32>], vector<16xf32>,
          %parallel_loop3A_586 = tpu.vector_load_idx %arg5[%parallel_loop3A_574, %parallel_loop3A_275] : memref<8x10000xf32, #tpu.memory_space<vmem>>[vector<16xi32>, vector<16xi32>], vector<16xf32>,
          %parallel_loop3A_587 = tpu.vector_load_idx %arg5[%parallel_loop3A_574, %parallel_loop3A_281] : memref<8x10000xf32, #tpu.memory_space<vmem>>[vector<16xi32>, vector<16xi32>], vector<16xf32>,
          %parallel_loop3A_588 = tpu.vector_load_idx %arg5[%parallel_loop3A_574, %parallel_loop3A_287] : memref<8x10000xf32, #tpu.memory_space<vmem>>[vector<16xi32>, vector<16xi32>], vector<16xf32>,
          %parallel_loop3A_589 = tpu.vector_load_idx %arg5[%parallel_loop3A_574, %parallel_loop3A_293] : memref<8x10000xf32, #tpu.memory_space<vmem>>[vector<16xi32>, vector<16xi32>], vector<16xf32>,
          %parallel_loop3A_590 = tpu.vector_load_idx %arg5[%parallel_loop3A_574, %parallel_loop3A_299] : memref<8x10000xf32, #tpu.memory_space<vmem>>[vector<16xi32>, vector<16xi32>], vector<16xf32>,
          %parallel_loop3A_591 = arith.maximumf %parallel_loop3A_575, %parallel_loop3A_576 : vector<16xf32>
          %parallel_loop3A_592 = arith.maximumf %parallel_loop3A_577, %parallel_loop3A_578 : vector<16xf32>
          %parallel_loop3A_593 = arith.maximumf %parallel_loop3A_579, %parallel_loop3A_580 : vector<16xf32>
          %parallel_loop3A_594 = arith.maximumf %parallel_loop3A_581, %parallel_loop3A_582 : vector<16xf32>
          %parallel_loop3A_595 = arith.maximumf %parallel_loop3A_583, %parallel_loop3A_584 : vector<16xf32>
          %parallel_loop3A_596 = arith.maximumf %parallel_loop3A_585, %parallel_loop3A_586 : vector<16xf32>
          %parallel_loop3A_597 = arith.maximumf %parallel_loop3A_587, %parallel_loop3A_588 : vector<16xf32>
          %parallel_loop3A_598 = arith.maximumf %parallel_loop3A_589, %parallel_loop3A_590 : vector<16xf32>
          %parallel_loop3A_599 = arith.maximumf %parallel_loop3A_591, %parallel_loop3A_592 : vector<16xf32>
          %parallel_loop3A_600 = arith.maximumf %parallel_loop3A_593, %parallel_loop3A_594 : vector<16xf32>
          %parallel_loop3A_601 = arith.maximumf %parallel_loop3A_595, %parallel_loop3A_596 : vector<16xf32>
          %parallel_loop3A_602 = arith.maximumf %parallel_loop3A_597, %parallel_loop3A_598 : vector<16xf32>
          %parallel_loop3A_603 = arith.maximumf %parallel_loop3A_599, %parallel_loop3A_600 : vector<16xf32>
          %parallel_loop3A_604 = arith.maximumf %parallel_loop3A_601, %parallel_loop3A_602 : vector<16xf32>
          %parallel_loop3A_605 = arith.maximumf %parallel_loop3A_603, %parallel_loop3A_604 : vector<16xf32>
          %parallel_loop3A_606 = arith.constant 1 : i32
          %parallel_loop3A_607 = arith.constant 7 : i32
          %parallel_loop3A_608 = arith.index_cast %parallel_loop3A_606 : i32 to index
          %parallel_loop3A_609 = arith.index_cast %parallel_loop3A_607 : i32 to index
          %parallel_loop3A_610 = arith.index_cast %parallel_loop3A_203 : i32 to index
          %parallel_loop3A_611 = tpu.vector_load %arg7[%parallel_loop3A_608, %parallel_loop3A_609, %parallel_loop3A_610] {strides = array<i32>} : memref<2x8x512xf32, #tpu.memory_space<vmem>>, vector<16xf32>,
          tpu.vector_store %arg7[%parallel_loop3A_608, %parallel_loop3A_609, %parallel_loop3A_610], %parallel_loop3A_605 {strides = array<i32>} : memref<2x8x512xf32, #tpu.memory_space<vmem>>, vector<16xf32>,
        } {sc.loop_unroll_factor = 2 : i64, sc.parallel_access}
        %dma_start3A_188 = arith.constant 1 : i32
        %dma_start3A_189 = arith.constant 0 : i32
        %dma_start3A_190 = arith.constant 0 : i32
        %dma_start3A_191 = tpu.memref_slice %arg7[%dma_start3A_188, %dma_start3A_189, %dma_start3A_190] : memref<2x8x512xf32, #tpu.memory_space<vmem>> -> memref<1x8x512xf32, #tpu.memory_space<vmem>>
        %dma_start3A_192 = tpu.memref_squeeze %dma_start3A_191 : memref<1x8x512xf32, #tpu.memory_space<vmem>> -> memref<8x512xf32, #tpu.memory_space<vmem>>
        %dma_start3A_193 = tpu.memref_slice %arg4[%select_n3A, %mul3A_76, %min3A_154] : memref<8x128x5000xf32, #tpu.memory_space<hbm>> -> memref<1x8x512xf32, #tpu.memory_space<hbm>>
        %dma_start3A_194 = tpu.memref_squeeze %dma_start3A_193 : memref<1x8x512xf32, #tpu.memory_space<hbm>> -> memref<8x512xf32, #tpu.memory_space<hbm>>
        %dma_start3A_195 = tpu.memref_slice %arg4[%select_n3A, %mul3A_76, %min3A_154] : memref<8x128x5000xf32, #tpu.memory_space<hbm>> -> memref<1x8x512xf32, #tpu.memory_space<hbm>>
        %dma_start3A_196 = tpu.memref_squeeze %dma_start3A_195 : memref<1x8x512xf32, #tpu.memory_space<hbm>> -> memref<8x512xf32, #tpu.memory_space<hbm>>
        %dma_start3A_197 = arith.constant 0 : i32
        %dma_start3A_198 = arith.constant 0 : i32
        %dma_start3A_199 = tpu.memref_slice %arg7[%dma_start3A_188, %dma_start3A_197, %dma_start3A_198] : memref<2x8x512xf32, #tpu.memory_space<vmem>> -> memref<1x8x512xf32, #tpu.memory_space<vmem>>
        %dma_start3A_200 = tpu.memref_squeeze %dma_start3A_199 : memref<1x8x512xf32, #tpu.memory_space<vmem>> -> memref<8x512xf32, #tpu.memory_space<vmem>>
        tpu.enqueue_dma source(%dma_start3A_200 : memref<8x512xf32, #tpu.memory_space<vmem>>) target(%dma_start3A_196 : memref<8x512xf32, #tpu.memory_space<hbm>>) target_semaphore(%arg11 : memref<!tpu.dma_semaphore, #tpu.memory_space<semaphore_mem>>)
      }
      %scan3A_96 = arith.constant 5 : i32
    }
    %scan3A_5 = arith.constant 4 : i32
    %dma_wait3A = arith.constant 0 : i32
    %dma_wait3A_6 = arith.constant 0 : i32
    %dma_wait3A_7 = arith.constant 0 : i32
    %dma_wait3A_8 = arith.constant 0 : i32
    %dma_wait3A_9 = tpu.memref_slice %arg7[%dma_wait3A, %dma_wait3A_7, %dma_wait3A_8] : memref<2x8x512xf32, #tpu.memory_space<vmem>> -> memref<1x8x512xf32, #tpu.memory_space<vmem>>
    %dma_wait3A_10 = tpu.memref_squeeze %dma_wait3A_9 : memref<1x8x512xf32, #tpu.memory_space<vmem>> -> memref<8x512xf32, #tpu.memory_space<vmem>>
    %dma_wait3A_11 = arith.constant 0 : i32
    %dma_wait3A_12 = arith.constant 0 : i32
    %dma_wait3A_13 = tpu.memref_slice %arg4[%dma_wait3A_6, %dma_wait3A_11, %dma_wait3A_12] : memref<8x128x5000xf32, #tpu.memory_space<hbm>> -> memref<1x8x512xf32, #tpu.memory_space<hbm>>
    %dma_wait3A_14 = tpu.memref_squeeze %dma_wait3A_13 : memref<1x8x512xf32, #tpu.memory_space<hbm>> -> memref<8x512xf32, #tpu.memory_space<hbm>>
    %dma_wait3A_15 = arith.constant 0 : i32
    %dma_wait3A_16 = arith.constant 0 : i32
    %dma_wait3A_17 = tpu.memref_slice %arg4[%dma_wait3A_6, %dma_wait3A_15, %dma_wait3A_16] : memref<8x128x5000xf32, #tpu.memory_space<hbm>> -> memref<1x8x512xf32, #tpu.memory_space<hbm>>
    %dma_wait3A_18 = tpu.memref_squeeze %dma_wait3A_17 : memref<1x8x512xf32, #tpu.memory_space<hbm>> -> memref<8x512xf32, #tpu.memory_space<hbm>>
    %dma_wait3A_19 = arith.constant 0 : i32
    %dma_wait3A_20 = arith.constant 0 : i32
    %dma_wait3A_21 = tpu.memref_slice %arg7[%dma_wait3A, %dma_wait3A_19, %dma_wait3A_20] : memref<2x8x512xf32, #tpu.memory_space<vmem>> -> memref<1x8x512xf32, #tpu.memory_space<vmem>>
    %dma_wait3A_22 = tpu.memref_squeeze %dma_wait3A_21 : memref<1x8x512xf32, #tpu.memory_space<vmem>> -> memref<8x512xf32, #tpu.memory_space<vmem>>
    tpu.wait_dma2 semaphore(%arg10 : memref<!tpu.dma_semaphore, #tpu.memory_space<semaphore_mem>>) src(%dma_wait3A_22 : memref<8x512xf32, #tpu.memory_space<vmem>>) dst(%dma_wait3A_18 : memref<8x512xf32, #tpu.memory_space<hbm>>)
    %dma_wait3A_23 = arith.constant 1 : i32
    %dma_wait3A_24 = arith.constant 0 : i32
    %dma_wait3A_25 = arith.constant 0 : i32
    %dma_wait3A_26 = arith.constant 0 : i32
    %dma_wait3A_27 = tpu.memref_slice %arg7[%dma_wait3A_23, %dma_wait3A_25, %dma_wait3A_26] : memref<2x8x512xf32, #tpu.memory_space<vmem>> -> memref<1x8x512xf32, #tpu.memory_space<vmem>>
    %dma_wait3A_28 = tpu.memref_squeeze %dma_wait3A_27 : memref<1x8x512xf32, #tpu.memory_space<vmem>> -> memref<8x512xf32, #tpu.memory_space<vmem>>
    %dma_wait3A_29 = arith.constant 0 : i32
    %dma_wait3A_30 = arith.constant 0 : i32
    %dma_wait3A_31 = tpu.memref_slice %arg4[%dma_wait3A_24, %dma_wait3A_29, %dma_wait3A_30] : memref<8x128x5000xf32, #tpu.memory_space<hbm>> -> memref<1x8x512xf32, #tpu.memory_space<hbm>>
    %dma_wait3A_32 = tpu.memref_squeeze %dma_wait3A_31 : memref<1x8x512xf32, #tpu.memory_space<hbm>> -> memref<8x512xf32, #tpu.memory_space<hbm>>
    %dma_wait3A_33 = arith.constant 0 : i32
    %dma_wait3A_34 = arith.constant 0 : i32
    %dma_wait3A_35 = tpu.memref_slice %arg4[%dma_wait3A_24, %dma_wait3A_33, %dma_wait3A_34] : memref<8x128x5000xf32, #tpu.memory_space<hbm>> -> memref<1x8x512xf32, #tpu.memory_space<hbm>>
    %dma_wait3A_36 = tpu.memref_squeeze %dma_wait3A_35 : memref<1x8x512xf32, #tpu.memory_space<hbm>> -> memref<8x512xf32, #tpu.memory_space<hbm>>
    %dma_wait3A_37 = arith.constant 0 : i32
    %dma_wait3A_38 = arith.constant 0 : i32
    %dma_wait3A_39 = tpu.memref_slice %arg7[%dma_wait3A_23, %dma_wait3A_37, %dma_wait3A_38] : memref<2x8x512xf32, #tpu.memory_space<vmem>> -> memref<1x8x512xf32, #tpu.memory_space<vmem>>
    %dma_wait3A_40 = tpu.memref_squeeze %dma_wait3A_39 : memref<1x8x512xf32, #tpu.memory_space<vmem>> -> memref<8x512xf32, #tpu.memory_space<vmem>>
    tpu.wait_dma2 semaphore(%arg11 : memref<!tpu.dma_semaphore, #tpu.memory_space<semaphore_mem>>) src(%dma_wait3A_40 : memref<8x512xf32, #tpu.memory_space<vmem>>) dst(%dma_wait3A_36 : memref<8x512xf32, #tpu.memory_space<hbm>>)
    return
  }
}

</mosaic_0001>

<sc_bundles>
// kernel: kernel.3.cloned.1.call-start
scs
__scs_entry_jumppad:
0x0: {  	(pc) =	sbr.rel $0x88, $3  }
0x1: {  	(tag) =	ssettag $0x0;
	lr =	simm.s32 $0x1  }
0x2: {  	[smem:$0x3F9F] =	sst lr;
	_ =	strace $0xD0000000  }
0x3: {  	_ = 	snop  }
0x4: {  	_ = 	snop  }
0x5: {  	_ = 	snop  }
0x6: {  	_ = 	snop  }
0x7: {  	_ = 	snop  }
__scs_overlays_trampoline_lowered:
0x8: {  	[smem:$0x3FAE] =	sst s0  }
0x9: {  	[smem:$0x3FAF] =	sst s1  }
0xa: {  	[smem:$0x3FB0] =	sst s2  }
0xb: {  	[smem:$0x3FB1] =	sst s3  }
0xc: {  	[smem:$0x3FB2] =	sst s4  }
0xd: {  	[smem:$0x3FB3] =	sst s5  }
0xe: {  	[smem:$0x3FB4] =	sst s6  }
0xf: {  	[smem:$0x3FB5] =	sst s7  }
0x10: {  	[smem:$0x3FB6] =	sst s8  }
0x11: {  	[smem:$0x3FB7] =	sst s9;
	s0 =	simm.s32 @!p0 $0x0  }
0x12: {  	s1 =	sld [smem:$0x3F9D];
	s0 =	simm.s32 @p0 $0x1  }
0x13: {  	[smem:$0x3FB8] =	sst s0;
	s0 =	simm.s32 @!p1 $0x0  }
0x14: {  	s2 =	sld [smem:$0x3F9C];
	s0 =	simm.s32 @p1 $0x1  }
0x15: {  	[smem:$0x3FB9] =	sst s0;
	s0 =	simm.s32 @!p2 $0x0  }
0x16: {  	s3 =	sld [smem:$0x3FDB];
	s0 =	simm.s32 @p2 $0x1  }
0x17: {  	s4 =	simm.s32 $0x1BF5;
	[smem:$0x3FBB] =	sst s0  }
0x18: {  	s0 =	sld [smem:$0x3F9E];
	_ =	swait.ge [sflag:s4], $0x0  }
0x19: {  	s7 =	sld [smem:$0x3F9F]  }
0x1a: {  	s8 =	sadd.s32 $0xFFFFE003, lr  }
0x1b: {  	s9 =	sadd.s32 $0xFFFFFEF7, lr;
	s5 =	simm.s32 $0xFFFFFFFF;
	p2 =	slt.u32 s8, $0xFFFFF086  }
0x1c: {  	p1 =	slt.u32 s9, $0xF7A;
	s5 =	simm.s32 @!p2 $0x0  }
0x1d: {  	s5 =	simm.s32 @p1 $0x1;
	p0 =	seq.s32 s7, s2  }
0x1e: {  	s7 =	smul.u32 @!p0 $0xF7A, s2;
	p2 =	seq.s32 @!p0 s5, $0x0  }
0x1f: {  	s9 =	smul.u32 $0xF7A, s1;
	s8 =	simm.s32 @!p0 $0x1BF5;
	p2 =	por !p2, p0  }
0x20: {  	[sflag:s8] =	ssyncset.s32 @!p0 $0xFFFFF086;
	s6 =	sadd.s32 @!p0 s3, s7;
	s7 =	simm.s32 @!p0 $0x108  }
0x21: {  	s3 =	sadd.s32 s3, s9;
	s6 =	sadd.s32 @!p0 $0x88, s6;
	s7 =	simm.s32 @p2 $0x1082  }
0x22: {  	[simem:s7], [sflag:s8] =	dma.local @!p0 [hbm:s6], $0xF7A  }
0x23: {  	s9 =	sor.u32 $0xD0000000, s2;
	s6 =	simm.s32 $0x108;
	_ =	swait.ge @!p0 [sflag:s8], $0x0  }
0x24: {  	s3 =	sadd.s32 $0x88, s3;
	s6 =	simm.s32 @!p1 $0x1082;
	[sflag:s4] =	ssyncset.s32 $0xFFFFF086  }
0x25: {  	[simem:s6], [sflag:s4] =	dma.local [hbm:s3], $0xF7A  }
0x26: {  	[smem:$0x3F9F] =	sst s1;
	(tag) =	ssettag s2;
	_ =	strace s9  }
0x27: {  	s1 =	sld [smem:$0x3FAF]  }
0x28: {  	s2 =	sld [smem:$0x3FB0]  }
0x29: {  	s4 =	sld [smem:$0x3FB2]  }
0x2a: {  	p0 =	seq.s32 s5, $0x0;
	s5 =	sld [smem:$0x3FB3]  }
0x2b: {  	s6 =	sld [smem:$0x3FB4]  }
0x2c: {  	s7 =	sld [smem:$0x3FB5]  }
0x2d: {  	s3 =	simm.s32 $0x108;
	s8 =	sld [smem:$0x3FB6]  }
0x2e: {  	s3 =	simm.s32 @!p0 $0x1082;
	s9 =	sld [smem:$0x3FB7]  }
0x2f: {  	lr =	sadd.s32 s0, s3;
	s0 =	sld [smem:$0x3FAE]  }
0x30: {  	s3 =	sld [smem:$0x3FB1]  }
0x31: {  	[smem:$0x3FBA] =	sst s10  }
0x32: {  	s10 =	sld [smem:$0x3FB8];
	_ =	sdelay $0x3  }
0x33: {  	p0 =	seq.s32 s10, $0x1;
	s10 =	sld [smem:$0x3FBA];
	_ =	sdelay $0x3  }
0x34: {  	[smem:$0x3FBA] =	sst s10  }
0x35: {  	s10 =	sld [smem:$0x3FB9];
	_ =	sdelay $0x3  }
0x36: {  	p1 =	seq.s32 s10, $0x1;
	s10 =	sld [smem:$0x3FBA];
	_ =	sdelay $0x3  }
0x37: {  	[smem:$0x3FBA] =	sst s10  }
0x38: {  	s10 =	sld [smem:$0x3FBB]  }
0x39: {  	_ = 	snop;
	(pc) =	sbr.ind lr, $3  }
0x3a: {  	_ = 	snop  }
0x3b: {  	_ = 	snop  }
0x3c: {  	p2 =	seq.s32 s10, $0x1;
	s10 =	sld [smem:$0x3FBA]  }
0x3d: {  	_ =	shalt  }
0x3e: {  	_ =	shalt  }
0x3f: {  	_ =	shalt  }
0x40: {  	_ =	shalt  }
0x41: {  	_ =	shalt  }
0x42: {  	_ =	shalt  }
0x43: {  	_ =	shalt  }
0x44: {  	_ =	shalt  }
0x45: {  	_ =	shalt  }
0x46: {  	_ =	shalt  }
0x47: {  	_ =	shalt  }
0x48: {  	_ =	shalt  }
0x49: {  	_ =	shalt  }
0x4a: {  	_ =	shalt  }
0x4b: {  	_ =	shalt  }
0x4c: {  	_ =	shalt  }
0x4d: {  	_ =	shalt  }
0x4e: {  	_ =	shalt  }
0x4f: {  	_ =	shalt  }
0x50: {  	_ =	shalt  }
0x51: {  	_ =	shalt  }
0x52: {  	_ =	shalt  }
0x53: {  	_ =	shalt  }
0x54: {  	_ =	shalt  }
0x55: {  	_ =	shalt  }
0x56: {  	_ =	shalt  }
0x57: {  	_ =	shalt  }
0x58: {  	_ =	shalt  }
0x59: {  	_ =	shalt  }
0x5a: {  	_ =	shalt  }
0x5b: {  	_ =	shalt  }
0x5c: {  	_ =	shalt  }
0x5d: {  	_ =	shalt  }
0x5e: {  	_ =	shalt  }
0x5f: {  	_ =	shalt  }
0x60: {  	_ =	shalt  }
0x61: {  	_ =	shalt  }
0x62: {  	_ =	shalt  }
0x63: {  	_ =	shalt  }
0x64: {  	_ =	shalt  }
0x65: {  	_ =	shalt  }
0x66: {  	_ =	shalt  }
0x67: {  	_ =	shalt  }
0x68: {  	_ =	shalt  }
0x69: {  	_ =	shalt  }
0x6a: {  	_ =	shalt  }
0x6b: {  	_ =	shalt  }
0x6c: {  	_ =	shalt  }
0x6d: {  	_ =	shalt  }
0x6e: {  	_ =	shalt  }
0x6f: {  	_ =	shalt  }
0x70: {  	_ =	shalt  }
0x71: {  	_ =	shalt  }
0x72: {  	_ =	shalt  }
0x73: {  	_ =	shalt  }
0x74: {  	_ =	shalt  }
0x75: {  	_ =	shalt  }
0x76: {  	_ =	shalt  }
0x77: {  	_ =	shalt  }
0x78: {  	_ =	shalt  }
0x79: {  	_ =	shalt  }
0x7a: {  	_ =	shalt  }
0x7b: {  	_ =	shalt  }
0x7c: {  	_ =	shalt  }
0x7d: {  	_ =	shalt  }
0x7e: {  	_ =	shalt  }
0x7f: {  	_ =	shalt  }
0x80: {  	_ =	shalt  }
0x81: {  	_ =	shalt  }
0x82: {  	_ =	shalt  }
0x83: {  	_ =	shalt  }
0x84: {  	_ =	shalt  }
0x85: {  	_ =	shalt  }
0x86: {  	_ =	shalt  }
0x87: {  	_ =	shalt  }
.Lfunc_end0:
.L_simem_size_0:
called_computation_lowered:
.L_overlay_start_0:
0x88: {  	s2 =	sld [smem:$0x3FD9]  }
0x89: {  	s3 =	sld [smem:$0x3FFE];
	_ =	sdelay $0x1  }
0x8a: {  	s1 =	srdreg.scid  }
0x8b: {  	s0 =	sand.u32 $0x1, s1  }
0x8c: {  	s17 =	sshll.u32 s0, $0xA;
	s2 =	sadd.s32 s3, s2  }
0x8d: {  	s2 =	sadd.s32 s2, s17  }
0x8e: {  	[smem:$0x3FC6] =	sst s2  }
0x8f: {  	_ = 	snop  }
0x90: {  	s2 =	sld [smem:$0x3FD0];
	(tm) =	ssettm $0x1  }
0x91: {  	s18 =	sld [smem:$0x3FFB];
	_ =	sdelay $0x3  }
0x92: {  	_ =	strace s18  }
0x93: {  	s3 =	sld [smem:$0x3FFC];
	_ =	sdelay $0x3  }
0x94: {  	_ =	strace s3  }
0x95: {  	s3 =	sld [smem:$0x3FFD];
	_ =	sdelay $0x3  }
0x96: {  	_ =	strace s3  }
0x97: {  	_ =	strace $0x8FFFFFFF  }
0x98: {  	s19 =	sld [smem:$0x3FDB];
	_ =	sdelay $0x1  }
0x99: {  	s4 =	simm.s32 $_scs_section_size  }
0x9a: {  	s5 =	simm.s32 $_size__tile_overlayer_lowered;
	s6 =	simm.s32 $_tile_overlayer_lowered  }
0x9b: {  	s22 =	simm.s32 $0x1BFF;
	s21 =	sshll.u32 s6, $0x1;
	s3 =	sadd.s32 s4, s19  }
0x9c: {  	s7 =	simm.s32 $0x0;
	s20 =	sshll.u32 s5, $0x1;
	s5 =	sadd.s32 s21, s3  }
0x9d: {  	[timem:s7], [sflag:s22] =	dma.local [hbm:s5], s20  }
0x9e: {  	_ =	swait.ge [sflag:s22], s20  }
0x9f: {  	s4 =	ssub.s32 $0x0, s20;
	[sflag:s22] =	ssyncset.done $0x0  }
0xa0: {  	[sflag:s22] =	ssyncadd.s32 s4;
	_ =	sdelay $0x1  }
0xa1: {  	s23 =	simm.s32 $0x1B8B  }
0xa2: {  	_ =	swait.ge [sflag:s23], $0x1  }
0xa3: {  	[sflag:s23] =	ssyncset.done $0x0  }
0xa4: {  	s25 =	simm.s32 $0x1B8E;
	s24 =	sld [smem:$0x3FFE];
	[sflag:s23] =	ssyncadd.s32 $0xFFFFFFFF  }
0xa5: {  	s26 =	simm.s32 $execute0_lowered;
	[smem:$0x3FD2] =	sst s25  }
0xa6: {  	s5 =	sshll.u32 s26, $0x1;
	_ =	strace $0x80000046;
	[dreg:$0x1] =	wrdreg $0xFFFFFFFF  }
0xa7: {  	s28 =	simm.s32 $_size_execute0_lowered;
	s3 =	sadd.s32 s3, s5;
	[dreg:$0x0] =	wrdreg $0x0  }
0xa8: {  	s5 =	sshll.u32 s28, $0x1;
	[dreg:$0x2] =	wrdreg s3  }
0xa9: {  	[dreg:$0x3] =	wrdreg s5  }
0xaa: {  	[dreg:$0x4] =	wrdreg $0xC0  }
0xab: {  	_ =	task [dreg:s7], $0x5FFFF  }
0xac: {  	[dreg:$0x1] =	wrdreg $0xFFFFFFFF  }
0xad: {  	[dreg:$0x0] =	wrdreg $0x60  }
0xae: {  	[dreg:$0x2] =	wrdreg s24  }
0xaf: {  	[dreg:$0x3] =	wrdreg s2  }
0xb0: {  	[dreg:$0x4] =	wrdreg $0x9  }
0xb1: {  	_ =	task.clear_ibuf [dreg:s7], $0x5FFFF;
	_ =	strace $0x90000046  }
0xb2: {  	s29 =	simm.s32 $0x9;
	_ =	strace $0x80000048  }
0xb3: {  	_ =	swait.ge [sflag:s29], $0x1  }
0xb4: {  	[sflag:s29] =	ssyncadd.s32 $0xFFFFFFFF  }
0xb5: {  	_ =	strace $0x90000048  }
0xb6: {  	_ =	sfence  }
0xb7: {  	s30 =	sld [smem:$0x0];
	_ =	sdelay $0x2  }
0xb8: {  	s31 =	sshll.u32 s1, $0xD;
	s1 =	sshrl.u32 s1, $0x2  }
0xb9: {  	s3 =	sand.u32 $0x4000, s31;
	s1 =	sadd.s32 s1, s30  }
0xba: {  	s0 =	sor.u32 s3, s0;
	s1 =	sshll.u32 s1, $0x11  }
0xbb: {  	s0 =	sor.u32 s1, s0  }
0xbc: {  	s0 =	sadd.s32 $0x8F2B, s0  }
0xbd: {  	[sflag:s0] =	ssyncadd.remote.s32 $0x1  }
0xbe: {  	_ =	sfence.sel $0xFFFF  }
0xbf: {  	[dreg:$0x0] =	wrdreg $0xFFFFFFFF;
	(pc) =	sbr.abs _section_cstart, $3  }
0xc0: {  	[dreg:$0x1] =	wrdreg $0xFFFFFFFF  }
0xc1: {  	_ =	task.clear_ibuf [dreg:s7], $0x2FFFF;
	_ =	strace $0x9FFFFFFF  }
0xc2: {  	(tm) =	ssettm $0x7FFFFFFF  }
0xc3: {  	_ =	shalt  }
tec
execute0_lowered:
.L_overlay_start_1:
0x0: {  	(tag) =	ssettag $0x1  }
0x1: {  	s0 =	rddreg [dreg:$0x0]  }
0x2: {  	s1 =	rddreg [dreg:$0x1];
	s2 =	simm.s32 $0x0  }
0x3: {  	s3 =	srdreg.scid;
	s10 =	simm.s32 $0x200;
	s11 =	simm.s32 $0x1388  }
0x4: {  	s12 =	simm.s32 $0x13880;
	s13 =	simm.s32 $0x5;
	s14 =	simm.s32 $0x1  }
0x5: {  	s15 =	simm.s32 $0x15880;
	s16 =	simm.s32 $0x17880;
	s17 =	simm.s32 $0x2  }
0x6: {  	s18 =	simm.s32 $0x18880;
	s19 =	simm.s32 $0x3;
	s20 =	simm.s32 $0x4  }
0x7: {  	s21 =	simm.s32 $0x0;
	[smem:$0x7FF] =	sst s2;
	s6 =	sand.u32 $0x1, s3  }
0x8: {  	s4 =	sadd.s32 $0x13C600, s0;
	s5 =	sadd.s32 $0x600, s0;
	s3 =	stileid.u32  }
0x9: {  	_ =	strace $0x80000047;
	s7 =	ssub.s32 $0x2, s6;
	s31 =	sshll.u32 s3, $0x3  }
0xa: {  	s8 =	sshrl.u32 s3, $0x1;
	s9 =	sshll.u32 s6, $0x2;
	s30 =	sshrl.u32 s7, $0x1  }
0xb: {  	s6 =	smul.u32 $0x138800, s8;
	s0 =	ssub.s32 s7, s30;
	s7 =	sand.u32 $0x8, s31  }
0xc: {  	s8 =	smul.u32 $0x9C400, s8;
	s7 =	sor.u32 s9, s7;
	s9 =	smax.u32 s0, $0x1  }
.LBB2_1:
0xd: {  	s22 =	simm.s32 $0x0  }
.LBB2_2:
0xe: {  	s0 =	sadd.s32 s7, s22  }
0xf: {  	s23 =	smul.u32 $0x13880, s0  }
0x10: {  	[tilespmem:s12], [sflag:$0x1] =	stream.strided.gather [hbm4b:s5+s10], $0x2000, s11, s10, $0x38;
	[tilespmem:$0x19880] =	vst v63  }
0x11: {  	s23 =	sadd.s32 s6, s23  }
0x12: {  	s23 =	sshrl.u32 s23, $0x3  }
0x13: {  	s24 =	sadd.s32 s4, s23;
	s23 =	simm.s32 $0x0  }
0x14: {  	[tilespmem:s23], [sflag:$0x5] =	stream.linear.gather [hbm4b:s24+s23], $0x13880, $0x38;
	[tilespmem:$0x19880] =	vst v63  }
0x15: {  	s0 =	smul.u32 $0x9C40, s0;
	_ =	swait.ge [sflag:s13], $0x13880  }
0x16: {  	[sflag:s13] =	ssyncset.done $0x0  }
0x17: {  	s24 =	sadd.s32 s8, s0;
	[sflag:s13] =	ssyncadd.s32 $0xFFFEC780  }
.LBB2_3:
0x18: {  	s26 =	sshll.u32 s23, $0xA  }
0x19: {  	s0 =	sor.u32 $0x200, s26  }
0x1a: {  	_ =	swait.ge [sflag:s14], $0x2000;
	s25 =	smin.u32 s0, $0x1188  }
0x1b: {  	[sflag:s14] =	ssyncset.done $0x0;
	s0 =	sshrl.u32 s25, $0x3  }
0x1c: {  	[sflag:s14] =	ssyncadd.s32 $0xFFFFE000;
	s0 =	sadd.s32 s5, s0  }
0x1d: {  	[tilespmem:s15], [sflag:$0x2] =	stream.strided.gather [hbm4b:s0+s10], $0x2000, s11, s10, $0x38;
	[tilespmem:$0x19880] =	vst v63  }
0x1e: {  	s0 =	sor.u32 s22, s23  }
0x1f: {  	p0 =	seq.s32 s0, $0x0  }
0x20: {  	s0 =	simm.s32 @!p0 $0x3  }
0x21: {  	_ =	swait.ge @!p0 [sflag:s0], $0x1000  }
0x22: {  	[sflag:s0] =	ssyncset.done @!p0 $0x0  }
0x23: {  	[sflag:s0] =	ssyncadd.s32 @!p0 $0xFFFFF000;
	s0 =	simm.s32 $0x14880  }
0x24: {  	v28 =	vld [tilespmem:s0+$0xFFFFF010]  }
0x25: {  	v27 =	vld [tilespmem:s0+$0xFFFFF210]  }
0x26: {  	v25 =	vld [tilespmem:s0+$0xFFFFF410]  }
0x27: {  	v23 =	vld [tilespmem:s0+$0xFFFFF610]  }
0x28: {  	v21 =	vld [tilespmem:s0+$0xFFFFF810]  }
0x29: {  	v18 =	vld [tilespmem:s0+$0xFFFFFA10]  }
0x2a: {  	v31 =	vld [tilespmem:s0+$0xFFFFFC10]  }
0x2b: {  	v30 =	vld [tilespmem:s0+$0xFFFFFE10]  }
0x2c: {  	v29 =	vld [tilespmem:s0+$0x10]  }
0x2d: {  	v26 =	vld [tilespmem:s0+$0x210]  }
0x2e: {  	v24 =	vld [tilespmem:s0+$0x410]  }
0x2f: {  	v22 =	vld [tilespmem:s0+$0x610]  }
0x30: {  	v20 =	vld [tilespmem:s0+$0x810]  }
0x31: {  	v19 =	vld [tilespmem:s0+$0xA10]  }
0x32: {  	v17 =	vld [tilespmem:s0+$0xC10]  }
0x33: {  	v16 =	vld [tilespmem:s0+$0xE10]  }
0x34: {  	v0 =	vld.idx.msk [tilespmem:v28+s2+$0x0], $0xffff  }
0x35: {  	v1 =	vld.idx.msk [tilespmem:v27+s2+$0x0], $0xffff  }
0x36: {  	v2 =	vld.idx.msk [tilespmem:v25+s2+$0x0], $0xffff  }
0x37: {  	v3 =	vld.idx.msk [tilespmem:v23+s2+$0x0], $0xffff  }
0x38: {  	v4 =	vld.idx.msk [tilespmem:v21+s2+$0x0], $0xffff  }
0x39: {  	v5 =	vld.idx.msk [tilespmem:v18+s2+$0x0], $0xffff  }
0x3a: {  	v6 =	vld.idx.msk [tilespmem:v31+s2+$0x0], $0xffff  }
0x3b: {  	v8 =	vld.idx.msk [tilespmem:v30+s2+$0x0], $0xffff  }
0x3c: {  	v10 =	vld.idx.msk [tilespmem:v29+s2+$0x0], $0xffff  }
0x3d: {  	v11 =	vld.idx.msk [tilespmem:v26+s2+$0x0], $0xffff  }
0x3e: {  	v12 =	vld.idx.msk [tilespmem:v24+s2+$0x0], $0xffff  }
0x3f: {  	v13 =	vld.idx.msk [tilespmem:v22+s2+$0x0], $0xffff  }
0x40: {  	v14 =	vld.idx.msk [tilespmem:v20+s2+$0x0], $0xffff  }
0x41: {  	v15 =	vld.idx.msk [tilespmem:v19+s2+$0x0], $0xffff  }
0x42: {  	v32 =	vld.idx.msk [tilespmem:v17+s2+$0x0], $0xffff  }
0x43: {  	v33 =	vld.idx.msk [tilespmem:v16+s2+$0x0], $0xffff;
	_ =	sdelay $0x1  }
0x44: {  	v34 =	vadd.s32 $0x2710, v28;
	v35 =	vadd.s32 $0x2710, v27  }
0x45: {  	v0 =	vmax.f32 v0, v1;
	v1 =	vmax.f32 v2, v3;
	v2 =	vmax.f32 v4, v5  }
0x46: {  	v5 =	vmax.f32 v6, v8;
	v6 =	vmax.f32 v10, v11;
	v8 =	vmax.f32 v12, v13  }
0x47: {  	v55 =	vld [tilespmem:s0+$0xFFFFF200];
	v58 =	vmax.f32 v14, v15;
	v59 =	vmax.f32 v32, v33;
	v0 =	vmax.f32 v0, v1  }
0x48: {  	v48 =	vld [tilespmem:s0+$0xFFFFF400];
	v1 =	vmax.f32 v2, v5;
	v2 =	vmax.f32 v6, v8;
	v6 =	vmax.f32 v58, v59  }
0x49: {  	v7 =	vld [tilespmem:s0+$0xFFFFF600];
	v62 =	vadd.s32 $0x2710, v18;
	v0 =	vmax.f32 v0, v1;
	v1 =	vmax.f32 v2, v6  }
0x4a: {  	s28 =	simm.s32 $0x18080;
	v9 =	vld [tilespmem:s0+$0xFFFFF800];
	v39 =	vadd.s32 $0x2710, v31;
	v0 =	vmax.f32 v0, v1  }
0x4b: {  	v61 =	vld [tilespmem:s0+$0xFFFFFE00];
	v40 =	vadd.s32 $0x2710, v30;
	[tilespmem:s28+$0xFFFFF810] =	vst v0  }
0x4c: {  	v15 =	vadd.s32 $0x2710, v29;
	v60 =	vld.idx.msk [tilespmem:v34+s2+$0x0], $0xffff  }
0x4d: {  	v41 =	vadd.s32 $0x2710, v26;
	v63 =	vld.idx.msk [tilespmem:v35+s2+$0x0], $0xffff  }
0x4e: {  	v42 =	vadd.s32 $0x2710, v24;
	v11 =	vld.idx.msk [tilespmem:v62+s2+$0x0], $0xffff  }
0x4f: {  	v43 =	vadd.s32 $0x2710, v22;
	v13 =	vld.idx.msk [tilespmem:v39+s2+$0x0], $0xffff  }
0x50: {  	v44 =	vadd.s32 $0x2710, v20;
	v14 =	vld.idx.msk [tilespmem:v40+s2+$0x0], $0xffff  }
0x51: {  	v36 =	vadd.s32 $0x2710, v19;
	v15 =	vld.idx.msk [tilespmem:v15+s2+$0x0], $0xffff  }
0x52: {  	v37 =	vadd.s32 $0x2710, v17;
	v32 =	vld.idx.msk [tilespmem:v41+s2+$0x0], $0xffff  }
0x53: {  	v38 =	vadd.s32 $0x2710, v16;
	v33 =	vld.idx.msk [tilespmem:v42+s2+$0x0], $0xffff  }
0x54: {  	v2 =	vadd.s32 $0x2710, v25;
	v34 =	vld.idx.msk [tilespmem:v43+s2+$0x0], $0xffff  }
0x55: {  	v1 =	vadd.s32 $0x2710, v23;
	v35 =	vld.idx.msk [tilespmem:v44+s2+$0x0], $0xffff  }
0x56: {  	v0 =	vadd.s32 $0x2710, v21;
	v36 =	vld.idx.msk [tilespmem:v36+s2+$0x0], $0xffff  }
0x57: {  	v37 =	vld.idx.msk [tilespmem:v37+s2+$0x0], $0xffff  }
0x58: {  	v38 =	vld.idx.msk [tilespmem:v38+s2+$0x0], $0xffff  }
0x59: {  	v2 =	vld.idx.msk [tilespmem:v2+s2+$0x0], $0xffff  }
0x5a: {  	v1 =	vld.idx.msk [tilespmem:v1+s2+$0x0], $0xffff  }
0x5b: {  	v0 =	vld.idx.msk [tilespmem:v0+s2+$0x0], $0xffff  }
0x5c: {  	v3 =	vld [tilespmem:s0+$0xFFFFFA00]  }
0x5d: {  	v4 =	vld [tilespmem:s0+$0xFFFFFC00];
	v39 =	vadd.s32 $0x4E20, v28;
	v40 =	vadd.s32 $0x4E20, v27  }
0x5e: {  	v12 =	vld [tilespmem:s0+$0xA00];
	v10 =	vmax.f32 v60, v63;
	v47 =	vmax.f32 v35, v36;
	v49 =	vmax.f32 v37, v38  }
0x5f: {  	v8 =	vld [tilespmem:s0+$0x0];
	v45 =	vmax.f32 v15, v32;
	v46 =	vmax.f32 v33, v34;
	v50 =	vmax.f32 v47, v49  }
0x60: {  	v5 =	vld [tilespmem:s0+$0x400];
	v1 =	vmax.f32 v2, v1;
	v2 =	vmax.f32 v13, v14;
	v0 =	vmax.f32 v0, v11  }
0x61: {  	v59 =	vld [tilespmem:s0+$0x800];
	v1 =	vmax.f32 v10, v1;
	v0 =	vmax.f32 v0, v2;
	v2 =	vmax.f32 v45, v46  }
0x62: {  	v52 =	vadd.s32 $0x4E20, v18;
	v6 =	vld [tilespmem:s0+$0x200];
	v0 =	vmax.f32 v1, v0;
	v1 =	vmax.f32 v2, v50  }
0x63: {  	v54 =	vadd.s32 $0x4E20, v31;
	v15 =	vld [tilespmem:s0+$0x600];
	v0 =	vmax.f32 v0, v1  }
0x64: {  	v56 =	vadd.s32 $0x4E20, v30;
	v11 =	vld [tilespmem:s0+$0xFFFFF000];
	[tilespmem:s28+$0xFFFFFA10] =	vst v0  }
0x65: {  	v57 =	vadd.s32 $0x4E20, v29;
	v51 =	vld.idx.msk [tilespmem:v39+s2+$0x0], $0xffff  }
0x66: {  	v58 =	vadd.s32 $0x4E20, v26;
	v53 =	vld.idx.msk [tilespmem:v40+s2+$0x0], $0xffff  }
0x67: {  	v62 =	vadd.s32 $0x4E20, v24;
	v60 =	vld.idx.msk [tilespmem:v52+s2+$0x0], $0xffff  }
0x68: {  	v47 =	vadd.s32 $0x4E20, v19;
	v63 =	vld.idx.msk [tilespmem:v54+s2+$0x0], $0xffff  }
0x69: {  	v41 =	vadd.s32 $0x4E20, v17;
	v34 =	vld.idx.msk [tilespmem:v56+s2+$0x0], $0xffff  }
0x6a: {  	v49 =	vadd.s32 $0x4E20, v16;
	v35 =	vld.idx.msk [tilespmem:v57+s2+$0x0], $0xffff  }
0x6b: {  	v45 =	vadd.s32 $0x4E20, v22;
	v36 =	vld.idx.msk [tilespmem:v58+s2+$0x0], $0xffff  }
0x6c: {  	v46 =	vadd.s32 $0x4E20, v20;
	v42 =	vld.idx.msk [tilespmem:v62+s2+$0x0], $0xffff  }
0x6d: {  	v2 =	vadd.s32 $0x4E20, v25;
	v40 =	vld.idx.msk [tilespmem:v47+s2+$0x0], $0xffff  }
0x6e: {  	v1 =	vadd.s32 $0x4E20, v23;
	v41 =	vld.idx.msk [tilespmem:v41+s2+$0x0], $0xffff  }
0x6f: {  	v0 =	vadd.s32 $0x4E20, v21;
	v44 =	vld.idx.msk [tilespmem:v49+s2+$0x0], $0xffff  }
0x70: {  	v43 =	vld.idx.msk [tilespmem:v45+s2+$0x0], $0xffff  }
0x71: {  	v39 =	vld.idx.msk [tilespmem:v46+s2+$0x0], $0xffff  }
0x72: {  	v2 =	vld.idx.msk [tilespmem:v2+s2+$0x0], $0xffff  }
0x73: {  	v1 =	vld.idx.msk [tilespmem:v1+s2+$0x0], $0xffff  }
0x74: {  	v0 =	vld.idx.msk [tilespmem:v0+s2+$0x0], $0xffff  }
0x75: {  	v13 =	vld [tilespmem:s0+$0xE00]  }
0x76: {  	v10 =	vld [tilespmem:s0+$0xC00];
	v45 =	vadd.s32 $0x7530, v28;
	v46 =	vadd.s32 $0x7530, v27  }
0x77: {  	v47 =	vld.idx.msk [tilespmem:v55+s2+$0x0], $0xffff;
	v32 =	vmax.f32 v51, v53;
	v50 =	vmax.f32 v63, v34;
	v51 =	vmax.f32 v35, v36  }
0x78: {  	v36 =	vld.idx.msk [tilespmem:v7+s2+$0x0], $0xffff;
	v54 =	vmax.f32 v41, v44;
	v52 =	vmax.f32 v42, v43;
	v53 =	vmax.f32 v39, v40  }
0x79: {  	v35 =	vld.idx.msk [tilespmem:v11+s2+$0x0], $0xffff;
	v56 =	vmax.f32 v51, v52;
	v1 =	vmax.f32 v2, v1;
	v0 =	vmax.f32 v0, v60  }
0x7a: {  	v57 =	vmax.f32 v53, v54;
	v2 =	vld.idx.msk [tilespmem:v48+s2+$0x0], $0xffff;
	v1 =	vmax.f32 v32, v1;
	v0 =	vmax.f32 v0, v50  }
0x7b: {  	v58 =	vadd.s32 $0x7530, v25;
	v32 =	vld.idx.msk [tilespmem:v9+s2+$0x0], $0xffff;
	[tilespmem:$0x1FC70] =	vst v3;
	v0 =	vmax.f32 v1, v0;
	v1 =	vmax.f32 v56, v57  }
0x7c: {  	v62 =	vadd.s32 $0x7530, v18;
	v34 =	vld.idx.msk [tilespmem:v3+s2+$0x0], $0xffff;
	[tilespmem:$0x1FC80] =	vst v4;
	v0 =	vmax.f32 v0, v1  }
0x7d: {  	v52 =	vadd.s32 $0x7530, v31;
	v37 =	vld.idx.msk [tilespmem:v4+s2+$0x0], $0xffff;
	[tilespmem:s28+$0xFFFFFC10] =	vst v0  }
0x7e: {  	v53 =	vadd.s32 $0x7530, v30;
	v60 =	vld.idx.msk [tilespmem:v45+s2+$0x0], $0xffff  }
0x7f: {  	v54 =	vadd.s32 $0x7530, v29;
	v63 =	vld.idx.msk [tilespmem:v46+s2+$0x0], $0xffff  }
0x80: {  	v49 =	vadd.s32 $0x7530, v20;
	v33 =	vld.idx.msk [tilespmem:v58+s2+$0x0], $0xffff  }
0x81: {  	v51 =	vadd.s32 $0x7530, v17;
	v39 =	vld.idx.msk [tilespmem:v62+s2+$0x0], $0xffff  }
0x82: {  	v50 =	vadd.s32 $0x7530, v19;
	v41 =	vld.idx.msk [tilespmem:v52+s2+$0x0], $0xffff  }
0x83: {  	v56 =	vadd.s32 $0x7530, v26;
	v42 =	vld.idx.msk [tilespmem:v53+s2+$0x0], $0xffff  }
0x84: {  	v57 =	vadd.s32 $0x7530, v24;
	v43 =	vld.idx.msk [tilespmem:v54+s2+$0x0], $0xffff  }
0x85: {  	v1 =	vadd.s32 $0x7530, v23;
	v49 =	vld.idx.msk [tilespmem:v49+s2+$0x0], $0xffff  }
0x86: {  	v0 =	vadd.s32 $0x7530, v21;
	v51 =	vld.idx.msk [tilespmem:v51+s2+$0x0], $0xffff  }
0x87: {  	v58 =	vadd.s32 $0x7530, v22;
	v50 =	vld.idx.msk [tilespmem:v50+s2+$0x0], $0xffff  }
0x88: {  	v52 =	vadd.s32 $0x7530, v16;
	v44 =	vld.idx.msk [tilespmem:v56+s2+$0x0], $0xffff  }
0x89: {  	v45 =	vld.idx.msk [tilespmem:v57+s2+$0x0], $0xffff  }
0x8a: {  	v1 =	vld.idx.msk [tilespmem:v1+s2+$0x0], $0xffff  }
0x8b: {  	v0 =	vld.idx.msk [tilespmem:v0+s2+$0x0], $0xffff  }
0x8c: {  	v46 =	vld.idx.msk [tilespmem:v58+s2+$0x0], $0xffff  }
0x8d: {  	v52 =	vld.idx.msk [tilespmem:v52+s2+$0x0], $0xffff  }
0x8e: {  	v40 =	vld.idx.msk [tilespmem:v10+s2+$0x0], $0xffff  }
0x8f: {  	v53 =	vld.idx.msk [tilespmem:v61+s2+$0x0], $0xffff;
	v56 =	vadd.s32 $0x9C40, v28;
	v57 =	vadd.s32 $0x9C40, v27  }
0x90: {  	v54 =	vld.idx.msk [tilespmem:v8+s2+$0x0], $0xffff;
	v38 =	vmax.f32 v60, v63;
	v63 =	vmax.f32 v49, v50;
	v60 =	vmax.f32 v43, v44  }
0x91: {  	v58 =	vld.idx.msk [tilespmem:v6+s2+$0x0], $0xffff;
	v1 =	vmax.f32 v33, v1;
	v0 =	vmax.f32 v0, v39;
	v39 =	vmax.f32 v41, v42  }
0x92: {  	v43 =	vld.idx.msk [tilespmem:v13+s2+$0x0], $0xffff;
	v1 =	vmax.f32 v38, v1;
	v62 =	vmax.f32 v45, v46;
	v49 =	vmax.f32 v51, v52  }
0x93: {  	v33 =	vld.idx.msk [tilespmem:v5+s2+$0x0], $0xffff;
	v0 =	vmax.f32 v0, v39;
	v50 =	vmax.f32 v60, v62;
	v51 =	vmax.f32 v63, v49  }
0x94: {  	v42 =	vld.idx.msk [tilespmem:v15+s2+$0x0], $0xffff;
	v52 =	vadd.s32 $0x9C40, v25;
	v0 =	vmax.f32 v1, v0;
	v1 =	vmax.f32 v50, v51  }
0x95: {  	v14 =	vmovc v26;
	v26 =	vmov v59;
	v38 =	vld.idx.msk [tilespmem:v59+s2+$0x0], $0xffff;
	v59 =	vadd.s32 $0x9C40, v18;
	v0 =	vmax.f32 v0, v1  }
0x96: {  	v41 =	vld.idx.msk [tilespmem:v12+s2+$0x0], $0xffff;
	v60 =	vadd.s32 $0x9C40, v31;
	[tilespmem:s28+$0xFFFFFE10] =	vst v0  }
0x97: {  	v62 =	vadd.s32 $0x9C40, v30;
	v44 =	vld.idx.msk [tilespmem:v56+s2+$0x0], $0xffff  }
0x98: {  	v63 =	vadd.s32 $0x9C40, v29;
	v46 =	vld.idx.msk [tilespmem:v57+s2+$0x0], $0xffff  }
0x99: {  	v1 =	vadd.s32 $0x9C40, v23;
	v39 =	vld.idx.msk [tilespmem:v52+s2+$0x0], $0xffff  }
0x9a: {  	v0 =	vadd.s32 $0x9C40, v21;
	v45 =	vld.idx.msk [tilespmem:v59+s2+$0x0], $0xffff  }
0x9b: {  	v52 =	vadd.s32 $0x9C40, v14;
	v49 =	vld.idx.msk [tilespmem:v60+s2+$0x0], $0xffff  }
0x9c: {  	v56 =	vadd.s32 $0x9C40, v24;
	v50 =	vld.idx.msk [tilespmem:v62+s2+$0x0], $0xffff  }
0x9d: {  	v57 =	vadd.s32 $0x9C40, v22;
	v51 =	vld.idx.msk [tilespmem:v63+s2+$0x0], $0xffff  }
0x9e: {  	v59 =	vadd.s32 $0x9C40, v20;
	v1 =	vld.idx.msk [tilespmem:v1+s2+$0x0], $0xffff  }
0x9f: {  	v60 =	vadd.s32 $0x9C40, v19;
	v0 =	vld.idx.msk [tilespmem:v0+s2+$0x0], $0xffff  }
0xa0: {  	v35 =	vmax.f32 v35, v47;
	v2 =	vmax.f32 v2, v36;
	v63 =	vadd.s32 $0x9C40, v17;
	v52 =	vld.idx.msk [tilespmem:v52+s2+$0x0], $0xffff  }
0xa1: {  	v47 =	vadd.s32 $0x9C40, v16;
	v2 =	vmax.f32 v35, v2;
	v36 =	vld.idx.msk [tilespmem:v56+s2+$0x0], $0xffff  }
0xa2: {  	v35 =	vadd.s32 $0x2710, v9;
	v32 =	vmax.f32 v32, v34;
	v37 =	vmax.f32 v37, v53;
	v57 =	vld.idx.msk [tilespmem:v57+s2+$0x0], $0xffff  }
0xa3: {  	v34 =	vadd.s32 $0x2710, v11;
	v32 =	vmax.f32 v32, v37;
	v58 =	vmax.f32 v54, v58;
	v53 =	vld.idx.msk [tilespmem:v59+s2+$0x0], $0xffff  }
0xa4: {  	v40 =	vmax.f32 v40, v43;
	v33 =	vmax.f32 v33, v42;
	v38 =	vmax.f32 v38, v41;
	v41 =	vld.idx.msk [tilespmem:v60+s2+$0x0], $0xffff  }
0xa5: {  	v33 =	vmax.f32 v58, v33;
	v62 =	vadd.s32 $0x2710, v55;
	v60 =	vmax.f32 v38, v40;
	v37 =	vld.idx.msk [tilespmem:v63+s2+$0x0], $0xffff  }
0xa6: {  	v2 =	vmax.f32 v2, v32;
	v56 =	vadd.s32 $0x2710, v48;
	v63 =	vmax.f32 v33, v60;
	v33 =	vld.idx.msk [tilespmem:v47+s2+$0x0], $0xffff  }
0xa7: {  	v54 =	vadd.s32 $0x2710, v3;
	v58 =	vadd.s32 $0x2710, v4;
	v2 =	vmax.f32 v2, v63  }
0xa8: {  	v59 =	vadd.s32 $0xC350, v27;
	v38 =	vadd.s32 $0x2710, v7;
	v60 =	vmax.f32 v44, v46;
	[tilespmem:s28+$0xFFFFF800] =	vst v2  }
0xa9: {  	v1 =	vmax.f32 v39, v1;
	v63 =	vmax.f32 v49, v50;
	v2 =	vadd.s32 $0xC350, v28;
	v34 =	vld.idx.msk [tilespmem:v34+s2+$0x0], $0xffff  }
0xaa: {  	v0 =	vmax.f32 v0, v45;
	v1 =	vmax.f32 v60, v1;
	v4 =	vld.idx.msk [tilespmem:v62+s2+$0x0], $0xffff;
	v49 =	vmax.f32 v51, v52  }
0xab: {  	v36 =	vmax.f32 v36, v57;
	v46 =	vld.idx.msk [tilespmem:v56+s2+$0x0], $0xffff;
	v41 =	vmax.f32 v53, v41;
	v33 =	vmax.f32 v37, v33  }
0xac: {  	v0 =	vmax.f32 v0, v63;
	v35 =	vld.idx.msk [tilespmem:v35+s2+$0x0], $0xffff;
	v36 =	vmax.f32 v49, v36;
	v33 =	vmax.f32 v41, v33  }
0xad: {  	v50 =	vadd.s32 $0xC350, v25;
	v32 =	vld.idx.msk [tilespmem:v58+s2+$0x0], $0xffff;
	v0 =	vmax.f32 v1, v0;
	v1 =	vmax.f32 v36, v33  }
0xae: {  	v37 =	vld.idx.msk [tilespmem:v38+s2+$0x0], $0xffff;
	v0 =	vmax.f32 v0, v1;
	v1 =	vadd.s32 $0xC350, v23  }
0xaf: {  	v36 =	vld.idx.msk [tilespmem:v54+s2+$0x0], $0xffff;
	[tilespmem:s28+$0x10] =	vst v0;
	v0 =	vadd.s32 $0xC350, v21  }
0xb0: {  	v51 =	vadd.s32 $0xC350, v18;
	v2 =	vld.idx.msk [tilespmem:v2+s2+$0x0], $0xffff  }
0xb1: {  	v52 =	vadd.s32 $0xC350, v31;
	v40 =	vld.idx.msk [tilespmem:v59+s2+$0x0], $0xffff  }
0xb2: {  	v53 =	vadd.s32 $0xC350, v30;
	v33 =	vld.idx.msk [tilespmem:v50+s2+$0x0], $0xffff  }
0xb3: {  	v54 =	vadd.s32 $0xC350, v29;
	v1 =	vld.idx.msk [tilespmem:v1+s2+$0x0], $0xffff  }
0xb4: {  	v56 =	vadd.s32 $0xC350, v14;
	v0 =	vld.idx.msk [tilespmem:v0+s2+$0x0], $0xffff;
	[tilespmem:$0x1FAE0] =	vst v14  }
0xb5: {  	v57 =	vadd.s32 $0xC350, v24;
	v38 =	vld.idx.msk [tilespmem:v51+s2+$0x0], $0xffff;
	[tilespmem:$0x1FAF0] =	vst v24  }
0xb6: {  	v58 =	vadd.s32 $0xC350, v22;
	v41 =	vld.idx.msk [tilespmem:v52+s2+$0x0], $0xffff;
	[tilespmem:$0x1FB00] =	vst v22  }
0xb7: {  	v59 =	vadd.s32 $0xC350, v20;
	v42 =	vld.idx.msk [tilespmem:v53+s2+$0x0], $0xffff;
	[tilespmem:$0x1FB10] =	vst v20  }
0xb8: {  	v60 =	vadd.s32 $0xC350, v19;
	v43 =	vld.idx.msk [tilespmem:v54+s2+$0x0], $0xffff;
	[tilespmem:$0x1FB20] =	vst v19  }
0xb9: {  	v62 =	vadd.s32 $0xC350, v17;
	v44 =	vld.idx.msk [tilespmem:v56+s2+$0x0], $0xffff;
	[tilespmem:$0x1FB30] =	vst v17  }
0xba: {  	v63 =	vadd.s32 $0xC350, v16;
	v45 =	vld.idx.msk [tilespmem:v57+s2+$0x0], $0xffff;
	[tilespmem:$0x1FB40] =	vst v16  }
0xbb: {  	v53 =	vadd.s32 $0x2710, v61;
	v47 =	vld.idx.msk [tilespmem:v58+s2+$0x0], $0xffff  }
0xbc: {  	v54 =	vadd.s32 $0x2710, v8;
	v49 =	vld.idx.msk [tilespmem:v59+s2+$0x0], $0xffff  }
0xbd: {  	v56 =	vadd.s32 $0x2710, v6;
	v50 =	vld.idx.msk [tilespmem:v60+s2+$0x0], $0xffff  }
0xbe: {  	v57 =	vadd.s32 $0x2710, v5;
	v51 =	vld.idx.msk [tilespmem:v62+s2+$0x0], $0xffff  }
0xbf: {  	v58 =	vadd.s32 $0x2710, v15;
	v52 =	vld.idx.msk [tilespmem:v63+s2+$0x0], $0xffff  }
0xc0: {  	v2 =	vmax.f32 v2, v40;
	v40 =	vadd.s32 $0xEA60, v28;
	v59 =	vadd.s32 $0x2710, v26;
	v53 =	vld.idx.msk [tilespmem:v53+s2+$0x0], $0xffff  }
0xc1: {  	v1 =	vmax.f32 v33, v1;
	v33 =	vadd.s32 $0xEA60, v27;
	v63 =	vadd.s32 $0x2710, v13;
	v54 =	vld.idx.msk [tilespmem:v54+s2+$0x0], $0xffff  }
0xc2: {  	v1 =	vmax.f32 v2, v1;
	v0 =	vmax.f32 v0, v38;
	v60 =	vadd.s32 $0x2710, v12;
	v56 =	vld.idx.msk [tilespmem:v56+s2+$0x0], $0xffff  }
0xc3: {  	v62 =	vadd.s32 $0x2710, v10;
	v41 =	vmax.f32 v41, v42;
	v42 =	vmax.f32 v43, v44;
	v38 =	vld.idx.msk [tilespmem:v57+s2+$0x0], $0xffff  }
0xc4: {  	v43 =	vmax.f32 v45, v47;
	v44 =	vld.idx.msk [tilespmem:v58+s2+$0x0], $0xffff;
	v50 =	vmax.f32 v49, v50;
	v57 =	vmax.f32 v51, v52  }
0xc5: {  	v0 =	vmax.f32 v0, v41;
	v2 =	vld.idx.msk [tilespmem:v59+s2+$0x0], $0xffff;
	v58 =	vmax.f32 v42, v43;
	v59 =	vmax.f32 v50, v57  }
0xc6: {  	v0 =	vmax.f32 v1, v0;
	v45 =	vld.idx.msk [tilespmem:v63+s2+$0x0], $0xffff;
	v63 =	vadd.s32 $0xEA60, v31;
	v1 =	vmax.f32 v58, v59  }
0xc7: {  	v52 =	vadd.s32 $0xEA60, v14;
	v43 =	vld.idx.msk [tilespmem:v60+s2+$0x0], $0xffff;
	v0 =	vmax.f32 v0, v1  }
0xc8: {  	v14 =	vadd.s32 $0xEA60, v24;
	v42 =	vld.idx.msk [tilespmem:v62+s2+$0x0], $0xffff;
	[tilespmem:s28+$0x210] =	vst v0  }
0xc9: {  	v37 =	vmax.f32 v46, v37;
	v46 =	vadd.s32 $0xEA60, v19;
	v40 =	vld.idx.msk [tilespmem:v40+s2+$0x0], $0xffff  }
0xca: {  	v60 =	vadd.s32 $0xEA60, v25;
	v33 =	vld.idx.msk [tilespmem:v33+s2+$0x0], $0xffff  }
0xcb: {  	v34 =	vmax.f32 v34, v4;
	v62 =	vadd.s32 $0xEA60, v18;
	v49 =	vld.idx.msk [tilespmem:v63+s2+$0x0], $0xffff  }
0xcc: {  	v35 =	vmax.f32 v35, v36;
	v50 =	vadd.s32 $0xEA60, v30;
	v32 =	vmax.f32 v32, v53;
	v36 =	vld.idx.msk [tilespmem:v52+s2+$0x0], $0xffff  }
0xcd: {  	v34 =	vmax.f32 v34, v37;
	v51 =	vadd.s32 $0xEA60, v29;
	v32 =	vmax.f32 v35, v32;
	v52 =	vld.idx.msk [tilespmem:v14+s2+$0x0], $0xffff  }
0xce: {  	v58 =	vadd.s32 $0xEA60, v22;
	v32 =	vmax.f32 v34, v32;
	v34 =	vld.idx.msk [tilespmem:v46+s2+$0x0], $0xffff  }
0xcf: {  	v1 =	vadd.s32 $0xEA60, v23;
	v41 =	vld.idx.msk [tilespmem:v60+s2+$0x0], $0xffff  }
0xd0: {  	v0 =	vadd.s32 $0xEA60, v21;
	v47 =	vld.idx.msk [tilespmem:v62+s2+$0x0], $0xffff  }
0xd1: {  	v37 =	vadd.s32 $0xEA60, v17;
	v63 =	vmax.f32 v54, v56;
	v38 =	vmax.f32 v38, v44;
	v50 =	vld.idx.msk [tilespmem:v50+s2+$0x0], $0xffff  }
0xd2: {  	v62 =	vadd.s32 $0xEA60, v20;
	v20 =	vld.idx.msk [tilespmem:v51+s2+$0x0], $0xffff;
	v2 =	vmax.f32 v2, v43;
	v42 =	vmax.f32 v42, v45  }
0xd3: {  	v14 =	vadd.s32 $0xEA60, v16;
	v56 =	vmax.f32 v63, v38;
	v43 =	vld.idx.msk [tilespmem:v58+s2+$0x0], $0xffff;
	v2 =	vmax.f32 v2, v42  }
0xd4: {  	v1 =	vld.idx.msk [tilespmem:v1+s2+$0x0], $0xffff;
	v2 =	vmax.f32 v56, v2  }
0xd5: {  	v60 =	vadd.s32 $0x4E20, v11;
	v0 =	vld.idx.msk [tilespmem:v0+s2+$0x0], $0xffff;
	v2 =	vmax.f32 v32, v2  }
0xd6: {  	v32 =	vld.idx.msk [tilespmem:v37+s2+$0x0], $0xffff;
	[tilespmem:s28+$0xFFFFFA00] =	vst v2  }
0xd7: {  	v59 =	vadd.s32 $0x4E20, v55;
	v24 =	vld [tilespmem:$0x1FC70]  }
0xd8: {  	v57 =	vadd.s32 $0x4E20, v48;
	v2 =	vld.idx.msk [tilespmem:v14+s2+$0x0], $0xffff  }
0xd9: {  	v63 =	vadd.s32 $0x4E20, v61;
	v38 =	vld.idx.msk [tilespmem:v62+s2+$0x0], $0xffff  }
0xda: {  	v54 =	vadd.s32 $0x4E20, v8;
	v45 =	vld.idx.msk [tilespmem:v60+s2+$0x0], $0xffff  }
0xdb: {  	v58 =	vadd.s32 $0x4E20, v7;
	v22 =	vld [tilespmem:$0x1FC80]  }
0xdc: {  	v51 =	vld.idx.msk [tilespmem:v59+s2+$0x0], $0xffff;
	v14 =	vadd.s32 $0x4E20, v24  }
0xdd: {  	v56 =	vadd.s32 $0x4E20, v6;
	v42 =	vld.idx.msk [tilespmem:v57+s2+$0x0], $0xffff  }
0xde: {  	v39 =	vmov v5;
	v37 =	vadd.s32 $0x4E20, v9;
	v53 =	vld.idx.msk [tilespmem:v63+s2+$0x0], $0xffff  }
0xdf: {  	v57 =	vadd.s32 $0x4E20, v39;
	v54 =	vld.idx.msk [tilespmem:v54+s2+$0x0], $0xffff  }
0xe0: {  	v35 =	vld.idx.msk [tilespmem:v58+s2+$0x0], $0xffff;
	v62 =	vadd.s32 $0x4E20, v22  }
0xe1: {  	v28 =	vadd.s32 $0x11170, v28;
	v44 =	vld.idx.msk [tilespmem:v14+s2+$0x0], $0xffff;
	v14 =	vadd.s32 $0x4E20, v26  }
0xe2: {  	v3 =	vmovc v6;
	v33 =	vmax.f32 v40, v33;
	v40 =	vadd.s32 $0x4E20, v13;
	v60 =	vadd.s32 $0x4E20, v12;
	v56 =	vld.idx.msk [tilespmem:v56+s2+$0x0], $0xffff  }
0xe3: {  	v19 =	vmovc v61;
	v61 =	vmovc v55;
	v63 =	vadd.s32 $0x7530, v55;
	v55 =	vmax.f32 v49, v50;
	v58 =	vadd.s32 $0x4E20, v15;
	v37 =	vld.idx.msk [tilespmem:v37+s2+$0x0], $0xffff  }
0xe4: {  	v36 =	vmax.f32 v20, v36;
	v1 =	vmax.f32 v41, v1;
	v0 =	vmax.f32 v0, v47;
	v57 =	vld.idx.msk [tilespmem:v57+s2+$0x0], $0xffff  }
0xe5: {  	v6 =	vmovc v13;
	v1 =	vmax.f32 v33, v1;
	v2 =	vmax.f32 v32, v2;
	v46 =	vld.idx.msk [tilespmem:v62+s2+$0x0], $0xffff;
	v62 =	vadd.s32 $0x4E20, v10  }
0xe6: {  	v0 =	vmax.f32 v0, v55;
	v34 =	vmax.f32 v38, v34;
	v13 =	vld.idx.msk [tilespmem:v14+s2+$0x0], $0xffff;
	v14 =	vmax.f32 v52, v43  }
0xe7: {  	v0 =	vmax.f32 v1, v0;
	v1 =	vld.idx.msk [tilespmem:v40+s2+$0x0], $0xffff;
	v2 =	vmax.f32 v34, v2;
	v50 =	vmax.f32 v36, v14  }
0xe8: {  	v58 =	vld.idx.msk [tilespmem:v58+s2+$0x0], $0xffff;
	v2 =	vmax.f32 v50, v2  }
0xe9: {  	v43 =	vld.idx.msk [tilespmem:v60+s2+$0x0], $0xffff;
	v0 =	vmax.f32 v0, v2  }
0xea: {  	v47 =	vld.idx.msk [tilespmem:v62+s2+$0x0], $0xffff;
	[tilespmem:s28+$0x410] =	vst v0  }
0xeb: {  	v17 =	vld.idx.msk [tilespmem:v28+s2+$0x0], $0xffff  }
0xec: {  	v27 =	vadd.s32 $0x11170, v27;
	_ =	sdelay $0x3  }
0xed: {  	[tilespmem:$0x1FCB0] =	vst v17  }
0xee: {  	v17 =	vld.idx.msk [tilespmem:v27+s2+$0x0], $0xffff  }
0xef: {  	v25 =	vadd.s32 $0x11170, v25;
	_ =	sdelay $0x3  }
0xf0: {  	[tilespmem:$0x1FCC0] =	vst v17  }
0xf1: {  	v17 =	vld.idx.msk [tilespmem:v25+s2+$0x0], $0xffff  }
0xf2: {  	v2 =	vadd.s32 $0x11170, v23;
	_ =	sdelay $0x2  }
0xf3: {  	[tilespmem:$0x1FC40] =	vst v48  }
0xf4: {  	[tilespmem:$0x1FCD0] =	vst v17  }
0xf5: {  	v2 =	vld.idx.msk [tilespmem:v2+s2+$0x0], $0xffff  }
0xf6: {  	v0 =	vadd.s32 $0x11170, v21;
	_ =	sdelay $0x3  }
0xf7: {  	[tilespmem:$0x1FCE0] =	vst v2  }
0xf8: {  	v18 =	vadd.s32 $0x11170, v18;
	v0 =	vld.idx.msk [tilespmem:v0+s2+$0x0], $0xffff  }
0xf9: {  	v54 =	vmax.f32 v54, v56;
	v52 =	vmax.f32 v45, v51;
	v23 =	vmax.f32 v42, v35  }
0xfa: {  	v21 =	vmax.f32 v52, v23;
	v23 =	vmax.f32 v37, v44;
	v28 =	vmax.f32 v46, v53  }
0xfb: {  	v55 =	vmax.f32 v13, v43;
	v1 =	vmax.f32 v47, v1;
	v27 =	vmax.f32 v57, v58  }
0xfc: {  	v23 =	vmax.f32 v23, v28;
	v1 =	vmax.f32 v55, v1;
	v25 =	vmax.f32 v54, v27  }
0xfd: {  	v1 =	vmax.f32 v25, v1;
	v2 =	vmax.f32 v21, v23;
	[tilespmem:$0x1FCF0] =	vst v0  }
0xfe: {  	v0 =	vmax.f32 v2, v1;
	v2 =	vld.idx.msk [tilespmem:v18+s2+$0x0], $0xffff;
	_ =	sdelay $0x1  }
0xff: {  	v41 =	vadd.s32 $0x7530, v11;
	_ =	sdelay $0x1  }
0x100: {  	v27 =	vadd.s32 $0x7530, v48  }
0x101: {  	v21 =	vadd.s32 $0x7530, v7;
	[tilespmem:$0x1FD00] =	vst v2  }
0x102: {  	v1 =	vadd.s32 $0x7530, v9;
	[tilespmem:s28+$0xFFFFFC00] =	vst v0  }
0x103: {  	v18 =	vadd.s32 $0x7530, v22;
	v4 =	vld.idx.msk [tilespmem:v41+s2+$0x0], $0xffff  }
0x104: {  	v0 =	vadd.s32 $0x7530, v24;
	v23 =	vld.idx.msk [tilespmem:v63+s2+$0x0], $0xffff  }
0x105: {  	v5 =	vmov v8;
	v25 =	vadd.s32 $0x7530, v19;
	v27 =	vld.idx.msk [tilespmem:v27+s2+$0x0], $0xffff  }
0x106: {  	v28 =	vadd.s32 $0x7530, v5;
	v21 =	vld.idx.msk [tilespmem:v21+s2+$0x0], $0xffff  }
0x107: {  	v8 =	vmov v39;
	v20 =	vmov v3;
	v56 =	vadd.s32 $0x7530, v3;
	v3 =	vld.idx.msk [tilespmem:v1+s2+$0x0], $0xffff  }
0x108: {  	v57 =	vadd.s32 $0x7530, v8;
	v18 =	vld.idx.msk [tilespmem:v18+s2+$0x0], $0xffff  }
0x109: {  	v58 =	vadd.s32 $0x7530, v15;
	v2 =	vld.idx.msk [tilespmem:v0+s2+$0x0], $0xffff;
	[tilespmem:$0x1FE20] =	vst v26  }
0x10a: {  	v59 =	vadd.s32 $0x7530, v26;
	v25 =	vld.idx.msk [tilespmem:v25+s2+$0x0], $0xffff;
	[tilespmem:$0x1FE30] =	vst v12  }
0x10b: {  	v60 =	vadd.s32 $0x7530, v12;
	v28 =	vld.idx.msk [tilespmem:v28+s2+$0x0], $0xffff;
	[tilespmem:$0x1FE40] =	vst v10  }
0x10c: {  	v62 =	vadd.s32 $0x7530, v10;
	v49 =	vld.idx.msk [tilespmem:v56+s2+$0x0], $0xffff;
	[tilespmem:$0x1FE50] =	vst v6  }
0x10d: {  	v63 =	vadd.s32 $0x7530, v6;
	v50 =	vld.idx.msk [tilespmem:v57+s2+$0x0], $0xffff  }
0x10e: {  	v51 =	vld.idx.msk [tilespmem:v58+s2+$0x0], $0xffff  }
0x10f: {  	v52 =	vld.idx.msk [tilespmem:v59+s2+$0x0], $0xffff  }
0x110: {  	v53 =	vld.idx.msk [tilespmem:v60+s2+$0x0], $0xffff  }
0x111: {  	v54 =	vld.idx.msk [tilespmem:v62+s2+$0x0], $0xffff  }
0x112: {  	s0 =	simm.s32 $0x148A0;
	v56 =	vld.idx.msk [tilespmem:v63+s2+$0x0], $0xffff  }
0x113: {  	v47 =	vld [tilespmem:s0+$0xFFFFF010]  }
0x114: {  	v46 =	vld [tilespmem:s0+$0xFFFFF210]  }
0x115: {  	v45 =	vld [tilespmem:s0+$0xFFFFF410]  }
0x116: {  	v44 =	vld [tilespmem:s0+$0xFFFFF610]  }
0x117: {  	v43 =	vld [tilespmem:s0+$0xFFFFF810]  }
0x118: {  	v42 =	vld [tilespmem:s0+$0xFFFFFA10]  }
0x119: {  	v41 =	vld [tilespmem:s0+$0xFFFFFC10]  }
0x11a: {  	v40 =	vld [tilespmem:s0+$0xFFFFFE10]  }
0x11b: {  	v39 =	vld [tilespmem:s0+$0x10]  }
0x11c: {  	v38 =	vld [tilespmem:s0+$0x210]  }
0x11d: {  	v37 =	vld [tilespmem:s0+$0x410]  }
0x11e: {  	v36 =	vld [tilespmem:s0+$0x610]  }
0x11f: {  	v35 =	vld [tilespmem:s0+$0x810]  }
0x120: {  	v34 =	vld [tilespmem:s0+$0xA10]  }
0x121: {  	v55 =	vld [tilespmem:s0+$0xC10]  }
0x122: {  	v13 =	vmov v24;
	v24 =	vmov v8;
	v8 =	vld [tilespmem:s0+$0xE10]  }
0x123: {  	v57 =	vld.idx.msk [tilespmem:v47+s2+$0x0], $0xffff  }
0x124: {  	v33 =	vld.idx.msk [tilespmem:v46+s2+$0x0], $0xffff  }
0x125: {  	v59 =	vld.idx.msk [tilespmem:v45+s2+$0x0], $0xffff  }
0x126: {  	v60 =	vld.idx.msk [tilespmem:v44+s2+$0x0], $0xffff  }
0x127: {  	v62 =	vld.idx.msk [tilespmem:v43+s2+$0x0], $0xffff  }
0x128: {  	v63 =	vld.idx.msk [tilespmem:v42+s2+$0x0], $0xffff  }
0x129: {  	v1 =	vld.idx.msk [tilespmem:v41+s2+$0x0], $0xffff  }
0x12a: {  	v0 =	vld.idx.msk [tilespmem:v40+s2+$0x0], $0xffff  }
0x12b: {  	v4 =	vmax.f32 v4, v23;
	v23 =	vld.idx.msk [tilespmem:v39+s2+$0x0], $0xffff  }
0x12c: {  	v2 =	vmax.f32 v3, v2;
	v3 =	vmax.f32 v18, v25;
	v18 =	vld.idx.msk [tilespmem:v38+s2+$0x0], $0xffff  }
0x12d: {  	v21 =	vmax.f32 v27, v21;
	v27 =	vadd.s32 $0x11170, v31;
	v2 =	vmax.f32 v2, v3;
	v3 =	vld.idx.msk [tilespmem:v37+s2+$0x0], $0xffff  }
0x12e: {  	v4 =	vmax.f32 v4, v21;
	v21 =	vmax.f32 v28, v49;
	v28 =	vld.idx.msk [tilespmem:v36+s2+$0x0], $0xffff  }
0x12f: {  	v25 =	vmax.f32 v50, v51;
	v31 =	vmax.f32 v52, v53;
	v56 =	vmax.f32 v54, v56;
	v50 =	vld.idx.msk [tilespmem:v35+s2+$0x0], $0xffff  }
0x130: {  	v21 =	vmax.f32 v21, v25;
	v25 =	vmax.f32 v31, v56;
	v31 =	vld.idx.msk [tilespmem:v34+s2+$0x0], $0xffff;
	[tilespmem:$0x1FE60] =	vst v11  }
0x131: {  	v2 =	vmax.f32 v4, v2;
	v4 =	vmax.f32 v21, v25;
	v25 =	vld.idx.msk [tilespmem:v55+s2+$0x0], $0xffff;
	[tilespmem:$0x1FC30] =	vst v61  }
0x132: {  	v14 =	vmov v9;
	v9 =	vmov v22;
	v22 =	vmov v5;
	v5 =	vld.idx.msk [tilespmem:v27+s2+$0x0], $0xffff  }
0x133: {  	v30 =	vadd.s32 $0x11170, v30;
	_ =	sdelay $0x3  }
0x134: {  	v32 =	vld.idx.msk [tilespmem:v8+s2+$0x0], $0xffff;
	[tilespmem:$0x1FD10] =	vst v5  }
0x135: {  	v0 =	vmax.f32 v1, v0;
	v1 =	vld.idx.msk [tilespmem:v30+s2+$0x0], $0xffff;
	_ =	sdelay $0x2  }
0x136: {  	v29 =	vadd.s32 $0x11170, v29  }
0x137: {  	[tilespmem:$0x1FC50] =	vst v7  }
0x138: {  	v2 =	vmax.f32 v2, v4;
	[tilespmem:$0x1FD20] =	vst v1  }
0x139: {  	[tilespmem:s28+$0xFFFFFE00] =	vst v2  }
0x13a: {  	[tilespmem:$0x1FC60] =	vst v14  }
0x13b: {  	v5 =	vld.idx.msk [tilespmem:v29+s2+$0x0], $0xffff  }
0x13c: {  	v21 =	vadd.s32 $0x9C40, v11  }
0x13d: {  	v4 =	vadd.s32 $0x9C40, v61  }
0x13e: {  	v27 =	vadd.s32 $0x9C40, v48;
	v33 =	vmax.f32 v57, v33  }
0x13f: {  	v56 =	vmax.f32 v59, v60;
	v57 =	vmax.f32 v62, v63;
	v1 =	vadd.s32 $0x9C40, v7  }
0x140: {  	v3 =	vmax.f32 v3, v28;
	v2 =	vmax.f32 v23, v18;
	v18 =	vadd.s32 $0x9C40, v14;
	[tilespmem:$0x1FD30] =	vst v5  }
0x141: {  	v28 =	vmax.f32 v50, v31;
	v31 =	vmax.f32 v33, v56;
	v23 =	vadd.s32 $0x9C40, v13;
	v21 =	vld.idx.msk [tilespmem:v21+s2+$0x0], $0xffff  }
0x142: {  	v0 =	vmax.f32 v57, v0;
	v25 =	vmax.f32 v25, v32;
	v29 =	vadd.s32 $0x2710, v47;
	v16 =	vld.idx.msk [tilespmem:v4+s2+$0x0], $0xffff  }
0x143: {  	v30 =	vadd.s32 $0x2710, v46;
	v2 =	vmax.f32 v2, v3;
	v3 =	vmax.f32 v28, v25;
	v27 =	vld.idx.msk [tilespmem:v27+s2+$0x0], $0xffff  }
0x144: {  	v0 =	vmax.f32 v31, v0;
	v2 =	vmax.f32 v2, v3;
	v3 =	vadd.s32 $0x2710, v45;
	v5 =	vld.idx.msk [tilespmem:v1+s2+$0x0], $0xffff  }
0x145: {  	s29 =	simm.s32 $0x180A0;
	v0 =	vmax.f32 v0, v2;
	v2 =	vadd.s32 $0x2710, v44;
	v18 =	vld.idx.msk [tilespmem:v18+s2+$0x0], $0xffff  }
0x146: {  	v28 =	vadd.s32 $0x2710, v42;
	v23 =	vld.idx.msk [tilespmem:v23+s2+$0x0], $0xffff;
	[tilespmem:s29+$0xFFFFF810] =	vst v0  }
0x147: {  	v31 =	vadd.s32 $0x2710, v40;
	v25 =	vld.idx.msk [tilespmem:v29+s2+$0x0], $0xffff  }
0x148: {  	v58 =	vadd.s32 $0x2710, v39;
	v29 =	vld.idx.msk [tilespmem:v30+s2+$0x0], $0xffff  }
0x149: {  	v59 =	vadd.s32 $0x2710, v38;
	v3 =	vld.idx.msk [tilespmem:v3+s2+$0x0], $0xffff  }
0x14a: {  	v60 =	vadd.s32 $0x2710, v37;
	v2 =	vld.idx.msk [tilespmem:v2+s2+$0x0], $0xffff  }
0x14b: {  	v62 =	vadd.s32 $0x2710, v36;
	v28 =	vld.idx.msk [tilespmem:v28+s2+$0x0], $0xffff  }
0x14c: {  	v63 =	vadd.s32 $0x2710, v35;
	v31 =	vld.idx.msk [tilespmem:v31+s2+$0x0], $0xffff  }
0x14d: {  	v0 =	vadd.s32 $0x2710, v43;
	v49 =	vld.idx.msk [tilespmem:v58+s2+$0x0], $0xffff  }
0x14e: {  	v30 =	vadd.s32 $0x2710, v41;
	v50 =	vld.idx.msk [tilespmem:v59+s2+$0x0], $0xffff  }
0x14f: {  	v13 =	vadd.s32 $0x2710, v34;
	v51 =	vld.idx.msk [tilespmem:v60+s2+$0x0], $0xffff  }
0x150: {  	v14 =	vadd.s32 $0x2710, v55;
	v52 =	vld.idx.msk [tilespmem:v62+s2+$0x0], $0xffff  }
0x151: {  	v57 =	vadd.s32 $0x2710, v8;
	v53 =	vld.idx.msk [tilespmem:v63+s2+$0x0], $0xffff  }
0x152: {  	v1 =	vld.idx.msk [tilespmem:v0+s2+$0x0], $0xffff  }
0x153: {  	v30 =	vld.idx.msk [tilespmem:v30+s2+$0x0], $0xffff;
	[tilespmem:$0x1FDC0] =	vst v19  }
0x154: {  	v58 =	vadd.s32 $0x9C40, v9;
	v54 =	vld.idx.msk [tilespmem:v13+s2+$0x0], $0xffff;
	[tilespmem:$0x1FDE0] =	vst v22  }
0x155: {  	v60 =	vadd.s32 $0x9C40, v22;
	v56 =	vld.idx.msk [tilespmem:v14+s2+$0x0], $0xffff;
	[tilespmem:$0x1FDF0] =	vst v20  }
0x156: {  	v59 =	vadd.s32 $0x9C40, v19;
	v57 =	vld.idx.msk [tilespmem:v57+s2+$0x0], $0xffff  }
0x157: {  	v33 =	vadd.s32 $0x9C40, v24;
	v62 =	vadd.s32 $0x9C40, v20  }
0x158: {  	v0 =	vadd.s32 $0x9C40, v15;
	v25 =	vmax.f32 v25, v29;
	v2 =	vmax.f32 v3, v2;
	[tilespmem:$0x1FE00] =	vst v24  }
0x159: {  	v29 =	vadd.s32 $0x9C40, v26;
	v49 =	vmax.f32 v49, v50;
	v58 =	vld.idx.msk [tilespmem:v58+s2+$0x0], $0xffff;
	[tilespmem:$0x1FE10] =	vst v15;
	v1 =	vmax.f32 v1, v28  }
0x15a: {  	v28 =	vmax.f32 v30, v31;
	v30 =	vld.idx.msk [tilespmem:v60+s2+$0x0], $0xffff;
	v31 =	vadd.s32 $0x9C40, v12;
	v60 =	vmax.f32 v51, v52  }
0x15b: {  	v4 =	vld.idx.msk [tilespmem:v59+s2+$0x0], $0xffff;
	v53 =	vmax.f32 v53, v54;
	v1 =	vmax.f32 v1, v28;
	v12 =	vmax.f32 v56, v57  }
0x15c: {  	v51 =	vld.idx.msk [tilespmem:v62+s2+$0x0], $0xffff;
	v28 =	vmax.f32 v49, v60;
	v60 =	vmax.f32 v53, v12;
	v12 =	vadd.s32 $0x4E20, v42  }
0x15d: {  	v10 =	vadd.s32 $0x9C40, v10;
	v2 =	vmax.f32 v25, v2;
	v3 =	vld.idx.msk [tilespmem:v0+s2+$0x0], $0xffff  }
0x15e: {  	v1 =	vmax.f32 v2, v1;
	v56 =	vld.idx.msk [tilespmem:v33+s2+$0x0], $0xffff;
	v33 =	vadd.s32 $0x9C40, v6;
	v2 =	vmax.f32 v28, v60  }
0x15f: {  	v25 =	vadd.s32 $0x4E20, v47;
	v29 =	vld.idx.msk [tilespmem:v29+s2+$0x0], $0xffff;
	v1 =	vmax.f32 v1, v2  }
0x160: {  	v62 =	vadd.s32 $0x4E20, v46;
	v28 =	vld.idx.msk [tilespmem:v31+s2+$0x0], $0xffff;
	[tilespmem:s29+$0xFFFFFA10] =	vst v1  }
0x161: {  	v53 =	vld.idx.msk [tilespmem:v12+s2+$0x0], $0xffff;
	v12 =	vadd.s32 $0x4E20, v37  }
0x162: {  	v2 =	vld.idx.msk [tilespmem:v10+s2+$0x0], $0xffff  }
0x163: {  	v63 =	vadd.s32 $0x4E20, v44;
	v1 =	vld.idx.msk [tilespmem:v33+s2+$0x0], $0xffff  }
0x164: {  	v57 =	vadd.s32 $0x4E20, v40;
	v25 =	vld.idx.msk [tilespmem:v25+s2+$0x0], $0xffff  }
0x165: {  	v5 =	vmax.f32 v27, v5;
	v59 =	vadd.s32 $0x4E20, v39;
	v6 =	vmax.f32 v21, v16;
	v50 =	vld.idx.msk [tilespmem:v62+s2+$0x0], $0xffff  }
0x166: {  	v0 =	vadd.s32 $0x4E20, v35;
	v5 =	vmax.f32 v6, v5;
	v6 =	vld.idx.msk [tilespmem:v12+s2+$0x0], $0xffff  }
0x167: {  	v12 =	vld [tilespmem:$0x1FAE0]  }
0x168: {  	v49 =	vld.idx.msk [tilespmem:v63+s2+$0x0], $0xffff  }
0x169: {  	v4 =	vmax.f32 v58, v4;
	v58 =	vadd.s32 $0x4E20, v55;
	v57 =	vld.idx.msk [tilespmem:v57+s2+$0x0], $0xffff  }
0x16a: {  	v10 =	vadd.s32 $0x4E20, v43;
	v21 =	vld.idx.msk [tilespmem:v59+s2+$0x0], $0xffff  }
0x16b: {  	v33 =	vadd.s32 $0x4E20, v41;
	v0 =	vld.idx.msk [tilespmem:v0+s2+$0x0], $0xffff  }
0x16c: {  	v18 =	vmax.f32 v18, v23;
	v3 =	vmax.f32 v56, v3;
	v56 =	vld [tilespmem:$0x1FB00];
	v26 =	vadd.s32 $0x11170, v12  }
0x16d: {  	v27 =	vadd.s32 $0x4E20, v34;
	v4 =	vmax.f32 v18, v4;
	v1 =	vmax.f32 v2, v1;
	v2 =	vld [tilespmem:$0x1FAF0]  }
0x16e: {  	v31 =	vadd.s32 $0x4E20, v45;
	v4 =	vmax.f32 v5, v4;
	v5 =	vld.idx.msk [tilespmem:v58+s2+$0x0], $0xffff  }
0x16f: {  	v18 =	vadd.s32 $0x4E20, v8;
	v52 =	vld.idx.msk [tilespmem:v10+s2+$0x0], $0xffff  }
0x170: {  	v10 =	vadd.s32 $0x4E20, v38;
	v54 =	vld.idx.msk [tilespmem:v33+s2+$0x0], $0xffff  }
0x171: {  	v33 =	vadd.s32 $0x4E20, v36;
	v58 =	vld.idx.msk [tilespmem:v26+s2+$0x0], $0xffff  }
0x172: {  	v13 =	vmov v24;
	v24 =	vld.idx.msk [tilespmem:v27+s2+$0x0], $0xffff;
	v2 =	vadd.s32 $0x11170, v2  }
0x173: {  	v31 =	vld.idx.msk [tilespmem:v31+s2+$0x0], $0xffff  }
0x174: {  	v18 =	vld.idx.msk [tilespmem:v18+s2+$0x0], $0xffff  }
0x175: {  	v23 =	vld.idx.msk [tilespmem:v10+s2+$0x0], $0xffff  }
0x176: {  	v33 =	vld.idx.msk [tilespmem:v33+s2+$0x0], $0xffff;
	[tilespmem:$0x1FD40] =	vst v58  }
0x177: {  	v30 =	vmax.f32 v30, v51;
	v28 =	vmax.f32 v29, v28;
	v2 =	vld.idx.msk [tilespmem:v2+s2+$0x0], $0xffff  }
0x178: {  	v32 =	vmovc v22;
	v3 =	vmax.f32 v30, v3;
	v22 =	vadd.s32 $0x11170, v56;
	v1 =	vmax.f32 v28, v1  }
0x179: {  	v1 =	vmax.f32 v3, v1;
	v3 =	vld [tilespmem:$0x1FB10];
	_ =	sdelay $0x2  }
0x17a: {  	[tilespmem:$0x1FD50] =	vst v2  }
0x17b: {  	v62 =	vld.idx.msk [tilespmem:v22+s2+$0x0], $0xffff  }
0x17c: {  	v3 =	vadd.s32 $0x11170, v3  }
0x17d: {  	v1 =	vmax.f32 v4, v1;
	v4 =	vld [tilespmem:$0x1FB20];
	_ =	sdelay $0x2  }
0x17e: {  	[tilespmem:$0x1FD60] =	vst v62  }
0x17f: {  	v3 =	vld.idx.msk [tilespmem:v3+s2+$0x0], $0xffff  }
0x180: {  	v4 =	vadd.s32 $0x11170, v4  }
0x181: {  	v59 =	vld [tilespmem:$0x1FB30];
	_ =	sdelay $0x2  }
0x182: {  	[tilespmem:$0x1FD70] =	vst v3  }
0x183: {  	v4 =	vld.idx.msk [tilespmem:v4+s2+$0x0], $0xffff  }
0x184: {  	v17 =	vadd.s32 $0x11170, v59  }
0x185: {  	v2 =	vld [tilespmem:$0x1FB40];
	_ =	sdelay $0x2  }
0x186: {  	[tilespmem:$0x1FD80] =	vst v4  }
0x187: {  	v10 =	vld.idx.msk [tilespmem:v17+s2+$0x0], $0xffff  }
0x188: {  	v2 =	vadd.s32 $0x11170, v2;
	_ =	sdelay $0x3  }
0x189: {  	[tilespmem:$0x1FD90] =	vst v10  }
0x18a: {  	v2 =	vld.idx.msk [tilespmem:v2+s2+$0x0], $0xffff;
	_ =	sdelay $0x1  }
0x18b: {  	v26 =	vadd.s32 $0xC350, v11;
	_ =	sdelay $0x1  }
0x18c: {  	v0 =	vmax.f32 v0, v24  }
0x18d: {  	v6 =	vmax.f32 v6, v33;
	v3 =	vmax.f32 v21, v23;
	v4 =	vmax.f32 v5, v18;
	[tilespmem:$0x1FDA0] =	vst v2  }
0x18e: {  	v3 =	vmax.f32 v3, v6;
	v0 =	vmax.f32 v0, v4;
	[tilespmem:s28+$0x0] =	vst v1  }
0x18f: {  	v0 =	vmax.f32 v3, v0;
	v3 =	vld.idx.msk [tilespmem:v26+s2+$0x0], $0xffff  }
0x190: {  	v48 =	vmovc v7;
	v7 =	vmov v19;
	v19 =	vmax.f32 v25, v50;
	v25 =	vadd.s32 $0xC350, v61;
	_ =	sdelay $0x3  }
0x191: {  	[tilespmem:$0x1FB50] =	vst v3  }
0x192: {  	v3 =	vld.idx.msk [tilespmem:v25+s2+$0x0], $0xffff;
	_ =	sdelay $0x1  }
0x193: {  	v14 =	vmovc v20;
	v20 =	vmax.f32 v31, v49;
	v16 =	vmax.f32 v52, v53;
	v22 =	vmax.f32 v54, v57  }
0x194: {  	v16 =	vmax.f32 v16, v22;
	v5 =	vmax.f32 v19, v20  }
0x195: {  	v27 =	vadd.s32 $0x7530, v47;
	v1 =	vmax.f32 v5, v16  }
0x196: {  	v21 =	vadd.s32 $0x7530, v46;
	v0 =	vmax.f32 v1, v0;
	[tilespmem:$0x1FB60] =	vst v3  }
0x197: {  	v2 =	vadd.s32 $0x7530, v45;
	[tilespmem:s29+$0xFFFFFC10] =	vst v0  }
0x198: {  	v60 =	vmov v8;
	v25 =	vadd.s32 $0x7530, v8;
	v8 =	vld [tilespmem:$0x1FC40]  }
0x199: {  	v1 =	vadd.s32 $0x7530, v44  }
0x19a: {  	v4 =	vadd.s32 $0x7530, v42;
	v3 =	vld.idx.msk [tilespmem:v27+s2+$0x0], $0xffff  }
0x19b: {  	v6 =	vadd.s32 $0x7530, v41;
	v5 =	vld.idx.msk [tilespmem:v21+s2+$0x0], $0xffff  }
0x19c: {  	v16 =	vadd.s32 $0x7530, v40;
	v2 =	vld.idx.msk [tilespmem:v2+s2+$0x0], $0xffff  }
0x19d: {  	v26 =	vadd.s32 $0xC350, v8;
	v8 =	vld [tilespmem:$0x1FC60]  }
0x19e: {  	v18 =	vadd.s32 $0x7530, v39;
	v1 =	vld.idx.msk [tilespmem:v1+s2+$0x0], $0xffff  }
0x19f: {  	v19 =	vadd.s32 $0x7530, v38;
	v4 =	vld.idx.msk [tilespmem:v4+s2+$0x0], $0xffff  }
0x1a0: {  	v20 =	vadd.s32 $0x7530, v37;
	v6 =	vld.idx.msk [tilespmem:v6+s2+$0x0], $0xffff  }
0x1a1: {  	v22 =	vadd.s32 $0x7530, v35;
	v16 =	vld.idx.msk [tilespmem:v16+s2+$0x0], $0xffff  }
0x1a2: {  	v28 =	vadd.s32 $0xC350, v8;
	v8 =	vld [tilespmem:$0x1FC70]  }
0x1a3: {  	v23 =	vadd.s32 $0x7530, v34;
	v18 =	vld.idx.msk [tilespmem:v18+s2+$0x0], $0xffff  }
0x1a4: {  	v24 =	vadd.s32 $0x7530, v55;
	v19 =	vld.idx.msk [tilespmem:v19+s2+$0x0], $0xffff  }
0x1a5: {  	v20 =	vld.idx.msk [tilespmem:v20+s2+$0x0], $0xffff  }
0x1a6: {  	v0 =	vadd.s32 $0x7530, v43;
	v22 =	vld.idx.msk [tilespmem:v22+s2+$0x0], $0xffff  }
0x1a7: {  	v21 =	vadd.s32 $0x7530, v36;
	v63 =	vadd.s32 $0xC350, v8;
	v8 =	vld.idx.msk [tilespmem:v26+s2+$0x0], $0xffff  }
0x1a8: {  	v27 =	vadd.s32 $0xC350, v48;
	v23 =	vld.idx.msk [tilespmem:v23+s2+$0x0], $0xffff  }
0x1a9: {  	v24 =	vld.idx.msk [tilespmem:v24+s2+$0x0], $0xffff  }
0x1aa: {  	v25 =	vld.idx.msk [tilespmem:v25+s2+$0x0], $0xffff  }
0x1ab: {  	v0 =	vld.idx.msk [tilespmem:v0+s2+$0x0], $0xffff  }
0x1ac: {  	v21 =	vld.idx.msk [tilespmem:v21+s2+$0x0], $0xffff;
	[tilespmem:$0x1FB70] =	vst v8  }
0x1ad: {  	v1 =	vmax.f32 v2, v1;
	v2 =	vld.idx.msk [tilespmem:v27+s2+$0x0], $0xffff;
	_ =	sdelay $0x4  }
0x1ae: {  	[tilespmem:$0x1FB80] =	vst v2  }
0x1af: {  	v3 =	vmax.f32 v3, v5;
	v5 =	vld.idx.msk [tilespmem:v28+s2+$0x0], $0xffff;
	_ =	sdelay $0x4  }
0x1b0: {  	[tilespmem:$0x1FB90] =	vst v5  }
0x1b1: {  	v33 =	vadd.s32 $0xC350, v7;
	v7 =	vld.idx.msk [tilespmem:v63+s2+$0x0], $0xffff  }
0x1b2: {  	v12 =	vadd.s32 $0xC350, v9;
	_ =	sdelay $0x3  }
0x1b3: {  	[tilespmem:$0x1FBA0] =	vst v7  }
0x1b4: {  	v7 =	vld.idx.msk [tilespmem:v12+s2+$0x0], $0xffff;
	_ =	sdelay $0x4  }
0x1b5: {  	[tilespmem:$0x1FBB0] =	vst v7  }
0x1b6: {  	v1 =	vmax.f32 v3, v1;
	v3 =	vld.idx.msk [tilespmem:v33+s2+$0x0], $0xffff  }
0x1b7: {  	v2 =	vadd.s32 $0xC350, v32;
	_ =	sdelay $0x3  }
0x1b8: {  	[tilespmem:$0x1FBC0] =	vst v3  }
0x1b9: {  	v2 =	vld.idx.msk [tilespmem:v2+s2+$0x0], $0xffff  }
0x1ba: {  	v5 =	vadd.s32 $0xC350, v14;
	_ =	sdelay $0x1  }
0x1bb: {  	v0 =	vmax.f32 v0, v4;
	v4 =	vmax.f32 v6, v16;
	v6 =	vmax.f32 v18, v19  }
0x1bc: {  	v19 =	vmax.f32 v22, v23;
	v16 =	vmax.f32 v20, v21;
	v20 =	vmax.f32 v24, v25  }
0x1bd: {  	v0 =	vmax.f32 v0, v4;
	v4 =	vmax.f32 v6, v16;
	v6 =	vmax.f32 v19, v20;
	[tilespmem:$0x1FBD0] =	vst v2  }
0x1be: {  	v0 =	vmax.f32 v1, v0;
	v1 =	vmax.f32 v4, v6;
	v4 =	vld.idx.msk [tilespmem:v5+s2+$0x0], $0xffff  }
0x1bf: {  	v18 =	vadd.s32 $0xC350, v13;
	_ =	sdelay $0x3  }
0x1c0: {  	[tilespmem:$0x1FBE0] =	vst v4  }
0x1c1: {  	v0 =	vmax.f32 v0, v1;
	v1 =	vld.idx.msk [tilespmem:v18+s2+$0x0], $0xffff  }
0x1c2: {  	v22 =	vadd.s32 $0xC350, v15;
	_ =	sdelay $0x3  }
0x1c3: {  	[tilespmem:$0x1FBF0] =	vst v1  }
0x1c4: {  	[tilespmem:s29+$0xFFFFFE10] =	vst v0;
	v0 =	vld.idx.msk [tilespmem:v22+s2+$0x0], $0xffff  }
0x1c5: {  	v3 =	vadd.s32 $0x9C40, v47  }
0x1c6: {  	v4 =	vadd.s32 $0x9C40, v45  }
0x1c7: {  	v1 =	vadd.s32 $0x9C40, v44  }
0x1c8: {  	v5 =	vadd.s32 $0x9C40, v42  }
0x1c9: {  	v16 =	vadd.s32 $0x9C40, v40;
	[tilespmem:$0x1FC00] =	vst v0  }
0x1ca: {  	v19 =	vadd.s32 $0x9C40, v39;
	v29 =	vld.idx.msk [tilespmem:v3+s2+$0x0], $0xffff  }
0x1cb: {  	v27 =	vld.idx.msk [tilespmem:v4+s2+$0x0], $0xffff  }
0x1cc: {  	v24 =	vld.idx.msk [tilespmem:v1+s2+$0x0], $0xffff  }
0x1cd: {  	v23 =	vld.idx.msk [tilespmem:v5+s2+$0x0], $0xffff  }
0x1ce: {  	v21 =	vld.idx.msk [tilespmem:v16+s2+$0x0], $0xffff  }
0x1cf: {  	v25 =	vld.idx.msk [tilespmem:v19+s2+$0x0], $0xffff  }
0x1d0: {  	v30 =	vld [tilespmem:s0+$0xFFFFF200]  }
0x1d1: {  	v63 =	vld [tilespmem:s0+$0xFFFFF400]  }
0x1d2: {  	v57 =	vld [tilespmem:s0+$0xFFFFF600]  }
0x1d3: {  	v61 =	vld [tilespmem:s0+$0xFFFFF800]  }
0x1d4: {  	v58 =	vld [tilespmem:s0+$0xFFFFFA00]  }
0x1d5: {  	v56 =	vld [tilespmem:s0+$0xFFFFFC00]  }
0x1d6: {  	v52 =	vld [tilespmem:s0+$0xFFFFFE00]  }
0x1d7: {  	v54 =	vld [tilespmem:s0+$0x0]  }
0x1d8: {  	v49 =	vld [tilespmem:s0+$0x200]  }
0x1d9: {  	v31 =	vld [tilespmem:s0+$0x400]  }
0x1da: {  	v51 =	vld [tilespmem:s0+$0x600]  }
0x1db: {  	v50 =	vld [tilespmem:s0+$0x800]  }
0x1dc: {  	v62 =	vld [tilespmem:s0+$0xFFFFF000]  }
0x1dd: {  	v48 =	vld [tilespmem:s0+$0xA00]  }
0x1de: {  	v32 =	vld [tilespmem:s0+$0xC00]  }
0x1df: {  	v33 =	vld [tilespmem:s0+$0xE00]  }
0x1e0: {  	v15 =	vld.idx.msk [tilespmem:v30+s2+$0x0], $0xffff  }
0x1e1: {  	v11 =	vld.idx.msk [tilespmem:v63+s2+$0x0], $0xffff  }
0x1e2: {  	v5 =	vld.idx.msk [tilespmem:v57+s2+$0x0], $0xffff  }
0x1e3: {  	v53 =	vld.idx.msk [tilespmem:v61+s2+$0x0], $0xffff  }
0x1e4: {  	v4 =	vld.idx.msk [tilespmem:v62+s2+$0x0], $0xffff  }
0x1e5: {  	v59 =	vld.idx.msk [tilespmem:v58+s2+$0x0], $0xffff  }
0x1e6: {  	v10 =	vld.idx.msk [tilespmem:v56+s2+$0x0], $0xffff  }
0x1e7: {  	v6 =	vld.idx.msk [tilespmem:v52+s2+$0x0], $0xffff  }
0x1e8: {  	v20 =	vld.idx.msk [tilespmem:v54+s2+$0x0], $0xffff  }
0x1e9: {  	v19 =	vld.idx.msk [tilespmem:v49+s2+$0x0], $0xffff  }
0x1ea: {  	v17 =	vld.idx.msk [tilespmem:v31+s2+$0x0], $0xffff  }
0x1eb: {  	v16 =	vld.idx.msk [tilespmem:v51+s2+$0x0], $0xffff  }
0x1ec: {  	v2 =	vadd.s32 $0x9C40, v46;
	v1 =	vadd.s32 $0x9C40, v37;
	v18 =	vld.idx.msk [tilespmem:v50+s2+$0x0], $0xffff;
	v5 =	vmax.f32 v11, v5  }
0x1ed: {  	v13 =	vld.idx.msk [tilespmem:v48+s2+$0x0], $0xffff;
	v4 =	vmax.f32 v4, v15;
	v9 =	vmax.f32 v53, v59;
	v6 =	vmax.f32 v10, v6  }
0x1ee: {  	v0 =	vadd.s32 $0x9C40, v43;
	v4 =	vmax.f32 v4, v5;
	v5 =	vmax.f32 v9, v6;
	v6 =	vld [tilespmem:$0x1FE20]  }
0x1ef: {  	v12 =	vld.idx.msk [tilespmem:v32+s2+$0x0], $0xffff  }
0x1f0: {  	v8 =	vadd.s32 $0x9C40, v34;
	v7 =	vld.idx.msk [tilespmem:v33+s2+$0x0], $0xffff  }
0x1f1: {  	v28 =	vld.idx.msk [tilespmem:v2+s2+$0x0], $0xffff;
	v2 =	vadd.s32 $0x9C40, v41  }
0x1f2: {  	v10 =	vld.idx.msk [tilespmem:v1+s2+$0x0], $0xffff;
	v1 =	vadd.s32 $0x9C40, v60  }
0x1f3: {  	v26 =	vld.idx.msk [tilespmem:v0+s2+$0x0], $0xffff;
	v6 =	vadd.s32 $0xC350, v6  }
0x1f4: {  	v3 =	vadd.s32 $0x9C40, v35;
	v0 =	vadd.s32 $0x9C40, v38;
	v53 =	vmax.f32 v20, v19;
	v15 =	vld [tilespmem:$0x1FE30]  }
0x1f5: {  	v8 =	vld.idx.msk [tilespmem:v8+s2+$0x0], $0xffff;
	v59 =	vmax.f32 v17, v16;
	v13 =	vmax.f32 v18, v13;
	v7 =	vmax.f32 v12, v7  }
0x1f6: {  	v22 =	vld.idx.msk [tilespmem:v2+s2+$0x0], $0xffff;
	v2 =	vadd.s32 $0x9C40, v36;
	v9 =	vmax.f32 v53, v59;
	v7 =	vmax.f32 v13, v7  }
0x1f7: {  	v11 =	vadd.s32 $0x9C40, v55;
	v4 =	vmax.f32 v4, v5;
	v5 =	vmax.f32 v9, v7;
	v7 =	vld.idx.msk [tilespmem:v1+s2+$0x0], $0xffff  }
0x1f8: {  	v1 =	vmax.f32 v4, v5;
	v4 =	vld.idx.msk [tilespmem:v6+s2+$0x0], $0xffff  }
0x1f9: {  	v3 =	vld.idx.msk [tilespmem:v3+s2+$0x0], $0xffff;
	v15 =	vadd.s32 $0xC350, v15  }
0x1fa: {  	v0 =	vld.idx.msk [tilespmem:v0+s2+$0x0], $0xffff  }
0x1fb: {  	v2 =	vld.idx.msk [tilespmem:v2+s2+$0x0], $0xffff  }
0x1fc: {  	v11 =	vld.idx.msk [tilespmem:v11+s2+$0x0], $0xffff;
	[tilespmem:$0x1FC90] =	vst v57  }
0x1fd: {  	[tilespmem:$0x1FC10] =	vst v4  }
0x1fe: {  	[tilespmem:s29+$0xFFFFF800] =	vst v1;
	v1 =	vld.idx.msk [tilespmem:v15+s2+$0x0], $0xffff  }
0x1ff: {  	v12 =	vadd.s32 $0x2710, v62  }
0x200: {  	v13 =	vadd.s32 $0x2710, v30  }
0x201: {  	v53 =	vadd.s32 $0x2710, v63  }
0x202: {  	v3 =	vmax.f32 v3, v8;
	v16 =	vmax.f32 v26, v23;
	v4 =	vadd.s32 $0x2710, v57  }
0x203: {  	v17 =	vmax.f32 v22, v21;
	v0 =	vmax.f32 v25, v0;
	v15 =	vadd.s32 $0x2710, v61;
	[tilespmem:$0x1FC20] =	vst v1  }
0x204: {  	v18 =	vadd.s32 $0x2710, v58;
	v5 =	vmax.f32 v29, v28;
	v2 =	vmax.f32 v10, v2;
	v12 =	vld.idx.msk [tilespmem:v12+s2+$0x0], $0xffff;
	[tilespmem:$0x1FCA0] =	vst v58  }
0x205: {  	v0 =	vmax.f32 v0, v2;
	v7 =	vmax.f32 v11, v7;
	v11 =	vadd.s32 $0x2710, v52;
	v10 =	vld.idx.msk [tilespmem:v13+s2+$0x0], $0xffff  }
0x206: {  	v59 =	vmovc v57;
	v6 =	vmax.f32 v27, v24;
	v2 =	vmax.f32 v3, v7;
	v57 =	vadd.s32 $0xC350, v47;
	v9 =	vld.idx.msk [tilespmem:v53+s2+$0x0], $0xffff  }
0x207: {  	v7 =	vadd.s32 $0xC350, v46;
	v5 =	vmax.f32 v5, v6;
	v6 =	vmax.f32 v16, v17;
	v8 =	vld.idx.msk [tilespmem:v4+s2+$0x0], $0xffff  }
0x208: {  	v0 =	vmax.f32 v0, v2;
	v5 =	vmax.f32 v5, v6;
	v6 =	vadd.s32 $0xC350, v45;
	v4 =	vld.idx.msk [tilespmem:v15+s2+$0x0], $0xffff  }
0x209: {  	v16 =	vadd.s32 $0xC350, v41;
	v0 =	vmax.f32 v5, v0;
	v3 =	vld.idx.msk [tilespmem:v18+s2+$0x0], $0xffff  }
0x20a: {  	v17 =	vadd.s32 $0xC350, v40;
	[tilespmem:s29+$0x10] =	vst v0;
	v11 =	vld.idx.msk [tilespmem:v11+s2+$0x0], $0xffff  }
0x20b: {  	v19 =	vadd.s32 $0xC350, v38;
	v14 =	vld.idx.msk [tilespmem:v57+s2+$0x0], $0xffff  }
0x20c: {  	v20 =	vadd.s32 $0xC350, v37;
	v7 =	vld.idx.msk [tilespmem:v7+s2+$0x0], $0xffff  }
0x20d: {  	v21 =	vadd.s32 $0xC350, v36;
	v6 =	vld.idx.msk [tilespmem:v6+s2+$0x0], $0xffff  }
0x20e: {  	v22 =	vadd.s32 $0xC350, v35;
	v16 =	vld.idx.msk [tilespmem:v16+s2+$0x0], $0xffff  }
0x20f: {  	v23 =	vadd.s32 $0xC350, v34;
	v17 =	vld.idx.msk [tilespmem:v17+s2+$0x0], $0xffff  }
0x210: {  	v24 =	vadd.s32 $0xC350, v55;
	v19 =	vld.idx.msk [tilespmem:v19+s2+$0x0], $0xffff  }
0x211: {  	v25 =	vadd.s32 $0xC350, v60;
	v20 =	vld.idx.msk [tilespmem:v20+s2+$0x0], $0xffff  }
0x212: {  	v0 =	vadd.s32 $0xC350, v43;
	v21 =	vld.idx.msk [tilespmem:v21+s2+$0x0], $0xffff  }
0x213: {  	v13 =	vadd.s32 $0x2710, v56;
	v22 =	vld.idx.msk [tilespmem:v22+s2+$0x0], $0xffff  }
0x214: {  	v53 =	vmov v52;
	v52 =	vadd.s32 $0xC350, v44;
	v23 =	vld.idx.msk [tilespmem:v23+s2+$0x0], $0xffff  }
0x215: {  	v15 =	vadd.s32 $0xC350, v42;
	v24 =	vld.idx.msk [tilespmem:v24+s2+$0x0], $0xffff  }
0x216: {  	v18 =	vadd.s32 $0xC350, v39;
	v25 =	vld.idx.msk [tilespmem:v25+s2+$0x0], $0xffff  }
0x217: {  	v2 =	vld.idx.msk [tilespmem:v0+s2+$0x0], $0xffff;
	v0 =	vadd.s32 $0x2710, v50  }
0x218: {  	v5 =	vld.idx.msk [tilespmem:v13+s2+$0x0], $0xffff  }
0x219: {  	v26 =	vadd.s32 $0x2710, v54;
	v13 =	vld.idx.msk [tilespmem:v52+s2+$0x0], $0xffff  }
0x21a: {  	v1 =	vadd.s32 $0x2710, v48;
	v15 =	vld.idx.msk [tilespmem:v15+s2+$0x0], $0xffff  }
0x21b: {  	v57 =	vadd.s32 $0x2710, v32;
	v18 =	vld.idx.msk [tilespmem:v18+s2+$0x0], $0xffff  }
0x21c: {  	v22 =	vmax.f32 v22, v23;
	v23 =	vmax.f32 v24, v25;
	v24 =	vld.idx.msk [tilespmem:v0+s2+$0x0], $0xffff  }
0x21d: {  	v28 =	vadd.s32 $0x2710, v31;
	v27 =	vadd.s32 $0x2710, v49;
	v0 =	vld [tilespmem:$0x1FE50]  }
0x21e: {  	v29 =	vadd.s32 $0x2710, v51;
	v26 =	vld.idx.msk [tilespmem:v26+s2+$0x0], $0xffff;
	v7 =	vmax.f32 v14, v7;
	v6 =	vmax.f32 v6, v13  }
0x21f: {  	v1 =	vld.idx.msk [tilespmem:v1+s2+$0x0], $0xffff;
	v2 =	vmax.f32 v2, v15;
	v15 =	vmax.f32 v16, v17;
	v17 =	vadd.s32 $0x2710, v33  }
0x220: {  	v14 =	vld.idx.msk [tilespmem:v57+s2+$0x0], $0xffff;
	v18 =	vmax.f32 v18, v19;
	v19 =	vmax.f32 v20, v21;
	v2 =	vmax.f32 v2, v15  }
0x221: {  	v21 =	vld [tilespmem:$0x1FE40];
	v15 =	vmax.f32 v22, v23;
	v22 =	vadd.s32 $0xEA60, v41;
	v23 =	vadd.s32 $0xEA60, v40  }
0x222: {  	v13 =	vld.idx.msk [tilespmem:v27+s2+$0x0], $0xffff;
	v25 =	vadd.s32 $0xC350, v0;
	v0 =	vmax.f32 v7, v6;
	v7 =	vmax.f32 v18, v19  }
0x223: {  	v16 =	vld.idx.msk [tilespmem:v28+s2+$0x0], $0xffff;
	v27 =	vadd.s32 $0xEA60, v38;
	v0 =	vmax.f32 v0, v2;
	v2 =	vmax.f32 v7, v15  }
0x224: {  	v20 =	vld.idx.msk [tilespmem:v29+s2+$0x0], $0xffff;
	v28 =	vadd.s32 $0xEA60, v37;
	v2 =	vmax.f32 v0, v2  }
0x225: {  	v3 =	vmax.f32 v4, v3;
	v4 =	vmax.f32 v5, v11;
	v11 =	vadd.s32 $0xEA60, v34;
	v7 =	vld.idx.msk [tilespmem:v17+s2+$0x0], $0xffff;
	[tilespmem:s29+$0x210] =	vst v2  }
0x226: {  	v21 =	vadd.s32 $0xC350, v21;
	v22 =	vld.idx.msk [tilespmem:v22+s2+$0x0], $0xffff  }
0x227: {  	v8 =	vmax.f32 v9, v8;
	v9 =	vld.idx.msk [tilespmem:v23+s2+$0x0], $0xffff  }
0x228: {  	v10 =	vmax.f32 v12, v10;
	v3 =	vmax.f32 v3, v4;
	v6 =	vadd.s32 $0xEA60, v47;
	v4 =	vld.idx.msk [tilespmem:v27+s2+$0x0], $0xffff  }
0x229: {  	v8 =	vmax.f32 v10, v8;
	v18 =	vadd.s32 $0xEA60, v46;
	v16 =	vmax.f32 v16, v20;
	v20 =	vld.idx.msk [tilespmem:v28+s2+$0x0], $0xffff  }
0x22a: {  	v3 =	vmax.f32 v8, v3;
	v19 =	vadd.s32 $0xEA60, v43;
	v8 =	vld.idx.msk [tilespmem:v11+s2+$0x0], $0xffff  }
0x22b: {  	v15 =	vadd.s32 $0xEA60, v45;
	v0 =	vld.idx.msk [tilespmem:v21+s2+$0x0], $0xffff  }
0x22c: {  	v17 =	vadd.s32 $0xEA60, v44;
	v2 =	vld.idx.msk [tilespmem:v25+s2+$0x0], $0xffff  }
0x22d: {  	v29 =	vadd.s32 $0xEA60, v36;
	v6 =	vld.idx.msk [tilespmem:v6+s2+$0x0], $0xffff  }
0x22e: {  	v57 =	vadd.s32 $0xEA60, v35;
	v18 =	vld.idx.msk [tilespmem:v18+s2+$0x0], $0xffff  }
0x22f: {  	v52 =	vmovc v49;
	v49 =	vmov v31;
	v31 =	vmov v32;
	v32 =	vadd.s32 $0xEA60, v55;
	v19 =	vld.idx.msk [tilespmem:v19+s2+$0x0], $0xffff  }
0x230: {  	v13 =	vmax.f32 v26, v13;
	v21 =	vadd.s32 $0xEA60, v42;
	v15 =	vld.idx.msk [tilespmem:v15+s2+$0x0], $0xffff  }
0x231: {  	v1 =	vmax.f32 v24, v1;
	v25 =	vadd.s32 $0xEA60, v39;
	v17 =	vld.idx.msk [tilespmem:v17+s2+$0x0], $0xffff;
	v7 =	vmax.f32 v14, v7  }
0x232: {  	v13 =	vmax.f32 v13, v16;
	v23 =	vadd.s32 $0xEA60, v60;
	v14 =	vld.idx.msk [tilespmem:v29+s2+$0x0], $0xffff;
	v1 =	vmax.f32 v1, v7  }
0x233: {  	v7 =	vld.idx.msk [tilespmem:v57+s2+$0x0], $0xffff;
	v1 =	vmax.f32 v13, v1  }
0x234: {  	v1 =	vmax.f32 v3, v1;
	v3 =	vld.idx.msk [tilespmem:v32+s2+$0x0], $0xffff  }
0x235: {  	v24 =	vadd.s32 $0x4E20, v62;
	v21 =	vld.idx.msk [tilespmem:v21+s2+$0x0], $0xffff  }
0x236: {  	v12 =	vadd.s32 $0x4E20, v30;
	v5 =	vld.idx.msk [tilespmem:v25+s2+$0x0], $0xffff  }
0x237: {  	v11 =	vadd.s32 $0x4E20, v63;
	[tilespmem:s29+$0xFFFFFA00] =	vst v1;
	v1 =	vld.idx.msk [tilespmem:v23+s2+$0x0], $0xffff  }
0x238: {  	v10 =	vadd.s32 $0x4E20, v59;
	v32 =	vadd.s32 $0x4E20, v61;
	v9 =	vmax.f32 v22, v9  }
0x239: {  	v23 =	vadd.s32 $0x4E20, v58;
	v6 =	vmax.f32 v6, v18;
	v15 =	vmax.f32 v15, v17  }
0x23a: {  	v16 =	vld.idx.msk [tilespmem:v24+s2+$0x0], $0xffff;
	v17 =	vadd.s32 $0x4E20, v56;
	v7 =	vmax.f32 v7, v8;
	v8 =	vadd.s32 $0x4E20, v52  }
0x23b: {  	v59 =	vmovc v61;
	v12 =	vld.idx.msk [tilespmem:v12+s2+$0x0], $0xffff;
	v6 =	vmax.f32 v6, v15;
	v18 =	vmax.f32 v19, v21;
	v19 =	vadd.s32 $0x4E20, v53  }
0x23c: {  	v61 =	vld.idx.msk [tilespmem:v11+s2+$0x0], $0xffff;
	v4 =	vmax.f32 v5, v4;
	v5 =	vmax.f32 v20, v14;
	v1 =	vmax.f32 v3, v1  }
0x23d: {  	v10 =	vld.idx.msk [tilespmem:v10+s2+$0x0], $0xffff;
	v9 =	vmax.f32 v18, v9;
	v4 =	vmax.f32 v4, v5;
	v1 =	vmax.f32 v7, v1  }
0x23e: {  	v21 =	vmovc v53;
	v53 =	vadd.s32 $0x4E20, v54;
	v3 =	vld.idx.msk [tilespmem:v32+s2+$0x0], $0xffff;
	v6 =	vmax.f32 v6, v9;
	v1 =	vmax.f32 v4, v1  }
0x23f: {  	v11 =	vmov v54;
	v54 =	vadd.s32 $0x11170, v47;
	v15 =	vld.idx.msk [tilespmem:v23+s2+$0x0], $0xffff;
	v1 =	vmax.f32 v6, v1  }
0x240: {  	v7 =	vld.idx.msk [tilespmem:v17+s2+$0x0], $0xffff;
	[tilespmem:s29+$0x410] =	vst v1;
	v1 =	vadd.s32 $0x11170, v43  }
0x241: {  	v58 =	vmov v56;
	v56 =	vadd.s32 $0x11170, v45;
	v8 =	vld.idx.msk [tilespmem:v8+s2+$0x0], $0xffff  }
0x242: {  	v32 =	vadd.s32 $0x11170, v44;
	v4 =	vld.idx.msk [tilespmem:v19+s2+$0x0], $0xffff  }
0x243: {  	v6 =	vld.idx.msk [tilespmem:v53+s2+$0x0], $0xffff  }
0x244: {  	v5 =	vadd.s32 $0x11170, v46;
	v13 =	vld.idx.msk [tilespmem:v54+s2+$0x0], $0xffff  }
0x245: {  	v1 =	vld.idx.msk [tilespmem:v1+s2+$0x0], $0xffff  }
0x246: {  	v9 =	vld.idx.msk [tilespmem:v56+s2+$0x0], $0xffff  }
0x247: {  	v14 =	vld.idx.msk [tilespmem:v32+s2+$0x0], $0xffff  }
0x248: {  	v20 =	vadd.s32 $0x11170, v39;
	v39 =	vld [tilespmem:$0x1FB80]  }
0x249: {  	v5 =	vld.idx.msk [tilespmem:v5+s2+$0x0], $0xffff  }
0x24a: {  	[tilespmem:$0x1FDB0] =	vst v1;
	v1 =	vadd.s32 $0x11170, v38;
	v38 =	vld [tilespmem:$0x1FB70];
	_ =	sdelay $0x1  }
0x24b: {  	v29 =	vld [tilespmem:$0x1FB50]  }
0x24c: {  	v22 =	vadd.s32 $0x11170, v37;
	v37 =	vld [tilespmem:$0x1FB60]  }
0x24d: {  	v45 =	vld [tilespmem:$0x1FBE0]  }
0x24e: {  	v25 =	vadd.s32 $0x11170, v34;
	v47 =	vmovc v31;
	v34 =	vmax.f32 v38, v39;
	v38 =	vadd.s32 $0x4E20, v31;
	v31 =	vld [tilespmem:$0x1FBD0]  }
0x24f: {  	v19 =	vadd.s32 $0x11170, v40;
	v40 =	vld [tilespmem:$0x1FB90]  }
0x250: {  	v18 =	vadd.s32 $0x11170, v41;
	v41 =	vld [tilespmem:$0x1FBA0]  }
0x251: {  	v17 =	vadd.s32 $0x11170, v42;
	v42 =	vld [tilespmem:$0x1FBB0]  }
0x252: {  	v53 =	vld [tilespmem:$0x1FC00]  }
0x253: {  	v46 =	vmax.f32 v31, v45;
	v31 =	vld [tilespmem:$0x1FBF0]  }
0x254: {  	v43 =	vld [tilespmem:$0x1FBC0]  }
0x255: {  	v57 =	vmov v30;
	v30 =	vld [tilespmem:$0x1FC20]  }
0x256: {  	v24 =	vadd.s32 $0x11170, v35;
	v32 =	vld [tilespmem:$0x1FC30]  }
0x257: {  	v17 =	vld.idx.msk [tilespmem:v17+s2+$0x0], $0xffff  }
0x258: {  	v54 =	vmax.f32 v31, v53;
	v31 =	vld [tilespmem:$0x1FC10]  }
0x259: {  	v18 =	vld.idx.msk [tilespmem:v18+s2+$0x0], $0xffff  }
0x25a: {  	v19 =	vld.idx.msk [tilespmem:v19+s2+$0x0], $0xffff  }
0x25b: {  	v23 =	vadd.s32 $0x11170, v36;
	v24 =	vld.idx.msk [tilespmem:v24+s2+$0x0], $0xffff  }
0x25c: {  	v26 =	vld.idx.msk [tilespmem:v1+s2+$0x0], $0xffff;
	v1 =	vadd.s32 $0x4E20, v49  }
0x25d: {  	v56 =	vmax.f32 v31, v30;
	v30 =	vld [tilespmem:$0x1FE60]  }
0x25e: {  	v55 =	vadd.s32 $0x11170, v55;
	v20 =	vld.idx.msk [tilespmem:v20+s2+$0x0], $0xffff  }
0x25f: {  	v29 =	vmax.f32 v29, v37;
	v22 =	vld.idx.msk [tilespmem:v22+s2+$0x0], $0xffff  }
0x260: {  	v36 =	vmax.f32 v40, v41;
	v37 =	vmax.f32 v42, v43;
	v23 =	vld.idx.msk [tilespmem:v23+s2+$0x0], $0xffff;
	[tilespmem:$0x1FDD0] =	vst v24  }
0x261: {  	v27 =	vadd.s32 $0x4E20, v51;
	v44 =	vmax.f32 v36, v37;
	v36 =	vld.idx.msk [tilespmem:v1+s2+$0x0], $0xffff;
	v1 =	vadd.s32 $0x4E20, v33  }
0x262: {  	v0 =	vmax.f32 v0, v2;
	v2 =	vadd.s32 $0x11170, v60;
	v24 =	vld.idx.msk [tilespmem:v25+s2+$0x0], $0xffff;
	v60 =	vadd.s32 $0xEA60, v30  }
0x263: {  	v29 =	vmax.f32 v29, v34;
	v25 =	vld.idx.msk [tilespmem:v55+s2+$0x0], $0xffff;
	v37 =	vmax.f32 v46, v54;
	v0 =	vmax.f32 v56, v0  }
0x264: {  	v28 =	vadd.s32 $0x4E20, v50;
	v29 =	vmax.f32 v29, v44;
	v55 =	vld [tilespmem:$0x1FC50];
	v0 =	vmax.f32 v37, v0  }
0x265: {  	v35 =	vadd.s32 $0x4E20, v48;
	v46 =	vld [tilespmem:$0x1FC40];
	v0 =	vmax.f32 v29, v0  }
0x266: {  	v10 =	vmax.f32 v61, v10;
	v29 =	vld.idx.msk [tilespmem:v1+s2+$0x0], $0xffff;
	v1 =	vmax.f32 v16, v12;
	[tilespmem:s28+$0x200] =	vst v0  }
0x267: {  	v0 =	vmax.f32 v3, v15;
	v3 =	vmax.f32 v7, v4;
	v7 =	vmax.f32 v1, v10;
	v1 =	vld.idx.msk [tilespmem:v60+s2+$0x0], $0xffff  }
0x268: {  	v43 =	vadd.s32 $0xEA60, v32;
	v27 =	vld.idx.msk [tilespmem:v27+s2+$0x0], $0xffff  }
0x269: {  	v28 =	vld.idx.msk [tilespmem:v28+s2+$0x0], $0xffff  }
0x26a: {  	v35 =	vld.idx.msk [tilespmem:v35+s2+$0x0], $0xffff  }
0x26b: {  	v2 =	vld.idx.msk [tilespmem:v2+s2+$0x0], $0xffff  }
0x26c: {  	v42 =	vld.idx.msk [tilespmem:v38+s2+$0x0], $0xffff;
	[tilespmem:$0x1FE70] =	vst v1  }
0x26d: {  	v1 =	vld.idx.msk [tilespmem:v43+s2+$0x0], $0xffff  }
0x26e: {  	v45 =	vadd.s32 $0xEA60, v46  }
0x26f: {  	v31 =	vld [tilespmem:$0x1FC60];
	_ =	sdelay $0x2  }
0x270: {  	[tilespmem:$0x1FE80] =	vst v1  }
0x271: {  	v40 =	vld.idx.msk [tilespmem:v45+s2+$0x0], $0xffff  }
0x272: {  	v4 =	vadd.s32 $0xEA60, v31  }
0x273: {  	v61 =	vld [tilespmem:$0x1FC70];
	_ =	sdelay $0x2  }
0x274: {  	[tilespmem:$0x1FE90] =	vst v40  }
0x275: {  	v56 =	vadd.s32 $0xEA60, v55;
	v4 =	vld.idx.msk [tilespmem:v4+s2+$0x0], $0xffff  }
0x276: {  	v0 =	vmax.f32 v0, v3;
	v3 =	vadd.s32 $0xEA60, v61  }
0x277: {  	v1 =	vld [tilespmem:$0x1FC80];
	_ =	sdelay $0x2  }
0x278: {  	v16 =	vmax.f32 v28, v35;
	v28 =	vld.idx.msk [tilespmem:v56+s2+$0x0], $0xffff;
	[tilespmem:$0x1FEA0] =	vst v4  }
0x279: {  	v3 =	vld.idx.msk [tilespmem:v3+s2+$0x0], $0xffff  }
0x27a: {  	v15 =	vadd.s32 $0xEA60, v1  }
0x27b: {  	v6 =	vmax.f32 v6, v8;
	v8 =	vmax.f32 v36, v27;
	v27 =	vmax.f32 v42, v29  }
0x27c: {  	v6 =	vmax.f32 v6, v8;
	v8 =	vmax.f32 v16, v27  }
0x27d: {  	v0 =	vmax.f32 v7, v0;
	v6 =	vmax.f32 v6, v8  }
0x27e: {  	v0 =	vmax.f32 v0, v6;
	v56 =	vld [tilespmem:$0x1FC90];
	[tilespmem:$0x1FEB0] =	vst v3  }
0x27f: {  	[tilespmem:s29+$0xFFFFFC00] =	vst v0;
	v0 =	vld.idx.msk [tilespmem:v15+s2+$0x0], $0xffff  }
0x280: {  	v29 =	vadd.s32 $0x7530, v62;
	_ =	sdelay $0x3  }
0x281: {  	v30 =	vld [tilespmem:$0x1FCC0];
	[tilespmem:$0x1FEC0] =	vst v0  }
0x282: {  	v15 =	vld.idx.msk [tilespmem:v29+s2+$0x0], $0xffff  }
0x283: {  	v29 =	vld [tilespmem:$0x1FCB0];
	_ =	sdelay $0x3  }
0x284: {  	v41 =	vld [tilespmem:$0x1FCE0]  }
0x285: {  	v29 =	vmax.f32 v29, v30;
	v30 =	vld [tilespmem:$0x1FCD0];
	_ =	sdelay $0x3  }
0x286: {  	v42 =	vld [tilespmem:$0x1FD00]  }
0x287: {  	v34 =	vmax.f32 v30, v41;
	v30 =	vld [tilespmem:$0x1FCF0];
	_ =	sdelay $0x3  }
0x288: {  	v43 =	vld [tilespmem:$0x1FD20]  }
0x289: {  	v36 =	vmax.f32 v30, v42;
	v30 =	vld [tilespmem:$0x1FD10];
	_ =	sdelay $0x3  }
0x28a: {  	v44 =	vld [tilespmem:$0x1FD40]  }
0x28b: {  	v37 =	vmax.f32 v30, v43;
	v30 =	vld [tilespmem:$0x1FD30];
	_ =	sdelay $0x3  }
0x28c: {  	v45 =	vld [tilespmem:$0x1FD60]  }
0x28d: {  	v39 =	vmax.f32 v30, v44;
	v30 =	vld [tilespmem:$0x1FD50];
	_ =	sdelay $0x1  }
0x28e: {  	v16 =	vadd.s32 $0x7530, v57;
	v54 =	vld [tilespmem:$0x1FCA0]  }
0x28f: {  	v7 =	vadd.s32 $0x7530, v63  }
0x290: {  	v35 =	vadd.s32 $0x7530, v58;
	v12 =	vmov v58;
	v6 =	vadd.s32 $0x7530, v56;
	v58 =	vld [tilespmem:$0x1FD80]  }
0x291: {  	v40 =	vmax.f32 v30, v45;
	v30 =	vld [tilespmem:$0x1FD70]  }
0x292: {  	v53 =	vmov v59;
	v0 =	vadd.s32 $0x7530, v59;
	v59 =	vld [tilespmem:$0x1FDA0]  }
0x293: {  	v27 =	vadd.s32 $0x7530, v54;
	v16 =	vld.idx.msk [tilespmem:v16+s2+$0x0], $0xffff  }
0x294: {  	v7 =	vld.idx.msk [tilespmem:v7+s2+$0x0], $0xffff  }
0x295: {  	v38 =	vadd.s32 $0x7530, v21;
	v6 =	vld.idx.msk [tilespmem:v6+s2+$0x0], $0xffff  }
0x296: {  	v42 =	vmax.f32 v30, v58;
	v30 =	vld [tilespmem:$0x1FD90]  }
0x297: {  	v35 =	vld.idx.msk [tilespmem:v35+s2+$0x0], $0xffff  }
0x298: {  	v27 =	vld.idx.msk [tilespmem:v27+s2+$0x0], $0xffff  }
0x299: {  	v44 =	vld.idx.msk [tilespmem:v0+s2+$0x0], $0xffff  }
0x29a: {  	v0 =	vmax.f32 v29, v34;
	v29 =	vmax.f32 v36, v37;
	v36 =	vld.idx.msk [tilespmem:v38+s2+$0x0], $0xffff  }
0x29b: {  	v41 =	vadd.s32 $0x7530, v11;
	v60 =	vmax.f32 v39, v40;
	v39 =	vld [tilespmem:$0x1FDE0];
	v43 =	vmax.f32 v30, v59  }
0x29c: {  	v8 =	vmov v11;
	v45 =	vadd.s32 $0x7530, v52;
	v40 =	vld [tilespmem:$0x1FE00];
	v11 =	vmax.f32 v42, v43  }
0x29d: {  	v34 =	vadd.s32 $0x7530, v49;
	v0 =	vmax.f32 v0, v29;
	v59 =	vld [tilespmem:$0x1FDB0];
	v29 =	vmax.f32 v60, v11  }
0x29e: {  	v30 =	vld [tilespmem:$0x1FDC0];
	v0 =	vmax.f32 v0, v29  }
0x29f: {  	v4 =	vmovc v49;
	v49 =	vmovc v50;
	v43 =	vadd.s32 $0x7530, v50;
	v50 =	vadd.s32 $0x7530, v48;
	v60 =	vmov v48;
	v48 =	vld [tilespmem:$0x1FE40];
	[tilespmem:$0x1FFF0] =	vst v0  }
0x2a0: {  	v3 =	vmov v52;
	v52 =	vadd.s32 $0x7530, v47;
	v29 =	vld.idx.msk [tilespmem:v41+s2+$0x0], $0xffff  }
0x2a1: {  	v10 =	vmovc v21;
	v21 =	vadd.s32 $0x7530, v33;
	v58 =	vmov v51;
	v42 =	vadd.s32 $0x7530, v51;
	v51 =	vld.idx.msk [tilespmem:v45+s2+$0x0], $0xffff  }
0x2a2: {  	v18 =	vmax.f32 v18, v19;
	v19 =	vld.idx.msk [tilespmem:v34+s2+$0x0], $0xffff  }
0x2a3: {  	v17 =	vmax.f32 v59, v17;
	v59 =	vmov v33;
	v33 =	vld [tilespmem:$0x1FDD0]  }
0x2a4: {  	v41 =	vld [tilespmem:$0x1FDF0]  }
0x2a5: {  	v9 =	vmax.f32 v9, v14;
	v14 =	vld.idx.msk [tilespmem:v52+s2+$0x0], $0xffff  }
0x2a6: {  	v15 =	vmax.f32 v15, v16;
	v16 =	vld.idx.msk [tilespmem:v21+s2+$0x0], $0xffff  }
0x2a7: {  	v22 =	vmax.f32 v22, v23;
	v23 =	vld.idx.msk [tilespmem:v42+s2+$0x0], $0xffff  }
0x2a8: {  	v34 =	vld.idx.msk [tilespmem:v43+s2+$0x0], $0xffff  }
0x2a9: {  	v20 =	vmax.f32 v20, v26;
	v26 =	vadd.s32 $0xEA60, v30;
	v42 =	vld [tilespmem:$0x1FE10]  }
0x2aa: {  	v5 =	vmax.f32 v13, v5;
	v2 =	vmax.f32 v25, v2;
	v37 =	vmax.f32 v17, v18;
	v17 =	vld.idx.msk [tilespmem:v50+s2+$0x0], $0xffff  }
0x2ab: {  	v6 =	vmax.f32 v7, v6;
	v25 =	vadd.s32 $0xEA60, v39;
	v21 =	vmax.f32 v44, v27;
	v44 =	vld [tilespmem:$0x1FE30]  }
0x2ac: {  	v20 =	vmax.f32 v20, v22;
	v6 =	vmax.f32 v15, v6;
	v22 =	vadd.s32 $0xEA60, v40;
	v43 =	vld [tilespmem:$0x1FE20]  }
0x2ad: {  	v0 =	vmovc v47;
	v47 =	vld [tilespmem:$0x1FE50];
	v24 =	vmax.f32 v33, v24;
	v18 =	vadd.s32 $0xEA60, v41;
	v13 =	vmax.f32 v29, v51  }
0x2ae: {  	v26 =	vld.idx.msk [tilespmem:v26+s2+$0x0], $0xffff;
	v14 =	vmax.f32 v14, v16;
	v2 =	vmax.f32 v24, v2;
	v7 =	vadd.s32 $0xEA60, v42  }
0x2af: {  	v24 =	vmax.f32 v35, v36;
	v19 =	vmax.f32 v19, v23;
	v11 =	vmax.f32 v34, v17;
	v17 =	vld [tilespmem:$0x1FE60]  }
0x2b0: {  	v15 =	vmax.f32 v21, v24;
	v24 =	vld.idx.msk [tilespmem:v25+s2+$0x0], $0xffff;
	v13 =	vmax.f32 v13, v19;
	v11 =	vmax.f32 v11, v14  }
0x2b1: {  	v19 =	vld.idx.msk [tilespmem:v22+s2+$0x0], $0xffff;
	v6 =	vmax.f32 v6, v15;
	v11 =	vmax.f32 v13, v11  }
0x2b2: {  	v27 =	vadd.s32 $0xEA60, v43;
	v6 =	vmax.f32 v6, v11;
	v18 =	vld.idx.msk [tilespmem:v18+s2+$0x0], $0xffff  }
0x2b3: {  	v23 =	vadd.s32 $0xEA60, v48;
	[tilespmem:s29+$0xFFFFFE00] =	vst v6;
	v7 =	vld.idx.msk [tilespmem:v7+s2+$0x0], $0xffff  }
0x2b4: {  	v16 =	vadd.s32 $0x9C40, v62;
	v36 =	vadd.s32 $0x11170, v1;
	v1 =	vld [tilespmem:$0x1FE70]  }
0x2b5: {  	v50 =	vadd.s32 $0x9C40, v57;
	v51 =	vld [tilespmem:$0x1FE80]  }
0x2b6: {  	v29 =	vadd.s32 $0x11170, v55;
	v55 =	vld [tilespmem:$0x1FE90]  }
0x2b7: {  	v22 =	vld.idx.msk [tilespmem:v27+s2+$0x0], $0xffff  }
0x2b8: {  	v38 =	vadd.s32 $0x11170, v39;
	v45 =	vadd.s32 $0x9C40, v63;
	v23 =	vld.idx.msk [tilespmem:v23+s2+$0x0], $0xffff  }
0x2b9: {  	v33 =	vadd.s32 $0x9C40, v54;
	v35 =	vadd.s32 $0x11170, v61;
	v61 =	vmovc v4;
	v4 =	vadd.s32 $0x9C40, v4;
	v16 =	vld.idx.msk [tilespmem:v16+s2+$0x0], $0xffff  }
0x2ba: {  	v21 =	vadd.s32 $0xEA60, v44;
	v2 =	vmax.f32 v20, v2;
	v20 =	vadd.s32 $0x9C40, v12;
	v14 =	vld.idx.msk [tilespmem:v50+s2+$0x0], $0xffff  }
0x2bb: {  	v52 =	vmovc v12;
	v1 =	vmax.f32 v1, v51;
	v12 =	vmax.f32 v55, v28;
	v51 =	vmovc v8;
	v28 =	vadd.s32 $0x9C40, v8;
	v8 =	vld [tilespmem:$0x1FEB0]  }
0x2bc: {  	v39 =	vadd.s32 $0x11170, v41;
	v41 =	vmovc v3;
	v1 =	vmax.f32 v1, v12;
	v12 =	vadd.s32 $0x9C40, v3;
	v3 =	vld [tilespmem:$0x1FEA0]  }
0x2bd: {  	v15 =	vadd.s32 $0xEA60, v47;
	v13 =	vld.idx.msk [tilespmem:v45+s2+$0x0], $0xffff  }
0x2be: {  	v5 =	vmax.f32 v5, v9;
	v9 =	vld.idx.msk [tilespmem:v33+s2+$0x0], $0xffff  }
0x2bf: {  	v6 =	vadd.s32 $0x9C40, v53;
	v4 =	vld.idx.msk [tilespmem:v4+s2+$0x0], $0xffff  }
0x2c0: {  	v27 =	vadd.s32 $0x11170, v46;
	v46 =	vadd.s32 $0x9C40, v56;
	v21 =	vld.idx.msk [tilespmem:v21+s2+$0x0], $0xffff  }
0x2c1: {  	v50 =	vmov v10;
	v10 =	vadd.s32 $0x9C40, v10;
	v3 =	vmax.f32 v3, v8;
	v8 =	vld [tilespmem:$0x1FEC0]  }
0x2c2: {  	v15 =	vld.idx.msk [tilespmem:v15+s2+$0x0], $0xffff  }
0x2c3: {  	v20 =	vld.idx.msk [tilespmem:v20+s2+$0x0], $0xffff  }
0x2c4: {  	v6 =	vld.idx.msk [tilespmem:v6+s2+$0x0], $0xffff;
	v18 =	vmax.f32 v24, v18;
	v24 =	vadd.s32 $0x9C40, v60  }
0x2c5: {  	v11 =	vld.idx.msk [tilespmem:v46+s2+$0x0], $0xffff;
	v7 =	vmax.f32 v19, v7;
	v19 =	vadd.s32 $0x9C40, v0  }
0x2c6: {  	v10 =	vld.idx.msk [tilespmem:v10+s2+$0x0], $0xffff;
	v21 =	vmax.f32 v22, v21;
	v8 =	vmax.f32 v8, v26;
	v26 =	vadd.s32 $0x9C40, v58  }
0x2c7: {  	v15 =	vmax.f32 v23, v15;
	v28 =	vld.idx.msk [tilespmem:v28+s2+$0x0], $0xffff;
	v3 =	vmax.f32 v3, v8;
	v8 =	vadd.s32 $0x9C40, v49  }
0x2c8: {  	v7 =	vmax.f32 v18, v7;
	v15 =	vmax.f32 v21, v15;
	v12 =	vld.idx.msk [tilespmem:v12+s2+$0x0], $0xffff  }
0x2c9: {  	v18 =	vadd.s32 $0x9C40, v59;
	v1 =	vmax.f32 v1, v3;
	v3 =	vmax.f32 v7, v15;
	v7 =	vld.idx.msk [tilespmem:v24+s2+$0x0], $0xffff  }
0x2ca: {  	v5 =	vmax.f32 v5, v37;
	v17 =	vadd.s32 $0x11170, v17;
	v1 =	vmax.f32 v1, v3;
	v3 =	vld.idx.msk [tilespmem:v19+s2+$0x0], $0xffff  }
0x2cb: {  	v5 =	vmax.f32 v5, v2;
	v2 =	vadd.s32 $0xC350, v50;
	v23 =	vld.idx.msk [tilespmem:v26+s2+$0x0], $0xffff  }
0x2cc: {  	v25 =	vadd.s32 $0x11170, v32;
	v8 =	vld.idx.msk [tilespmem:v8+s2+$0x0], $0xffff;
	[tilespmem:$0x1FED0] =	vst v2  }
0x2cd: {  	v14 =	vmax.f32 v16, v14;
	v16 =	vadd.s32 $0xC350, v51;
	[tilespmem:s28+$0x400] =	vst v1  }
0x2ce: {  	v37 =	vadd.s32 $0x11170, v30;
	v2 =	vld.idx.msk [tilespmem:v18+s2+$0x0], $0xffff;
	[tilespmem:$0x1FEE0] =	vst v16;
	v16 =	vadd.s32 $0xC350, v41  }
0x2cf: {  	v34 =	vadd.s32 $0x11170, v31;
	v32 =	vadd.s32 $0xC350, v61;
	v11 =	vmax.f32 v13, v11;
	v13 =	vld.idx.msk [tilespmem:v17+s2+$0x0], $0xffff;
	[tilespmem:$0x1FEF0] =	vst v16  }
0x2d0: {  	v30 =	vadd.s32 $0x11170, v43;
	v43 =	vadd.s32 $0x11170, v48;
	v48 =	vadd.s32 $0xC350, v58;
	v33 =	vmovc v49;
	[tilespmem:$0x1FF00] =	vst v32  }
0x2d1: {  	v11 =	vmax.f32 v14, v11;
	v16 =	vadd.s32 $0xC350, v33;
	v14 =	vld.idx.msk [tilespmem:v25+s2+$0x0], $0xffff;
	[tilespmem:$0x1FF10] =	vst v48  }
0x2d2: {  	v55 =	vmax.f32 v20, v10;
	v24 =	vmov v61;
	v61 =	vadd.s32 $0xC350, v60;
	v10 =	vld.idx.msk [tilespmem:v27+s2+$0x0], $0xffff;
	[tilespmem:$0x1FF20] =	vst v16  }
0x2d3: {  	[tilespmem:$0x1FF30] =	vst v61;
	v16 =	vadd.s32 $0xC350, v0  }
0x2d4: {  	v6 =	vmax.f32 v6, v9;
	v17 =	vadd.s32 $0xC350, v59;
	v9 =	vld.idx.msk [tilespmem:v29+s2+$0x0], $0xffff;
	[tilespmem:$0x1FF40] =	vst v16  }
0x2d5: {  	v16 =	vld.idx.msk [tilespmem:v34+s2+$0x0], $0xffff;
	[tilespmem:$0x1FF50] =	vst v17  }
0x2d6: {  	v7 =	vmax.f32 v8, v7;
	v2 =	vmax.f32 v3, v2;
	v3 =	vld.idx.msk [tilespmem:v36+s2+$0x0], $0xffff  }
0x2d7: {  	v12 =	vmax.f32 v28, v12;
	v4 =	vmax.f32 v4, v23;
	v2 =	vmax.f32 v7, v2;
	v7 =	vld.idx.msk [tilespmem:v37+s2+$0x0], $0xffff  }
0x2d8: {  	v6 =	vmax.f32 v6, v55;
	v4 =	vmax.f32 v12, v4  }
0x2d9: {  	v6 =	vmax.f32 v11, v6;
	v32 =	vadd.s32 $0xEA60, v24;
	v12 =	vld.idx.msk [tilespmem:v35+s2+$0x0], $0xffff;
	v2 =	vmax.f32 v4, v2  }
0x2da: {  	v4 =	vld.idx.msk [tilespmem:v38+s2+$0x0], $0xffff;
	v8 =	vmax.f32 v13, v14;
	v2 =	vmax.f32 v6, v2;
	v6 =	vmax.f32 v10, v9  }
0x2db: {  	v31 =	vadd.s32 $0x11170, v60;
	v13 =	vld.idx.msk [tilespmem:v39+s2+$0x0], $0xffff;
	[tilespmem:$0x1FF70] =	vst v32;
	v6 =	vmax.f32 v8, v6;
	v8 =	vadd.s32 $0xEA60, v41  }
0x2dc: {  	v45 =	vadd.s32 $0x11170, v42;
	[tilespmem:$0x1FF60] =	vst v8;
	v3 =	vmax.f32 v3, v7;
	v7 =	vadd.s32 $0xEA60, v58  }
0x2dd: {  	v42 =	vadd.s32 $0x11170, v44;
	v44 =	vadd.s32 $0x11170, v47;
	[tilespmem:$0x1FF80] =	vst v7;
	v7 =	vadd.s32 $0xEA60, v33  }
0x2de: {  	v47 =	vadd.s32 $0xC350, v52;
	v46 =	vadd.s32 $0x11170, v40;
	v40 =	vadd.s32 $0xC350, v53;
	[tilespmem:$0x1FF90] =	vst v7  }
0x2df: {  	v22 =	vadd.s32 $0xC350, v63;
	v21 =	vadd.s32 $0xC350, v56;
	[tilespmem:s29+$0x0] =	vst v2;
	v2 =	vadd.s32 $0xEA60, v60  }
0x2e0: {  	v1 =	vadd.s32 $0xC350, v62;
	v8 =	vmax.f32 v16, v12;
	[tilespmem:$0x1FFA0] =	vst v2;
	v2 =	vmax.f32 v4, v13  }
0x2e1: {  	v49 =	vadd.s32 $0xC350, v57;
	v3 =	vmax.f32 v8, v3;
	[tilespmem:$0x1FFB0] =	vst v2;
	v2 =	vadd.s32 $0xEA60, v0  }
0x2e2: {  	v20 =	vadd.s32 $0x11170, v53;
	v55 =	vadd.s32 $0xEA60, v63;
	[tilespmem:$0x1FFC0] =	vst v2;
	v2 =	vmax.f32 v6, v3  }
0x2e3: {  	v28 =	vadd.s32 $0x11170, v58;
	v15 =	vadd.s32 $0xC350, v54;
	[tilespmem:$0x1FFD0] =	vst v2;
	v2 =	vadd.s32 $0xEA60, v59  }
0x2e4: {  	v19 =	vadd.s32 $0x11170, v56;
	v26 =	vadd.s32 $0x11170, v41;
	v18 =	vadd.s32 $0x11170, v63;
	v7 =	vmovc v0;
	v0 =	vld [tilespmem:$0x1FFF0];
	[tilespmem:$0x1FFE0] =	vst v2  }
0x2e5: {  	v48 =	vadd.s32 $0xEA60, v62;
	v23 =	vadd.s32 $0x11170, v54;
	v25 =	vadd.s32 $0x11170, v50;
	v1 =	vld.idx.msk [tilespmem:v1+s2+$0x0], $0xffff  }
0x2e6: {  	v61 =	vadd.s32 $0xEA60, v51;
	v29 =	vadd.s32 $0x11170, v59;
	v34 =	vadd.s32 $0xEA60, v56;
	v2 =	vld.idx.msk [tilespmem:v49+s2+$0x0], $0xffff  }
0x2e7: {  	v17 =	vadd.s32 $0x11170, v57;
	v35 =	vadd.s32 $0xEA60, v57;
	v36 =	vadd.s32 $0xEA60, v53;
	v3 =	vld.idx.msk [tilespmem:v22+s2+$0x0], $0xffff  }
0x2e8: {  	v37 =	vadd.s32 $0xEA60, v54;
	v38 =	vadd.s32 $0xEA60, v52;
	v39 =	vadd.s32 $0xEA60, v50;
	v14 =	vmovc v24;
	v4 =	vld.idx.msk [tilespmem:v21+s2+$0x0], $0xffff  }
0x2e9: {  	v24 =	vadd.s32 $0x11170, v52;
	v27 =	vadd.s32 $0x11170, v14;
	v16 =	vadd.s32 $0x11170, v62;
	[tilespmem:s29+$0x610] =	vst v5;
	v6 =	vld.idx.msk [tilespmem:v15+s2+$0x0], $0xffff  }
0x2ea: {  	s31 =	simm.s32 $0x2;
	s30 =	simm.s32 $0x180A0;
	s0 =	simm.s32 $0x148C0;
	v32 =	vadd.s32 $0x11170, v7;
	v22 =	vadd.s32 $0x11170, v51;
	v21 =	vadd.s32 $0x11170, v33;
	[tilespmem:s28+$0x610] =	vst v0;
	v0 =	vld.idx.msk [tilespmem:v40+s2+$0x0], $0xffff  }
.LBB2_4:
0x2eb: {  	v49 =	vld [tilespmem:s0+$0xFFFFF010]  }
0x2ec: {  	v63 =	vld [tilespmem:s0+$0xFFFFF210]  }
0x2ed: {  	v62 =	vld [tilespmem:s0+$0xFFFFF410]  }
0x2ee: {  	v51 =	vld [tilespmem:s0+$0xFFFFF610]  }
0x2ef: {  	[tilespmem:$0x1F640] =	vst v61;
	v61 =	vld [tilespmem:s0+$0xFFFFF810]  }
0x2f0: {  	[tilespmem:$0x1F2A0] =	vst v47;
	v60 =	vld [tilespmem:s0+$0xFFFFFA10]  }
0x2f1: {  	[tilespmem:$0x1F430] =	vst v28;
	v59 =	vld [tilespmem:s0+$0xFFFFFC10]  }
0x2f2: {  	[tilespmem:$0x1F420] =	vst v27;
	v58 =	vld [tilespmem:s0+$0xFFFFFE10]  }
0x2f3: {  	[tilespmem:$0x1F410] =	vst v45;
	v57 =	vld [tilespmem:s0+$0x10]  }
0x2f4: {  	[tilespmem:$0x1F3F0] =	vst v46;
	v56 =	vld [tilespmem:s0+$0x210]  }
0x2f5: {  	[tilespmem:$0x1F540] =	vst v48;
	v54 =	vld [tilespmem:s0+$0x410]  }
0x2f6: {  	[tilespmem:$0x1F560] =	vst v55;
	v53 =	vld [tilespmem:s0+$0x610]  }
0x2f7: {  	[tilespmem:$0x1F550] =	vst v35;
	v52 =	vld [tilespmem:s0+$0x810]  }
0x2f8: {  	[tilespmem:$0x1F7D0] =	vst v30;
	v50 =	vld [tilespmem:s0+$0xA10]  }
0x2f9: {  	[tilespmem:$0x1F810] =	vst v43;
	v43 =	vld [tilespmem:s0+$0xC10]  }
0x2fa: {  	[tilespmem:$0x1F9B0] =	vst v19;
	v19 =	vld [tilespmem:s0+$0xFFFFF200]  }
0x2fb: {  	[tilespmem:$0x1F970] =	vst v17;
	v17 =	vld [tilespmem:s0+$0xFFFFF400]  }
0x2fc: {  	[tilespmem:$0x1F590] =	vst v34;
	v15 =	vld [tilespmem:s0+$0xFFFFF600]  }
0x2fd: {  	[tilespmem:$0x1F990] =	vst v18;
	v18 =	vld [tilespmem:s0+$0xFFFFF800]  }
0x2fe: {  	[tilespmem:$0x1F5C0] =	vst v36;
	v36 =	vld [tilespmem:s0+$0xFFFFFA00]  }
0x2ff: {  	[tilespmem:$0x1F5E0] =	vst v37;
	v37 =	vld [tilespmem:s0+$0xFFFFFC00];
	v1 =	vmax.f32 v1, v2;
	v2 =	vmax.f32 v3, v4  }
0x300: {  	[tilespmem:$0x1F600] =	vst v38;
	v38 =	vld [tilespmem:s0+$0xFFFFFE00];
	v1 =	vmax.f32 v1, v2  }
0x301: {  	[tilespmem:$0x1F2E0] =	vst v1;
	v1 =	vld [tilespmem:s0+$0xE10]  }
0x302: {  	[tilespmem:$0x1F840] =	vst v29;
	v2 =	vld.idx.msk [tilespmem:v49+s2+$0x0], $0xffff  }
0x303: {  	[tilespmem:$0x1F7F0] =	vst v42;
	v3 =	vld.idx.msk [tilespmem:v63+s2+$0x0], $0xffff  }
0x304: {  	[tilespmem:$0x1F620] =	vst v39;
	v4 =	vld.idx.msk [tilespmem:v62+s2+$0x0], $0xffff  }
0x305: {  	[tilespmem:$0x1F830] =	vst v44;
	v7 =	vld.idx.msk [tilespmem:v51+s2+$0x0], $0xffff  }
0x306: {  	[tilespmem:$0x1FA70] =	vst v26;
	v8 =	vld.idx.msk [tilespmem:v61+s2+$0x0], $0xffff  }
0x307: {  	[tilespmem:$0x1FA50] =	vst v22;
	v9 =	vld.idx.msk [tilespmem:v60+s2+$0x0], $0xffff  }
0x308: {  	[tilespmem:$0x1F7E0] =	vst v21;
	v10 =	vld.idx.msk [tilespmem:v59+s2+$0x0], $0xffff  }
0x309: {  	[tilespmem:$0x1F950] =	vst v16;
	v11 =	vld.idx.msk [tilespmem:v58+s2+$0x0], $0xffff  }
0x30a: {  	[tilespmem:$0x1F9F0] =	vst v23;
	v12 =	vld.idx.msk [tilespmem:v57+s2+$0x0], $0xffff  }
0x30b: {  	[tilespmem:$0x1F9D0] =	vst v20;
	v13 =	vld.idx.msk [tilespmem:v56+s2+$0x0], $0xffff  }
0x30c: {  	[tilespmem:$0x1FA10] =	vst v24;
	v0 =	vmax.f32 v0, v6;
	v14 =	vld.idx.msk [tilespmem:v54+s2+$0x0], $0xffff  }
0x30d: {  	[tilespmem:$0x1F2D0] =	vst v0;
	v0 =	vadd.s32 $0x2710, v19;
	v16 =	vld.idx.msk [tilespmem:v53+s2+$0x0], $0xffff  }
0x30e: {  	[tilespmem:$0x1F2F0] =	vst v0;
	v0 =	vadd.s32 $0x2710, v17;
	v20 =	vld.idx.msk [tilespmem:v52+s2+$0x0], $0xffff  }
0x30f: {  	[tilespmem:$0x1F300] =	vst v0;
	v0 =	vadd.s32 $0x2710, v15;
	v21 =	vld.idx.msk [tilespmem:v50+s2+$0x0], $0xffff  }
0x310: {  	v23 =	vld.idx.msk [tilespmem:v43+s2+$0x0], $0xffff;
	[tilespmem:$0x1F310] =	vst v0;
	v0 =	vadd.s32 $0x2710, v18  }
0x311: {  	[tilespmem:$0x1F320] =	vst v0;
	v0 =	vadd.s32 $0x2710, v36;
	v24 =	vld.idx.msk [tilespmem:v1+s2+$0x0], $0xffff  }
0x312: {  	[tilespmem:$0x1F820] =	vst v32;
	v39 =	vld [tilespmem:s0+$0x0];
	v2 =	vmax.f32 v2, v3;
	v3 =	vmax.f32 v4, v7;
	v4 =	vmax.f32 v8, v9  }
0x313: {  	[tilespmem:$0x1F800] =	vst v31;
	v7 =	vmax.f32 v10, v11;
	v8 =	vmax.f32 v12, v13;
	v40 =	vmax.f32 v14, v16  }
0x314: {  	[tilespmem:$0x1FA30] =	vst v25;
	v2 =	vmax.f32 v2, v3;
	v3 =	vmax.f32 v4, v7;
	v4 =	vmax.f32 v8, v40;
	v40 =	vld [tilespmem:s0+$0x200]  }
0x315: {  	[tilespmem:$0x1F330] =	vst v0;
	v0 =	vadd.s32 $0x2710, v37  }
0x316: {  	[tilespmem:$0x1F340] =	vst v0;
	v0 =	vadd.s32 $0x2710, v38;
	v41 =	vmax.f32 v20, v21;
	v42 =	vmax.f32 v23, v24  }
0x317: {  	[tilespmem:$0x1F350] =	vst v0;
	v0 =	vadd.s32 $0x2710, v39;
	v7 =	vmax.f32 v41, v42;
	v41 =	vld [tilespmem:s0+$0x400]  }
0x318: {  	[tilespmem:$0x1F360] =	vst v0;
	v0 =	vadd.s32 $0x4E20, v19  }
0x319: {  	v25 =	vadd.s32 $0x2710, v49;
	v31 =	vadd.s32 $0x2710, v63;
	[tilespmem:$0x1F450] =	vst v0;
	v0 =	vadd.s32 $0x2710, v40  }
0x31a: {  	v2 =	vmax.f32 v2, v3;
	[tilespmem:$0x1F370] =	vst v0;
	v0 =	vadd.s32 $0x4E20, v17;
	v3 =	vmax.f32 v4, v7  }
0x31b: {  	s29 =	sadd.s32 $0x20, s29;
	v8 =	vadd.s32 $0x2710, v60;
	[tilespmem:$0x1F460] =	vst v0;
	v2 =	vmax.f32 v2, v3  }
0x31c: {  	v44 =	vadd.s32 $0x2710, v59;
	[tilespmem:s29+$0xFFFFF810] =	vst v2;
	v0 =	vadd.s32 $0x2710, v41  }
0x31d: {  	v45 =	vadd.s32 $0x2710, v58;
	[tilespmem:$0x1F380] =	vst v0;
	v0 =	vadd.s32 $0x4E20, v15  }
0x31e: {  	v4 =	vadd.s32 $0x2710, v62;
	v10 =	vld.idx.msk [tilespmem:v25+s2+$0x0], $0xffff;
	[tilespmem:$0x1F470] =	vst v0;
	v0 =	vadd.s32 $0x4E20, v18  }
0x31f: {  	v7 =	vadd.s32 $0x2710, v51;
	v11 =	vld.idx.msk [tilespmem:v31+s2+$0x0], $0xffff;
	[tilespmem:$0x1F480] =	vst v0;
	v0 =	vadd.s32 $0x4E20, v36  }
0x320: {  	v2 =	vadd.s32 $0x2710, v61;
	v16 =	vld.idx.msk [tilespmem:v8+s2+$0x0], $0xffff;
	[tilespmem:$0x1F490] =	vst v0;
	v0 =	vadd.s32 $0x4E20, v37  }
0x321: {  	v46 =	vadd.s32 $0x2710, v57;
	v21 =	vld.idx.msk [tilespmem:v44+s2+$0x0], $0xffff;
	[tilespmem:$0x1F4A0] =	vst v0;
	v0 =	vadd.s32 $0x4E20, v38  }
0x322: {  	v47 =	vadd.s32 $0x2710, v56;
	v12 =	vld.idx.msk [tilespmem:v45+s2+$0x0], $0xffff;
	[tilespmem:$0x1F4B0] =	vst v0;
	v0 =	vadd.s32 $0x4E20, v39  }
0x323: {  	v4 =	vld.idx.msk [tilespmem:v4+s2+$0x0], $0xffff;
	[tilespmem:$0x1F4C0] =	vst v0;
	v0 =	vadd.s32 $0x4E20, v40  }
0x324: {  	v8 =	vadd.s32 $0x2710, v54;
	v7 =	vld.idx.msk [tilespmem:v7+s2+$0x0], $0xffff;
	[tilespmem:$0x1F4D0] =	vst v0;
	v0 =	vadd.s32 $0x4E20, v41  }
0x325: {  	v2 =	vld.idx.msk [tilespmem:v2+s2+$0x0], $0xffff;
	[tilespmem:$0x1F4E0] =	vst v0  }
0x326: {  	v48 =	vadd.s32 $0x2710, v53;
	v0 =	vadd.s32 $0x7530, v19;
	v13 =	vld.idx.msk [tilespmem:v46+s2+$0x0], $0xffff  }
0x327: {  	v31 =	vadd.s32 $0x2710, v52;
	[tilespmem:$0x1F680] =	vst v0;
	v0 =	vadd.s32 $0x7530, v17;
	v14 =	vld.idx.msk [tilespmem:v47+s2+$0x0], $0xffff  }
0x328: {  	v55 =	vadd.s32 $0x2710, v50;
	v46 =	vld [tilespmem:s0+$0x800];
	[tilespmem:$0x1F690] =	vst v0;
	v0 =	vadd.s32 $0x7530, v15  }
0x329: {  	v33 =	vadd.s32 $0x2710, v43;
	v34 =	vld.idx.msk [tilespmem:v8+s2+$0x0], $0xffff;
	[tilespmem:$0x1F6A0] =	vst v0;
	v0 =	vadd.s32 $0x7530, v18  }
0x32a: {  	v8 =	vadd.s32 $0x2710, v1;
	v47 =	vld [tilespmem:s0+$0xA00];
	[tilespmem:$0x1F6B0] =	vst v0;
	v0 =	vadd.s32 $0x7530, v36  }
0x32b: {  	v35 =	vld.idx.msk [tilespmem:v48+s2+$0x0], $0xffff;
	[tilespmem:$0x1F6C0] =	vst v0;
	v0 =	vadd.s32 $0x7530, v37  }
0x32c: {  	v31 =	vld.idx.msk [tilespmem:v31+s2+$0x0], $0xffff;
	[tilespmem:$0x1F6D0] =	vst v0;
	v0 =	vadd.s32 $0x7530, v38  }
0x32d: {  	v3 =	vmov v1;
	v32 =	vld.idx.msk [tilespmem:v55+s2+$0x0], $0xffff;
	v1 =	vadd.s32 $0x9C40, v46;
	[tilespmem:$0x1F6E0] =	vst v0  }
0x32e: {  	v33 =	vld.idx.msk [tilespmem:v33+s2+$0x0], $0xffff;
	v0 =	vadd.s32 $0x7530, v39;
	[tilespmem:$0x1F910] =	vst v1  }
0x32f: {  	v42 =	vld.idx.msk [tilespmem:v8+s2+$0x0], $0xffff;
	v1 =	vadd.s32 $0x9C40, v47;
	[tilespmem:$0x1F6F0] =	vst v0  }
0x330: {  	v10 =	vmax.f32 v10, v11;
	v4 =	vmax.f32 v4, v7;
	v0 =	vadd.s32 $0x7530, v40;
	[tilespmem:$0x1F920] =	vst v1  }
0x331: {  	v7 =	vmax.f32 v21, v12;
	v2 =	vmax.f32 v2, v16;
	[tilespmem:$0x1F700] =	vst v0;
	v0 =	vadd.s32 $0x7530, v41  }
0x332: {  	v4 =	vmax.f32 v10, v4;
	v2 =	vmax.f32 v2, v7;
	[tilespmem:$0x1F710] =	vst v0;
	v0 =	vadd.s32 $0x9C40, v19  }
0x333: {  	v11 =	vmax.f32 v13, v14;
	v35 =	vmax.f32 v34, v35;
	[tilespmem:$0x1F860] =	vst v0;
	v0 =	vadd.s32 $0x9C40, v17  }
0x334: {  	v16 =	vmax.f32 v31, v32;
	v21 =	vmax.f32 v33, v42;
	[tilespmem:$0x1F870] =	vst v0;
	v0 =	vadd.s32 $0x9C40, v15  }
0x335: {  	v7 =	vmax.f32 v11, v35;
	v12 =	vmax.f32 v16, v21;
	[tilespmem:$0x1F880] =	vst v0;
	v0 =	vadd.s32 $0x9C40, v18  }
0x336: {  	v2 =	vmax.f32 v4, v2;
	v4 =	vmax.f32 v7, v12;
	[tilespmem:$0x1F890] =	vst v0;
	v0 =	vadd.s32 $0x9C40, v36  }
0x337: {  	v2 =	vmax.f32 v2, v4;
	[tilespmem:$0x1F8A0] =	vst v0  }
0x338: {  	v14 =	vadd.s32 $0x4E20, v51;
	v0 =	vadd.s32 $0x9C40, v37;
	[tilespmem:s29+$0xFFFFFA10] =	vst v2  }
0x339: {  	v2 =	vadd.s32 $0x4E20, v61;
	[tilespmem:$0x1F8B0] =	vst v0;
	v0 =	vadd.s32 $0x9C40, v38  }
0x33a: {  	[tilespmem:$0x1F8C0] =	vst v0;
	v0 =	vadd.s32 $0x9C40, v39  }
0x33b: {  	[tilespmem:$0x1F8D0] =	vst v0;
	v0 =	vadd.s32 $0x9C40, v40  }
0x33c: {  	v9 =	vld [tilespmem:s0+$0xC00];
	[tilespmem:$0x1F8E0] =	vst v0;
	v0 =	vadd.s32 $0x9C40, v41  }
0x33d: {  	v27 =	vld.idx.msk [tilespmem:v14+s2+$0x0], $0xffff;
	v14 =	vadd.s32 $0x4E20, v57;
	[tilespmem:$0x1F8F0] =	vst v0;
	v0 =	vadd.s32 $0xC350, v19  }
0x33e: {  	v29 =	vld.idx.msk [tilespmem:v2+s2+$0x0], $0xffff;
	v2 =	vadd.s32 $0x4E20, v56;
	[tilespmem:$0x1FA90] =	vst v0;
	v0 =	vadd.s32 $0xC350, v17  }
0x33f: {  	[tilespmem:$0x1FAA0] =	vst v0;
	v0 =	vadd.s32 $0xC350, v15  }
0x340: {  	v44 =	vld [tilespmem:s0+$0x600];
	[tilespmem:$0x1FAB0] =	vst v0;
	v0 =	vadd.s32 $0xC350, v18  }
0x341: {  	[tilespmem:$0x1FAC0] =	vst v0;
	v0 =	vadd.s32 $0xC350, v36  }
0x342: {  	v16 =	vld.idx.msk [tilespmem:v14+s2+$0x0], $0xffff;
	[tilespmem:$0x1FAD0] =	vst v0;
	v0 =	vadd.s32 $0xC350, v37  }
0x343: {  	v14 =	vld.idx.msk [tilespmem:v2+s2+$0x0], $0xffff;
	v2 =	vadd.s32 $0x9C40, v9;
	[tilespmem:$0x1F2B0] =	vst v0  }
0x344: {  	v45 =	vld [tilespmem:s0+$0xE00];
	v0 =	vadd.s32 $0xC350, v38;
	[tilespmem:$0x1F930] =	vst v2  }
0x345: {  	v13 =	vld [tilespmem:s0+$0xFFFFF000];
	[tilespmem:$0x1F2C0] =	vst v0;
	v0 =	vadd.s32 $0x2710, v44  }
0x346: {  	[tilespmem:$0x1F390] =	vst v0;
	v0 =	vadd.s32 $0x2710, v46  }
0x347: {  	[tilespmem:$0x1F3A0] =	vst v0;
	v0 =	vadd.s32 $0x2710, v47  }
0x348: {  	[tilespmem:$0x1F3B0] =	vst v0;
	v0 =	vadd.s32 $0x2710, v9  }
0x349: {  	[tilespmem:$0x1F3C0] =	vst v0;
	v0 =	vadd.s32 $0x2710, v45  }
0x34a: {  	[tilespmem:$0x1F3D0] =	vst v0;
	v0 =	vadd.s32 $0x4E20, v13  }
0x34b: {  	[tilespmem:$0x1F440] =	vst v0;
	v0 =	vadd.s32 $0x4E20, v44  }
0x34c: {  	[tilespmem:$0x1F4F0] =	vst v0;
	v0 =	vadd.s32 $0x4E20, v46  }
0x34d: {  	v55 =	vadd.s32 $0x4E20, v63;
	[tilespmem:$0x1F500] =	vst v0;
	v0 =	vadd.s32 $0x4E20, v47  }
0x34e: {  	[tilespmem:$0x1F510] =	vst v0;
	v0 =	vadd.s32 $0x4E20, v9  }
0x34f: {  	v25 =	vld.idx.msk [tilespmem:v19+s2+$0x0], $0xffff;
	[tilespmem:$0x1F520] =	vst v0;
	v0 =	vadd.s32 $0x4E20, v45  }
0x350: {  	v10 =	vadd.s32 $0x4E20, v62;
	v11 =	vld.idx.msk [tilespmem:v17+s2+$0x0], $0xffff;
	[tilespmem:$0x1F530] =	vst v0;
	v0 =	vadd.s32 $0x7530, v13  }
0x351: {  	v48 =	vadd.s32 $0x4E20, v49;
	v12 =	vld.idx.msk [tilespmem:v15+s2+$0x0], $0xffff;
	[tilespmem:$0x1F670] =	vst v0;
	v0 =	vadd.s32 $0x7530, v44  }
0x352: {  	v22 =	vld.idx.msk [tilespmem:v55+s2+$0x0], $0xffff;
	v55 =	vadd.s32 $0x4E20, v59;
	[tilespmem:$0x1F720] =	vst v0;
	v0 =	vadd.s32 $0x7530, v46  }
0x353: {  	v24 =	vld.idx.msk [tilespmem:v18+s2+$0x0], $0xffff;
	v35 =	vadd.s32 $0x4E20, v60;
	[tilespmem:$0x1F730] =	vst v0;
	v0 =	vadd.s32 $0x7530, v47  }
0x354: {  	v1 =	vadd.s32 $0x4E20, v43;
	v7 =	vld.idx.msk [tilespmem:v36+s2+$0x0], $0xffff;
	[tilespmem:$0x1F740] =	vst v0;
	v0 =	vadd.s32 $0x7530, v9  }
0x355: {  	v26 =	vld.idx.msk [tilespmem:v10+s2+$0x0], $0xffff;
	v10 =	vadd.s32 $0x4E20, v58;
	[tilespmem:$0x1F750] =	vst v0;
	v0 =	vadd.s32 $0x7530, v45  }
0x356: {  	v23 =	vld.idx.msk [tilespmem:v48+s2+$0x0], $0xffff;
	v28 =	vmax.f32 v11, v12;
	v11 =	vadd.s32 $0x4E20, v54;
	[tilespmem:$0x1F760] =	vst v0;
	v0 =	vadd.s32 $0x9C40, v13  }
0x357: {  	v21 =	vld.idx.msk [tilespmem:v55+s2+$0x0], $0xffff;
	v55 =	vadd.s32 $0x4E20, v53;
	[tilespmem:$0x1F850] =	vst v0;
	v0 =	vadd.s32 $0x9C40, v44  }
0x358: {  	v30 =	vld.idx.msk [tilespmem:v35+s2+$0x0], $0xffff;
	v2 =	vadd.s32 $0x9C40, v45;
	[tilespmem:$0x1F900] =	vst v0;
	v0 =	vadd.s32 $0x4E20, v50  }
0x359: {  	v1 =	vld.idx.msk [tilespmem:v1+s2+$0x0], $0xffff;
	[tilespmem:$0x1F940] =	vst v2;
	v2 =	vadd.s32 $0x4E20, v3  }
0x35a: {  	v31 =	vmov v3;
	v20 =	vld.idx.msk [tilespmem:v10+s2+$0x0], $0xffff;
	v10 =	vadd.s32 $0x4E20, v52;
	v3 =	vadd.s32 $0xC350, v13  }
0x35b: {  	v12 =	vld.idx.msk [tilespmem:v11+s2+$0x0], $0xffff;
	[tilespmem:$0x1FA80] =	vst v3;
	v3 =	vadd.s32 $0xC350, v9  }
0x35c: {  	v11 =	vld.idx.msk [tilespmem:v55+s2+$0x0], $0xffff;
	[tilespmem:$0x1F3E0] =	vst v3;
	v3 =	vadd.s32 $0xC350, v45  }
0x35d: {  	[tilespmem:$0x1F400] =	vst v3;
	v4 =	vld.idx.msk [tilespmem:v0+s2+$0x0], $0xffff;
	v0 =	vadd.s32 $0xEA60, v13  }
0x35e: {  	v7 =	vmax.f32 v24, v7;
	v2 =	vld.idx.msk [tilespmem:v2+s2+$0x0], $0xffff;
	[tilespmem:$0x1F570] =	vst v0;
	v0 =	vadd.s32 $0xEA60, v19  }
0x35f: {  	v22 =	vmax.f32 v23, v22;
	v23 =	vmax.f32 v26, v27;
	v8 =	vld.idx.msk [tilespmem:v10+s2+$0x0], $0xffff;
	[tilespmem:$0x1F580] =	vst v0;
	v0 =	vadd.s32 $0xEA60, v17  }
0x360: {  	v5 =	vld.idx.msk [tilespmem:v13+s2+$0x0], $0xffff;
	v26 =	vmax.f32 v29, v30;
	v20 =	vmax.f32 v21, v20;
	[tilespmem:$0x1F5A0] =	vst v0;
	v0 =	vadd.s32 $0xEA60, v15  }
0x361: {  	v24 =	vld.idx.msk [tilespmem:v45+s2+$0x0], $0xffff;
	v14 =	vmax.f32 v16, v14;
	v16 =	vmax.f32 v26, v20;
	v15 =	vadd.s32 $0x11170, v15;
	[tilespmem:$0x1F5B0] =	vst v0  }
0x362: {  	v27 =	vld.idx.msk [tilespmem:v39+s2+$0x0], $0xffff;
	v20 =	vadd.s32 $0x7530, v43;
	v11 =	vmax.f32 v12, v11;
	v0 =	vadd.s32 $0xEA60, v18;
	[tilespmem:$0x1F9C0] =	vst v15  }
0x363: {  	v3 =	vld.idx.msk [tilespmem:v37+s2+$0x0], $0xffff;
	v11 =	vmax.f32 v14, v11;
	v1 =	vmax.f32 v1, v2;
	[tilespmem:$0x1F5D0] =	vst v0;
	v0 =	vadd.s32 $0xEA60, v36  }
0x364: {  	v12 =	vld.idx.msk [tilespmem:v40+s2+$0x0], $0xffff;
	v2 =	vmax.f32 v22, v23;
	v4 =	vmax.f32 v8, v4;
	[tilespmem:$0x1F5F0] =	vst v0;
	v0 =	vadd.s32 $0xEA60, v37  }
0x365: {  	v15 =	vadd.s32 $0x7530, v53;
	v8 =	vld.idx.msk [tilespmem:v41+s2+$0x0], $0xffff;
	v1 =	vmax.f32 v4, v1;
	[tilespmem:$0x1F610] =	vst v0;
	v0 =	vadd.s32 $0xEA60, v38  }
0x366: {  	v2 =	vmax.f32 v2, v16;
	v4 =	vld.idx.msk [tilespmem:v44+s2+$0x0], $0xffff;
	v1 =	vmax.f32 v11, v1;
	[tilespmem:$0x1F630] =	vst v0;
	v0 =	vadd.s32 $0xEA60, v39  }
0x367: {  	v30 =	vld [tilespmem:$0x1F3B0];
	v22 =	vadd.s32 $0x7530, v31;
	v1 =	vmax.f32 v2, v1;
	[tilespmem:$0x1F650] =	vst v0  }
0x368: {  	v14 =	vld.idx.msk [tilespmem:v46+s2+$0x0], $0xffff;
	v0 =	vadd.s32 $0xEA60, v40;
	[tilespmem:s29+$0xFFFFFC10] =	vst v1  }
0x369: {  	v16 =	vld.idx.msk [tilespmem:v47+s2+$0x0], $0xffff;
	[tilespmem:$0x1F660] =	vst v0;
	v0 =	vadd.s32 $0xEA60, v41  }
0x36a: {  	v11 =	vadd.s32 $0x7530, v62;
	v23 =	vld.idx.msk [tilespmem:v15+s2+$0x0], $0xffff;
	[tilespmem:$0x1F770] =	vst v0;
	v0 =	vadd.s32 $0xEA60, v44  }
0x36b: {  	v2 =	vadd.s32 $0x7530, v51;
	v20 =	vld.idx.msk [tilespmem:v20+s2+$0x0], $0xffff;
	v4 =	vmax.f32 v8, v4;
	v8 =	vadd.s32 $0xEA60, v45;
	[tilespmem:$0x1F780] =	vst v0  }
0x36c: {  	v1 =	vadd.s32 $0x7530, v61;
	v22 =	vld.idx.msk [tilespmem:v22+s2+$0x0], $0xffff;
	v0 =	vadd.s32 $0xEA60, v46;
	[tilespmem:$0x1F7C0] =	vst v8  }
0x36d: {  	v8 =	vadd.s32 $0x7530, v57;
	[tilespmem:$0x1F790] =	vst v0;
	v0 =	vld.idx.msk [tilespmem:v38+s2+$0x0], $0xffff  }
0x36e: {  	v6 =	vadd.s32 $0x7530, v49;
	v15 =	vadd.s32 $0x11170, v45;
	v45 =	vld [tilespmem:$0x1FF00]  }
0x36f: {  	v11 =	vld.idx.msk [tilespmem:v11+s2+$0x0], $0xffff  }
0x370: {  	v10 =	vadd.s32 $0x7530, v63;
	v2 =	vld.idx.msk [tilespmem:v2+s2+$0x0], $0xffff  }
0x371: {  	v42 =	vadd.s32 $0x2710, v13;
	v1 =	vld.idx.msk [tilespmem:v1+s2+$0x0], $0xffff  }
0x372: {  	v5 =	vmax.f32 v5, v25;
	v55 =	vadd.s32 $0xC350, v41;
	v8 =	vld.idx.msk [tilespmem:v8+s2+$0x0], $0xffff;
	v0 =	vmax.f32 v3, v0  }
0x373: {  	v3 =	vmax.f32 v5, v28;
	v5 =	vld.idx.msk [tilespmem:v6+s2+$0x0], $0xffff;
	v6 =	vadd.s32 $0x7530, v60;
	v0 =	vmax.f32 v7, v0  }
0x374: {  	v28 =	vld [tilespmem:$0x1F2B0];
	v7 =	vmax.f32 v27, v12;
	v12 =	vadd.s32 $0xEA60, v47;
	v0 =	vmax.f32 v3, v0  }
0x375: {  	v3 =	vld.idx.msk [tilespmem:v10+s2+$0x0], $0xffff;
	v10 =	vadd.s32 $0x7530, v59;
	[tilespmem:$0x1F7A0] =	vst v12;
	v12 =	vadd.s32 $0xEA60, v9;
	v4 =	vmax.f32 v7, v4  }
0x376: {  	v27 =	vld [tilespmem:$0x1F2A0];
	v7 =	vadd.s32 $0x11170, v13;
	v13 =	vmax.f32 v14, v16;
	v14 =	vadd.s32 $0x11170, v19;
	[tilespmem:$0x1F7B0] =	vst v12  }
0x377: {  	v16 =	vadd.s32 $0x11170, v17;
	v17 =	vadd.s32 $0x11170, v37;
	v37 =	vadd.s32 $0x11170, v41;
	v41 =	vld [tilespmem:$0x1FEE0];
	[tilespmem:$0x1F960] =	vst v7  }
0x378: {  	v32 =	vadd.s32 $0xC350, v39;
	v34 =	vadd.s32 $0xC350, v46;
	v19 =	vadd.s32 $0x11170, v46;
	v46 =	vld [tilespmem:$0x1F2C0];
	[tilespmem:$0x1F980] =	vst v14  }
0x379: {  	v12 =	vadd.s32 $0x7530, v58;
	[tilespmem:$0x1F9A0] =	vst v16;
	v16 =	vadd.s32 $0x11170, v18;
	v18 =	vadd.s32 $0x11170, v39;
	v39 =	vld [tilespmem:$0x1FF20]  }
0x37a: {  	v7 =	vadd.s32 $0x7530, v56;
	[tilespmem:$0x1FA20] =	vst v17;
	v14 =	vld.idx.msk [tilespmem:v6+s2+$0x0], $0xffff  }
0x37b: {  	v35 =	vadd.s32 $0xC350, v47;
	v17 =	vadd.s32 $0x11170, v38;
	[tilespmem:$0x1FA60] =	vst v18;
	v18 =	vadd.s32 $0x11170, v47;
	v47 =	vmovc v28;
	v28 =	vld [tilespmem:$0x1F310]  }
0x37c: {  	[tilespmem:$0x1FA40] =	vst v17;
	v17 =	vadd.s32 $0x7530, v50;
	v10 =	vld.idx.msk [tilespmem:v10+s2+$0x0], $0xffff  }
0x37d: {  	v3 =	vmax.f32 v5, v3;
	v5 =	vld [tilespmem:$0x1FED0]  }
0x37e: {  	[tilespmem:$0x1F9E0] =	vst v16;
	v16 =	vadd.s32 $0x11170, v36;
	v6 =	vadd.s32 $0x7530, v54;
	v12 =	vld.idx.msk [tilespmem:v12+s2+$0x0], $0xffff  }
0x37f: {  	v2 =	vmax.f32 v11, v2;
	[tilespmem:$0x1FA00] =	vst v16;
	v16 =	vadd.s32 $0x7530, v52;
	v7 =	vld.idx.msk [tilespmem:v7+s2+$0x0], $0xffff  }
0x380: {  	v2 =	vmax.f32 v3, v2;
	v3 =	vld [tilespmem:$0x1FEF0]  }
0x381: {  	v17 =	vld.idx.msk [tilespmem:v17+s2+$0x0], $0xffff  }
0x382: {  	v27 =	vld.idx.msk [tilespmem:v27+s2+$0x0], $0xffff  }
0x383: {  	v21 =	vld.idx.msk [tilespmem:v6+s2+$0x0], $0xffff  }
0x384: {  	v16 =	vld.idx.msk [tilespmem:v16+s2+$0x0], $0xffff  }
0x385: {  	v6 =	vadd.s32 $0x11170, v9;
	v9 =	vld.idx.msk [tilespmem:v9+s2+$0x0], $0xffff  }
0x386: {  	v11 =	vld.idx.msk [tilespmem:v41+s2+$0x0], $0xffff  }
0x387: {  	v1 =	vmax.f32 v1, v14;
	v10 =	vmax.f32 v10, v12;
	v12 =	vld.idx.msk [tilespmem:v39+s2+$0x0], $0xffff  }
0x388: {  	v1 =	vmax.f32 v1, v10;
	v10 =	vld.idx.msk [tilespmem:v45+s2+$0x0], $0xffff  }
0x389: {  	v48 =	vadd.s32 $0xC350, v44;
	v25 =	vadd.s32 $0x9C40, v49;
	v5 =	vld.idx.msk [tilespmem:v5+s2+$0x0], $0xffff  }
0x38a: {  	v36 =	vadd.s32 $0x11170, v44;
	v44 =	vmax.f32 v20, v22;
	v9 =	vmax.f32 v9, v24;
	v24 =	vld [tilespmem:$0x1F2F0]  }
0x38b: {  	v7 =	vmax.f32 v8, v7;
	v8 =	vmax.f32 v21, v23;
	v16 =	vmax.f32 v16, v17;
	v17 =	vmovc v48;
	v48 =	vld [tilespmem:$0x1F330]  }
0x38c: {  	v26 =	vadd.s32 $0x9C40, v63;
	v3 =	vld.idx.msk [tilespmem:v3+s2+$0x0], $0xffff;
	v7 =	vmax.f32 v7, v8;
	v8 =	vmax.f32 v16, v44  }
0x38d: {  	v39 =	vadd.s32 $0x9C40, v54;
	v1 =	vmax.f32 v2, v1;
	v44 =	vld [tilespmem:$0x1FF30];
	v2 =	vmax.f32 v7, v8  }
0x38e: {  	v21 =	vadd.s32 $0x9C40, v43;
	v16 =	vld [tilespmem:$0x1F2D0];
	v1 =	vmax.f32 v1, v2  }
0x38f: {  	v22 =	vadd.s32 $0x9C40, v31;
	v9 =	vmax.f32 v13, v9;
	v8 =	vld [tilespmem:$0x1FF10];
	[tilespmem:s29+$0xFFFFFE10] =	vst v1  }
0x390: {  	v4 =	vmax.f32 v4, v9;
	v45 =	vld.idx.msk [tilespmem:v25+s2+$0x0], $0xffff  }
0x391: {  	v0 =	vmax.f32 v0, v4;
	v4 =	vld.idx.msk [tilespmem:v26+s2+$0x0], $0xffff  }
0x392: {  	v7 =	vadd.s32 $0x9C40, v62;
	v14 =	vld.idx.msk [tilespmem:v39+s2+$0x0], $0xffff  }
0x393: {  	[tilespmem:$0x1FF10] =	vst v17;
	v17 =	vadd.s32 $0x9C40, v57;
	v21 =	vld.idx.msk [tilespmem:v21+s2+$0x0], $0xffff  }
0x394: {  	v22 =	vld.idx.msk [tilespmem:v22+s2+$0x0], $0xffff  }
0x395: {  	v25 =	vld [tilespmem:$0x1F300]  }
0x396: {  	v2 =	vadd.s32 $0x9C40, v51;
	v5 =	vmax.f32 v27, v5;
	v39 =	vld [tilespmem:$0x1F370]  }
0x397: {  	v1 =	vadd.s32 $0x9C40, v61;
	v7 =	vld.idx.msk [tilespmem:v7+s2+$0x0], $0xffff  }
0x398: {  	v17 =	vld.idx.msk [tilespmem:v17+s2+$0x0], $0xffff  }
0x399: {  	v33 =	vadd.s32 $0xC350, v40;
	v20 =	vmax.f32 v16, v5;
	v5 =	vmov v34;
	v34 =	vld [tilespmem:$0x1F350]  }
0x39a: {  	v16 =	vmov v33;
	v33 =	vadd.s32 $0x9C40, v58;
	v13 =	vld.idx.msk [tilespmem:v44+s2+$0x0], $0xffff  }
0x39b: {  	[tilespmem:$0x1FF20] =	vst v5;
	v5 =	vld.idx.msk [tilespmem:v2+s2+$0x0], $0xffff  }
0x39c: {  	v1 =	vld.idx.msk [tilespmem:v1+s2+$0x0], $0xffff  }
0x39d: {  	v8 =	vld.idx.msk [tilespmem:v8+s2+$0x0], $0xffff  }
0x39e: {  	[tilespmem:s29+$0xFFFFF800] =	vst v0;
	v0 =	vld [tilespmem:$0x1F2E0]  }
0x39f: {  	v3 =	vmax.f32 v11, v3;
	[tilespmem:$0x1FEF0] =	vst v16;
	v16 =	vadd.s32 $0x9C40, v59;
	v11 =	vld.idx.msk [tilespmem:v33+s2+$0x0], $0xffff  }
0x3a0: {  	v38 =	vmov v46;
	v23 =	vld.idx.msk [tilespmem:v42+s2+$0x0], $0xffff  }
0x3a1: {  	[tilespmem:$0x1FED0] =	vst v38;
	v38 =	vadd.s32 $0x9C40, v56;
	v24 =	vld.idx.msk [tilespmem:v24+s2+$0x0], $0xffff  }
0x3a2: {  	v28 =	vld.idx.msk [tilespmem:v28+s2+$0x0], $0xffff  }
0x3a3: {  	v41 =	vmov v32;
	v30 =	vld.idx.msk [tilespmem:v30+s2+$0x0], $0xffff  }
0x3a4: {  	v46 =	vadd.s32 $0x9C40, v60;
	[tilespmem:$0x1FEE0] =	vst v41;
	v41 =	vld.idx.msk [tilespmem:v16+s2+$0x0], $0xffff  }
0x3a5: {  	v44 =	vadd.s32 $0x9C40, v53;
	v4 =	vmax.f32 v45, v4;
	v25 =	vld.idx.msk [tilespmem:v25+s2+$0x0], $0xffff  }
0x3a6: {  	v16 =	vadd.s32 $0x9C40, v52;
	v5 =	vmax.f32 v7, v5;
	v2 =	vmax.f32 v10, v8;
	v10 =	vld.idx.msk [tilespmem:v38+s2+$0x0], $0xffff  }
0x3a7: {  	v4 =	vmax.f32 v4, v5;
	v5 =	vld [tilespmem:$0x1F340]  }
0x3a8: {  	v8 =	vmov v35;
	v35 =	vld [tilespmem:$0x1F360]  }
0x3a9: {  	v2 =	vmax.f32 v3, v2;
	v3 =	vld.idx.msk [tilespmem:v46+s2+$0x0], $0xffff  }
0x3aa: {  	[tilespmem:$0x1FF30] =	vst v8;
	v8 =	vmax.f32 v12, v13;
	v13 =	vld.idx.msk [tilespmem:v44+s2+$0x0], $0xffff  }
0x3ab: {  	v0 =	vmax.f32 v0, v20;
	v20 =	vadd.s32 $0x9C40, v50;
	v16 =	vld.idx.msk [tilespmem:v16+s2+$0x0], $0xffff  }
0x3ac: {  	v7 =	vmax.f32 v41, v11;
	v11 =	vld.idx.msk [tilespmem:v48+s2+$0x0], $0xffff  }
0x3ad: {  	v38 =	vmax.f32 v23, v24;
	v41 =	vmax.f32 v25, v28;
	v25 =	vld [tilespmem:$0x1F380]  }
0x3ae: {  	v12 =	vmax.f32 v38, v41;
	v38 =	vld [tilespmem:$0x1FF40]  }
0x3af: {  	v41 =	vld [tilespmem:$0x1F3E0]  }
0x3b0: {  	v20 =	vld.idx.msk [tilespmem:v20+s2+$0x0], $0xffff  }
0x3b1: {  	v1 =	vmax.f32 v1, v3;
	v3 =	vld [tilespmem:$0x1F320]  }
0x3b2: {  	v45 =	vmax.f32 v17, v10;
	v10 =	vld.idx.msk [tilespmem:v34+s2+$0x0], $0xffff  }
0x3b3: {  	v46 =	vmax.f32 v14, v13;
	v13 =	vld.idx.msk [tilespmem:v39+s2+$0x0], $0xffff  }
0x3b4: {  	v32 =	vmov v55;
	v26 =	vadd.s32 $0xC350, v49;
	v39 =	vld [tilespmem:$0x1FF50]  }
0x3b5: {  	[tilespmem:$0x1FF00] =	vst v32;
	v27 =	vadd.s32 $0xC350, v63;
	v32 =	vmax.f32 v21, v22;
	v5 =	vld.idx.msk [tilespmem:v5+s2+$0x0], $0xffff;
	v55 =	vmax.f32 v16, v20  }
0x3b6: {  	v1 =	vmax.f32 v1, v7;
	v7 =	vmax.f32 v45, v46;
	v9 =	vld.idx.msk [tilespmem:v35+s2+$0x0], $0xffff;
	v33 =	vmax.f32 v55, v32  }
0x3b7: {  	v1 =	vmax.f32 v4, v1;
	v16 =	vadd.s32 $0xC350, v60;
	v25 =	vld.idx.msk [tilespmem:v25+s2+$0x0], $0xffff;
	v4 =	vmax.f32 v7, v33  }
0x3b8: {  	v17 =	vadd.s32 $0xC350, v59;
	v33 =	vld [tilespmem:$0x1F3D0];
	v1 =	vmax.f32 v1, v4  }
0x3b9: {  	v20 =	vadd.s32 $0xC350, v58;
	v3 =	vld.idx.msk [tilespmem:v3+s2+$0x0], $0xffff;
	[tilespmem:s29+$0x10] =	vst v1  }
0x3ba: {  	v45 =	vadd.s32 $0xC350, v57;
	v42 =	vld.idx.msk [tilespmem:v26+s2+$0x0], $0xffff  }
0x3bb: {  	v48 =	vadd.s32 $0xC350, v54;
	v44 =	vld.idx.msk [tilespmem:v27+s2+$0x0], $0xffff  }
0x3bc: {  	v21 =	vadd.s32 $0xC350, v52;
	v46 =	vld.idx.msk [tilespmem:v16+s2+$0x0], $0xffff  }
0x3bd: {  	v22 =	vadd.s32 $0xC350, v50;
	v16 =	vld.idx.msk [tilespmem:v17+s2+$0x0], $0xffff  }
0x3be: {  	v23 =	vadd.s32 $0xC350, v43;
	v20 =	vld.idx.msk [tilespmem:v20+s2+$0x0], $0xffff  }
0x3bf: {  	v24 =	vadd.s32 $0xC350, v31;
	v5 =	vmax.f32 v5, v10;
	v10 =	vld.idx.msk [tilespmem:v45+s2+$0x0], $0xffff  }
0x3c0: {  	v9 =	vmax.f32 v9, v13;
	v13 =	vld.idx.msk [tilespmem:v48+s2+$0x0], $0xffff  }
0x3c1: {  	v21 =	vld.idx.msk [tilespmem:v21+s2+$0x0], $0xffff  }
0x3c2: {  	v22 =	vld.idx.msk [tilespmem:v22+s2+$0x0], $0xffff  }
0x3c3: {  	v7 =	vadd.s32 $0xC350, v62;
	v23 =	vld.idx.msk [tilespmem:v23+s2+$0x0], $0xffff  }
0x3c4: {  	v4 =	vadd.s32 $0xC350, v51;
	v24 =	vld.idx.msk [tilespmem:v24+s2+$0x0], $0xffff  }
0x3c5: {  	v1 =	vadd.s32 $0xC350, v61;
	v26 =	vld [tilespmem:$0x1F390]  }
0x3c6: {  	v17 =	vadd.s32 $0xC350, v53;
	v27 =	vld [tilespmem:$0x1F3A0]  }
0x3c7: {  	v45 =	vld [tilespmem:$0x1F3F0]  }
0x3c8: {  	v7 =	vld.idx.msk [tilespmem:v7+s2+$0x0], $0xffff  }
0x3c9: {  	v4 =	vld.idx.msk [tilespmem:v4+s2+$0x0], $0xffff  }
0x3ca: {  	v1 =	vld.idx.msk [tilespmem:v1+s2+$0x0], $0xffff  }
0x3cb: {  	v17 =	vld.idx.msk [tilespmem:v17+s2+$0x0], $0xffff  }
0x3cc: {  	v34 =	vmax.f32 v21, v22;
	v21 =	vld [tilespmem:$0x1F420]  }
0x3cd: {  	v22 =	vld [tilespmem:$0x1F450]  }
0x3ce: {  	v55 =	vmax.f32 v16, v20;
	v16 =	vmax.f32 v23, v24;
	v23 =	vld [tilespmem:$0x1F460]  }
0x3cf: {  	v3 =	vmax.f32 v3, v11;
	v11 =	vmax.f32 v42, v44;
	v42 =	vmov v41;
	v41 =	vld [tilespmem:$0x1F4D0]  }
0x3d0: {  	v26 =	vld.idx.msk [tilespmem:v26+s2+$0x0], $0xffff  }
0x3d1: {  	v3 =	vmax.f32 v3, v5;
	v5 =	vadd.s32 $0xC350, v56;
	v27 =	vld.idx.msk [tilespmem:v27+s2+$0x0], $0xffff  }
0x3d2: {  	v4 =	vmax.f32 v7, v4;
	v7 =	vld [tilespmem:$0x1F3C0]  }
0x3d3: {  	v14 =	vld.idx.msk [tilespmem:v45+s2+$0x0], $0xffff  }
0x3d4: {  	v4 =	vmax.f32 v11, v4;
	v11 =	vld.idx.msk [tilespmem:v38+s2+$0x0], $0xffff  }
0x3d5: {  	v1 =	vmax.f32 v1, v46;
	v46 =	vld [tilespmem:$0x1F410]  }
0x3d6: {  	v5 =	vld.idx.msk [tilespmem:v5+s2+$0x0], $0xffff  }
0x3d7: {  	v38 =	vld [tilespmem:$0x1F4A0]  }
0x3d8: {  	v32 =	vmax.f32 v13, v17;
	v13 =	vld.idx.msk [tilespmem:v33+s2+$0x0], $0xffff  }
0x3d9: {  	v17 =	vld [tilespmem:$0x1F400]  }
0x3da: {  	v29 =	vadd.s32 $0xEA60, v63;
	v44 =	vmax.f32 v25, v26;
	v26 =	vld [tilespmem:$0x1F470]  }
0x3db: {  	v28 =	vadd.s32 $0xEA60, v49;
	v25 =	vadd.s32 $0x11170, v63;
	v63 =	vld [tilespmem:$0x1F540];
	v5 =	vmax.f32 v10, v5  }
0x3dc: {  	v35 =	vmax.f32 v34, v16;
	v1 =	vmax.f32 v1, v55;
	v10 =	vld.idx.msk [tilespmem:v39+s2+$0x0], $0xffff;
	v5 =	vmax.f32 v5, v32  }
0x3dd: {  	v20 =	vadd.s32 $0xEA60, v60;
	v1 =	vmax.f32 v4, v1;
	v7 =	vld.idx.msk [tilespmem:v7+s2+$0x0], $0xffff;
	v4 =	vmax.f32 v5, v35  }
0x3de: {  	v3 =	vmax.f32 v12, v3;
	v33 =	vadd.s32 $0xEA60, v54;
	v12 =	vld.idx.msk [tilespmem:v46+s2+$0x0], $0xffff;
	v1 =	vmax.f32 v1, v4  }
0x3df: {  	v46 =	vmov v21;
	v21 =	vld [tilespmem:$0x1F430];
	[tilespmem:s29+$0x210] =	vst v1  }
0x3e0: {  	v16 =	vmov v17;
	v5 =	vadd.s32 $0xEA60, v62;
	v17 =	vld.idx.msk [tilespmem:v28+s2+$0x0], $0xffff  }
0x3e1: {  	v4 =	vadd.s32 $0xEA60, v51;
	v48 =	vld.idx.msk [tilespmem:v29+s2+$0x0], $0xffff  }
0x3e2: {  	v32 =	vld.idx.msk [tilespmem:v20+s2+$0x0], $0xffff  }
0x3e3: {  	v1 =	vadd.s32 $0xEA60, v61;
	v10 =	vmax.f32 v11, v10;
	v11 =	vld.idx.msk [tilespmem:v33+s2+$0x0], $0xffff  }
0x3e4: {  	v55 =	vadd.s32 $0xEA60, v57;
	v9 =	vmax.f32 v9, v44;
	v33 =	vld [tilespmem:$0x1F5D0]  }
0x3e5: {  	v34 =	vadd.s32 $0xEA60, v53;
	[tilespmem:$0x1FF50] =	vst v16;
	v16 =	vmax.f32 v27, v30;
	v8 =	vmax.f32 v8, v10;
	v5 =	vld.idx.msk [tilespmem:v5+s2+$0x0], $0xffff  }
0x3e6: {  	v35 =	vadd.s32 $0xEA60, v52;
	v7 =	vmax.f32 v7, v13;
	v2 =	vmax.f32 v2, v8;
	v4 =	vld.idx.msk [tilespmem:v4+s2+$0x0], $0xffff  }
0x3e7: {  	v28 =	vmovc v36;
	v36 =	vadd.s32 $0xEA60, v50;
	v7 =	vmax.f32 v16, v7;
	v0 =	vmax.f32 v0, v2;
	v2 =	vld [tilespmem:$0x1FFB0]  }
0x3e8: {  	v20 =	vadd.s32 $0xEA60, v31;
	v7 =	vmax.f32 v9, v7;
	v1 =	vld.idx.msk [tilespmem:v1+s2+$0x0], $0xffff  }
0x3e9: {  	v3 =	vmax.f32 v3, v7;
	[tilespmem:s30+$0x200] =	vst v0;
	v0 =	vld.idx.msk [tilespmem:v55+s2+$0x0], $0xffff  }
0x3ea: {  	[tilespmem:s29+$0xFFFFFA00] =	vst v3;
	v3 =	vmax.f32 v14, v12;
	v12 =	vld.idx.msk [tilespmem:v34+s2+$0x0], $0xffff  }
0x3eb: {  	v14 =	vld.idx.msk [tilespmem:v35+s2+$0x0], $0xffff  }
0x3ec: {  	v9 =	vld.idx.msk [tilespmem:v36+s2+$0x0], $0xffff  }
0x3ed: {  	v20 =	vld.idx.msk [tilespmem:v20+s2+$0x0], $0xffff  }
0x3ee: {  	v13 =	vmax.f32 v17, v48;
	v48 =	vadd.s32 $0x11170, v60;
	v60 =	vld [tilespmem:$0x1F530]  }
0x3ef: {  	v17 =	vadd.s32 $0x11170, v52;
	v52 =	vld [tilespmem:$0x1F700]  }
0x3f0: {  	v45 =	vmov v21;
	v21 =	vadd.s32 $0xEA60, v59;
	v36 =	vmov v33;
	v33 =	vld [tilespmem:$0x1FFA0]  }
0x3f1: {  	v22 =	vld.idx.msk [tilespmem:v22+s2+$0x0], $0xffff  }
0x3f2: {  	v16 =	vadd.s32 $0xEA60, v58;
	v23 =	vld.idx.msk [tilespmem:v23+s2+$0x0], $0xffff  }
0x3f3: {  	v26 =	vld.idx.msk [tilespmem:v26+s2+$0x0], $0xffff  }
0x3f4: {  	v7 =	vadd.s32 $0xEA60, v56;
	v10 =	vld.idx.msk [tilespmem:v41+s2+$0x0], $0xffff  }
0x3f5: {  	v8 =	vld.idx.msk [tilespmem:v21+s2+$0x0], $0xffff  }
0x3f6: {  	v21 =	vld [tilespmem:$0x1F440]  }
0x3f7: {  	v3 =	vmax.f32 v2, v3;
	v2 =	vld.idx.msk [tilespmem:v16+s2+$0x0], $0xffff  }
0x3f8: {  	v4 =	vmax.f32 v5, v4;
	v5 =	vld [tilespmem:$0x1F480]  }
0x3f9: {  	v16 =	vadd.s32 $0xEA60, v43;
	v7 =	vld.idx.msk [tilespmem:v7+s2+$0x0], $0xffff  }
0x3fa: {  	v4 =	vmax.f32 v13, v4;
	v13 =	vld [tilespmem:$0x1F5A0]  }
0x3fb: {  	v1 =	vmax.f32 v1, v32;
	v32 =	vld [tilespmem:$0x1F5C0]  }
0x3fc: {  	[tilespmem:$0x1FF40] =	vst v42;
	v42 =	vmax.f32 v23, v26;
	v23 =	vld [tilespmem:$0x1F4E0]  }
0x3fd: {  	v26 =	vld [tilespmem:$0x1F510]  }
0x3fe: {  	v16 =	vld.idx.msk [tilespmem:v16+s2+$0x0], $0xffff  }
0x3ff: {  	v2 =	vmax.f32 v8, v2;
	v8 =	vld [tilespmem:$0x1F490]  }
0x400: {  	v0 =	vmax.f32 v0, v7;
	v7 =	vmax.f32 v11, v12;
	v11 =	vld.idx.msk [tilespmem:v38+s2+$0x0], $0xffff  }
0x401: {  	v21 =	vld.idx.msk [tilespmem:v21+s2+$0x0], $0xffff  }
0x402: {  	v1 =	vmax.f32 v1, v2;
	v0 =	vmax.f32 v0, v7;
	v7 =	vld [tilespmem:$0x1F4B0]  }
0x403: {  	v1 =	vmax.f32 v4, v1;
	v4 =	vld [tilespmem:$0x1F4C0]  }
0x404: {  	v5 =	vld.idx.msk [tilespmem:v5+s2+$0x0], $0xffff  }
0x405: {  	v27 =	vmov v37;
	v37 =	vmax.f32 v16, v20;
	v20 =	vadd.s32 $0x11170, v50;
	v50 =	vld [tilespmem:$0x1F6A0]  }
0x406: {  	v16 =	vadd.s32 $0x11170, v58;
	v58 =	vadd.s32 $0x11170, v53;
	v53 =	vld [tilespmem:$0x1F710]  }
0x407: {  	v23 =	vld.idx.msk [tilespmem:v23+s2+$0x0], $0xffff  }
0x408: {  	v9 =	vmax.f32 v14, v9;
	v26 =	vld.idx.msk [tilespmem:v26+s2+$0x0], $0xffff  }
0x409: {  	v24 =	vadd.s32 $0x11170, v49;
	v2 =	vmax.f32 v9, v37;
	v37 =	vld [tilespmem:$0x1F5E0]  }
0x40a: {  	v39 =	vmax.f32 v21, v22;
	v21 =	vadd.s32 $0x11170, v43;
	v43 =	vld [tilespmem:$0x1F660]  }
0x40b: {  	v49 =	vadd.s32 $0x11170, v59;
	v0 =	vmax.f32 v0, v2;
	v8 =	vld.idx.msk [tilespmem:v8+s2+$0x0], $0xffff  }
0x40c: {  	v0 =	vmax.f32 v1, v0;
	v7 =	vld.idx.msk [tilespmem:v7+s2+$0x0], $0xffff  }
0x40d: {  	[tilespmem:s29+$0x410] =	vst v0;
	v4 =	vld.idx.msk [tilespmem:v4+s2+$0x0], $0xffff  }
0x40e: {  	v44 =	vld.idx.msk [tilespmem:v24+s2+$0x0], $0xffff  }
0x40f: {  	v55 =	vld.idx.msk [tilespmem:v48+s2+$0x0], $0xffff  }
0x410: {  	v1 =	vadd.s32 $0x11170, v51;
	v51 =	vadd.s32 $0x11170, v57;
	v57 =	vld.idx.msk [tilespmem:v49+s2+$0x0], $0xffff  }
0x411: {  	v2 =	vadd.s32 $0x11170, v62;
	v16 =	vld.idx.msk [tilespmem:v16+s2+$0x0], $0xffff  }
0x412: {  	v14 =	vld.idx.msk [tilespmem:v58+s2+$0x0], $0xffff  }
0x413: {  	v22 =	vadd.s32 $0x11170, v31;
	v17 =	vld.idx.msk [tilespmem:v17+s2+$0x0], $0xffff  }
0x414: {  	v20 =	vld.idx.msk [tilespmem:v20+s2+$0x0], $0xffff  }
0x415: {  	v24 =	vld [tilespmem:$0x1F4F0]  }
0x416: {  	v0 =	vadd.s32 $0x11170, v61;
	v2 =	vld.idx.msk [tilespmem:v2+s2+$0x0], $0xffff  }
0x417: {  	v21 =	vld.idx.msk [tilespmem:v21+s2+$0x0], $0xffff;
	v5 =	vmax.f32 v5, v8;
	v7 =	vmax.f32 v11, v7  }
0x418: {  	v22 =	vld.idx.msk [tilespmem:v22+s2+$0x0], $0xffff;
	v5 =	vmax.f32 v5, v7;
	v7 =	vadd.s32 $0x11170, v56  }
0x419: {  	v8 =	vld.idx.msk [tilespmem:v25+s2+$0x0], $0xffff;
	v56 =	vadd.s32 $0x11170, v54  }
0x41a: {  	v1 =	vld.idx.msk [tilespmem:v1+s2+$0x0], $0xffff  }
0x41b: {  	v0 =	vld.idx.msk [tilespmem:v0+s2+$0x0], $0xffff  }
0x41c: {  	v11 =	vld.idx.msk [tilespmem:v51+s2+$0x0], $0xffff  }
0x41d: {  	v7 =	vld.idx.msk [tilespmem:v7+s2+$0x0], $0xffff  }
0x41e: {  	v4 =	vmax.f32 v4, v10;
	v10 =	vld.idx.msk [tilespmem:v56+s2+$0x0], $0xffff  }
0x41f: {  	v25 =	vld [tilespmem:$0x1F500]  }
0x420: {  	v1 =	vmax.f32 v2, v1;
	v2 =	vld [tilespmem:$0x1F520]  }
0x421: {  	v49 =	vld [tilespmem:$0x1F690];
	v59 =	vmax.f32 v57, v16;
	v61 =	vmax.f32 v17, v20  }
0x422: {  	v58 =	vld [tilespmem:$0x1F770];
	v62 =	vmax.f32 v21, v22;
	v8 =	vmax.f32 v44, v8;
	v0 =	vmax.f32 v0, v55  }
0x423: {  	v51 =	vld [tilespmem:$0x1F6C0];
	v1 =	vmax.f32 v8, v1;
	v7 =	vmax.f32 v11, v7;
	v10 =	vmax.f32 v10, v14  }
0x424: {  	v57 =	vld [tilespmem:$0x1F740];
	v8 =	vmax.f32 v61, v62;
	v0 =	vmax.f32 v0, v59;
	v7 =	vmax.f32 v7, v10  }
0x425: {  	v0 =	vmax.f32 v1, v0;
	v1 =	vmax.f32 v7, v8;
	v8 =	vld [tilespmem:$0x1F570]  }
0x426: {  	v24 =	vld.idx.msk [tilespmem:v24+s2+$0x0], $0xffff  }
0x427: {  	v25 =	vld.idx.msk [tilespmem:v25+s2+$0x0], $0xffff  }
0x428: {  	v2 =	vld.idx.msk [tilespmem:v2+s2+$0x0], $0xffff  }
0x429: {  	v11 =	vld.idx.msk [tilespmem:v60+s2+$0x0], $0xffff  }
0x42a: {  	v9 =	vmax.f32 v39, v42;
	v48 =	vmov v8;
	v8 =	vld [tilespmem:$0x1F580]  }
0x42b: {  	v5 =	vmax.f32 v9, v5;
	v9 =	vld.idx.msk [tilespmem:v63+s2+$0x0], $0xffff  }
0x42c: {  	v63 =	vld [tilespmem:$0x1F790]  }
0x42d: {  	v7 =	vld [tilespmem:$0x1F550]  }
0x42e: {  	v12 =	vmax.f32 v23, v24;
	v0 =	vmax.f32 v0, v1;
	v1 =	vld [tilespmem:$0x1F560]  }
0x42f: {  	[tilespmem:s29+$0x610] =	vst v0;
	v0 =	vld [tilespmem:$0x1F590];
	v2 =	vmax.f32 v2, v11;
	v35 =	vmov v8;
	v8 =	vmax.f32 v25, v26  }
0x430: {  	v4 =	vmax.f32 v4, v12;
	v2 =	vmax.f32 v8, v2;
	v8 =	vld [tilespmem:$0x1F600]  }
0x431: {  	v2 =	vmax.f32 v4, v2;
	v4 =	vld [tilespmem:$0x1F620]  }
0x432: {  	v2 =	vmax.f32 v5, v2;
	v5 =	vld [tilespmem:$0x1F640]  }
0x433: {  	v10 =	vld.idx.msk [tilespmem:v32+s2+$0x0], $0xffff  }
0x434: {  	v11 =	vld.idx.msk [tilespmem:v37+s2+$0x0], $0xffff  }
0x435: {  	v7 =	vld.idx.msk [tilespmem:v7+s2+$0x0], $0xffff  }
0x436: {  	v1 =	vld.idx.msk [tilespmem:v1+s2+$0x0], $0xffff  }
0x437: {  	v0 =	vld.idx.msk [tilespmem:v0+s2+$0x0], $0xffff  }
0x438: {  	v8 =	vld.idx.msk [tilespmem:v8+s2+$0x0], $0xffff  }
0x439: {  	v4 =	vld.idx.msk [tilespmem:v4+s2+$0x0], $0xffff  }
0x43a: {  	v5 =	vld.idx.msk [tilespmem:v5+s2+$0x0], $0xffff  }
0x43b: {  	[tilespmem:s29+$0xFFFFFC00] =	vst v2;
	v2 =	vld [tilespmem:$0x1FF60]  }
0x43c: {  	v60 =	vld [tilespmem:$0x1F780]  }
0x43d: {  	v54 =	vld [tilespmem:$0x1F720]  }
0x43e: {  	v62 =	vld [tilespmem:$0x1FF90];
	v32 =	vmov v63  }
0x43f: {  	v59 =	vld [tilespmem:$0x1FF80]  }
0x440: {  	v56 =	vld [tilespmem:$0x1F730]  }
0x441: {  	[tilespmem:$0x1FF90] =	vst v32;
	v32 =	vmov v6;
	v6 =	vld [tilespmem:$0x1F840];
	v16 =	vmov v60  }
0x442: {  	[tilespmem:$0x1FF80] =	vst v16;
	v16 =	vld [tilespmem:$0x1F7B0]  }
0x443: {  	v7 =	vmax.f32 v9, v7;
	v0 =	vmax.f32 v1, v0;
	v2 =	vld.idx.msk [tilespmem:v2+s2+$0x0], $0xffff  }
0x444: {  	v1 =	vmov v43;
	v0 =	vmax.f32 v7, v0;
	v7 =	vld [tilespmem:$0x1F680]  }
0x445: {  	v44 =	vmax.f32 v10, v11;
	[tilespmem:$0x1FF60] =	vst v1;
	v1 =	vld [tilespmem:$0x1F670];
	v4 =	vmax.f32 v8, v4  }
0x446: {  	v8 =	vld [tilespmem:$0x1F6B0];
	v4 =	vmax.f32 v44, v4  }
0x447: {  	v0 =	vmax.f32 v0, v4;
	v4 =	vld [tilespmem:$0x1F6D0]  }
0x448: {  	v2 =	vmax.f32 v5, v2;
	v5 =	vld [tilespmem:$0x1F6E0]  }
0x449: {  	v43 =	vld [tilespmem:$0x1FFC0]  }
0x44a: {  	v10 =	vld.idx.msk [tilespmem:v49+s2+$0x0], $0xffff  }
0x44b: {  	v9 =	vld.idx.msk [tilespmem:v51+s2+$0x0], $0xffff  }
0x44c: {  	v7 =	vld.idx.msk [tilespmem:v7+s2+$0x0], $0xffff  }
0x44d: {  	v1 =	vld.idx.msk [tilespmem:v1+s2+$0x0], $0xffff  }
0x44e: {  	v8 =	vld.idx.msk [tilespmem:v8+s2+$0x0], $0xffff  }
0x44f: {  	v4 =	vld.idx.msk [tilespmem:v4+s2+$0x0], $0xffff  }
0x450: {  	v5 =	vld.idx.msk [tilespmem:v5+s2+$0x0], $0xffff  }
0x451: {  	v11 =	vld.idx.msk [tilespmem:v50+s2+$0x0], $0xffff  }
0x452: {  	v12 =	vld.idx.msk [tilespmem:v52+s2+$0x0], $0xffff  }
0x453: {  	v55 =	vmov v13;
	v13 =	vld.idx.msk [tilespmem:v57+s2+$0x0], $0xffff  }
0x454: {  	v1 =	vmax.f32 v1, v7;
	v7 =	vld [tilespmem:$0x1F6F0]  }
0x455: {  	v8 =	vmax.f32 v8, v9;
	v4 =	vmax.f32 v4, v5;
	v5 =	vld [tilespmem:$0x1F750]  }
0x456: {  	v4 =	vmax.f32 v8, v4;
	v8 =	vld [tilespmem:$0x1F760]  }
0x457: {  	v49 =	vld [tilespmem:$0x1F7D0]  }
0x458: {  	v10 =	vmax.f32 v10, v11;
	v11 =	vld.idx.msk [tilespmem:v53+s2+$0x0], $0xffff  }
0x459: {  	v1 =	vmax.f32 v1, v10;
	v10 =	vld.idx.msk [tilespmem:v54+s2+$0x0], $0xffff  }
0x45a: {  	v1 =	vmax.f32 v1, v4;
	v4 =	vld [tilespmem:$0x1FF70]  }
0x45b: {  	v9 =	vld.idx.msk [tilespmem:v56+s2+$0x0], $0xffff  }
0x45c: {  	v7 =	vld.idx.msk [tilespmem:v7+s2+$0x0], $0xffff  }
0x45d: {  	v5 =	vld.idx.msk [tilespmem:v5+s2+$0x0], $0xffff  }
0x45e: {  	v17 =	vmov v58;
	v8 =	vld.idx.msk [tilespmem:v8+s2+$0x0], $0xffff  }
0x45f: {  	v52 =	vld [tilespmem:$0x1F860]  }
0x460: {  	v10 =	vmax.f32 v11, v10;
	v11 =	vld.idx.msk [tilespmem:v59+s2+$0x0], $0xffff  }
0x461: {  	[tilespmem:$0x1FF70] =	vst v17;
	v17 =	vmov v16;
	v16 =	vld [tilespmem:$0x1F7C0]  }
0x462: {  	v4 =	vld.idx.msk [tilespmem:v4+s2+$0x0], $0xffff  }
0x463: {  	v9 =	vmax.f32 v9, v13;
	v7 =	vmax.f32 v7, v12;
	v5 =	vmax.f32 v5, v8;
	v8 =	vld [tilespmem:$0x1FFE0]  }
0x464: {  	v13 =	vld.idx.msk [tilespmem:v43+s2+$0x0], $0xffff;
	v7 =	vmax.f32 v7, v10;
	v5 =	vmax.f32 v9, v5  }
0x465: {  	v5 =	vmax.f32 v7, v5;
	v7 =	vld [tilespmem:$0x1F7F0]  }
0x466: {  	v12 =	vld.idx.msk [tilespmem:v33+s2+$0x0], $0xffff;
	v44 =	vmov v16  }
0x467: {  	v10 =	vld.idx.msk [tilespmem:v62+s2+$0x0], $0xffff;
	v4 =	vmax.f32 v4, v11  }
0x468: {  	v2 =	vmax.f32 v2, v4;
	v4 =	vld [tilespmem:$0x1F810]  }
0x469: {  	[tilespmem:$0x1FFE0] =	vst v44;
	v44 =	vmov v6;
	v6 =	vld [tilespmem:$0x1F850]  }
0x46a: {  	v1 =	vmax.f32 v1, v5;
	v5 =	vld [tilespmem:$0x1F820]  }
0x46b: {  	v8 =	vld.idx.msk [tilespmem:v8+s2+$0x0], $0xffff  }
0x46c: {  	v9 =	vld.idx.msk [tilespmem:v49+s2+$0x0], $0xffff  }
0x46d: {  	v7 =	vld.idx.msk [tilespmem:v7+s2+$0x0], $0xffff  }
0x46e: {  	v53 =	vld [tilespmem:$0x1F870]  }
0x46f: {  	v43 =	vmov v5;
	v5 =	vld [tilespmem:$0x1F830]  }
0x470: {  	v4 =	vld.idx.msk [tilespmem:v4+s2+$0x0], $0xffff;
	[tilespmem:s29+$0xFFFFFE00] =	vst v1;
	v1 =	vmax.f32 v10, v12;
	v8 =	vmax.f32 v13, v8  }
0x471: {  	v1 =	vmax.f32 v1, v8;
	v8 =	vld [tilespmem:$0x1F880]  }
0x472: {  	v1 =	vmax.f32 v2, v1;
	v2 =	vmax.f32 v9, v7;
	v7 =	vld [tilespmem:$0x1F890]  }
0x473: {  	v0 =	vmax.f32 v0, v1;
	v1 =	vld [tilespmem:$0x1F8A0];
	_ =	sdelay $0x1  }
0x474: {  	v6 =	vld.idx.msk [tilespmem:v6+s2+$0x0], $0xffff  }
0x475: {  	v10 =	vld.idx.msk [tilespmem:v52+s2+$0x0], $0xffff  }
0x476: {  	v5 =	vld.idx.msk [tilespmem:v5+s2+$0x0], $0xffff  }
0x477: {  	v11 =	vld.idx.msk [tilespmem:v53+s2+$0x0], $0xffff  }
0x478: {  	v8 =	vld.idx.msk [tilespmem:v8+s2+$0x0], $0xffff  }
0x479: {  	v7 =	vld.idx.msk [tilespmem:v7+s2+$0x0], $0xffff  }
0x47a: {  	v1 =	vld.idx.msk [tilespmem:v1+s2+$0x0], $0xffff  }
0x47b: {  	[tilespmem:s30+$0x400] =	vst v0;
	v0 =	vmax.f32 v4, v5;
	v5 =	vmax.f32 v6, v10;
	v6 =	vld [tilespmem:$0x1FFD0]  }
0x47c: {  	v4 =	vld [tilespmem:$0x1F8B0]  }
0x47d: {  	v0 =	vmax.f32 v2, v0;
	v2 =	vld [tilespmem:$0x1F8C0];
	_ =	sdelay $0x1  }
0x47e: {  	v0 =	vmax.f32 v3, v0;
	v3 =	vld [tilespmem:$0x1F8D0]  }
0x47f: {  	v0 =	vmax.f32 v6, v0;
	v6 =	vld [tilespmem:$0x1F8E0]  }
0x480: {  	v8 =	vmax.f32 v11, v8  }
0x481: {  	v5 =	vmax.f32 v5, v8;
	v8 =	vld [tilespmem:$0x1F900]  }
0x482: {  	v1 =	vmax.f32 v7, v1;
	v7 =	vld [tilespmem:$0x1F910]  }
0x483: {  	v4 =	vld.idx.msk [tilespmem:v4+s2+$0x0], $0xffff  }
0x484: {  	v2 =	vld.idx.msk [tilespmem:v2+s2+$0x0], $0xffff  }
0x485: {  	v54 =	vld [tilespmem:$0x1F920]  }
0x486: {  	v3 =	vld.idx.msk [tilespmem:v3+s2+$0x0], $0xffff  }
0x487: {  	v6 =	vld.idx.msk [tilespmem:v6+s2+$0x0], $0xffff  }
0x488: {  	[tilespmem:s28+$0x600] =	vst v0;
	v0 =	vld [tilespmem:$0x1F8F0]  }
0x489: {  	v2 =	vmax.f32 v4, v2;
	v4 =	vld [tilespmem:$0x1F930]  }
0x48a: {  	v1 =	vmax.f32 v1, v2;
	v2 =	vld [tilespmem:$0x1F940]  }
0x48b: {  	v8 =	vld.idx.msk [tilespmem:v8+s2+$0x0], $0xffff  }
0x48c: {  	v7 =	vld.idx.msk [tilespmem:v7+s2+$0x0], $0xffff  }
0x48d: {  	v9 =	vld.idx.msk [tilespmem:v54+s2+$0x0], $0xffff  }
0x48e: {  	v1 =	vmax.f32 v5, v1;
	v5 =	vld [tilespmem:$0x1F950]  }
0x48f: {  	v3 =	vmax.f32 v3, v6;
	v6 =	vld [tilespmem:$0x1F960]  }
0x490: {  	v0 =	vld.idx.msk [tilespmem:v0+s2+$0x0], $0xffff  }
0x491: {  	v4 =	vld.idx.msk [tilespmem:v4+s2+$0x0], $0xffff  }
0x492: {  	v2 =	vld.idx.msk [tilespmem:v2+s2+$0x0], $0xffff;
	_ =	sdelay $0x2  }
0x493: {  	v16 =	vmov v6;
	v6 =	vld [tilespmem:$0x1F970]  }
0x494: {  	v0 =	vmax.f32 v0, v8;
	v8 =	vld [tilespmem:$0x1F980]  }
0x495: {  	v57 =	vld [tilespmem:$0x1F9D0];
	v7 =	vmax.f32 v7, v9;
	v2 =	vmax.f32 v4, v2  }
0x496: {  	v5 =	vld.idx.msk [tilespmem:v5+s2+$0x0], $0xffff;
	v0 =	vmax.f32 v3, v0;
	v2 =	vmax.f32 v7, v2  }
0x497: {  	v0 =	vmax.f32 v0, v2;
	v2 =	vld [tilespmem:$0x1FA30]  }
0x498: {  	v3 =	vld [tilespmem:$0x1F990]  }
0x499: {  	[tilespmem:$0x1FFC0] =	vst v17;
	v17 =	vmov v8;
	v8 =	vld [tilespmem:$0x1F9A0]  }
0x49a: {  	v4 =	vld [tilespmem:$0x1F9F0]  }
0x49b: {  	v6 =	vld.idx.msk [tilespmem:v6+s2+$0x0], $0xffff  }
0x49c: {  	v7 =	vld [tilespmem:$0x1FA10]  }
0x49d: {  	v0 =	vmax.f32 v1, v0;
	v1 =	vld [tilespmem:$0x1FA50]  }
0x49e: {  	v31 =	vmov v18;
	v18 =	vmov v8;
	v8 =	vld [tilespmem:$0x1F9B0]  }
0x49f: {  	v62 =	vld.idx.msk [tilespmem:v2+s2+$0x0], $0xffff  }
0x4a0: {  	v2 =	vmax.f32 v5, v6;
	v5 =	vld [tilespmem:$0x1FA40]  }
0x4a1: {  	v9 =	vld.idx.msk [tilespmem:v57+s2+$0x0], $0xffff  }
0x4a2: {  	v3 =	vld.idx.msk [tilespmem:v3+s2+$0x0], $0xffff  }
0x4a3: {  	v4 =	vld.idx.msk [tilespmem:v4+s2+$0x0], $0xffff  }
0x4a4: {  	v7 =	vld.idx.msk [tilespmem:v7+s2+$0x0], $0xffff  }
0x4a5: {  	v25 =	vmov v5;
	v5 =	vld.idx.msk [tilespmem:v1+s2+$0x0], $0xffff  }
0x4a6: {  	v8 =	vld.idx.msk [tilespmem:v8+s2+$0x0], $0xffff  }
0x4a7: {  	[tilespmem:s29+$0x0] =	vst v0;
	v0 =	vld [tilespmem:$0x1FA70];
	_ =	sdelay $0x7  }
0x4a8: {  	v63 =	vld.idx.msk [tilespmem:v0+s2+$0x0], $0xffff;
	v0 =	vmax.f32 v3, v8  }
0x4a9: {  	v8 =	vmax.f32 v2, v0;
	v0 =	vld [tilespmem:$0x1FA90];
	_ =	sdelay $0x7  }
0x4aa: {  	v2 =	vld.idx.msk [tilespmem:v0+s2+$0x0], $0xffff  }
0x4ab: {  	v0 =	vld [tilespmem:$0x1FAA0];
	_ =	sdelay $0x2  }
0x4ac: {  	v41 =	vld [tilespmem:$0x1F630]  }
0x4ad: {  	v38 =	vld [tilespmem:$0x1F5F0]  }
0x4ae: {  	v39 =	vld [tilespmem:$0x1F610]  }
0x4af: {  	v42 =	vld [tilespmem:$0x1F650]  }
0x4b0: {  	v58 =	vld [tilespmem:$0x1F9E0]  }
0x4b1: {  	v3 =	vld.idx.msk [tilespmem:v0+s2+$0x0], $0xffff  }
0x4b2: {  	v0 =	vld [tilespmem:$0x1FAB0]  }
0x4b3: {  	v14 =	vld [tilespmem:$0x1F5B0]  }
0x4b4: {  	v1 =	vld [tilespmem:$0x1FA60]  }
0x4b5: {  	v37 =	vmov v38;
	v38 =	vmov v39;
	v39 =	vmov v41;
	v41 =	vld [tilespmem:$0x1F7A0]  }
0x4b6: {  	v60 =	vld [tilespmem:$0x1FA20]  }
0x4b7: {  	v50 =	vld [tilespmem:$0x1F7E0];
	v6 =	vmax.f32 v9, v4;
	v7 =	vmax.f32 v7, v62  }
0x4b8: {  	v7 =	vmax.f32 v6, v7;
	v6 =	vld [tilespmem:$0x1FAD0]  }
0x4b9: {  	v22 =	vmov v1;
	v1 =	vld [tilespmem:$0x1FA80]  }
0x4ba: {  	v4 =	vld.idx.msk [tilespmem:v0+s2+$0x0], $0xffff  }
0x4bb: {  	v0 =	vld [tilespmem:$0x1FAC0]  }
0x4bc: {  	v51 =	vld [tilespmem:$0x1F800]  }
0x4bd: {  	s31 =	sadd.s32 $0x2, s31;
	v56 =	vld [tilespmem:$0x1F9C0]  }
0x4be: {  	p1 =	slt.u32 s31, $0x1E;
	v59 =	vld [tilespmem:$0x1FA00]  }
.Ltmp0:
0x4bf: {  	_ = 	snop;
	(pc) =	sbr.rel @p1 .LBB2_4-.Ltmp0, $4  }
0x4c0: {  	v61 =	vmov v42;
	v42 =	vmov v41  }
0x4c1: {  	v40 =	vadd.s32 $0x11170, v40;
	v29 =	vmovc v15;
	v21 =	vmov v19;
	[tilespmem:$0x1FFA0] =	vst v42;
	v6 =	vld.idx.msk [tilespmem:v6+s2+$0x0], $0xffff;
	v5 =	vmax.f32 v5, v63  }
0x4c2: {  	v20 =	vmovc v58;
	v34 =	vmov v14;
	v24 =	vmov v60;
	v1 =	vld.idx.msk [tilespmem:v1+s2+$0x0], $0xffff;
	[tilespmem:$0x1FFB0] =	vst v5;
	v5 =	vmax.f32 v8, v7  }
0x4c3: {  	s0 =	sadd.s32 $0x20, s0;
	v26 =	vmovc v40;
	v30 =	vmovc v50;
	v42 =	vmov v51;
	v19 =	vmov v56;
	v23 =	vmov v59;
	s28 =	smov.u32 s30;
	s30 =	smov.u32 s29;
	[tilespmem:$0x1FFD0] =	vst v5;
	v0 =	vld.idx.msk [tilespmem:v0+s2+$0x0], $0xffff  }
0x4c4: {  	_ =	sdelay $0x3  }
0x4c5: {  	v5 =	vld.idx.msk [tilespmem:v47+s2+$0x0], $0xffff  }
0x4c6: {  	v7 =	vld [tilespmem:$0x1FED0]  }
0x4c7: {  	v8 =	vld [tilespmem:$0x1FEE0]  }
0x4c8: {  	v9 =	vld [tilespmem:$0x1FEF0]  }
0x4c9: {  	v10 =	vld [tilespmem:$0x1FF00]  }
0x4ca: {  	v11 =	vld [tilespmem:$0x1FF10]  }
0x4cb: {  	v12 =	vld [tilespmem:$0x1FF20]  }
0x4cc: {  	v13 =	vld [tilespmem:$0x1FF30]  }
0x4cd: {  	v14 =	vld [tilespmem:$0x1FF40]  }
0x4ce: {  	v15 =	vld [tilespmem:$0x1FF50]  }
0x4cf: {  	v7 =	vld.idx.msk [tilespmem:v7+s2+$0x0], $0xffff  }
0x4d0: {  	v8 =	vld.idx.msk [tilespmem:v8+s2+$0x0], $0xffff  }
0x4d1: {  	v9 =	vld.idx.msk [tilespmem:v9+s2+$0x0], $0xffff  }
0x4d2: {  	v10 =	vld.idx.msk [tilespmem:v10+s2+$0x0], $0xffff  }
0x4d3: {  	v11 =	vld.idx.msk [tilespmem:v11+s2+$0x0], $0xffff  }
0x4d4: {  	v12 =	vld.idx.msk [tilespmem:v12+s2+$0x0], $0xffff  }
0x4d5: {  	v13 =	vld.idx.msk [tilespmem:v13+s2+$0x0], $0xffff  }
0x4d6: {  	v14 =	vld.idx.msk [tilespmem:v14+s2+$0x0], $0xffff  }
0x4d7: {  	v15 =	vld.idx.msk [tilespmem:v15+s2+$0x0], $0xffff;
	_ =	sdelay $0x1  }
0x4d8: {  	v1 =	vmax.f32 v1, v2;
	v2 =	vmax.f32 v3, v4  }
0x4d9: {  	v1 =	vmax.f32 v1, v2  }
0x4da: {  	v0 =	vmax.f32 v0, v6;
	v2 =	vmax.f32 v5, v7;
	v3 =	vmax.f32 v8, v9  }
0x4db: {  	v4 =	vmax.f32 v10, v11;
	v5 =	vmax.f32 v12, v13;
	v6 =	vmax.f32 v14, v15  }
0x4dc: {  	v0 =	vmax.f32 v0, v2;
	v2 =	vmax.f32 v3, v4;
	v3 =	vmax.f32 v5, v6  }
0x4dd: {  	v0 =	vmax.f32 v1, v0;
	v1 =	vmax.f32 v2, v3  }
0x4de: {  	v0 =	vmax.f32 v0, v1  }
0x4df: {  	[tilespmem:s30+$0x200] =	vst v0  }
0x4e0: {  	v0 =	vld.idx.msk [tilespmem:v48+s2+$0x0], $0xffff  }
0x4e1: {  	v1 =	vld.idx.msk [tilespmem:v35+s2+$0x0], $0xffff  }
0x4e2: {  	v2 =	vld.idx.msk [tilespmem:v55+s2+$0x0], $0xffff  }
0x4e3: {  	v3 =	vld.idx.msk [tilespmem:v34+s2+$0x0], $0xffff  }
0x4e4: {  	v4 =	vld.idx.msk [tilespmem:v36+s2+$0x0], $0xffff  }
0x4e5: {  	v5 =	vld.idx.msk [tilespmem:v37+s2+$0x0], $0xffff  }
0x4e6: {  	v6 =	vld.idx.msk [tilespmem:v38+s2+$0x0], $0xffff  }
0x4e7: {  	v8 =	vld.idx.msk [tilespmem:v61+s2+$0x0], $0xffff  }
0x4e8: {  	v57 =	vld [tilespmem:$0x1FF60]  }
0x4e9: {  	v58 =	vld [tilespmem:$0x1FF70]  }
0x4ea: {  	v59 =	vld [tilespmem:$0x1FF80]  }
0x4eb: {  	v60 =	vld [tilespmem:$0x1FF90]  }
0x4ec: {  	v61 =	vld [tilespmem:$0x1FFA0]  }
0x4ed: {  	v62 =	vld [tilespmem:$0x1FFC0]  }
0x4ee: {  	v15 =	vld [tilespmem:$0x1FFE0]  }
0x4ef: {  	v7 =	vld.idx.msk [tilespmem:v39+s2+$0x0], $0xffff  }
0x4f0: {  	v9 =	vld.idx.msk [tilespmem:v57+s2+$0x0], $0xffff  }
0x4f1: {  	v10 =	vld.idx.msk [tilespmem:v58+s2+$0x0], $0xffff  }
0x4f2: {  	v11 =	vld.idx.msk [tilespmem:v59+s2+$0x0], $0xffff  }
0x4f3: {  	v12 =	vld.idx.msk [tilespmem:v60+s2+$0x0], $0xffff  }
0x4f4: {  	v13 =	vld.idx.msk [tilespmem:v61+s2+$0x0], $0xffff  }
0x4f5: {  	v14 =	vld.idx.msk [tilespmem:v62+s2+$0x0], $0xffff  }
0x4f6: {  	v15 =	vld.idx.msk [tilespmem:v15+s2+$0x0], $0xffff;
	_ =	sdelay $0x2  }
0x4f7: {  	v0 =	vmax.f32 v0, v1;
	v1 =	vmax.f32 v2, v3;
	v2 =	vmax.f32 v4, v5  }
0x4f8: {  	v3 =	vmax.f32 v6, v7;
	v5 =	vld.idx.msk [tilespmem:v45+s2+$0x0], $0xffff;
	v0 =	vmax.f32 v0, v1;
	v4 =	vmax.f32 v8, v9  }
0x4f9: {  	v1 =	vld.idx.msk [tilespmem:v46+s2+$0x0], $0xffff;
	v6 =	vmax.f32 v10, v11;
	v7 =	vmax.f32 v12, v13;
	v8 =	vmax.f32 v14, v15  }
0x4fa: {  	v2 =	vmax.f32 v2, v3;
	v3 =	vld.idx.msk [tilespmem:v30+s2+$0x0], $0xffff;
	v4 =	vmax.f32 v4, v6;
	v6 =	vmax.f32 v7, v8  }
0x4fb: {  	v0 =	vmax.f32 v0, v2;
	v2 =	vld.idx.msk [tilespmem:v42+s2+$0x0], $0xffff;
	v4 =	vmax.f32 v4, v6  }
0x4fc: {  	v6 =	vld.idx.msk [tilespmem:v43+s2+$0x0], $0xffff;
	v0 =	vmax.f32 v0, v4  }
0x4fd: {  	v4 =	vld.idx.msk [tilespmem:v44+s2+$0x0], $0xffff;
	[tilespmem:s30+$0x400] =	vst v0  }
0x4fe: {  	v0 =	vld.idx.msk [tilespmem:v16+s2+$0x0], $0xffff  }
0x4ff: {  	v7 =	vld.idx.msk [tilespmem:v17+s2+$0x0], $0xffff  }
0x500: {  	v8 =	vld.idx.msk [tilespmem:v18+s2+$0x0], $0xffff  }
0x501: {  	v63 =	vld.idx.msk [tilespmem:v19+s2+$0x0], $0xffff  }
0x502: {  	v33 =	vld.idx.msk [tilespmem:v20+s2+$0x0], $0xffff  }
0x503: {  	v34 =	vld.idx.msk [tilespmem:v23+s2+$0x0], $0xffff  }
0x504: {  	v35 =	vld.idx.msk [tilespmem:v24+s2+$0x0], $0xffff  }
0x505: {  	v37 =	vld.idx.msk [tilespmem:v22+s2+$0x0], $0xffff  }
0x506: {  	v15 =	vld.idx.msk [tilespmem:v26+s2+$0x0], $0xffff  }
0x507: {  	v16 =	vld.idx.msk [tilespmem:v27+s2+$0x0], $0xffff  }
0x508: {  	v17 =	vld.idx.msk [tilespmem:v28+s2+$0x0], $0xffff  }
0x509: {  	v18 =	vld.idx.msk [tilespmem:v21+s2+$0x0], $0xffff  }
0x50a: {  	v19 =	vld.idx.msk [tilespmem:v31+s2+$0x0], $0xffff  }
0x50b: {  	v21 =	vld [tilespmem:$0x1FFB0]  }
0x50c: {  	v20 =	vld.idx.msk [tilespmem:v32+s2+$0x0], $0xffff  }
0x50d: {  	v1 =	vmax.f32 v1, v5;
	v5 =	vld.idx.msk [tilespmem:v29+s2+$0x0], $0xffff  }
0x50e: {  	v36 =	vld.idx.msk [tilespmem:v25+s2+$0x0], $0xffff  }
0x50f: {  	v2 =	vmax.f32 v3, v2;
	v3 =	vmax.f32 v6, v4  }
0x510: {  	v2 =	vmax.f32 v2, v3;
	v1 =	vmax.f32 v21, v1;
	v0 =	vmax.f32 v0, v7  }
0x511: {  	v3 =	vmax.f32 v8, v63;
	v4 =	vmax.f32 v37, v15;
	v6 =	vmax.f32 v16, v17  }
0x512: {  	v7 =	vmax.f32 v18, v19;
	v5 =	vmax.f32 v20, v5;
	v1 =	vmax.f32 v1, v2  }
0x513: {  	v0 =	vmax.f32 v0, v3;
	v2 =	vmax.f32 v33, v34;
	v3 =	vmax.f32 v35, v36  }
0x514: {  	v2 =	vmax.f32 v2, v3;
	v3 =	vmax.f32 v4, v6;
	v4 =	vmax.f32 v7, v5;
	v5 =	vld [tilespmem:$0x1FFD0];
	_ =	sdelay $0x2  }
0x515: {  	v0 =	vmax.f32 v0, v2;
	v2 =	vmax.f32 v3, v4  }
0x516: {  	s0 =	sadd.s32 s24, s26;
	v0 =	vmax.f32 v0, v2  }
0x517: {  	s0 =	sshrl.u32 s0, $0x3;
	[tilespmem:s30+$0x600] =	vst v0;
	v1 =	vmax.f32 v5, v1  }
0x518: {  	p1 =	seq.s32 s23, $0x4;
	s0 =	sadd.s32 s1, s0;
	[tilespmem:s28+$0x600] =	vst v1  }
0x519: {  	[hbm4b:s0+s10] =	stream.strided.scatter [tilespmem:s16], [sflag:$0x3], $0x1000, s11, s10, $0x38;
	[tilespmem:$0x19880] =	vst v63  }
0x51a: {  	s0 =	smin.u32 @!p1 s26, $0xD88  }
0x51b: {  	s29 =	simm.s32 @!p1 $0x13880;
	_ =	swait.ge [sflag:s17], $0x2000;
	s0 =	sshrl.u32 @!p1 s0, $0x3  }
0x51c: {  	s28 =	simm.s32 @!p1 $0x1388;
	[sflag:s17] =	ssyncset.done $0x0;
	s0 =	sadd.s32 @!p1 s5, s0  }
0x51d: {  	s26 =	simm.s32 @!p1 $0x200;
	[sflag:s17] =	ssyncadd.s32 $0xFFFFE000;
	s0 =	sadd.s32 @!p1 $0x80, s0  }
0x51e: {  	[tilespmem:s29], [sflag:$0x1] =	stream.strided.gather @!p1 [hbm4b:s0+s26], $0x2000, s28, s26, $0x38;
	[tilespmem:$0x19880] =	vst v63  }
0x51f: {  	s0 =	simm.s32 @!p0 $0x4  }
0x520: {  	_ =	swait.ge @!p0 [sflag:s0], $0x1000  }
0x521: {  	[sflag:s0] =	ssyncset.done @!p0 $0x0  }
0x522: {  	s31 =	simm.s32 $0x17690;
	[sflag:s0] =	ssyncadd.s32 @!p0 $0xFFFFF000  }
0x523: {  	v28 =	vld [tilespmem:s31+$0xFFFFE200]  }
0x524: {  	v27 =	vld [tilespmem:s31+$0xFFFFE400]  }
0x525: {  	v25 =	vld [tilespmem:s31+$0xFFFFE600]  }
0x526: {  	v23 =	vld [tilespmem:s31+$0xFFFFE800]  }
0x527: {  	v21 =	vld [tilespmem:s31+$0xFFFFEA00]  }
0x528: {  	v18 =	vld [tilespmem:s31+$0xFFFFEC00]  }
0x529: {  	v31 =	vld [tilespmem:s31+$0xFFFFEE00]  }
0x52a: {  	v30 =	vld [tilespmem:s31+$0xFFFFF000]  }
0x52b: {  	v29 =	vld [tilespmem:s31+$0xFFFFF200]  }
0x52c: {  	v26 =	vld [tilespmem:s31+$0xFFFFF400]  }
0x52d: {  	v24 =	vld [tilespmem:s31+$0xFFFFF600]  }
0x52e: {  	v22 =	vld [tilespmem:s31+$0xFFFFF800]  }
0x52f: {  	v20 =	vld [tilespmem:s31+$0xFFFFFA00]  }
0x530: {  	v19 =	vld [tilespmem:s31+$0xFFFFFC00]  }
0x531: {  	v17 =	vld [tilespmem:s31+$0xFFFFFE00]  }
0x532: {  	v16 =	vld [tilespmem:s31+$0x0]  }
0x533: {  	v0 =	vld.idx.msk [tilespmem:v28+s2+$0x0], $0xffff  }
0x534: {  	v1 =	vld.idx.msk [tilespmem:v27+s2+$0x0], $0xffff  }
0x535: {  	v2 =	vld.idx.msk [tilespmem:v25+s2+$0x0], $0xffff  }
0x536: {  	v3 =	vld.idx.msk [tilespmem:v23+s2+$0x0], $0xffff  }
0x537: {  	v4 =	vld.idx.msk [tilespmem:v21+s2+$0x0], $0xffff  }
0x538: {  	v5 =	vld.idx.msk [tilespmem:v18+s2+$0x0], $0xffff  }
0x539: {  	v6 =	vld.idx.msk [tilespmem:v31+s2+$0x0], $0xffff  }
0x53a: {  	v8 =	vld.idx.msk [tilespmem:v30+s2+$0x0], $0xffff  }
0x53b: {  	v38 =	vld.idx.msk [tilespmem:v29+s2+$0x0], $0xffff  }
0x53c: {  	v39 =	vld.idx.msk [tilespmem:v26+s2+$0x0], $0xffff  }
0x53d: {  	v40 =	vld.idx.msk [tilespmem:v24+s2+$0x0], $0xffff  }
0x53e: {  	v41 =	vld.idx.msk [tilespmem:v22+s2+$0x0], $0xffff  }
0x53f: {  	v42 =	vld.idx.msk [tilespmem:v20+s2+$0x0], $0xffff  }
0x540: {  	v15 =	vld.idx.msk [tilespmem:v19+s2+$0x0], $0xffff  }
0x541: {  	v43 =	vld.idx.msk [tilespmem:v17+s2+$0x0], $0xffff  }
0x542: {  	v33 =	vld.idx.msk [tilespmem:v16+s2+$0x0], $0xffff;
	_ =	sdelay $0x1  }
0x543: {  	v44 =	vadd.s32 $0x2710, v28;
	v45 =	vadd.s32 $0x2710, v27  }
0x544: {  	v0 =	vmax.f32 v0, v1;
	v1 =	vmax.f32 v2, v3;
	v2 =	vmax.f32 v4, v5  }
0x545: {  	v5 =	vmax.f32 v6, v8;
	v6 =	vmax.f32 v38, v39;
	v8 =	vmax.f32 v40, v41  }
0x546: {  	v55 =	vld [tilespmem:s31+$0xFFFFE3F0];
	v46 =	vmax.f32 v42, v15;
	v47 =	vmax.f32 v43, v33;
	v0 =	vmax.f32 v0, v1  }
0x547: {  	v48 =	vld [tilespmem:s31+$0xFFFFE5F0];
	v1 =	vmax.f32 v2, v5;
	v2 =	vmax.f32 v6, v8;
	v6 =	vmax.f32 v46, v47  }
0x548: {  	v7 =	vld [tilespmem:s31+$0xFFFFE7F0];
	v50 =	vadd.s32 $0x2710, v18;
	v0 =	vmax.f32 v0, v1;
	v1 =	vmax.f32 v2, v6  }
0x549: {  	s26 =	simm.s32 $0x19690;
	v9 =	vld [tilespmem:s31+$0xFFFFE9F0];
	v52 =	vadd.s32 $0x2710, v31;
	v0 =	vmax.f32 v0, v1  }
0x54a: {  	v61 =	vld [tilespmem:s31+$0xFFFFEFF0];
	v53 =	vadd.s32 $0x2710, v30;
	[tilespmem:s26+$0xFFFFF200] =	vst v0  }
0x54b: {  	v15 =	vadd.s32 $0x2710, v29;
	v49 =	vld.idx.msk [tilespmem:v44+s2+$0x0], $0xffff  }
0x54c: {  	v54 =	vadd.s32 $0x2710, v26;
	v51 =	vld.idx.msk [tilespmem:v45+s2+$0x0], $0xffff  }
0x54d: {  	v56 =	vadd.s32 $0x2710, v24;
	v11 =	vld.idx.msk [tilespmem:v50+s2+$0x0], $0xffff  }
0x54e: {  	v57 =	vadd.s32 $0x2710, v22;
	v13 =	vld.idx.msk [tilespmem:v52+s2+$0x0], $0xffff  }
0x54f: {  	v58 =	vadd.s32 $0x2710, v20;
	v14 =	vld.idx.msk [tilespmem:v53+s2+$0x0], $0xffff  }
0x550: {  	v59 =	vadd.s32 $0x2710, v19;
	v15 =	vld.idx.msk [tilespmem:v15+s2+$0x0], $0xffff  }
0x551: {  	v60 =	vadd.s32 $0x2710, v17;
	v32 =	vld.idx.msk [tilespmem:v54+s2+$0x0], $0xffff  }
0x552: {  	v62 =	vadd.s32 $0x2710, v16;
	v33 =	vld.idx.msk [tilespmem:v56+s2+$0x0], $0xffff  }
0x553: {  	v2 =	vadd.s32 $0x2710, v25;
	v34 =	vld.idx.msk [tilespmem:v57+s2+$0x0], $0xffff  }
0x554: {  	v1 =	vadd.s32 $0x2710, v23;
	v35 =	vld.idx.msk [tilespmem:v58+s2+$0x0], $0xffff  }
0x555: {  	v0 =	vadd.s32 $0x2710, v21;
	v36 =	vld.idx.msk [tilespmem:v59+s2+$0x0], $0xffff  }
0x556: {  	v37 =	vld.idx.msk [tilespmem:v60+s2+$0x0], $0xffff  }
0x557: {  	v38 =	vld.idx.msk [tilespmem:v62+s2+$0x0], $0xffff  }
0x558: {  	v2 =	vld.idx.msk [tilespmem:v2+s2+$0x0], $0xffff  }
0x559: {  	v1 =	vld.idx.msk [tilespmem:v1+s2+$0x0], $0xffff  }
0x55a: {  	v0 =	vld.idx.msk [tilespmem:v0+s2+$0x0], $0xffff  }
0x55b: {  	v12 =	vld [tilespmem:s31+$0xFFFFFBF0]  }
0x55c: {  	v63 =	vadd.s32 $0x4E20, v28;
	v3 =	vld [tilespmem:s31+$0xFFFFEBF0];
	v40 =	vadd.s32 $0x4E20, v27  }
0x55d: {  	v4 =	vld [tilespmem:s31+$0xFFFFEDF0];
	v10 =	vmax.f32 v49, v51;
	v42 =	vmax.f32 v35, v36;
	v43 =	vmax.f32 v37, v38  }
0x55e: {  	v8 =	vld [tilespmem:s31+$0xFFFFF1F0];
	v32 =	vmax.f32 v15, v32;
	v41 =	vmax.f32 v33, v34;
	v44 =	vmax.f32 v42, v43  }
0x55f: {  	v5 =	vld [tilespmem:s31+$0xFFFFF5F0];
	v1 =	vmax.f32 v2, v1;
	v2 =	vmax.f32 v13, v14;
	v0 =	vmax.f32 v0, v11  }
0x560: {  	v6 =	vld [tilespmem:s31+$0xFFFFF3F0];
	v1 =	vmax.f32 v10, v1;
	v0 =	vmax.f32 v0, v2;
	v2 =	vmax.f32 v32, v41  }
0x561: {  	v59 =	vld [tilespmem:s31+$0xFFFFF9F0];
	v45 =	vadd.s32 $0x4E20, v18;
	v0 =	vmax.f32 v1, v0;
	v1 =	vmax.f32 v2, v44  }
0x562: {  	v46 =	vadd.s32 $0x4E20, v31;
	v15 =	vld [tilespmem:s31+$0xFFFFF7F0];
	v0 =	vmax.f32 v0, v1  }
0x563: {  	v47 =	vadd.s32 $0x4E20, v30;
	v11 =	vld [tilespmem:s31+$0xFFFFE1F0];
	[tilespmem:s26+$0xFFFFF400] =	vst v0  }
0x564: {  	v49 =	vadd.s32 $0x4E20, v29;
	v32 =	vld.idx.msk [tilespmem:v63+s2+$0x0], $0xffff  }
0x565: {  	v50 =	vadd.s32 $0x4E20, v26;
	v33 =	vld.idx.msk [tilespmem:v40+s2+$0x0], $0xffff  }
0x566: {  	v52 =	vadd.s32 $0x4E20, v24;
	v51 =	vld.idx.msk [tilespmem:v45+s2+$0x0], $0xffff  }
0x567: {  	v54 =	vadd.s32 $0x4E20, v22;
	v53 =	vld.idx.msk [tilespmem:v46+s2+$0x0], $0xffff  }
0x568: {  	v56 =	vadd.s32 $0x4E20, v20;
	v34 =	vld.idx.msk [tilespmem:v47+s2+$0x0], $0xffff  }
0x569: {  	v57 =	vadd.s32 $0x4E20, v19;
	v35 =	vld.idx.msk [tilespmem:v49+s2+$0x0], $0xffff  }
0x56a: {  	v60 =	vadd.s32 $0x4E20, v16;
	v36 =	vld.idx.msk [tilespmem:v50+s2+$0x0], $0xffff  }
0x56b: {  	v41 =	vadd.s32 $0x4E20, v17;
	v58 =	vld.idx.msk [tilespmem:v52+s2+$0x0], $0xffff  }
0x56c: {  	v2 =	vadd.s32 $0x4E20, v25;
	v62 =	vld.idx.msk [tilespmem:v54+s2+$0x0], $0xffff  }
0x56d: {  	v1 =	vadd.s32 $0x4E20, v23;
	v39 =	vld.idx.msk [tilespmem:v56+s2+$0x0], $0xffff  }
0x56e: {  	v0 =	vadd.s32 $0x4E20, v21;
	v40 =	vld.idx.msk [tilespmem:v57+s2+$0x0], $0xffff  }
0x56f: {  	v63 =	vld.idx.msk [tilespmem:v60+s2+$0x0], $0xffff  }
0x570: {  	v41 =	vld.idx.msk [tilespmem:v41+s2+$0x0], $0xffff  }
0x571: {  	v2 =	vld.idx.msk [tilespmem:v2+s2+$0x0], $0xffff  }
0x572: {  	v1 =	vld.idx.msk [tilespmem:v1+s2+$0x0], $0xffff  }
0x573: {  	v0 =	vld.idx.msk [tilespmem:v0+s2+$0x0], $0xffff  }
0x574: {  	v13 =	vld [tilespmem:s31+$0xFFFFFFF0]  }
0x575: {  	v14 =	vadd.s32 $0x7530, v28;
	v10 =	vld [tilespmem:s31+$0xFFFFFDF0];
	v49 =	vadd.s32 $0x7530, v27  }
0x576: {  	v47 =	vld.idx.msk [tilespmem:v55+s2+$0x0], $0xffff;
	v32 =	vmax.f32 v32, v33;
	v50 =	vmax.f32 v53, v34;
	v52 =	vmax.f32 v58, v62  }
0x577: {  	v53 =	vmax.f32 v39, v40;
	v54 =	vmax.f32 v41, v63;
	v1 =	vmax.f32 v2, v1;
	v2 =	vld.idx.msk [tilespmem:v48+s2+$0x0], $0xffff  }
0x578: {  	v57 =	vmax.f32 v53, v54;
	v0 =	vmax.f32 v0, v51;
	v51 =	vmax.f32 v35, v36;
	v36 =	vld.idx.msk [tilespmem:v7+s2+$0x0], $0xffff  }
0x579: {  	v1 =	vmax.f32 v32, v1;
	v32 =	vld.idx.msk [tilespmem:v9+s2+$0x0], $0xffff;
	v0 =	vmax.f32 v0, v50;
	v56 =	vmax.f32 v51, v52  }
0x57a: {  	v58 =	vadd.s32 $0x7530, v25;
	v35 =	vld.idx.msk [tilespmem:v11+s2+$0x0], $0xffff;
	[tilespmem:$0x1EF10] =	vst v3;
	v0 =	vmax.f32 v1, v0;
	v1 =	vmax.f32 v56, v57  }
0x57b: {  	v62 =	vadd.s32 $0x7530, v18;
	v34 =	vld.idx.msk [tilespmem:v3+s2+$0x0], $0xffff;
	[tilespmem:$0x1EF20] =	vst v4;
	v0 =	vmax.f32 v0, v1  }
0x57c: {  	v53 =	vadd.s32 $0x7530, v30;
	v37 =	vld.idx.msk [tilespmem:v4+s2+$0x0], $0xffff;
	[tilespmem:s26+$0xFFFFF600] =	vst v0  }
0x57d: {  	v54 =	vadd.s32 $0x7530, v29;
	v60 =	vld.idx.msk [tilespmem:v14+s2+$0x0], $0xffff  }
0x57e: {  	v52 =	vadd.s32 $0x7530, v31;
	v63 =	vld.idx.msk [tilespmem:v49+s2+$0x0], $0xffff  }
0x57f: {  	v50 =	vadd.s32 $0x7530, v19;
	v33 =	vld.idx.msk [tilespmem:v58+s2+$0x0], $0xffff  }
0x580: {  	v51 =	vadd.s32 $0x7530, v17;
	v39 =	vld.idx.msk [tilespmem:v62+s2+$0x0], $0xffff  }
0x581: {  	v56 =	vadd.s32 $0x7530, v26;
	v42 =	vld.idx.msk [tilespmem:v53+s2+$0x0], $0xffff  }
0x582: {  	v57 =	vadd.s32 $0x7530, v24;
	v43 =	vld.idx.msk [tilespmem:v54+s2+$0x0], $0xffff  }
0x583: {  	v1 =	vadd.s32 $0x7530, v23;
	v41 =	vld.idx.msk [tilespmem:v52+s2+$0x0], $0xffff  }
0x584: {  	v0 =	vadd.s32 $0x7530, v21;
	v50 =	vld.idx.msk [tilespmem:v50+s2+$0x0], $0xffff  }
0x585: {  	v58 =	vadd.s32 $0x7530, v22;
	v51 =	vld.idx.msk [tilespmem:v51+s2+$0x0], $0xffff  }
0x586: {  	v49 =	vadd.s32 $0x7530, v20;
	v44 =	vld.idx.msk [tilespmem:v56+s2+$0x0], $0xffff  }
0x587: {  	v52 =	vadd.s32 $0x7530, v16;
	v45 =	vld.idx.msk [tilespmem:v57+s2+$0x0], $0xffff  }
0x588: {  	v1 =	vld.idx.msk [tilespmem:v1+s2+$0x0], $0xffff  }
0x589: {  	v0 =	vld.idx.msk [tilespmem:v0+s2+$0x0], $0xffff  }
0x58a: {  	v46 =	vld.idx.msk [tilespmem:v58+s2+$0x0], $0xffff  }
0x58b: {  	v49 =	vld.idx.msk [tilespmem:v49+s2+$0x0], $0xffff  }
0x58c: {  	v52 =	vld.idx.msk [tilespmem:v52+s2+$0x0], $0xffff  }
0x58d: {  	v40 =	vld.idx.msk [tilespmem:v10+s2+$0x0], $0xffff  }
0x58e: {  	v53 =	vld.idx.msk [tilespmem:v61+s2+$0x0], $0xffff;
	v56 =	vadd.s32 $0x9C40, v28;
	v57 =	vadd.s32 $0x9C40, v27  }
0x58f: {  	v54 =	vld.idx.msk [tilespmem:v8+s2+$0x0], $0xffff;
	v38 =	vmax.f32 v60, v63;
	v60 =	vmax.f32 v43, v44;
	v1 =	vmax.f32 v33, v1  }
0x590: {  	v58 =	vld.idx.msk [tilespmem:v6+s2+$0x0], $0xffff;
	v0 =	vmax.f32 v0, v39;
	v39 =	vmax.f32 v41, v42;
	v1 =	vmax.f32 v38, v1  }
0x591: {  	v43 =	vld.idx.msk [tilespmem:v13+s2+$0x0], $0xffff;
	v62 =	vmax.f32 v45, v46;
	v63 =	vmax.f32 v49, v50;
	v49 =	vmax.f32 v51, v52  }
0x592: {  	v33 =	vld.idx.msk [tilespmem:v5+s2+$0x0], $0xffff;
	v0 =	vmax.f32 v0, v39;
	v50 =	vmax.f32 v60, v62;
	v51 =	vmax.f32 v63, v49  }
0x593: {  	v42 =	vld.idx.msk [tilespmem:v15+s2+$0x0], $0xffff;
	v0 =	vmax.f32 v1, v0;
	v52 =	vadd.s32 $0x9C40, v25;
	v1 =	vmax.f32 v50, v51  }
0x594: {  	v14 =	vmovc v26;
	v26 =	vmov v59;
	v38 =	vld.idx.msk [tilespmem:v59+s2+$0x0], $0xffff;
	v59 =	vadd.s32 $0x9C40, v18;
	v0 =	vmax.f32 v0, v1  }
0x595: {  	v41 =	vld.idx.msk [tilespmem:v12+s2+$0x0], $0xffff;
	v60 =	vadd.s32 $0x9C40, v31;
	[tilespmem:s26+$0xFFFFF800] =	vst v0  }
0x596: {  	v62 =	vadd.s32 $0x9C40, v30;
	v44 =	vld.idx.msk [tilespmem:v56+s2+$0x0], $0xffff  }
0x597: {  	v63 =	vadd.s32 $0x9C40, v29;
	v46 =	vld.idx.msk [tilespmem:v57+s2+$0x0], $0xffff  }
0x598: {  	v1 =	vadd.s32 $0x9C40, v23;
	v39 =	vld.idx.msk [tilespmem:v52+s2+$0x0], $0xffff  }
0x599: {  	v0 =	vadd.s32 $0x9C40, v21;
	v45 =	vld.idx.msk [tilespmem:v59+s2+$0x0], $0xffff  }
0x59a: {  	v52 =	vadd.s32 $0x9C40, v14;
	v49 =	vld.idx.msk [tilespmem:v60+s2+$0x0], $0xffff  }
0x59b: {  	v56 =	vadd.s32 $0x9C40, v24;
	v50 =	vld.idx.msk [tilespmem:v62+s2+$0x0], $0xffff  }
0x59c: {  	v57 =	vadd.s32 $0x9C40, v22;
	v51 =	vld.idx.msk [tilespmem:v63+s2+$0x0], $0xffff  }
0x59d: {  	v59 =	vadd.s32 $0x9C40, v20;
	v1 =	vld.idx.msk [tilespmem:v1+s2+$0x0], $0xffff  }
0x59e: {  	v60 =	vadd.s32 $0x9C40, v19;
	v0 =	vld.idx.msk [tilespmem:v0+s2+$0x0], $0xffff  }
0x59f: {  	v2 =	vmax.f32 v2, v36;
	v63 =	vadd.s32 $0x9C40, v17;
	v52 =	vld.idx.msk [tilespmem:v52+s2+$0x0], $0xffff  }
0x5a0: {  	v35 =	vmax.f32 v35, v47;
	v47 =	vadd.s32 $0x9C40, v16;
	v32 =	vmax.f32 v32, v34;
	v36 =	vld.idx.msk [tilespmem:v56+s2+$0x0], $0xffff  }
0x5a1: {  	v34 =	vadd.s32 $0x2710, v11;
	v2 =	vmax.f32 v35, v2;
	v37 =	vmax.f32 v37, v53;
	v57 =	vld.idx.msk [tilespmem:v57+s2+$0x0], $0xffff  }
0x5a2: {  	v35 =	vadd.s32 $0x2710, v9;
	v32 =	vmax.f32 v32, v37;
	v58 =	vmax.f32 v54, v58;
	v53 =	vld.idx.msk [tilespmem:v59+s2+$0x0], $0xffff  }
0x5a3: {  	v40 =	vmax.f32 v40, v43;
	v33 =	vmax.f32 v33, v42;
	v38 =	vmax.f32 v38, v41;
	v41 =	vld.idx.msk [tilespmem:v60+s2+$0x0], $0xffff  }
0x5a4: {  	v33 =	vmax.f32 v58, v33;
	v62 =	vadd.s32 $0x2710, v55;
	v60 =	vmax.f32 v38, v40;
	v37 =	vld.idx.msk [tilespmem:v63+s2+$0x0], $0xffff  }
0x5a5: {  	v2 =	vmax.f32 v2, v32;
	v54 =	vadd.s32 $0x2710, v3;
	v63 =	vmax.f32 v33, v60;
	v33 =	vld.idx.msk [tilespmem:v47+s2+$0x0], $0xffff  }
0x5a6: {  	v58 =	vadd.s32 $0x2710, v4;
	v56 =	vadd.s32 $0x2710, v48;
	v2 =	vmax.f32 v2, v63  }
0x5a7: {  	v38 =	vadd.s32 $0x2710, v7;
	v59 =	vadd.s32 $0xC350, v27;
	v60 =	vmax.f32 v44, v46;
	[tilespmem:s26+$0xFFFFF1F0] =	vst v2  }
0x5a8: {  	v63 =	vmax.f32 v49, v50;
	v2 =	vadd.s32 $0xC350, v28;
	v1 =	vmax.f32 v39, v1;
	v34 =	vld.idx.msk [tilespmem:v34+s2+$0x0], $0xffff  }
0x5a9: {  	v0 =	vmax.f32 v0, v45;
	v4 =	vld.idx.msk [tilespmem:v62+s2+$0x0], $0xffff;
	v1 =	vmax.f32 v60, v1;
	v49 =	vmax.f32 v51, v52  }
0x5aa: {  	v35 =	vld.idx.msk [tilespmem:v35+s2+$0x0], $0xffff;
	v36 =	vmax.f32 v36, v57;
	v41 =	vmax.f32 v53, v41;
	v33 =	vmax.f32 v37, v33  }
0x5ab: {  	v32 =	vld.idx.msk [tilespmem:v58+s2+$0x0], $0xffff;
	v0 =	vmax.f32 v0, v63;
	v36 =	vmax.f32 v49, v36;
	v33 =	vmax.f32 v41, v33  }
0x5ac: {  	v50 =	vadd.s32 $0xC350, v25;
	v46 =	vld.idx.msk [tilespmem:v56+s2+$0x0], $0xffff;
	v0 =	vmax.f32 v1, v0;
	v1 =	vmax.f32 v36, v33  }
0x5ad: {  	v37 =	vld.idx.msk [tilespmem:v38+s2+$0x0], $0xffff;
	v0 =	vmax.f32 v0, v1;
	v1 =	vadd.s32 $0xC350, v23  }
0x5ae: {  	v36 =	vld.idx.msk [tilespmem:v54+s2+$0x0], $0xffff;
	[tilespmem:s26+$0xFFFFFA00] =	vst v0;
	v0 =	vadd.s32 $0xC350, v21  }
0x5af: {  	v51 =	vadd.s32 $0xC350, v18;
	v2 =	vld.idx.msk [tilespmem:v2+s2+$0x0], $0xffff  }
0x5b0: {  	v52 =	vadd.s32 $0xC350, v31;
	v40 =	vld.idx.msk [tilespmem:v59+s2+$0x0], $0xffff  }
0x5b1: {  	v53 =	vadd.s32 $0xC350, v30;
	v33 =	vld.idx.msk [tilespmem:v50+s2+$0x0], $0xffff  }
0x5b2: {  	v54 =	vadd.s32 $0xC350, v29;
	v1 =	vld.idx.msk [tilespmem:v1+s2+$0x0], $0xffff  }
0x5b3: {  	v56 =	vadd.s32 $0xC350, v14;
	v0 =	vld.idx.msk [tilespmem:v0+s2+$0x0], $0xffff;
	[tilespmem:$0x1ED80] =	vst v14  }
0x5b4: {  	v57 =	vadd.s32 $0xC350, v24;
	v38 =	vld.idx.msk [tilespmem:v51+s2+$0x0], $0xffff;
	[tilespmem:$0x1ED90] =	vst v24  }
0x5b5: {  	v58 =	vadd.s32 $0xC350, v22;
	v41 =	vld.idx.msk [tilespmem:v52+s2+$0x0], $0xffff;
	[tilespmem:$0x1EDA0] =	vst v22  }
0x5b6: {  	v59 =	vadd.s32 $0xC350, v20;
	v42 =	vld.idx.msk [tilespmem:v53+s2+$0x0], $0xffff;
	[tilespmem:$0x1EDB0] =	vst v20  }
0x5b7: {  	v60 =	vadd.s32 $0xC350, v19;
	v43 =	vld.idx.msk [tilespmem:v54+s2+$0x0], $0xffff;
	[tilespmem:$0x1EDC0] =	vst v19  }
0x5b8: {  	v62 =	vadd.s32 $0xC350, v17;
	v44 =	vld.idx.msk [tilespmem:v56+s2+$0x0], $0xffff;
	[tilespmem:$0x1EDD0] =	vst v17  }
0x5b9: {  	v63 =	vadd.s32 $0xC350, v16;
	v45 =	vld.idx.msk [tilespmem:v57+s2+$0x0], $0xffff;
	[tilespmem:$0x1EDE0] =	vst v16  }
0x5ba: {  	v53 =	vadd.s32 $0x2710, v61;
	v47 =	vld.idx.msk [tilespmem:v58+s2+$0x0], $0xffff  }
0x5bb: {  	v54 =	vadd.s32 $0x2710, v8;
	v49 =	vld.idx.msk [tilespmem:v59+s2+$0x0], $0xffff  }
0x5bc: {  	v56 =	vadd.s32 $0x2710, v6;
	v50 =	vld.idx.msk [tilespmem:v60+s2+$0x0], $0xffff  }
0x5bd: {  	v57 =	vadd.s32 $0x2710, v5;
	v51 =	vld.idx.msk [tilespmem:v62+s2+$0x0], $0xffff  }
0x5be: {  	v58 =	vadd.s32 $0x2710, v15;
	v52 =	vld.idx.msk [tilespmem:v63+s2+$0x0], $0xffff  }
0x5bf: {  	v2 =	vmax.f32 v2, v40;
	v40 =	vadd.s32 $0xEA60, v28;
	v59 =	vadd.s32 $0x2710, v26;
	v53 =	vld.idx.msk [tilespmem:v53+s2+$0x0], $0xffff  }
0x5c0: {  	v1 =	vmax.f32 v33, v1;
	v33 =	vadd.s32 $0xEA60, v27;
	v63 =	vadd.s32 $0x2710, v13;
	v54 =	vld.idx.msk [tilespmem:v54+s2+$0x0], $0xffff  }
0x5c1: {  	v1 =	vmax.f32 v2, v1;
	v0 =	vmax.f32 v0, v38;
	v60 =	vadd.s32 $0x2710, v12;
	v56 =	vld.idx.msk [tilespmem:v56+s2+$0x0], $0xffff  }
0x5c2: {  	v62 =	vadd.s32 $0x2710, v10;
	v41 =	vmax.f32 v41, v42;
	v42 =	vmax.f32 v43, v44;
	v38 =	vld.idx.msk [tilespmem:v57+s2+$0x0], $0xffff  }
0x5c3: {  	v43 =	vmax.f32 v45, v47;
	v44 =	vld.idx.msk [tilespmem:v58+s2+$0x0], $0xffff;
	v50 =	vmax.f32 v49, v50;
	v57 =	vmax.f32 v51, v52  }
0x5c4: {  	v0 =	vmax.f32 v0, v41;
	v2 =	vld.idx.msk [tilespmem:v59+s2+$0x0], $0xffff;
	v58 =	vmax.f32 v42, v43;
	v59 =	vmax.f32 v50, v57  }
0x5c5: {  	v0 =	vmax.f32 v1, v0;
	v45 =	vld.idx.msk [tilespmem:v63+s2+$0x0], $0xffff;
	v63 =	vadd.s32 $0xEA60, v31;
	v1 =	vmax.f32 v58, v59  }
0x5c6: {  	v52 =	vadd.s32 $0xEA60, v14;
	v43 =	vld.idx.msk [tilespmem:v60+s2+$0x0], $0xffff;
	v0 =	vmax.f32 v0, v1  }
0x5c7: {  	v14 =	vadd.s32 $0xEA60, v24;
	v42 =	vld.idx.msk [tilespmem:v62+s2+$0x0], $0xffff;
	[tilespmem:s26+$0xFFFFFC00] =	vst v0  }
0x5c8: {  	v37 =	vmax.f32 v46, v37;
	v46 =	vadd.s32 $0xEA60, v19;
	v40 =	vld.idx.msk [tilespmem:v40+s2+$0x0], $0xffff  }
0x5c9: {  	v60 =	vadd.s32 $0xEA60, v25;
	v33 =	vld.idx.msk [tilespmem:v33+s2+$0x0], $0xffff  }
0x5ca: {  	v34 =	vmax.f32 v34, v4;
	v62 =	vadd.s32 $0xEA60, v18;
	v49 =	vld.idx.msk [tilespmem:v63+s2+$0x0], $0xffff  }
0x5cb: {  	v35 =	vmax.f32 v35, v36;
	v50 =	vadd.s32 $0xEA60, v30;
	v32 =	vmax.f32 v32, v53;
	v36 =	vld.idx.msk [tilespmem:v52+s2+$0x0], $0xffff  }
0x5cc: {  	v34 =	vmax.f32 v34, v37;
	v51 =	vadd.s32 $0xEA60, v29;
	v32 =	vmax.f32 v35, v32;
	v52 =	vld.idx.msk [tilespmem:v14+s2+$0x0], $0xffff  }
0x5cd: {  	v58 =	vadd.s32 $0xEA60, v22;
	v32 =	vmax.f32 v34, v32;
	v34 =	vld.idx.msk [tilespmem:v46+s2+$0x0], $0xffff  }
0x5ce: {  	v1 =	vadd.s32 $0xEA60, v23;
	v41 =	vld.idx.msk [tilespmem:v60+s2+$0x0], $0xffff  }
0x5cf: {  	v0 =	vadd.s32 $0xEA60, v21;
	v47 =	vld.idx.msk [tilespmem:v62+s2+$0x0], $0xffff  }
0x5d0: {  	v37 =	vadd.s32 $0xEA60, v17;
	v63 =	vmax.f32 v54, v56;
	v38 =	vmax.f32 v38, v44;
	v50 =	vld.idx.msk [tilespmem:v50+s2+$0x0], $0xffff  }
0x5d1: {  	v62 =	vadd.s32 $0xEA60, v20;
	v20 =	vld.idx.msk [tilespmem:v51+s2+$0x0], $0xffff;
	v2 =	vmax.f32 v2, v43;
	v42 =	vmax.f32 v42, v45  }
0x5d2: {  	v14 =	vadd.s32 $0xEA60, v16;
	v56 =	vmax.f32 v63, v38;
	v43 =	vld.idx.msk [tilespmem:v58+s2+$0x0], $0xffff;
	v2 =	vmax.f32 v2, v42  }
0x5d3: {  	v1 =	vld.idx.msk [tilespmem:v1+s2+$0x0], $0xffff;
	v2 =	vmax.f32 v56, v2  }
0x5d4: {  	v60 =	vadd.s32 $0x4E20, v11;
	v0 =	vld.idx.msk [tilespmem:v0+s2+$0x0], $0xffff;
	v2 =	vmax.f32 v32, v2  }
0x5d5: {  	v32 =	vld.idx.msk [tilespmem:v37+s2+$0x0], $0xffff;
	[tilespmem:s26+$0xFFFFF3F0] =	vst v2  }
0x5d6: {  	v59 =	vadd.s32 $0x4E20, v55;
	v24 =	vld [tilespmem:$0x1EF10]  }
0x5d7: {  	v57 =	vadd.s32 $0x4E20, v48;
	v2 =	vld.idx.msk [tilespmem:v14+s2+$0x0], $0xffff  }
0x5d8: {  	v63 =	vadd.s32 $0x4E20, v61;
	v38 =	vld.idx.msk [tilespmem:v62+s2+$0x0], $0xffff  }
0x5d9: {  	v54 =	vadd.s32 $0x4E20, v8;
	v45 =	vld.idx.msk [tilespmem:v60+s2+$0x0], $0xffff  }
0x5da: {  	v58 =	vadd.s32 $0x4E20, v7;
	v22 =	vld [tilespmem:$0x1EF20]  }
0x5db: {  	v51 =	vld.idx.msk [tilespmem:v59+s2+$0x0], $0xffff;
	v14 =	vadd.s32 $0x4E20, v24  }
0x5dc: {  	v56 =	vadd.s32 $0x4E20, v6;
	v42 =	vld.idx.msk [tilespmem:v57+s2+$0x0], $0xffff  }
0x5dd: {  	v39 =	vmov v5;
	v37 =	vadd.s32 $0x4E20, v9;
	v53 =	vld.idx.msk [tilespmem:v63+s2+$0x0], $0xffff  }
0x5de: {  	v57 =	vadd.s32 $0x4E20, v39;
	v54 =	vld.idx.msk [tilespmem:v54+s2+$0x0], $0xffff  }
0x5df: {  	v35 =	vld.idx.msk [tilespmem:v58+s2+$0x0], $0xffff;
	v62 =	vadd.s32 $0x4E20, v22  }
0x5e0: {  	v28 =	vadd.s32 $0x11170, v28;
	v44 =	vld.idx.msk [tilespmem:v14+s2+$0x0], $0xffff;
	v14 =	vadd.s32 $0x4E20, v26  }
0x5e1: {  	v3 =	vmovc v6;
	v33 =	vmax.f32 v40, v33;
	v40 =	vadd.s32 $0x4E20, v13;
	v60 =	vadd.s32 $0x4E20, v12;
	v56 =	vld.idx.msk [tilespmem:v56+s2+$0x0], $0xffff  }
0x5e2: {  	v19 =	vmovc v61;
	v61 =	vmovc v55;
	v63 =	vadd.s32 $0x7530, v55;
	v55 =	vmax.f32 v49, v50;
	v58 =	vadd.s32 $0x4E20, v15;
	v37 =	vld.idx.msk [tilespmem:v37+s2+$0x0], $0xffff  }
0x5e3: {  	v36 =	vmax.f32 v20, v36;
	v1 =	vmax.f32 v41, v1;
	v0 =	vmax.f32 v0, v47;
	v57 =	vld.idx.msk [tilespmem:v57+s2+$0x0], $0xffff  }
0x5e4: {  	v6 =	vmovc v13;
	v1 =	vmax.f32 v33, v1;
	v2 =	vmax.f32 v32, v2;
	v46 =	vld.idx.msk [tilespmem:v62+s2+$0x0], $0xffff;
	v62 =	vadd.s32 $0x4E20, v10  }
0x5e5: {  	v0 =	vmax.f32 v0, v55;
	v34 =	vmax.f32 v38, v34;
	v13 =	vld.idx.msk [tilespmem:v14+s2+$0x0], $0xffff;
	v14 =	vmax.f32 v52, v43  }
0x5e6: {  	v0 =	vmax.f32 v1, v0;
	v1 =	vld.idx.msk [tilespmem:v40+s2+$0x0], $0xffff;
	v2 =	vmax.f32 v34, v2;
	v50 =	vmax.f32 v36, v14  }
0x5e7: {  	v58 =	vld.idx.msk [tilespmem:v58+s2+$0x0], $0xffff;
	v2 =	vmax.f32 v50, v2  }
0x5e8: {  	v43 =	vld.idx.msk [tilespmem:v60+s2+$0x0], $0xffff;
	v0 =	vmax.f32 v0, v2  }
0x5e9: {  	v47 =	vld.idx.msk [tilespmem:v62+s2+$0x0], $0xffff;
	[tilespmem:s26+$0xFFFFFE00] =	vst v0  }
0x5ea: {  	v17 =	vld.idx.msk [tilespmem:v28+s2+$0x0], $0xffff  }
0x5eb: {  	v27 =	vadd.s32 $0x11170, v27;
	_ =	sdelay $0x3  }
0x5ec: {  	[tilespmem:$0x1EF50] =	vst v17  }
0x5ed: {  	v17 =	vld.idx.msk [tilespmem:v27+s2+$0x0], $0xffff  }
0x5ee: {  	v25 =	vadd.s32 $0x11170, v25;
	_ =	sdelay $0x3  }
0x5ef: {  	[tilespmem:$0x1EF60] =	vst v17  }
0x5f0: {  	v17 =	vld.idx.msk [tilespmem:v25+s2+$0x0], $0xffff  }
0x5f1: {  	v2 =	vadd.s32 $0x11170, v23;
	_ =	sdelay $0x2  }
0x5f2: {  	[tilespmem:$0x1EEE0] =	vst v48  }
0x5f3: {  	[tilespmem:$0x1EF70] =	vst v17  }
0x5f4: {  	v2 =	vld.idx.msk [tilespmem:v2+s2+$0x0], $0xffff  }
0x5f5: {  	v0 =	vadd.s32 $0x11170, v21;
	_ =	sdelay $0x3  }
0x5f6: {  	[tilespmem:$0x1EF80] =	vst v2  }
0x5f7: {  	v18 =	vadd.s32 $0x11170, v18;
	v0 =	vld.idx.msk [tilespmem:v0+s2+$0x0], $0xffff  }
0x5f8: {  	v54 =	vmax.f32 v54, v56;
	v52 =	vmax.f32 v45, v51;
	v23 =	vmax.f32 v42, v35  }
0x5f9: {  	v21 =	vmax.f32 v52, v23;
	v23 =	vmax.f32 v37, v44;
	v28 =	vmax.f32 v46, v53  }
0x5fa: {  	v55 =	vmax.f32 v13, v43;
	v1 =	vmax.f32 v47, v1;
	v27 =	vmax.f32 v57, v58  }
0x5fb: {  	v23 =	vmax.f32 v23, v28;
	v1 =	vmax.f32 v55, v1;
	v25 =	vmax.f32 v54, v27  }
0x5fc: {  	v1 =	vmax.f32 v25, v1;
	v2 =	vmax.f32 v21, v23;
	[tilespmem:$0x1EF90] =	vst v0  }
0x5fd: {  	v0 =	vmax.f32 v2, v1;
	v2 =	vld.idx.msk [tilespmem:v18+s2+$0x0], $0xffff;
	_ =	sdelay $0x1  }
0x5fe: {  	v41 =	vadd.s32 $0x7530, v11;
	_ =	sdelay $0x1  }
0x5ff: {  	v27 =	vadd.s32 $0x7530, v48  }
0x600: {  	v21 =	vadd.s32 $0x7530, v7;
	[tilespmem:$0x1EFA0] =	vst v2  }
0x601: {  	v1 =	vadd.s32 $0x7530, v9;
	[tilespmem:s26+$0xFFFFF5F0] =	vst v0  }
0x602: {  	v18 =	vadd.s32 $0x7530, v22;
	v4 =	vld.idx.msk [tilespmem:v41+s2+$0x0], $0xffff  }
0x603: {  	v0 =	vadd.s32 $0x7530, v24;
	v23 =	vld.idx.msk [tilespmem:v63+s2+$0x0], $0xffff  }
0x604: {  	v5 =	vmov v8;
	v25 =	vadd.s32 $0x7530, v19;
	v27 =	vld.idx.msk [tilespmem:v27+s2+$0x0], $0xffff  }
0x605: {  	v28 =	vadd.s32 $0x7530, v5;
	v21 =	vld.idx.msk [tilespmem:v21+s2+$0x0], $0xffff  }
0x606: {  	v8 =	vmov v39;
	v20 =	vmov v3;
	v56 =	vadd.s32 $0x7530, v3;
	v3 =	vld.idx.msk [tilespmem:v1+s2+$0x0], $0xffff  }
0x607: {  	v57 =	vadd.s32 $0x7530, v8;
	v18 =	vld.idx.msk [tilespmem:v18+s2+$0x0], $0xffff  }
0x608: {  	v58 =	vadd.s32 $0x7530, v15;
	v2 =	vld.idx.msk [tilespmem:v0+s2+$0x0], $0xffff;
	[tilespmem:$0x1F0C0] =	vst v26  }
0x609: {  	v59 =	vadd.s32 $0x7530, v26;
	v25 =	vld.idx.msk [tilespmem:v25+s2+$0x0], $0xffff;
	[tilespmem:$0x1F0D0] =	vst v12  }
0x60a: {  	v60 =	vadd.s32 $0x7530, v12;
	v28 =	vld.idx.msk [tilespmem:v28+s2+$0x0], $0xffff;
	[tilespmem:$0x1F0E0] =	vst v10  }
0x60b: {  	v62 =	vadd.s32 $0x7530, v10;
	v49 =	vld.idx.msk [tilespmem:v56+s2+$0x0], $0xffff;
	[tilespmem:$0x1F0F0] =	vst v6  }
0x60c: {  	v63 =	vadd.s32 $0x7530, v6;
	v50 =	vld.idx.msk [tilespmem:v57+s2+$0x0], $0xffff  }
0x60d: {  	v51 =	vld.idx.msk [tilespmem:v58+s2+$0x0], $0xffff  }
0x60e: {  	v52 =	vld.idx.msk [tilespmem:v59+s2+$0x0], $0xffff  }
0x60f: {  	v53 =	vld.idx.msk [tilespmem:v60+s2+$0x0], $0xffff  }
0x610: {  	v54 =	vld.idx.msk [tilespmem:v62+s2+$0x0], $0xffff  }
0x611: {  	s31 =	simm.s32 $0x176B0;
	v56 =	vld.idx.msk [tilespmem:v63+s2+$0x0], $0xffff  }
0x612: {  	v47 =	vld [tilespmem:s31+$0xFFFFE200]  }
0x613: {  	v46 =	vld [tilespmem:s31+$0xFFFFE400]  }
0x614: {  	v45 =	vld [tilespmem:s31+$0xFFFFE600]  }
0x615: {  	v44 =	vld [tilespmem:s31+$0xFFFFE800]  }
0x616: {  	v43 =	vld [tilespmem:s31+$0xFFFFEA00]  }
0x617: {  	v42 =	vld [tilespmem:s31+$0xFFFFEC00]  }
0x618: {  	v41 =	vld [tilespmem:s31+$0xFFFFEE00]  }
0x619: {  	v40 =	vld [tilespmem:s31+$0xFFFFF000]  }
0x61a: {  	v39 =	vld [tilespmem:s31+$0xFFFFF200]  }
0x61b: {  	v38 =	vld [tilespmem:s31+$0xFFFFF400]  }
0x61c: {  	v37 =	vld [tilespmem:s31+$0xFFFFF600]  }
0x61d: {  	v36 =	vld [tilespmem:s31+$0xFFFFF800]  }
0x61e: {  	v35 =	vld [tilespmem:s31+$0xFFFFFA00]  }
0x61f: {  	v34 =	vld [tilespmem:s31+$0xFFFFFC00]  }
0x620: {  	v55 =	vld [tilespmem:s31+$0xFFFFFE00]  }
0x621: {  	v13 =	vmov v24;
	v24 =	vmov v8;
	v8 =	vld [tilespmem:s31+$0x0]  }
0x622: {  	v57 =	vld.idx.msk [tilespmem:v47+s2+$0x0], $0xffff  }
0x623: {  	v33 =	vld.idx.msk [tilespmem:v46+s2+$0x0], $0xffff  }
0x624: {  	v59 =	vld.idx.msk [tilespmem:v45+s2+$0x0], $0xffff  }
0x625: {  	v60 =	vld.idx.msk [tilespmem:v44+s2+$0x0], $0xffff  }
0x626: {  	v62 =	vld.idx.msk [tilespmem:v43+s2+$0x0], $0xffff  }
0x627: {  	v63 =	vld.idx.msk [tilespmem:v42+s2+$0x0], $0xffff  }
0x628: {  	v1 =	vld.idx.msk [tilespmem:v41+s2+$0x0], $0xffff  }
0x629: {  	v0 =	vld.idx.msk [tilespmem:v40+s2+$0x0], $0xffff  }
0x62a: {  	v4 =	vmax.f32 v4, v23;
	v23 =	vld.idx.msk [tilespmem:v39+s2+$0x0], $0xffff  }
0x62b: {  	v2 =	vmax.f32 v3, v2;
	v3 =	vmax.f32 v18, v25;
	v18 =	vld.idx.msk [tilespmem:v38+s2+$0x0], $0xffff  }
0x62c: {  	v21 =	vmax.f32 v27, v21;
	v27 =	vadd.s32 $0x11170, v31;
	v2 =	vmax.f32 v2, v3;
	v3 =	vld.idx.msk [tilespmem:v37+s2+$0x0], $0xffff  }
0x62d: {  	v4 =	vmax.f32 v4, v21;
	v21 =	vmax.f32 v28, v49;
	v28 =	vld.idx.msk [tilespmem:v36+s2+$0x0], $0xffff  }
0x62e: {  	v25 =	vmax.f32 v50, v51;
	v31 =	vmax.f32 v52, v53;
	v56 =	vmax.f32 v54, v56;
	v50 =	vld.idx.msk [tilespmem:v35+s2+$0x0], $0xffff  }
0x62f: {  	v21 =	vmax.f32 v21, v25;
	v25 =	vmax.f32 v31, v56;
	v31 =	vld.idx.msk [tilespmem:v34+s2+$0x0], $0xffff;
	[tilespmem:$0x1F100] =	vst v11  }
0x630: {  	v2 =	vmax.f32 v4, v2;
	v4 =	vmax.f32 v21, v25;
	v25 =	vld.idx.msk [tilespmem:v55+s2+$0x0], $0xffff;
	[tilespmem:$0x1EED0] =	vst v61  }
0x631: {  	v14 =	vmov v9;
	v9 =	vmov v22;
	v22 =	vmov v5;
	v5 =	vld.idx.msk [tilespmem:v27+s2+$0x0], $0xffff  }
0x632: {  	v30 =	vadd.s32 $0x11170, v30;
	_ =	sdelay $0x3  }
0x633: {  	v32 =	vld.idx.msk [tilespmem:v8+s2+$0x0], $0xffff;
	[tilespmem:$0x1EFB0] =	vst v5  }
0x634: {  	v0 =	vmax.f32 v1, v0;
	v1 =	vld.idx.msk [tilespmem:v30+s2+$0x0], $0xffff;
	_ =	sdelay $0x2  }
0x635: {  	v29 =	vadd.s32 $0x11170, v29  }
0x636: {  	[tilespmem:$0x1EEF0] =	vst v7  }
0x637: {  	v2 =	vmax.f32 v2, v4;
	[tilespmem:$0x1EFC0] =	vst v1  }
0x638: {  	[tilespmem:s26+$0xFFFFF7F0] =	vst v2  }
0x639: {  	[tilespmem:$0x1EF00] =	vst v14  }
0x63a: {  	v5 =	vld.idx.msk [tilespmem:v29+s2+$0x0], $0xffff  }
0x63b: {  	v21 =	vadd.s32 $0x9C40, v11  }
0x63c: {  	v4 =	vadd.s32 $0x9C40, v61  }
0x63d: {  	v27 =	vadd.s32 $0x9C40, v48;
	v33 =	vmax.f32 v57, v33  }
0x63e: {  	v56 =	vmax.f32 v59, v60;
	v57 =	vmax.f32 v62, v63;
	v1 =	vadd.s32 $0x9C40, v7  }
0x63f: {  	v3 =	vmax.f32 v3, v28;
	v2 =	vmax.f32 v23, v18;
	v18 =	vadd.s32 $0x9C40, v14;
	[tilespmem:$0x1EFD0] =	vst v5  }
0x640: {  	v28 =	vmax.f32 v50, v31;
	v31 =	vmax.f32 v33, v56;
	v23 =	vadd.s32 $0x9C40, v13;
	v21 =	vld.idx.msk [tilespmem:v21+s2+$0x0], $0xffff  }
0x641: {  	v0 =	vmax.f32 v57, v0;
	v25 =	vmax.f32 v25, v32;
	v29 =	vadd.s32 $0x2710, v47;
	v16 =	vld.idx.msk [tilespmem:v4+s2+$0x0], $0xffff  }
0x642: {  	v30 =	vadd.s32 $0x2710, v46;
	v2 =	vmax.f32 v2, v3;
	v3 =	vmax.f32 v28, v25;
	v27 =	vld.idx.msk [tilespmem:v27+s2+$0x0], $0xffff  }
0x643: {  	v0 =	vmax.f32 v31, v0;
	v2 =	vmax.f32 v2, v3;
	v3 =	vadd.s32 $0x2710, v45;
	v5 =	vld.idx.msk [tilespmem:v1+s2+$0x0], $0xffff  }
0x644: {  	s28 =	simm.s32 $0x196B0;
	v0 =	vmax.f32 v0, v2;
	v2 =	vadd.s32 $0x2710, v44;
	v18 =	vld.idx.msk [tilespmem:v18+s2+$0x0], $0xffff  }
0x645: {  	v28 =	vadd.s32 $0x2710, v42;
	v23 =	vld.idx.msk [tilespmem:v23+s2+$0x0], $0xffff;
	[tilespmem:s28+$0xFFFFF200] =	vst v0  }
0x646: {  	v31 =	vadd.s32 $0x2710, v40;
	v25 =	vld.idx.msk [tilespmem:v29+s2+$0x0], $0xffff  }
0x647: {  	v58 =	vadd.s32 $0x2710, v39;
	v29 =	vld.idx.msk [tilespmem:v30+s2+$0x0], $0xffff  }
0x648: {  	v59 =	vadd.s32 $0x2710, v38;
	v3 =	vld.idx.msk [tilespmem:v3+s2+$0x0], $0xffff  }
0x649: {  	v60 =	vadd.s32 $0x2710, v37;
	v2 =	vld.idx.msk [tilespmem:v2+s2+$0x0], $0xffff  }
0x64a: {  	v62 =	vadd.s32 $0x2710, v36;
	v28 =	vld.idx.msk [tilespmem:v28+s2+$0x0], $0xffff  }
0x64b: {  	v63 =	vadd.s32 $0x2710, v35;
	v31 =	vld.idx.msk [tilespmem:v31+s2+$0x0], $0xffff  }
0x64c: {  	v0 =	vadd.s32 $0x2710, v43;
	v49 =	vld.idx.msk [tilespmem:v58+s2+$0x0], $0xffff  }
0x64d: {  	v30 =	vadd.s32 $0x2710, v41;
	v50 =	vld.idx.msk [tilespmem:v59+s2+$0x0], $0xffff  }
0x64e: {  	v13 =	vadd.s32 $0x2710, v34;
	v51 =	vld.idx.msk [tilespmem:v60+s2+$0x0], $0xffff  }
0x64f: {  	v14 =	vadd.s32 $0x2710, v55;
	v52 =	vld.idx.msk [tilespmem:v62+s2+$0x0], $0xffff  }
0x650: {  	v57 =	vadd.s32 $0x2710, v8;
	v53 =	vld.idx.msk [tilespmem:v63+s2+$0x0], $0xffff  }
0x651: {  	v1 =	vld.idx.msk [tilespmem:v0+s2+$0x0], $0xffff  }
0x652: {  	v30 =	vld.idx.msk [tilespmem:v30+s2+$0x0], $0xffff;
	[tilespmem:$0x1F060] =	vst v19  }
0x653: {  	v58 =	vadd.s32 $0x9C40, v9;
	v54 =	vld.idx.msk [tilespmem:v13+s2+$0x0], $0xffff;
	[tilespmem:$0x1F080] =	vst v22  }
0x654: {  	v60 =	vadd.s32 $0x9C40, v22;
	v56 =	vld.idx.msk [tilespmem:v14+s2+$0x0], $0xffff;
	[tilespmem:$0x1F090] =	vst v20  }
0x655: {  	v59 =	vadd.s32 $0x9C40, v19;
	v57 =	vld.idx.msk [tilespmem:v57+s2+$0x0], $0xffff  }
0x656: {  	v33 =	vadd.s32 $0x9C40, v24;
	v62 =	vadd.s32 $0x9C40, v20  }
0x657: {  	v0 =	vadd.s32 $0x9C40, v15;
	v25 =	vmax.f32 v25, v29;
	v2 =	vmax.f32 v3, v2;
	[tilespmem:$0x1F0A0] =	vst v24  }
0x658: {  	v29 =	vadd.s32 $0x9C40, v26;
	v49 =	vmax.f32 v49, v50;
	v58 =	vld.idx.msk [tilespmem:v58+s2+$0x0], $0xffff;
	[tilespmem:$0x1F0B0] =	vst v15;
	v1 =	vmax.f32 v1, v28  }
0x659: {  	v28 =	vmax.f32 v30, v31;
	v30 =	vld.idx.msk [tilespmem:v60+s2+$0x0], $0xffff;
	v31 =	vadd.s32 $0x9C40, v12;
	v60 =	vmax.f32 v51, v52  }
0x65a: {  	v4 =	vld.idx.msk [tilespmem:v59+s2+$0x0], $0xffff;
	v53 =	vmax.f32 v53, v54;
	v1 =	vmax.f32 v1, v28;
	v12 =	vmax.f32 v56, v57  }
0x65b: {  	v51 =	vld.idx.msk [tilespmem:v62+s2+$0x0], $0xffff;
	v28 =	vmax.f32 v49, v60;
	v60 =	vmax.f32 v53, v12;
	v12 =	vadd.s32 $0x4E20, v42  }
0x65c: {  	v10 =	vadd.s32 $0x9C40, v10;
	v2 =	vmax.f32 v25, v2;
	v3 =	vld.idx.msk [tilespmem:v0+s2+$0x0], $0xffff  }
0x65d: {  	v1 =	vmax.f32 v2, v1;
	v56 =	vld.idx.msk [tilespmem:v33+s2+$0x0], $0xffff;
	v33 =	vadd.s32 $0x9C40, v6;
	v2 =	vmax.f32 v28, v60  }
0x65e: {  	v25 =	vadd.s32 $0x4E20, v47;
	v29 =	vld.idx.msk [tilespmem:v29+s2+$0x0], $0xffff;
	v1 =	vmax.f32 v1, v2  }
0x65f: {  	v62 =	vadd.s32 $0x4E20, v46;
	v28 =	vld.idx.msk [tilespmem:v31+s2+$0x0], $0xffff;
	[tilespmem:s28+$0xFFFFF400] =	vst v1  }
0x660: {  	v53 =	vld.idx.msk [tilespmem:v12+s2+$0x0], $0xffff;
	v12 =	vadd.s32 $0x4E20, v37  }
0x661: {  	v2 =	vld.idx.msk [tilespmem:v10+s2+$0x0], $0xffff  }
0x662: {  	v63 =	vadd.s32 $0x4E20, v44;
	v1 =	vld.idx.msk [tilespmem:v33+s2+$0x0], $0xffff  }
0x663: {  	v57 =	vadd.s32 $0x4E20, v40;
	v25 =	vld.idx.msk [tilespmem:v25+s2+$0x0], $0xffff  }
0x664: {  	v5 =	vmax.f32 v27, v5;
	v59 =	vadd.s32 $0x4E20, v39;
	v6 =	vmax.f32 v21, v16;
	v50 =	vld.idx.msk [tilespmem:v62+s2+$0x0], $0xffff  }
0x665: {  	v0 =	vadd.s32 $0x4E20, v35;
	v5 =	vmax.f32 v6, v5;
	v6 =	vld.idx.msk [tilespmem:v12+s2+$0x0], $0xffff  }
0x666: {  	v12 =	vld [tilespmem:$0x1ED80]  }
0x667: {  	v49 =	vld.idx.msk [tilespmem:v63+s2+$0x0], $0xffff  }
0x668: {  	v4 =	vmax.f32 v58, v4;
	v58 =	vadd.s32 $0x4E20, v55;
	v57 =	vld.idx.msk [tilespmem:v57+s2+$0x0], $0xffff  }
0x669: {  	v10 =	vadd.s32 $0x4E20, v43;
	v21 =	vld.idx.msk [tilespmem:v59+s2+$0x0], $0xffff  }
0x66a: {  	v33 =	vadd.s32 $0x4E20, v41;
	v0 =	vld.idx.msk [tilespmem:v0+s2+$0x0], $0xffff  }
0x66b: {  	v18 =	vmax.f32 v18, v23;
	v3 =	vmax.f32 v56, v3;
	v56 =	vld [tilespmem:$0x1EDA0];
	v26 =	vadd.s32 $0x11170, v12  }
0x66c: {  	v27 =	vadd.s32 $0x4E20, v34;
	v4 =	vmax.f32 v18, v4;
	v1 =	vmax.f32 v2, v1;
	v2 =	vld [tilespmem:$0x1ED90]  }
0x66d: {  	v31 =	vadd.s32 $0x4E20, v45;
	v4 =	vmax.f32 v5, v4;
	v5 =	vld.idx.msk [tilespmem:v58+s2+$0x0], $0xffff  }
0x66e: {  	v18 =	vadd.s32 $0x4E20, v8;
	v52 =	vld.idx.msk [tilespmem:v10+s2+$0x0], $0xffff  }
0x66f: {  	v10 =	vadd.s32 $0x4E20, v38;
	v54 =	vld.idx.msk [tilespmem:v33+s2+$0x0], $0xffff  }
0x670: {  	v33 =	vadd.s32 $0x4E20, v36;
	v58 =	vld.idx.msk [tilespmem:v26+s2+$0x0], $0xffff  }
0x671: {  	v13 =	vmov v24;
	v24 =	vld.idx.msk [tilespmem:v27+s2+$0x0], $0xffff;
	v2 =	vadd.s32 $0x11170, v2  }
0x672: {  	v31 =	vld.idx.msk [tilespmem:v31+s2+$0x0], $0xffff  }
0x673: {  	v18 =	vld.idx.msk [tilespmem:v18+s2+$0x0], $0xffff  }
0x674: {  	v23 =	vld.idx.msk [tilespmem:v10+s2+$0x0], $0xffff  }
0x675: {  	v33 =	vld.idx.msk [tilespmem:v33+s2+$0x0], $0xffff;
	[tilespmem:$0x1EFE0] =	vst v58  }
0x676: {  	v30 =	vmax.f32 v30, v51;
	v28 =	vmax.f32 v29, v28;
	v2 =	vld.idx.msk [tilespmem:v2+s2+$0x0], $0xffff  }
0x677: {  	v32 =	vmovc v22;
	v3 =	vmax.f32 v30, v3;
	v22 =	vadd.s32 $0x11170, v56;
	v1 =	vmax.f32 v28, v1  }
0x678: {  	v1 =	vmax.f32 v3, v1;
	v3 =	vld [tilespmem:$0x1EDB0];
	_ =	sdelay $0x2  }
0x679: {  	[tilespmem:$0x1EFF0] =	vst v2  }
0x67a: {  	v62 =	vld.idx.msk [tilespmem:v22+s2+$0x0], $0xffff  }
0x67b: {  	v3 =	vadd.s32 $0x11170, v3  }
0x67c: {  	v1 =	vmax.f32 v4, v1;
	v4 =	vld [tilespmem:$0x1EDC0];
	_ =	sdelay $0x2  }
0x67d: {  	[tilespmem:$0x1F000] =	vst v62  }
0x67e: {  	v3 =	vld.idx.msk [tilespmem:v3+s2+$0x0], $0xffff  }
0x67f: {  	v4 =	vadd.s32 $0x11170, v4  }
0x680: {  	v59 =	vld [tilespmem:$0x1EDD0];
	_ =	sdelay $0x2  }
0x681: {  	[tilespmem:$0x1F010] =	vst v3  }
0x682: {  	v4 =	vld.idx.msk [tilespmem:v4+s2+$0x0], $0xffff  }
0x683: {  	v17 =	vadd.s32 $0x11170, v59  }
0x684: {  	v2 =	vld [tilespmem:$0x1EDE0];
	_ =	sdelay $0x2  }
0x685: {  	[tilespmem:$0x1F020] =	vst v4  }
0x686: {  	v10 =	vld.idx.msk [tilespmem:v17+s2+$0x0], $0xffff  }
0x687: {  	v2 =	vadd.s32 $0x11170, v2;
	_ =	sdelay $0x3  }
0x688: {  	[tilespmem:$0x1F030] =	vst v10  }
0x689: {  	v2 =	vld.idx.msk [tilespmem:v2+s2+$0x0], $0xffff;
	_ =	sdelay $0x1  }
0x68a: {  	v26 =	vadd.s32 $0xC350, v11;
	_ =	sdelay $0x1  }
0x68b: {  	v0 =	vmax.f32 v0, v24  }
0x68c: {  	v6 =	vmax.f32 v6, v33;
	v3 =	vmax.f32 v21, v23;
	v4 =	vmax.f32 v5, v18;
	[tilespmem:$0x1F040] =	vst v2  }
0x68d: {  	v3 =	vmax.f32 v3, v6;
	v0 =	vmax.f32 v0, v4;
	[tilespmem:s26+$0xFFFFF9F0] =	vst v1  }
0x68e: {  	v0 =	vmax.f32 v3, v0;
	v3 =	vld.idx.msk [tilespmem:v26+s2+$0x0], $0xffff  }
0x68f: {  	v48 =	vmovc v7;
	v7 =	vmov v19;
	v19 =	vmax.f32 v25, v50;
	v25 =	vadd.s32 $0xC350, v61;
	_ =	sdelay $0x3  }
0x690: {  	[tilespmem:$0x1EDF0] =	vst v3  }
0x691: {  	v3 =	vld.idx.msk [tilespmem:v25+s2+$0x0], $0xffff;
	_ =	sdelay $0x1  }
0x692: {  	v14 =	vmovc v20;
	v20 =	vmax.f32 v31, v49;
	v16 =	vmax.f32 v52, v53;
	v22 =	vmax.f32 v54, v57  }
0x693: {  	v16 =	vmax.f32 v16, v22;
	v5 =	vmax.f32 v19, v20  }
0x694: {  	v27 =	vadd.s32 $0x7530, v47;
	v1 =	vmax.f32 v5, v16  }
0x695: {  	v21 =	vadd.s32 $0x7530, v46;
	v0 =	vmax.f32 v1, v0;
	[tilespmem:$0x1EE00] =	vst v3  }
0x696: {  	v2 =	vadd.s32 $0x7530, v45;
	[tilespmem:s28+$0xFFFFF600] =	vst v0  }
0x697: {  	v60 =	vmov v8;
	v25 =	vadd.s32 $0x7530, v8;
	v8 =	vld [tilespmem:$0x1EEE0]  }
0x698: {  	v1 =	vadd.s32 $0x7530, v44  }
0x699: {  	v4 =	vadd.s32 $0x7530, v42;
	v3 =	vld.idx.msk [tilespmem:v27+s2+$0x0], $0xffff  }
0x69a: {  	v6 =	vadd.s32 $0x7530, v41;
	v5 =	vld.idx.msk [tilespmem:v21+s2+$0x0], $0xffff  }
0x69b: {  	v16 =	vadd.s32 $0x7530, v40;
	v2 =	vld.idx.msk [tilespmem:v2+s2+$0x0], $0xffff  }
0x69c: {  	v26 =	vadd.s32 $0xC350, v8;
	v8 =	vld [tilespmem:$0x1EF00]  }
0x69d: {  	v18 =	vadd.s32 $0x7530, v39;
	v1 =	vld.idx.msk [tilespmem:v1+s2+$0x0], $0xffff  }
0x69e: {  	v19 =	vadd.s32 $0x7530, v38;
	v4 =	vld.idx.msk [tilespmem:v4+s2+$0x0], $0xffff  }
0x69f: {  	v20 =	vadd.s32 $0x7530, v37;
	v6 =	vld.idx.msk [tilespmem:v6+s2+$0x0], $0xffff  }
0x6a0: {  	v22 =	vadd.s32 $0x7530, v35;
	v16 =	vld.idx.msk [tilespmem:v16+s2+$0x0], $0xffff  }
0x6a1: {  	v28 =	vadd.s32 $0xC350, v8;
	v8 =	vld [tilespmem:$0x1EF10]  }
0x6a2: {  	v23 =	vadd.s32 $0x7530, v34;
	v18 =	vld.idx.msk [tilespmem:v18+s2+$0x0], $0xffff  }
0x6a3: {  	v24 =	vadd.s32 $0x7530, v55;
	v19 =	vld.idx.msk [tilespmem:v19+s2+$0x0], $0xffff  }
0x6a4: {  	v20 =	vld.idx.msk [tilespmem:v20+s2+$0x0], $0xffff  }
0x6a5: {  	v0 =	vadd.s32 $0x7530, v43;
	v22 =	vld.idx.msk [tilespmem:v22+s2+$0x0], $0xffff  }
0x6a6: {  	v21 =	vadd.s32 $0x7530, v36;
	v63 =	vadd.s32 $0xC350, v8;
	v8 =	vld.idx.msk [tilespmem:v26+s2+$0x0], $0xffff  }
0x6a7: {  	v27 =	vadd.s32 $0xC350, v48;
	v23 =	vld.idx.msk [tilespmem:v23+s2+$0x0], $0xffff  }
0x6a8: {  	v24 =	vld.idx.msk [tilespmem:v24+s2+$0x0], $0xffff  }
0x6a9: {  	v25 =	vld.idx.msk [tilespmem:v25+s2+$0x0], $0xffff  }
0x6aa: {  	v0 =	vld.idx.msk [tilespmem:v0+s2+$0x0], $0xffff  }
0x6ab: {  	v21 =	vld.idx.msk [tilespmem:v21+s2+$0x0], $0xffff;
	[tilespmem:$0x1EE10] =	vst v8  }
0x6ac: {  	v1 =	vmax.f32 v2, v1;
	v2 =	vld.idx.msk [tilespmem:v27+s2+$0x0], $0xffff;
	_ =	sdelay $0x4  }
0x6ad: {  	[tilespmem:$0x1EE20] =	vst v2  }
0x6ae: {  	v3 =	vmax.f32 v3, v5;
	v5 =	vld.idx.msk [tilespmem:v28+s2+$0x0], $0xffff;
	_ =	sdelay $0x4  }
0x6af: {  	[tilespmem:$0x1EE30] =	vst v5  }
0x6b0: {  	v33 =	vadd.s32 $0xC350, v7;
	v7 =	vld.idx.msk [tilespmem:v63+s2+$0x0], $0xffff  }
0x6b1: {  	v12 =	vadd.s32 $0xC350, v9;
	_ =	sdelay $0x3  }
0x6b2: {  	[tilespmem:$0x1EE40] =	vst v7  }
0x6b3: {  	v7 =	vld.idx.msk [tilespmem:v12+s2+$0x0], $0xffff;
	_ =	sdelay $0x4  }
0x6b4: {  	[tilespmem:$0x1EE50] =	vst v7  }
0x6b5: {  	v1 =	vmax.f32 v3, v1;
	v3 =	vld.idx.msk [tilespmem:v33+s2+$0x0], $0xffff  }
0x6b6: {  	v2 =	vadd.s32 $0xC350, v32;
	_ =	sdelay $0x3  }
0x6b7: {  	[tilespmem:$0x1EE60] =	vst v3  }
0x6b8: {  	v2 =	vld.idx.msk [tilespmem:v2+s2+$0x0], $0xffff  }
0x6b9: {  	v5 =	vadd.s32 $0xC350, v14;
	_ =	sdelay $0x1  }
0x6ba: {  	v0 =	vmax.f32 v0, v4;
	v4 =	vmax.f32 v6, v16;
	v6 =	vmax.f32 v18, v19  }
0x6bb: {  	v19 =	vmax.f32 v22, v23;
	v16 =	vmax.f32 v20, v21;
	v20 =	vmax.f32 v24, v25  }
0x6bc: {  	v0 =	vmax.f32 v0, v4;
	v4 =	vmax.f32 v6, v16;
	v6 =	vmax.f32 v19, v20;
	[tilespmem:$0x1EE70] =	vst v2  }
0x6bd: {  	v0 =	vmax.f32 v1, v0;
	v1 =	vmax.f32 v4, v6;
	v4 =	vld.idx.msk [tilespmem:v5+s2+$0x0], $0xffff  }
0x6be: {  	v18 =	vadd.s32 $0xC350, v13;
	_ =	sdelay $0x3  }
0x6bf: {  	[tilespmem:$0x1EE80] =	vst v4  }
0x6c0: {  	v0 =	vmax.f32 v0, v1;
	v1 =	vld.idx.msk [tilespmem:v18+s2+$0x0], $0xffff  }
0x6c1: {  	v22 =	vadd.s32 $0xC350, v15;
	_ =	sdelay $0x3  }
0x6c2: {  	[tilespmem:$0x1EE90] =	vst v1  }
0x6c3: {  	[tilespmem:s28+$0xFFFFF800] =	vst v0;
	v0 =	vld.idx.msk [tilespmem:v22+s2+$0x0], $0xffff  }
0x6c4: {  	v3 =	vadd.s32 $0x9C40, v47  }
0x6c5: {  	v4 =	vadd.s32 $0x9C40, v45  }
0x6c6: {  	v1 =	vadd.s32 $0x9C40, v44  }
0x6c7: {  	v5 =	vadd.s32 $0x9C40, v42  }
0x6c8: {  	v16 =	vadd.s32 $0x9C40, v40;
	[tilespmem:$0x1EEA0] =	vst v0  }
0x6c9: {  	v19 =	vadd.s32 $0x9C40, v39;
	v29 =	vld.idx.msk [tilespmem:v3+s2+$0x0], $0xffff  }
0x6ca: {  	v27 =	vld.idx.msk [tilespmem:v4+s2+$0x0], $0xffff  }
0x6cb: {  	v24 =	vld.idx.msk [tilespmem:v1+s2+$0x0], $0xffff  }
0x6cc: {  	v23 =	vld.idx.msk [tilespmem:v5+s2+$0x0], $0xffff  }
0x6cd: {  	v21 =	vld.idx.msk [tilespmem:v16+s2+$0x0], $0xffff  }
0x6ce: {  	v25 =	vld.idx.msk [tilespmem:v19+s2+$0x0], $0xffff  }
0x6cf: {  	v30 =	vld [tilespmem:s31+$0xFFFFE3F0]  }
0x6d0: {  	v63 =	vld [tilespmem:s31+$0xFFFFE5F0]  }
0x6d1: {  	v57 =	vld [tilespmem:s31+$0xFFFFE7F0]  }
0x6d2: {  	v61 =	vld [tilespmem:s31+$0xFFFFE9F0]  }
0x6d3: {  	v58 =	vld [tilespmem:s31+$0xFFFFEBF0]  }
0x6d4: {  	v56 =	vld [tilespmem:s31+$0xFFFFEDF0]  }
0x6d5: {  	v52 =	vld [tilespmem:s31+$0xFFFFEFF0]  }
0x6d6: {  	v54 =	vld [tilespmem:s31+$0xFFFFF1F0]  }
0x6d7: {  	v49 =	vld [tilespmem:s31+$0xFFFFF3F0]  }
0x6d8: {  	v31 =	vld [tilespmem:s31+$0xFFFFF5F0]  }
0x6d9: {  	v51 =	vld [tilespmem:s31+$0xFFFFF7F0]  }
0x6da: {  	v50 =	vld [tilespmem:s31+$0xFFFFF9F0]  }
0x6db: {  	v62 =	vld [tilespmem:s31+$0xFFFFE1F0]  }
0x6dc: {  	v48 =	vld [tilespmem:s31+$0xFFFFFBF0]  }
0x6dd: {  	v32 =	vld [tilespmem:s31+$0xFFFFFDF0]  }
0x6de: {  	v33 =	vld [tilespmem:s31+$0xFFFFFFF0]  }
0x6df: {  	v15 =	vld.idx.msk [tilespmem:v30+s2+$0x0], $0xffff  }
0x6e0: {  	v11 =	vld.idx.msk [tilespmem:v63+s2+$0x0], $0xffff  }
0x6e1: {  	v5 =	vld.idx.msk [tilespmem:v57+s2+$0x0], $0xffff  }
0x6e2: {  	v53 =	vld.idx.msk [tilespmem:v61+s2+$0x0], $0xffff  }
0x6e3: {  	v4 =	vld.idx.msk [tilespmem:v62+s2+$0x0], $0xffff  }
0x6e4: {  	v59 =	vld.idx.msk [tilespmem:v58+s2+$0x0], $0xffff  }
0x6e5: {  	v10 =	vld.idx.msk [tilespmem:v56+s2+$0x0], $0xffff  }
0x6e6: {  	v6 =	vld.idx.msk [tilespmem:v52+s2+$0x0], $0xffff  }
0x6e7: {  	v20 =	vld.idx.msk [tilespmem:v54+s2+$0x0], $0xffff  }
0x6e8: {  	v19 =	vld.idx.msk [tilespmem:v49+s2+$0x0], $0xffff  }
0x6e9: {  	v17 =	vld.idx.msk [tilespmem:v31+s2+$0x0], $0xffff  }
0x6ea: {  	v16 =	vld.idx.msk [tilespmem:v51+s2+$0x0], $0xffff  }
0x6eb: {  	v2 =	vadd.s32 $0x9C40, v46;
	v1 =	vadd.s32 $0x9C40, v37;
	v18 =	vld.idx.msk [tilespmem:v50+s2+$0x0], $0xffff;
	v5 =	vmax.f32 v11, v5  }
0x6ec: {  	v13 =	vld.idx.msk [tilespmem:v48+s2+$0x0], $0xffff;
	v4 =	vmax.f32 v4, v15;
	v9 =	vmax.f32 v53, v59;
	v6 =	vmax.f32 v10, v6  }
0x6ed: {  	v0 =	vadd.s32 $0x9C40, v43;
	v4 =	vmax.f32 v4, v5;
	v5 =	vmax.f32 v9, v6;
	v6 =	vld [tilespmem:$0x1F0C0]  }
0x6ee: {  	v12 =	vld.idx.msk [tilespmem:v32+s2+$0x0], $0xffff  }
0x6ef: {  	v8 =	vadd.s32 $0x9C40, v34;
	v7 =	vld.idx.msk [tilespmem:v33+s2+$0x0], $0xffff  }
0x6f0: {  	v28 =	vld.idx.msk [tilespmem:v2+s2+$0x0], $0xffff;
	v2 =	vadd.s32 $0x9C40, v41  }
0x6f1: {  	v10 =	vld.idx.msk [tilespmem:v1+s2+$0x0], $0xffff;
	v1 =	vadd.s32 $0x9C40, v60  }
0x6f2: {  	v26 =	vld.idx.msk [tilespmem:v0+s2+$0x0], $0xffff;
	v6 =	vadd.s32 $0xC350, v6  }
0x6f3: {  	v3 =	vadd.s32 $0x9C40, v35;
	v0 =	vadd.s32 $0x9C40, v38;
	v53 =	vmax.f32 v20, v19;
	v15 =	vld [tilespmem:$0x1F0D0]  }
0x6f4: {  	v8 =	vld.idx.msk [tilespmem:v8+s2+$0x0], $0xffff;
	v59 =	vmax.f32 v17, v16;
	v13 =	vmax.f32 v18, v13;
	v7 =	vmax.f32 v12, v7  }
0x6f5: {  	v22 =	vld.idx.msk [tilespmem:v2+s2+$0x0], $0xffff;
	v2 =	vadd.s32 $0x9C40, v36;
	v9 =	vmax.f32 v53, v59;
	v7 =	vmax.f32 v13, v7  }
0x6f6: {  	v11 =	vadd.s32 $0x9C40, v55;
	v4 =	vmax.f32 v4, v5;
	v5 =	vmax.f32 v9, v7;
	v7 =	vld.idx.msk [tilespmem:v1+s2+$0x0], $0xffff  }
0x6f7: {  	v1 =	vmax.f32 v4, v5;
	v4 =	vld.idx.msk [tilespmem:v6+s2+$0x0], $0xffff  }
0x6f8: {  	v3 =	vld.idx.msk [tilespmem:v3+s2+$0x0], $0xffff;
	v15 =	vadd.s32 $0xC350, v15  }
0x6f9: {  	v0 =	vld.idx.msk [tilespmem:v0+s2+$0x0], $0xffff  }
0x6fa: {  	v2 =	vld.idx.msk [tilespmem:v2+s2+$0x0], $0xffff  }
0x6fb: {  	v11 =	vld.idx.msk [tilespmem:v11+s2+$0x0], $0xffff;
	[tilespmem:$0x1EF30] =	vst v57  }
0x6fc: {  	[tilespmem:$0x1EEB0] =	vst v4  }
0x6fd: {  	[tilespmem:s28+$0xFFFFF1F0] =	vst v1;
	v1 =	vld.idx.msk [tilespmem:v15+s2+$0x0], $0xffff  }
0x6fe: {  	v12 =	vadd.s32 $0x2710, v62  }
0x6ff: {  	v13 =	vadd.s32 $0x2710, v30  }
0x700: {  	v53 =	vadd.s32 $0x2710, v63  }
0x701: {  	v3 =	vmax.f32 v3, v8;
	v16 =	vmax.f32 v26, v23;
	v4 =	vadd.s32 $0x2710, v57  }
0x702: {  	v17 =	vmax.f32 v22, v21;
	v0 =	vmax.f32 v25, v0;
	v15 =	vadd.s32 $0x2710, v61;
	[tilespmem:$0x1EEC0] =	vst v1  }
0x703: {  	v18 =	vadd.s32 $0x2710, v58;
	v5 =	vmax.f32 v29, v28;
	v2 =	vmax.f32 v10, v2;
	v12 =	vld.idx.msk [tilespmem:v12+s2+$0x0], $0xffff;
	[tilespmem:$0x1EF40] =	vst v58  }
0x704: {  	v0 =	vmax.f32 v0, v2;
	v7 =	vmax.f32 v11, v7;
	v11 =	vadd.s32 $0x2710, v52;
	v10 =	vld.idx.msk [tilespmem:v13+s2+$0x0], $0xffff  }
0x705: {  	v59 =	vmovc v57;
	v6 =	vmax.f32 v27, v24;
	v2 =	vmax.f32 v3, v7;
	v57 =	vadd.s32 $0xC350, v47;
	v9 =	vld.idx.msk [tilespmem:v53+s2+$0x0], $0xffff  }
0x706: {  	v7 =	vadd.s32 $0xC350, v46;
	v5 =	vmax.f32 v5, v6;
	v6 =	vmax.f32 v16, v17;
	v8 =	vld.idx.msk [tilespmem:v4+s2+$0x0], $0xffff  }
0x707: {  	v0 =	vmax.f32 v0, v2;
	v5 =	vmax.f32 v5, v6;
	v6 =	vadd.s32 $0xC350, v45;
	v4 =	vld.idx.msk [tilespmem:v15+s2+$0x0], $0xffff  }
0x708: {  	v16 =	vadd.s32 $0xC350, v41;
	v0 =	vmax.f32 v5, v0;
	v3 =	vld.idx.msk [tilespmem:v18+s2+$0x0], $0xffff  }
0x709: {  	v17 =	vadd.s32 $0xC350, v40;
	[tilespmem:s28+$0xFFFFFA00] =	vst v0;
	v11 =	vld.idx.msk [tilespmem:v11+s2+$0x0], $0xffff  }
0x70a: {  	v19 =	vadd.s32 $0xC350, v38;
	v14 =	vld.idx.msk [tilespmem:v57+s2+$0x0], $0xffff  }
0x70b: {  	v20 =	vadd.s32 $0xC350, v37;
	v7 =	vld.idx.msk [tilespmem:v7+s2+$0x0], $0xffff  }
0x70c: {  	v21 =	vadd.s32 $0xC350, v36;
	v6 =	vld.idx.msk [tilespmem:v6+s2+$0x0], $0xffff  }
0x70d: {  	v22 =	vadd.s32 $0xC350, v35;
	v16 =	vld.idx.msk [tilespmem:v16+s2+$0x0], $0xffff  }
0x70e: {  	v23 =	vadd.s32 $0xC350, v34;
	v17 =	vld.idx.msk [tilespmem:v17+s2+$0x0], $0xffff  }
0x70f: {  	v24 =	vadd.s32 $0xC350, v55;
	v19 =	vld.idx.msk [tilespmem:v19+s2+$0x0], $0xffff  }
0x710: {  	v25 =	vadd.s32 $0xC350, v60;
	v20 =	vld.idx.msk [tilespmem:v20+s2+$0x0], $0xffff  }
0x711: {  	v0 =	vadd.s32 $0xC350, v43;
	v21 =	vld.idx.msk [tilespmem:v21+s2+$0x0], $0xffff  }
0x712: {  	v13 =	vadd.s32 $0x2710, v56;
	v22 =	vld.idx.msk [tilespmem:v22+s2+$0x0], $0xffff  }
0x713: {  	v53 =	vmov v52;
	v52 =	vadd.s32 $0xC350, v44;
	v23 =	vld.idx.msk [tilespmem:v23+s2+$0x0], $0xffff  }
0x714: {  	v15 =	vadd.s32 $0xC350, v42;
	v24 =	vld.idx.msk [tilespmem:v24+s2+$0x0], $0xffff  }
0x715: {  	v18 =	vadd.s32 $0xC350, v39;
	v25 =	vld.idx.msk [tilespmem:v25+s2+$0x0], $0xffff  }
0x716: {  	v2 =	vld.idx.msk [tilespmem:v0+s2+$0x0], $0xffff;
	v0 =	vadd.s32 $0x2710, v50  }
0x717: {  	v5 =	vld.idx.msk [tilespmem:v13+s2+$0x0], $0xffff  }
0x718: {  	v26 =	vadd.s32 $0x2710, v54;
	v13 =	vld.idx.msk [tilespmem:v52+s2+$0x0], $0xffff  }
0x719: {  	v1 =	vadd.s32 $0x2710, v48;
	v15 =	vld.idx.msk [tilespmem:v15+s2+$0x0], $0xffff  }
0x71a: {  	v57 =	vadd.s32 $0x2710, v32;
	v18 =	vld.idx.msk [tilespmem:v18+s2+$0x0], $0xffff  }
0x71b: {  	v22 =	vmax.f32 v22, v23;
	v23 =	vmax.f32 v24, v25;
	v24 =	vld.idx.msk [tilespmem:v0+s2+$0x0], $0xffff  }
0x71c: {  	v28 =	vadd.s32 $0x2710, v31;
	v27 =	vadd.s32 $0x2710, v49;
	v0 =	vld [tilespmem:$0x1F0F0]  }
0x71d: {  	v29 =	vadd.s32 $0x2710, v51;
	v26 =	vld.idx.msk [tilespmem:v26+s2+$0x0], $0xffff;
	v7 =	vmax.f32 v14, v7;
	v6 =	vmax.f32 v6, v13  }
0x71e: {  	v1 =	vld.idx.msk [tilespmem:v1+s2+$0x0], $0xffff;
	v2 =	vmax.f32 v2, v15;
	v15 =	vmax.f32 v16, v17;
	v17 =	vadd.s32 $0x2710, v33  }
0x71f: {  	v14 =	vld.idx.msk [tilespmem:v57+s2+$0x0], $0xffff;
	v18 =	vmax.f32 v18, v19;
	v19 =	vmax.f32 v20, v21;
	v2 =	vmax.f32 v2, v15  }
0x720: {  	v21 =	vld [tilespmem:$0x1F0E0];
	v15 =	vmax.f32 v22, v23;
	v22 =	vadd.s32 $0xEA60, v41;
	v23 =	vadd.s32 $0xEA60, v40  }
0x721: {  	v13 =	vld.idx.msk [tilespmem:v27+s2+$0x0], $0xffff;
	v25 =	vadd.s32 $0xC350, v0;
	v0 =	vmax.f32 v7, v6;
	v7 =	vmax.f32 v18, v19  }
0x722: {  	v16 =	vld.idx.msk [tilespmem:v28+s2+$0x0], $0xffff;
	v27 =	vadd.s32 $0xEA60, v38;
	v0 =	vmax.f32 v0, v2;
	v2 =	vmax.f32 v7, v15  }
0x723: {  	v20 =	vld.idx.msk [tilespmem:v29+s2+$0x0], $0xffff;
	v28 =	vadd.s32 $0xEA60, v37;
	v2 =	vmax.f32 v0, v2  }
0x724: {  	v3 =	vmax.f32 v4, v3;
	v4 =	vmax.f32 v5, v11;
	v11 =	vadd.s32 $0xEA60, v34;
	v7 =	vld.idx.msk [tilespmem:v17+s2+$0x0], $0xffff;
	[tilespmem:s28+$0xFFFFFC00] =	vst v2  }
0x725: {  	v21 =	vadd.s32 $0xC350, v21;
	v22 =	vld.idx.msk [tilespmem:v22+s2+$0x0], $0xffff  }
0x726: {  	v8 =	vmax.f32 v9, v8;
	v9 =	vld.idx.msk [tilespmem:v23+s2+$0x0], $0xffff  }
0x727: {  	v10 =	vmax.f32 v12, v10;
	v3 =	vmax.f32 v3, v4;
	v6 =	vadd.s32 $0xEA60, v47;
	v4 =	vld.idx.msk [tilespmem:v27+s2+$0x0], $0xffff  }
0x728: {  	v8 =	vmax.f32 v10, v8;
	v18 =	vadd.s32 $0xEA60, v46;
	v16 =	vmax.f32 v16, v20;
	v20 =	vld.idx.msk [tilespmem:v28+s2+$0x0], $0xffff  }
0x729: {  	v3 =	vmax.f32 v8, v3;
	v19 =	vadd.s32 $0xEA60, v43;
	v8 =	vld.idx.msk [tilespmem:v11+s2+$0x0], $0xffff  }
0x72a: {  	v15 =	vadd.s32 $0xEA60, v45;
	v0 =	vld.idx.msk [tilespmem:v21+s2+$0x0], $0xffff  }
0x72b: {  	v17 =	vadd.s32 $0xEA60, v44;
	v2 =	vld.idx.msk [tilespmem:v25+s2+$0x0], $0xffff  }
0x72c: {  	v29 =	vadd.s32 $0xEA60, v36;
	v6 =	vld.idx.msk [tilespmem:v6+s2+$0x0], $0xffff  }
0x72d: {  	v57 =	vadd.s32 $0xEA60, v35;
	v18 =	vld.idx.msk [tilespmem:v18+s2+$0x0], $0xffff  }
0x72e: {  	v52 =	vmovc v49;
	v49 =	vmov v31;
	v31 =	vmov v32;
	v32 =	vadd.s32 $0xEA60, v55;
	v19 =	vld.idx.msk [tilespmem:v19+s2+$0x0], $0xffff  }
0x72f: {  	v13 =	vmax.f32 v26, v13;
	v21 =	vadd.s32 $0xEA60, v42;
	v15 =	vld.idx.msk [tilespmem:v15+s2+$0x0], $0xffff  }
0x730: {  	v1 =	vmax.f32 v24, v1;
	v25 =	vadd.s32 $0xEA60, v39;
	v17 =	vld.idx.msk [tilespmem:v17+s2+$0x0], $0xffff;
	v7 =	vmax.f32 v14, v7  }
0x731: {  	v13 =	vmax.f32 v13, v16;
	v23 =	vadd.s32 $0xEA60, v60;
	v14 =	vld.idx.msk [tilespmem:v29+s2+$0x0], $0xffff;
	v1 =	vmax.f32 v1, v7  }
0x732: {  	v7 =	vld.idx.msk [tilespmem:v57+s2+$0x0], $0xffff;
	v1 =	vmax.f32 v13, v1  }
0x733: {  	v1 =	vmax.f32 v3, v1;
	v3 =	vld.idx.msk [tilespmem:v32+s2+$0x0], $0xffff  }
0x734: {  	v24 =	vadd.s32 $0x4E20, v62;
	v21 =	vld.idx.msk [tilespmem:v21+s2+$0x0], $0xffff  }
0x735: {  	v12 =	vadd.s32 $0x4E20, v30;
	v5 =	vld.idx.msk [tilespmem:v25+s2+$0x0], $0xffff  }
0x736: {  	v11 =	vadd.s32 $0x4E20, v63;
	[tilespmem:s28+$0xFFFFF3F0] =	vst v1;
	v1 =	vld.idx.msk [tilespmem:v23+s2+$0x0], $0xffff  }
0x737: {  	v10 =	vadd.s32 $0x4E20, v59;
	v32 =	vadd.s32 $0x4E20, v61;
	v9 =	vmax.f32 v22, v9  }
0x738: {  	v23 =	vadd.s32 $0x4E20, v58;
	v6 =	vmax.f32 v6, v18;
	v15 =	vmax.f32 v15, v17  }
0x739: {  	v16 =	vld.idx.msk [tilespmem:v24+s2+$0x0], $0xffff;
	v17 =	vadd.s32 $0x4E20, v56;
	v7 =	vmax.f32 v7, v8;
	v8 =	vadd.s32 $0x4E20, v52  }
0x73a: {  	v59 =	vmovc v61;
	v12 =	vld.idx.msk [tilespmem:v12+s2+$0x0], $0xffff;
	v6 =	vmax.f32 v6, v15;
	v18 =	vmax.f32 v19, v21;
	v19 =	vadd.s32 $0x4E20, v53  }
0x73b: {  	v61 =	vld.idx.msk [tilespmem:v11+s2+$0x0], $0xffff;
	v4 =	vmax.f32 v5, v4;
	v5 =	vmax.f32 v20, v14;
	v1 =	vmax.f32 v3, v1  }
0x73c: {  	v10 =	vld.idx.msk [tilespmem:v10+s2+$0x0], $0xffff;
	v9 =	vmax.f32 v18, v9;
	v4 =	vmax.f32 v4, v5;
	v1 =	vmax.f32 v7, v1  }
0x73d: {  	v21 =	vmovc v53;
	v53 =	vadd.s32 $0x4E20, v54;
	v3 =	vld.idx.msk [tilespmem:v32+s2+$0x0], $0xffff;
	v6 =	vmax.f32 v6, v9;
	v1 =	vmax.f32 v4, v1  }
0x73e: {  	v11 =	vmov v54;
	v54 =	vadd.s32 $0x11170, v47;
	v15 =	vld.idx.msk [tilespmem:v23+s2+$0x0], $0xffff;
	v1 =	vmax.f32 v6, v1  }
0x73f: {  	v7 =	vld.idx.msk [tilespmem:v17+s2+$0x0], $0xffff;
	[tilespmem:s28+$0xFFFFFE00] =	vst v1;
	v1 =	vadd.s32 $0x11170, v43  }
0x740: {  	v58 =	vmov v56;
	v56 =	vadd.s32 $0x11170, v45;
	v8 =	vld.idx.msk [tilespmem:v8+s2+$0x0], $0xffff  }
0x741: {  	v32 =	vadd.s32 $0x11170, v44;
	v4 =	vld.idx.msk [tilespmem:v19+s2+$0x0], $0xffff  }
0x742: {  	v6 =	vld.idx.msk [tilespmem:v53+s2+$0x0], $0xffff  }
0x743: {  	v5 =	vadd.s32 $0x11170, v46;
	v13 =	vld.idx.msk [tilespmem:v54+s2+$0x0], $0xffff  }
0x744: {  	v1 =	vld.idx.msk [tilespmem:v1+s2+$0x0], $0xffff  }
0x745: {  	v9 =	vld.idx.msk [tilespmem:v56+s2+$0x0], $0xffff  }
0x746: {  	v14 =	vld.idx.msk [tilespmem:v32+s2+$0x0], $0xffff  }
0x747: {  	v20 =	vadd.s32 $0x11170, v39;
	v39 =	vld [tilespmem:$0x1EE20]  }
0x748: {  	v5 =	vld.idx.msk [tilespmem:v5+s2+$0x0], $0xffff  }
0x749: {  	[tilespmem:$0x1F050] =	vst v1;
	v1 =	vadd.s32 $0x11170, v38;
	v38 =	vld [tilespmem:$0x1EE10];
	_ =	sdelay $0x1  }
0x74a: {  	v29 =	vld [tilespmem:$0x1EDF0]  }
0x74b: {  	v22 =	vadd.s32 $0x11170, v37;
	v37 =	vld [tilespmem:$0x1EE00]  }
0x74c: {  	v45 =	vld [tilespmem:$0x1EE80]  }
0x74d: {  	v25 =	vadd.s32 $0x11170, v34;
	v47 =	vmovc v31;
	v34 =	vmax.f32 v38, v39;
	v38 =	vadd.s32 $0x4E20, v31;
	v31 =	vld [tilespmem:$0x1EE70]  }
0x74e: {  	v19 =	vadd.s32 $0x11170, v40;
	v40 =	vld [tilespmem:$0x1EE30]  }
0x74f: {  	v18 =	vadd.s32 $0x11170, v41;
	v41 =	vld [tilespmem:$0x1EE40]  }
0x750: {  	v17 =	vadd.s32 $0x11170, v42;
	v42 =	vld [tilespmem:$0x1EE50]  }
0x751: {  	v53 =	vld [tilespmem:$0x1EEA0]  }
0x752: {  	v46 =	vmax.f32 v31, v45;
	v31 =	vld [tilespmem:$0x1EE90]  }
0x753: {  	v43 =	vld [tilespmem:$0x1EE60]  }
0x754: {  	v57 =	vmov v30;
	v30 =	vld [tilespmem:$0x1EEC0]  }
0x755: {  	v24 =	vadd.s32 $0x11170, v35;
	v32 =	vld [tilespmem:$0x1EED0]  }
0x756: {  	v17 =	vld.idx.msk [tilespmem:v17+s2+$0x0], $0xffff  }
0x757: {  	v54 =	vmax.f32 v31, v53;
	v31 =	vld [tilespmem:$0x1EEB0]  }
0x758: {  	v18 =	vld.idx.msk [tilespmem:v18+s2+$0x0], $0xffff  }
0x759: {  	v19 =	vld.idx.msk [tilespmem:v19+s2+$0x0], $0xffff  }
0x75a: {  	v23 =	vadd.s32 $0x11170, v36;
	v24 =	vld.idx.msk [tilespmem:v24+s2+$0x0], $0xffff  }
0x75b: {  	v26 =	vld.idx.msk [tilespmem:v1+s2+$0x0], $0xffff;
	v1 =	vadd.s32 $0x4E20, v49  }
0x75c: {  	v56 =	vmax.f32 v31, v30;
	v30 =	vld [tilespmem:$0x1F100]  }
0x75d: {  	v55 =	vadd.s32 $0x11170, v55;
	v20 =	vld.idx.msk [tilespmem:v20+s2+$0x0], $0xffff  }
0x75e: {  	v29 =	vmax.f32 v29, v37;
	v22 =	vld.idx.msk [tilespmem:v22+s2+$0x0], $0xffff  }
0x75f: {  	v36 =	vmax.f32 v40, v41;
	v37 =	vmax.f32 v42, v43;
	v23 =	vld.idx.msk [tilespmem:v23+s2+$0x0], $0xffff;
	[tilespmem:$0x1F070] =	vst v24  }
0x760: {  	v27 =	vadd.s32 $0x4E20, v51;
	v44 =	vmax.f32 v36, v37;
	v36 =	vld.idx.msk [tilespmem:v1+s2+$0x0], $0xffff;
	v1 =	vadd.s32 $0x4E20, v33  }
0x761: {  	v0 =	vmax.f32 v0, v2;
	v2 =	vadd.s32 $0x11170, v60;
	v24 =	vld.idx.msk [tilespmem:v25+s2+$0x0], $0xffff;
	v60 =	vadd.s32 $0xEA60, v30  }
0x762: {  	v29 =	vmax.f32 v29, v34;
	v25 =	vld.idx.msk [tilespmem:v55+s2+$0x0], $0xffff;
	v37 =	vmax.f32 v46, v54;
	v0 =	vmax.f32 v56, v0  }
0x763: {  	v28 =	vadd.s32 $0x4E20, v50;
	v29 =	vmax.f32 v29, v44;
	v55 =	vld [tilespmem:$0x1EEF0];
	v0 =	vmax.f32 v37, v0  }
0x764: {  	v35 =	vadd.s32 $0x4E20, v48;
	v46 =	vld [tilespmem:$0x1EEE0];
	v0 =	vmax.f32 v29, v0  }
0x765: {  	v10 =	vmax.f32 v61, v10;
	v29 =	vld.idx.msk [tilespmem:v1+s2+$0x0], $0xffff;
	v1 =	vmax.f32 v16, v12;
	[tilespmem:s26+$0xFFFFFBF0] =	vst v0  }
0x766: {  	v0 =	vmax.f32 v3, v15;
	v3 =	vmax.f32 v7, v4;
	v7 =	vmax.f32 v1, v10;
	v1 =	vld.idx.msk [tilespmem:v60+s2+$0x0], $0xffff  }
0x767: {  	v43 =	vadd.s32 $0xEA60, v32;
	v27 =	vld.idx.msk [tilespmem:v27+s2+$0x0], $0xffff  }
0x768: {  	v28 =	vld.idx.msk [tilespmem:v28+s2+$0x0], $0xffff  }
0x769: {  	v35 =	vld.idx.msk [tilespmem:v35+s2+$0x0], $0xffff  }
0x76a: {  	v2 =	vld.idx.msk [tilespmem:v2+s2+$0x0], $0xffff  }
0x76b: {  	v42 =	vld.idx.msk [tilespmem:v38+s2+$0x0], $0xffff;
	[tilespmem:$0x1F110] =	vst v1  }
0x76c: {  	v1 =	vld.idx.msk [tilespmem:v43+s2+$0x0], $0xffff  }
0x76d: {  	v45 =	vadd.s32 $0xEA60, v46  }
0x76e: {  	v31 =	vld [tilespmem:$0x1EF00];
	_ =	sdelay $0x2  }
0x76f: {  	[tilespmem:$0x1F120] =	vst v1  }
0x770: {  	v40 =	vld.idx.msk [tilespmem:v45+s2+$0x0], $0xffff  }
0x771: {  	v4 =	vadd.s32 $0xEA60, v31  }
0x772: {  	v61 =	vld [tilespmem:$0x1EF10];
	_ =	sdelay $0x2  }
0x773: {  	[tilespmem:$0x1F130] =	vst v40  }
0x774: {  	v56 =	vadd.s32 $0xEA60, v55;
	v4 =	vld.idx.msk [tilespmem:v4+s2+$0x0], $0xffff  }
0x775: {  	v0 =	vmax.f32 v0, v3;
	v3 =	vadd.s32 $0xEA60, v61  }
0x776: {  	v1 =	vld [tilespmem:$0x1EF20];
	_ =	sdelay $0x2  }
0x777: {  	v16 =	vmax.f32 v28, v35;
	v28 =	vld.idx.msk [tilespmem:v56+s2+$0x0], $0xffff;
	[tilespmem:$0x1F140] =	vst v4  }
0x778: {  	v3 =	vld.idx.msk [tilespmem:v3+s2+$0x0], $0xffff  }
0x779: {  	v15 =	vadd.s32 $0xEA60, v1  }
0x77a: {  	v6 =	vmax.f32 v6, v8;
	v8 =	vmax.f32 v36, v27;
	v27 =	vmax.f32 v42, v29  }
0x77b: {  	v6 =	vmax.f32 v6, v8;
	v8 =	vmax.f32 v16, v27  }
0x77c: {  	v0 =	vmax.f32 v7, v0;
	v6 =	vmax.f32 v6, v8  }
0x77d: {  	v0 =	vmax.f32 v0, v6;
	v56 =	vld [tilespmem:$0x1EF30];
	[tilespmem:$0x1F150] =	vst v3  }
0x77e: {  	[tilespmem:s28+$0xFFFFF5F0] =	vst v0;
	v0 =	vld.idx.msk [tilespmem:v15+s2+$0x0], $0xffff  }
0x77f: {  	v29 =	vadd.s32 $0x7530, v62;
	_ =	sdelay $0x3  }
0x780: {  	v30 =	vld [tilespmem:$0x1EF60];
	[tilespmem:$0x1F160] =	vst v0  }
0x781: {  	v15 =	vld.idx.msk [tilespmem:v29+s2+$0x0], $0xffff  }
0x782: {  	v29 =	vld [tilespmem:$0x1EF50];
	_ =	sdelay $0x3  }
0x783: {  	v41 =	vld [tilespmem:$0x1EF80]  }
0x784: {  	v29 =	vmax.f32 v29, v30;
	v30 =	vld [tilespmem:$0x1EF70];
	_ =	sdelay $0x3  }
0x785: {  	v42 =	vld [tilespmem:$0x1EFA0]  }
0x786: {  	v34 =	vmax.f32 v30, v41;
	v30 =	vld [tilespmem:$0x1EF90];
	_ =	sdelay $0x3  }
0x787: {  	v43 =	vld [tilespmem:$0x1EFC0]  }
0x788: {  	v36 =	vmax.f32 v30, v42;
	v30 =	vld [tilespmem:$0x1EFB0];
	_ =	sdelay $0x3  }
0x789: {  	v44 =	vld [tilespmem:$0x1EFE0]  }
0x78a: {  	v37 =	vmax.f32 v30, v43;
	v30 =	vld [tilespmem:$0x1EFD0];
	_ =	sdelay $0x3  }
0x78b: {  	v45 =	vld [tilespmem:$0x1F000]  }
0x78c: {  	v39 =	vmax.f32 v30, v44;
	v30 =	vld [tilespmem:$0x1EFF0];
	_ =	sdelay $0x1  }
0x78d: {  	v16 =	vadd.s32 $0x7530, v57;
	v54 =	vld [tilespmem:$0x1EF40]  }
0x78e: {  	v7 =	vadd.s32 $0x7530, v63  }
0x78f: {  	v35 =	vadd.s32 $0x7530, v58;
	v12 =	vmov v58;
	v6 =	vadd.s32 $0x7530, v56;
	v58 =	vld [tilespmem:$0x1F020]  }
0x790: {  	v40 =	vmax.f32 v30, v45;
	v30 =	vld [tilespmem:$0x1F010]  }
0x791: {  	v53 =	vmov v59;
	v0 =	vadd.s32 $0x7530, v59;
	v59 =	vld [tilespmem:$0x1F040]  }
0x792: {  	v27 =	vadd.s32 $0x7530, v54;
	v16 =	vld.idx.msk [tilespmem:v16+s2+$0x0], $0xffff  }
0x793: {  	v7 =	vld.idx.msk [tilespmem:v7+s2+$0x0], $0xffff  }
0x794: {  	v38 =	vadd.s32 $0x7530, v21;
	v6 =	vld.idx.msk [tilespmem:v6+s2+$0x0], $0xffff  }
0x795: {  	v42 =	vmax.f32 v30, v58;
	v30 =	vld [tilespmem:$0x1F030]  }
0x796: {  	v35 =	vld.idx.msk [tilespmem:v35+s2+$0x0], $0xffff  }
0x797: {  	v27 =	vld.idx.msk [tilespmem:v27+s2+$0x0], $0xffff  }
0x798: {  	v44 =	vld.idx.msk [tilespmem:v0+s2+$0x0], $0xffff  }
0x799: {  	v0 =	vmax.f32 v29, v34;
	v29 =	vmax.f32 v36, v37;
	v36 =	vld.idx.msk [tilespmem:v38+s2+$0x0], $0xffff  }
0x79a: {  	v41 =	vadd.s32 $0x7530, v11;
	v60 =	vmax.f32 v39, v40;
	v39 =	vld [tilespmem:$0x1F080];
	v43 =	vmax.f32 v30, v59  }
0x79b: {  	v8 =	vmov v11;
	v45 =	vadd.s32 $0x7530, v52;
	v40 =	vld [tilespmem:$0x1F0A0];
	v11 =	vmax.f32 v42, v43  }
0x79c: {  	v34 =	vadd.s32 $0x7530, v49;
	v0 =	vmax.f32 v0, v29;
	v59 =	vld [tilespmem:$0x1F050];
	v29 =	vmax.f32 v60, v11  }
0x79d: {  	v30 =	vld [tilespmem:$0x1F060];
	v0 =	vmax.f32 v0, v29  }
0x79e: {  	v4 =	vmovc v49;
	v49 =	vmovc v50;
	v43 =	vadd.s32 $0x7530, v50;
	v50 =	vadd.s32 $0x7530, v48;
	v60 =	vmov v48;
	v48 =	vld [tilespmem:$0x1F0E0];
	[tilespmem:$0x1F290] =	vst v0  }
0x79f: {  	v3 =	vmov v52;
	v52 =	vadd.s32 $0x7530, v47;
	v29 =	vld.idx.msk [tilespmem:v41+s2+$0x0], $0xffff  }
0x7a0: {  	v10 =	vmovc v21;
	v21 =	vadd.s32 $0x7530, v33;
	v58 =	vmov v51;
	v42 =	vadd.s32 $0x7530, v51;
	v51 =	vld.idx.msk [tilespmem:v45+s2+$0x0], $0xffff  }
0x7a1: {  	v18 =	vmax.f32 v18, v19;
	v19 =	vld.idx.msk [tilespmem:v34+s2+$0x0], $0xffff  }
0x7a2: {  	v17 =	vmax.f32 v59, v17;
	v59 =	vmov v33;
	v33 =	vld [tilespmem:$0x1F070]  }
0x7a3: {  	v41 =	vld [tilespmem:$0x1F090]  }
0x7a4: {  	v9 =	vmax.f32 v9, v14;
	v14 =	vld.idx.msk [tilespmem:v52+s2+$0x0], $0xffff  }
0x7a5: {  	v15 =	vmax.f32 v15, v16;
	v16 =	vld.idx.msk [tilespmem:v21+s2+$0x0], $0xffff  }
0x7a6: {  	v22 =	vmax.f32 v22, v23;
	v23 =	vld.idx.msk [tilespmem:v42+s2+$0x0], $0xffff  }
0x7a7: {  	v34 =	vld.idx.msk [tilespmem:v43+s2+$0x0], $0xffff  }
0x7a8: {  	v20 =	vmax.f32 v20, v26;
	v26 =	vadd.s32 $0xEA60, v30;
	v42 =	vld [tilespmem:$0x1F0B0]  }
0x7a9: {  	v5 =	vmax.f32 v13, v5;
	v2 =	vmax.f32 v25, v2;
	v37 =	vmax.f32 v17, v18;
	v17 =	vld.idx.msk [tilespmem:v50+s2+$0x0], $0xffff  }
0x7aa: {  	v6 =	vmax.f32 v7, v6;
	v25 =	vadd.s32 $0xEA60, v39;
	v21 =	vmax.f32 v44, v27;
	v44 =	vld [tilespmem:$0x1F0D0]  }
0x7ab: {  	v20 =	vmax.f32 v20, v22;
	v6 =	vmax.f32 v15, v6;
	v22 =	vadd.s32 $0xEA60, v40;
	v43 =	vld [tilespmem:$0x1F0C0]  }
0x7ac: {  	v0 =	vmovc v47;
	v47 =	vld [tilespmem:$0x1F0F0];
	v24 =	vmax.f32 v33, v24;
	v18 =	vadd.s32 $0xEA60, v41;
	v13 =	vmax.f32 v29, v51  }
0x7ad: {  	v26 =	vld.idx.msk [tilespmem:v26+s2+$0x0], $0xffff;
	v14 =	vmax.f32 v14, v16;
	v2 =	vmax.f32 v24, v2;
	v7 =	vadd.s32 $0xEA60, v42  }
0x7ae: {  	v24 =	vmax.f32 v35, v36;
	v19 =	vmax.f32 v19, v23;
	v11 =	vmax.f32 v34, v17;
	v17 =	vld [tilespmem:$0x1F100]  }
0x7af: {  	v15 =	vmax.f32 v21, v24;
	v24 =	vld.idx.msk [tilespmem:v25+s2+$0x0], $0xffff;
	v13 =	vmax.f32 v13, v19;
	v11 =	vmax.f32 v11, v14  }
0x7b0: {  	v19 =	vld.idx.msk [tilespmem:v22+s2+$0x0], $0xffff;
	v6 =	vmax.f32 v6, v15;
	v11 =	vmax.f32 v13, v11  }
0x7b1: {  	v27 =	vadd.s32 $0xEA60, v43;
	v6 =	vmax.f32 v6, v11;
	v18 =	vld.idx.msk [tilespmem:v18+s2+$0x0], $0xffff  }
0x7b2: {  	v23 =	vadd.s32 $0xEA60, v48;
	[tilespmem:s28+$0xFFFFF7F0] =	vst v6;
	v7 =	vld.idx.msk [tilespmem:v7+s2+$0x0], $0xffff  }
0x7b3: {  	v16 =	vadd.s32 $0x9C40, v62;
	v36 =	vadd.s32 $0x11170, v1;
	v1 =	vld [tilespmem:$0x1F110]  }
0x7b4: {  	v50 =	vadd.s32 $0x9C40, v57;
	v51 =	vld [tilespmem:$0x1F120]  }
0x7b5: {  	v29 =	vadd.s32 $0x11170, v55;
	v55 =	vld [tilespmem:$0x1F130]  }
0x7b6: {  	v22 =	vld.idx.msk [tilespmem:v27+s2+$0x0], $0xffff  }
0x7b7: {  	v38 =	vadd.s32 $0x11170, v39;
	v45 =	vadd.s32 $0x9C40, v63;
	v23 =	vld.idx.msk [tilespmem:v23+s2+$0x0], $0xffff  }
0x7b8: {  	v33 =	vadd.s32 $0x9C40, v54;
	v35 =	vadd.s32 $0x11170, v61;
	v61 =	vmovc v4;
	v4 =	vadd.s32 $0x9C40, v4;
	v16 =	vld.idx.msk [tilespmem:v16+s2+$0x0], $0xffff  }
0x7b9: {  	v21 =	vadd.s32 $0xEA60, v44;
	v2 =	vmax.f32 v20, v2;
	v20 =	vadd.s32 $0x9C40, v12;
	v14 =	vld.idx.msk [tilespmem:v50+s2+$0x0], $0xffff  }
0x7ba: {  	v52 =	vmovc v12;
	v1 =	vmax.f32 v1, v51;
	v12 =	vmax.f32 v55, v28;
	v51 =	vmovc v8;
	v28 =	vadd.s32 $0x9C40, v8;
	v8 =	vld [tilespmem:$0x1F150]  }
0x7bb: {  	v39 =	vadd.s32 $0x11170, v41;
	v41 =	vmovc v3;
	v1 =	vmax.f32 v1, v12;
	v12 =	vadd.s32 $0x9C40, v3;
	v3 =	vld [tilespmem:$0x1F140]  }
0x7bc: {  	v15 =	vadd.s32 $0xEA60, v47;
	v13 =	vld.idx.msk [tilespmem:v45+s2+$0x0], $0xffff  }
0x7bd: {  	v5 =	vmax.f32 v5, v9;
	v9 =	vld.idx.msk [tilespmem:v33+s2+$0x0], $0xffff  }
0x7be: {  	v6 =	vadd.s32 $0x9C40, v53;
	v4 =	vld.idx.msk [tilespmem:v4+s2+$0x0], $0xffff  }
0x7bf: {  	v27 =	vadd.s32 $0x11170, v46;
	v46 =	vadd.s32 $0x9C40, v56;
	v21 =	vld.idx.msk [tilespmem:v21+s2+$0x0], $0xffff  }
0x7c0: {  	v50 =	vmov v10;
	v10 =	vadd.s32 $0x9C40, v10;
	v3 =	vmax.f32 v3, v8;
	v8 =	vld [tilespmem:$0x1F160]  }
0x7c1: {  	v15 =	vld.idx.msk [tilespmem:v15+s2+$0x0], $0xffff  }
0x7c2: {  	v20 =	vld.idx.msk [tilespmem:v20+s2+$0x0], $0xffff  }
0x7c3: {  	v6 =	vld.idx.msk [tilespmem:v6+s2+$0x0], $0xffff;
	v18 =	vmax.f32 v24, v18;
	v24 =	vadd.s32 $0x9C40, v60  }
0x7c4: {  	v11 =	vld.idx.msk [tilespmem:v46+s2+$0x0], $0xffff;
	v7 =	vmax.f32 v19, v7;
	v19 =	vadd.s32 $0x9C40, v0  }
0x7c5: {  	v10 =	vld.idx.msk [tilespmem:v10+s2+$0x0], $0xffff;
	v21 =	vmax.f32 v22, v21;
	v8 =	vmax.f32 v8, v26;
	v26 =	vadd.s32 $0x9C40, v58  }
0x7c6: {  	v15 =	vmax.f32 v23, v15;
	v28 =	vld.idx.msk [tilespmem:v28+s2+$0x0], $0xffff;
	v3 =	vmax.f32 v3, v8;
	v8 =	vadd.s32 $0x9C40, v49  }
0x7c7: {  	v7 =	vmax.f32 v18, v7;
	v15 =	vmax.f32 v21, v15;
	v12 =	vld.idx.msk [tilespmem:v12+s2+$0x0], $0xffff  }
0x7c8: {  	v18 =	vadd.s32 $0x9C40, v59;
	v1 =	vmax.f32 v1, v3;
	v3 =	vmax.f32 v7, v15;
	v7 =	vld.idx.msk [tilespmem:v24+s2+$0x0], $0xffff  }
0x7c9: {  	v5 =	vmax.f32 v5, v37;
	v17 =	vadd.s32 $0x11170, v17;
	v1 =	vmax.f32 v1, v3;
	v3 =	vld.idx.msk [tilespmem:v19+s2+$0x0], $0xffff  }
0x7ca: {  	v5 =	vmax.f32 v5, v2;
	v2 =	vadd.s32 $0xC350, v50;
	v23 =	vld.idx.msk [tilespmem:v26+s2+$0x0], $0xffff  }
0x7cb: {  	v25 =	vadd.s32 $0x11170, v32;
	v8 =	vld.idx.msk [tilespmem:v8+s2+$0x0], $0xffff;
	[tilespmem:$0x1F170] =	vst v2  }
0x7cc: {  	v14 =	vmax.f32 v16, v14;
	v16 =	vadd.s32 $0xC350, v51;
	[tilespmem:s26+$0xFFFFFDF0] =	vst v1  }
0x7cd: {  	v37 =	vadd.s32 $0x11170, v30;
	v2 =	vld.idx.msk [tilespmem:v18+s2+$0x0], $0xffff;
	[tilespmem:$0x1F180] =	vst v16;
	v16 =	vadd.s32 $0xC350, v41  }
0x7ce: {  	v34 =	vadd.s32 $0x11170, v31;
	v32 =	vadd.s32 $0xC350, v61;
	v11 =	vmax.f32 v13, v11;
	v13 =	vld.idx.msk [tilespmem:v17+s2+$0x0], $0xffff;
	[tilespmem:$0x1F190] =	vst v16  }
0x7cf: {  	v30 =	vadd.s32 $0x11170, v43;
	v43 =	vadd.s32 $0x11170, v48;
	v48 =	vadd.s32 $0xC350, v58;
	v33 =	vmovc v49;
	[tilespmem:$0x1F1A0] =	vst v32  }
0x7d0: {  	v11 =	vmax.f32 v14, v11;
	v16 =	vadd.s32 $0xC350, v33;
	v14 =	vld.idx.msk [tilespmem:v25+s2+$0x0], $0xffff;
	[tilespmem:$0x1F1B0] =	vst v48  }
0x7d1: {  	v55 =	vmax.f32 v20, v10;
	v24 =	vmov v61;
	v61 =	vadd.s32 $0xC350, v60;
	v10 =	vld.idx.msk [tilespmem:v27+s2+$0x0], $0xffff;
	[tilespmem:$0x1F1C0] =	vst v16  }
0x7d2: {  	[tilespmem:$0x1F1D0] =	vst v61;
	v16 =	vadd.s32 $0xC350, v0  }
0x7d3: {  	v6 =	vmax.f32 v6, v9;
	v17 =	vadd.s32 $0xC350, v59;
	v9 =	vld.idx.msk [tilespmem:v29+s2+$0x0], $0xffff;
	[tilespmem:$0x1F1E0] =	vst v16  }
0x7d4: {  	v16 =	vld.idx.msk [tilespmem:v34+s2+$0x0], $0xffff;
	[tilespmem:$0x1F1F0] =	vst v17  }
0x7d5: {  	v7 =	vmax.f32 v8, v7;
	v2 =	vmax.f32 v3, v2;
	v3 =	vld.idx.msk [tilespmem:v36+s2+$0x0], $0xffff  }
0x7d6: {  	v12 =	vmax.f32 v28, v12;
	v4 =	vmax.f32 v4, v23;
	v2 =	vmax.f32 v7, v2;
	v7 =	vld.idx.msk [tilespmem:v37+s2+$0x0], $0xffff  }
0x7d7: {  	v6 =	vmax.f32 v6, v55;
	v4 =	vmax.f32 v12, v4  }
0x7d8: {  	v6 =	vmax.f32 v11, v6;
	v32 =	vadd.s32 $0xEA60, v24;
	v12 =	vld.idx.msk [tilespmem:v35+s2+$0x0], $0xffff;
	v2 =	vmax.f32 v4, v2  }
0x7d9: {  	v4 =	vld.idx.msk [tilespmem:v38+s2+$0x0], $0xffff;
	v8 =	vmax.f32 v13, v14;
	v2 =	vmax.f32 v6, v2;
	v6 =	vmax.f32 v10, v9  }
0x7da: {  	v31 =	vadd.s32 $0x11170, v60;
	v13 =	vld.idx.msk [tilespmem:v39+s2+$0x0], $0xffff;
	[tilespmem:$0x1F210] =	vst v32;
	v6 =	vmax.f32 v8, v6;
	v8 =	vadd.s32 $0xEA60, v41  }
0x7db: {  	v45 =	vadd.s32 $0x11170, v42;
	[tilespmem:$0x1F200] =	vst v8;
	v3 =	vmax.f32 v3, v7;
	v7 =	vadd.s32 $0xEA60, v58  }
0x7dc: {  	v42 =	vadd.s32 $0x11170, v44;
	v44 =	vadd.s32 $0x11170, v47;
	[tilespmem:$0x1F220] =	vst v7;
	v7 =	vadd.s32 $0xEA60, v33  }
0x7dd: {  	v47 =	vadd.s32 $0xC350, v52;
	v46 =	vadd.s32 $0x11170, v40;
	v40 =	vadd.s32 $0xC350, v53;
	[tilespmem:$0x1F230] =	vst v7  }
0x7de: {  	v22 =	vadd.s32 $0xC350, v63;
	v21 =	vadd.s32 $0xC350, v56;
	[tilespmem:s28+$0xFFFFF9F0] =	vst v2;
	v2 =	vadd.s32 $0xEA60, v60  }
0x7df: {  	v1 =	vadd.s32 $0xC350, v62;
	v8 =	vmax.f32 v16, v12;
	[tilespmem:$0x1F240] =	vst v2;
	v2 =	vmax.f32 v4, v13  }
0x7e0: {  	v49 =	vadd.s32 $0xC350, v57;
	v3 =	vmax.f32 v8, v3;
	[tilespmem:$0x1F250] =	vst v2;
	v2 =	vadd.s32 $0xEA60, v0  }
0x7e1: {  	v20 =	vadd.s32 $0x11170, v53;
	v55 =	vadd.s32 $0xEA60, v63;
	[tilespmem:$0x1F260] =	vst v2;
	v2 =	vmax.f32 v6, v3  }
0x7e2: {  	v28 =	vadd.s32 $0x11170, v58;
	v15 =	vadd.s32 $0xC350, v54;
	[tilespmem:$0x1F270] =	vst v2;
	v2 =	vadd.s32 $0xEA60, v59  }
0x7e3: {  	v19 =	vadd.s32 $0x11170, v56;
	v26 =	vadd.s32 $0x11170, v41;
	v18 =	vadd.s32 $0x11170, v63;
	v7 =	vmovc v0;
	v0 =	vld [tilespmem:$0x1F290];
	[tilespmem:$0x1F280] =	vst v2  }
0x7e4: {  	v48 =	vadd.s32 $0xEA60, v62;
	v23 =	vadd.s32 $0x11170, v54;
	v25 =	vadd.s32 $0x11170, v50;
	v1 =	vld.idx.msk [tilespmem:v1+s2+$0x0], $0xffff  }
0x7e5: {  	v61 =	vadd.s32 $0xEA60, v51;
	v29 =	vadd.s32 $0x11170, v59;
	v34 =	vadd.s32 $0xEA60, v56;
	v2 =	vld.idx.msk [tilespmem:v49+s2+$0x0], $0xffff  }
0x7e6: {  	v17 =	vadd.s32 $0x11170, v57;
	v35 =	vadd.s32 $0xEA60, v57;
	v36 =	vadd.s32 $0xEA60, v53;
	v3 =	vld.idx.msk [tilespmem:v22+s2+$0x0], $0xffff  }
0x7e7: {  	v37 =	vadd.s32 $0xEA60, v54;
	v38 =	vadd.s32 $0xEA60, v52;
	v39 =	vadd.s32 $0xEA60, v50;
	v14 =	vmovc v24;
	v4 =	vld.idx.msk [tilespmem:v21+s2+$0x0], $0xffff  }
0x7e8: {  	v24 =	vadd.s32 $0x11170, v52;
	v27 =	vadd.s32 $0x11170, v14;
	v16 =	vadd.s32 $0x11170, v62;
	[tilespmem:s28+$0x0] =	vst v5;
	v6 =	vld.idx.msk [tilespmem:v15+s2+$0x0], $0xffff  }
0x7e9: {  	s30 =	simm.s32 $0x2;
	s29 =	simm.s32 $0x196B0;
	s0 =	simm.s32 $0x176D0;
	v32 =	vadd.s32 $0x11170, v7;
	v22 =	vadd.s32 $0x11170, v51;
	v21 =	vadd.s32 $0x11170, v33;
	[tilespmem:s26+$0x0] =	vst v0;
	v0 =	vld.idx.msk [tilespmem:v40+s2+$0x0], $0xffff  }
.LBB2_6:
0x7ea: {  	v49 =	vld [tilespmem:s0+$0xFFFFE200]  }
0x7eb: {  	v63 =	vld [tilespmem:s0+$0xFFFFE400]  }
0x7ec: {  	v62 =	vld [tilespmem:s0+$0xFFFFE600]  }
0x7ed: {  	v51 =	vld [tilespmem:s0+$0xFFFFE800]  }
0x7ee: {  	[tilespmem:$0x1E8E0] =	vst v61;
	v61 =	vld [tilespmem:s0+$0xFFFFEA00]  }
0x7ef: {  	[tilespmem:$0x1E540] =	vst v47;
	v60 =	vld [tilespmem:s0+$0xFFFFEC00]  }
0x7f0: {  	[tilespmem:$0x1E6D0] =	vst v28;
	v59 =	vld [tilespmem:s0+$0xFFFFEE00]  }
0x7f1: {  	[tilespmem:$0x1E6C0] =	vst v27;
	v58 =	vld [tilespmem:s0+$0xFFFFF000]  }
0x7f2: {  	[tilespmem:$0x1E6B0] =	vst v45;
	v57 =	vld [tilespmem:s0+$0xFFFFF200]  }
0x7f3: {  	[tilespmem:$0x1E690] =	vst v46;
	v56 =	vld [tilespmem:s0+$0xFFFFF400]  }
0x7f4: {  	[tilespmem:$0x1E7E0] =	vst v48;
	v54 =	vld [tilespmem:s0+$0xFFFFF600]  }
0x7f5: {  	[tilespmem:$0x1E800] =	vst v55;
	v53 =	vld [tilespmem:s0+$0xFFFFF800]  }
0x7f6: {  	[tilespmem:$0x1E7F0] =	vst v35;
	v52 =	vld [tilespmem:s0+$0xFFFFFA00]  }
0x7f7: {  	[tilespmem:$0x1EA70] =	vst v30;
	v50 =	vld [tilespmem:s0+$0xFFFFFC00]  }
0x7f8: {  	[tilespmem:$0x1EAB0] =	vst v43;
	v43 =	vld [tilespmem:s0+$0xFFFFFE00]  }
0x7f9: {  	[tilespmem:$0x1EC50] =	vst v19;
	v19 =	vld [tilespmem:s0+$0xFFFFE3F0]  }
0x7fa: {  	[tilespmem:$0x1EC10] =	vst v17;
	v17 =	vld [tilespmem:s0+$0xFFFFE5F0]  }
0x7fb: {  	[tilespmem:$0x1E830] =	vst v34;
	v15 =	vld [tilespmem:s0+$0xFFFFE7F0]  }
0x7fc: {  	[tilespmem:$0x1EC30] =	vst v18;
	v18 =	vld [tilespmem:s0+$0xFFFFE9F0]  }
0x7fd: {  	[tilespmem:$0x1E860] =	vst v36;
	v36 =	vld [tilespmem:s0+$0xFFFFEBF0]  }
0x7fe: {  	[tilespmem:$0x1E880] =	vst v37;
	v37 =	vld [tilespmem:s0+$0xFFFFEDF0];
	v1 =	vmax.f32 v1, v2;
	v2 =	vmax.f32 v3, v4  }
0x7ff: {  	[tilespmem:$0x1E8A0] =	vst v38;
	v38 =	vld [tilespmem:s0+$0xFFFFEFF0];
	v1 =	vmax.f32 v1, v2  }
0x800: {  	[tilespmem:$0x1E580] =	vst v1;
	v1 =	vld [tilespmem:s0+$0x0]  }
0x801: {  	[tilespmem:$0x1EAE0] =	vst v29;
	v2 =	vld.idx.msk [tilespmem:v49+s2+$0x0], $0xffff  }
0x802: {  	[tilespmem:$0x1EA90] =	vst v42;
	v3 =	vld.idx.msk [tilespmem:v63+s2+$0x0], $0xffff  }
0x803: {  	[tilespmem:$0x1E8C0] =	vst v39;
	v4 =	vld.idx.msk [tilespmem:v62+s2+$0x0], $0xffff  }
0x804: {  	[tilespmem:$0x1EAD0] =	vst v44;
	v7 =	vld.idx.msk [tilespmem:v51+s2+$0x0], $0xffff  }
0x805: {  	[tilespmem:$0x1ED10] =	vst v26;
	v8 =	vld.idx.msk [tilespmem:v61+s2+$0x0], $0xffff  }
0x806: {  	[tilespmem:$0x1ECF0] =	vst v22;
	v9 =	vld.idx.msk [tilespmem:v60+s2+$0x0], $0xffff  }
0x807: {  	[tilespmem:$0x1EA80] =	vst v21;
	v10 =	vld.idx.msk [tilespmem:v59+s2+$0x0], $0xffff  }
0x808: {  	[tilespmem:$0x1EBF0] =	vst v16;
	v11 =	vld.idx.msk [tilespmem:v58+s2+$0x0], $0xffff  }
0x809: {  	[tilespmem:$0x1EC90] =	vst v23;
	v12 =	vld.idx.msk [tilespmem:v57+s2+$0x0], $0xffff  }
0x80a: {  	[tilespmem:$0x1EC70] =	vst v20;
	v13 =	vld.idx.msk [tilespmem:v56+s2+$0x0], $0xffff  }
0x80b: {  	[tilespmem:$0x1ECB0] =	vst v24;
	v0 =	vmax.f32 v0, v6;
	v14 =	vld.idx.msk [tilespmem:v54+s2+$0x0], $0xffff  }
0x80c: {  	[tilespmem:$0x1E570] =	vst v0;
	v0 =	vadd.s32 $0x2710, v19;
	v16 =	vld.idx.msk [tilespmem:v53+s2+$0x0], $0xffff  }
0x80d: {  	[tilespmem:$0x1E590] =	vst v0;
	v0 =	vadd.s32 $0x2710, v17;
	v20 =	vld.idx.msk [tilespmem:v52+s2+$0x0], $0xffff  }
0x80e: {  	[tilespmem:$0x1E5A0] =	vst v0;
	v0 =	vadd.s32 $0x2710, v15;
	v21 =	vld.idx.msk [tilespmem:v50+s2+$0x0], $0xffff  }
0x80f: {  	v23 =	vld.idx.msk [tilespmem:v43+s2+$0x0], $0xffff;
	[tilespmem:$0x1E5B0] =	vst v0;
	v0 =	vadd.s32 $0x2710, v18  }
0x810: {  	[tilespmem:$0x1E5C0] =	vst v0;
	v0 =	vadd.s32 $0x2710, v36;
	v24 =	vld.idx.msk [tilespmem:v1+s2+$0x0], $0xffff  }
0x811: {  	[tilespmem:$0x1EAC0] =	vst v32;
	v39 =	vld [tilespmem:s0+$0xFFFFF1F0];
	v2 =	vmax.f32 v2, v3;
	v3 =	vmax.f32 v4, v7;
	v4 =	vmax.f32 v8, v9  }
0x812: {  	[tilespmem:$0x1EAA0] =	vst v31;
	v7 =	vmax.f32 v10, v11;
	v8 =	vmax.f32 v12, v13;
	v40 =	vmax.f32 v14, v16  }
0x813: {  	[tilespmem:$0x1ECD0] =	vst v25;
	v2 =	vmax.f32 v2, v3;
	v3 =	vmax.f32 v4, v7;
	v4 =	vmax.f32 v8, v40;
	v40 =	vld [tilespmem:s0+$0xFFFFF3F0]  }
0x814: {  	[tilespmem:$0x1E5D0] =	vst v0;
	v0 =	vadd.s32 $0x2710, v37  }
0x815: {  	[tilespmem:$0x1E5E0] =	vst v0;
	v0 =	vadd.s32 $0x2710, v38;
	v41 =	vmax.f32 v20, v21;
	v42 =	vmax.f32 v23, v24  }
0x816: {  	[tilespmem:$0x1E5F0] =	vst v0;
	v0 =	vadd.s32 $0x2710, v39;
	v7 =	vmax.f32 v41, v42;
	v41 =	vld [tilespmem:s0+$0xFFFFF5F0]  }
0x817: {  	[tilespmem:$0x1E600] =	vst v0;
	v0 =	vadd.s32 $0x4E20, v19  }
0x818: {  	v25 =	vadd.s32 $0x2710, v49;
	v31 =	vadd.s32 $0x2710, v63;
	[tilespmem:$0x1E6F0] =	vst v0;
	v0 =	vadd.s32 $0x2710, v40  }
0x819: {  	v2 =	vmax.f32 v2, v3;
	[tilespmem:$0x1E610] =	vst v0;
	v0 =	vadd.s32 $0x4E20, v17;
	v3 =	vmax.f32 v4, v7  }
0x81a: {  	s28 =	sadd.s32 $0x20, s28;
	v8 =	vadd.s32 $0x2710, v60;
	[tilespmem:$0x1E700] =	vst v0;
	v2 =	vmax.f32 v2, v3  }
0x81b: {  	v44 =	vadd.s32 $0x2710, v59;
	[tilespmem:s28+$0xFFFFF200] =	vst v2;
	v0 =	vadd.s32 $0x2710, v41  }
0x81c: {  	v45 =	vadd.s32 $0x2710, v58;
	[tilespmem:$0x1E620] =	vst v0;
	v0 =	vadd.s32 $0x4E20, v15  }
0x81d: {  	v4 =	vadd.s32 $0x2710, v62;
	v10 =	vld.idx.msk [tilespmem:v25+s2+$0x0], $0xffff;
	[tilespmem:$0x1E710] =	vst v0;
	v0 =	vadd.s32 $0x4E20, v18  }
0x81e: {  	v7 =	vadd.s32 $0x2710, v51;
	v11 =	vld.idx.msk [tilespmem:v31+s2+$0x0], $0xffff;
	[tilespmem:$0x1E720] =	vst v0;
	v0 =	vadd.s32 $0x4E20, v36  }
0x81f: {  	v2 =	vadd.s32 $0x2710, v61;
	v16 =	vld.idx.msk [tilespmem:v8+s2+$0x0], $0xffff;
	[tilespmem:$0x1E730] =	vst v0;
	v0 =	vadd.s32 $0x4E20, v37  }
0x820: {  	v46 =	vadd.s32 $0x2710, v57;
	v21 =	vld.idx.msk [tilespmem:v44+s2+$0x0], $0xffff;
	[tilespmem:$0x1E740] =	vst v0;
	v0 =	vadd.s32 $0x4E20, v38  }
0x821: {  	v47 =	vadd.s32 $0x2710, v56;
	v12 =	vld.idx.msk [tilespmem:v45+s2+$0x0], $0xffff;
	[tilespmem:$0x1E750] =	vst v0;
	v0 =	vadd.s32 $0x4E20, v39  }
0x822: {  	v4 =	vld.idx.msk [tilespmem:v4+s2+$0x0], $0xffff;
	[tilespmem:$0x1E760] =	vst v0;
	v0 =	vadd.s32 $0x4E20, v40  }
0x823: {  	v8 =	vadd.s32 $0x2710, v54;
	v7 =	vld.idx.msk [tilespmem:v7+s2+$0x0], $0xffff;
	[tilespmem:$0x1E770] =	vst v0;
	v0 =	vadd.s32 $0x4E20, v41  }
0x824: {  	v2 =	vld.idx.msk [tilespmem:v2+s2+$0x0], $0xffff;
	[tilespmem:$0x1E780] =	vst v0  }
0x825: {  	v48 =	vadd.s32 $0x2710, v53;
	v0 =	vadd.s32 $0x7530, v19;
	v13 =	vld.idx.msk [tilespmem:v46+s2+$0x0], $0xffff  }
0x826: {  	v31 =	vadd.s32 $0x2710, v52;
	[tilespmem:$0x1E920] =	vst v0;
	v0 =	vadd.s32 $0x7530, v17;
	v14 =	vld.idx.msk [tilespmem:v47+s2+$0x0], $0xffff  }
0x827: {  	v55 =	vadd.s32 $0x2710, v50;
	v46 =	vld [tilespmem:s0+$0xFFFFF9F0];
	[tilespmem:$0x1E930] =	vst v0;
	v0 =	vadd.s32 $0x7530, v15  }
0x828: {  	v33 =	vadd.s32 $0x2710, v43;
	v34 =	vld.idx.msk [tilespmem:v8+s2+$0x0], $0xffff;
	[tilespmem:$0x1E940] =	vst v0;
	v0 =	vadd.s32 $0x7530, v18  }
0x829: {  	v8 =	vadd.s32 $0x2710, v1;
	v47 =	vld [tilespmem:s0+$0xFFFFFBF0];
	[tilespmem:$0x1E950] =	vst v0;
	v0 =	vadd.s32 $0x7530, v36  }
0x82a: {  	v35 =	vld.idx.msk [tilespmem:v48+s2+$0x0], $0xffff;
	[tilespmem:$0x1E960] =	vst v0;
	v0 =	vadd.s32 $0x7530, v37  }
0x82b: {  	v31 =	vld.idx.msk [tilespmem:v31+s2+$0x0], $0xffff;
	[tilespmem:$0x1E970] =	vst v0;
	v0 =	vadd.s32 $0x7530, v38  }
0x82c: {  	v3 =	vmov v1;
	v32 =	vld.idx.msk [tilespmem:v55+s2+$0x0], $0xffff;
	v1 =	vadd.s32 $0x9C40, v46;
	[tilespmem:$0x1E980] =	vst v0  }
0x82d: {  	v33 =	vld.idx.msk [tilespmem:v33+s2+$0x0], $0xffff;
	v0 =	vadd.s32 $0x7530, v39;
	[tilespmem:$0x1EBB0] =	vst v1  }
0x82e: {  	v42 =	vld.idx.msk [tilespmem:v8+s2+$0x0], $0xffff;
	v1 =	vadd.s32 $0x9C40, v47;
	[tilespmem:$0x1E990] =	vst v0  }
0x82f: {  	v10 =	vmax.f32 v10, v11;
	v4 =	vmax.f32 v4, v7;
	v0 =	vadd.s32 $0x7530, v40;
	[tilespmem:$0x1EBC0] =	vst v1  }
0x830: {  	v7 =	vmax.f32 v21, v12;
	v2 =	vmax.f32 v2, v16;
	[tilespmem:$0x1E9A0] =	vst v0;
	v0 =	vadd.s32 $0x7530, v41  }
0x831: {  	v4 =	vmax.f32 v10, v4;
	v2 =	vmax.f32 v2, v7;
	[tilespmem:$0x1E9B0] =	vst v0;
	v0 =	vadd.s32 $0x9C40, v19  }
0x832: {  	v11 =	vmax.f32 v13, v14;
	v35 =	vmax.f32 v34, v35;
	[tilespmem:$0x1EB00] =	vst v0;
	v0 =	vadd.s32 $0x9C40, v17  }
0x833: {  	v16 =	vmax.f32 v31, v32;
	v21 =	vmax.f32 v33, v42;
	[tilespmem:$0x1EB10] =	vst v0;
	v0 =	vadd.s32 $0x9C40, v15  }
0x834: {  	v7 =	vmax.f32 v11, v35;
	v12 =	vmax.f32 v16, v21;
	[tilespmem:$0x1EB20] =	vst v0;
	v0 =	vadd.s32 $0x9C40, v18  }
0x835: {  	v2 =	vmax.f32 v4, v2;
	v4 =	vmax.f32 v7, v12;
	[tilespmem:$0x1EB30] =	vst v0;
	v0 =	vadd.s32 $0x9C40, v36  }
0x836: {  	v2 =	vmax.f32 v2, v4;
	[tilespmem:$0x1EB40] =	vst v0  }
0x837: {  	v14 =	vadd.s32 $0x4E20, v51;
	v0 =	vadd.s32 $0x9C40, v37;
	[tilespmem:s28+$0xFFFFF400] =	vst v2  }
0x838: {  	v2 =	vadd.s32 $0x4E20, v61;
	[tilespmem:$0x1EB50] =	vst v0;
	v0 =	vadd.s32 $0x9C40, v38  }
0x839: {  	[tilespmem:$0x1EB60] =	vst v0;
	v0 =	vadd.s32 $0x9C40, v39  }
0x83a: {  	[tilespmem:$0x1EB70] =	vst v0;
	v0 =	vadd.s32 $0x9C40, v40  }
0x83b: {  	v9 =	vld [tilespmem:s0+$0xFFFFFDF0];
	[tilespmem:$0x1EB80] =	vst v0;
	v0 =	vadd.s32 $0x9C40, v41  }
0x83c: {  	v27 =	vld.idx.msk [tilespmem:v14+s2+$0x0], $0xffff;
	v14 =	vadd.s32 $0x4E20, v57;
	[tilespmem:$0x1EB90] =	vst v0;
	v0 =	vadd.s32 $0xC350, v19  }
0x83d: {  	v29 =	vld.idx.msk [tilespmem:v2+s2+$0x0], $0xffff;
	v2 =	vadd.s32 $0x4E20, v56;
	[tilespmem:$0x1ED30] =	vst v0;
	v0 =	vadd.s32 $0xC350, v17  }
0x83e: {  	[tilespmem:$0x1ED40] =	vst v0;
	v0 =	vadd.s32 $0xC350, v15  }
0x83f: {  	v44 =	vld [tilespmem:s0+$0xFFFFF7F0];
	[tilespmem:$0x1ED50] =	vst v0;
	v0 =	vadd.s32 $0xC350, v18  }
0x840: {  	[tilespmem:$0x1ED60] =	vst v0;
	v0 =	vadd.s32 $0xC350, v36  }
0x841: {  	v16 =	vld.idx.msk [tilespmem:v14+s2+$0x0], $0xffff;
	[tilespmem:$0x1ED70] =	vst v0;
	v0 =	vadd.s32 $0xC350, v37  }
0x842: {  	v14 =	vld.idx.msk [tilespmem:v2+s2+$0x0], $0xffff;
	v2 =	vadd.s32 $0x9C40, v9;
	[tilespmem:$0x1E550] =	vst v0  }
0x843: {  	v45 =	vld [tilespmem:s0+$0xFFFFFFF0];
	v0 =	vadd.s32 $0xC350, v38;
	[tilespmem:$0x1EBD0] =	vst v2  }
0x844: {  	v13 =	vld [tilespmem:s0+$0xFFFFE1F0];
	[tilespmem:$0x1E560] =	vst v0;
	v0 =	vadd.s32 $0x2710, v44  }
0x845: {  	[tilespmem:$0x1E630] =	vst v0;
	v0 =	vadd.s32 $0x2710, v46  }
0x846: {  	[tilespmem:$0x1E640] =	vst v0;
	v0 =	vadd.s32 $0x2710, v47  }
0x847: {  	[tilespmem:$0x1E650] =	vst v0;
	v0 =	vadd.s32 $0x2710, v9  }
0x848: {  	[tilespmem:$0x1E660] =	vst v0;
	v0 =	vadd.s32 $0x2710, v45  }
0x849: {  	[tilespmem:$0x1E670] =	vst v0;
	v0 =	vadd.s32 $0x4E20, v13  }
0x84a: {  	[tilespmem:$0x1E6E0] =	vst v0;
	v0 =	vadd.s32 $0x4E20, v44  }
0x84b: {  	[tilespmem:$0x1E790] =	vst v0;
	v0 =	vadd.s32 $0x4E20, v46  }
0x84c: {  	v55 =	vadd.s32 $0x4E20, v63;
	[tilespmem:$0x1E7A0] =	vst v0;
	v0 =	vadd.s32 $0x4E20, v47  }
0x84d: {  	[tilespmem:$0x1E7B0] =	vst v0;
	v0 =	vadd.s32 $0x4E20, v9  }
0x84e: {  	v25 =	vld.idx.msk [tilespmem:v19+s2+$0x0], $0xffff;
	[tilespmem:$0x1E7C0] =	vst v0;
	v0 =	vadd.s32 $0x4E20, v45  }
0x84f: {  	v10 =	vadd.s32 $0x4E20, v62;
	v11 =	vld.idx.msk [tilespmem:v17+s2+$0x0], $0xffff;
	[tilespmem:$0x1E7D0] =	vst v0;
	v0 =	vadd.s32 $0x7530, v13  }
0x850: {  	v48 =	vadd.s32 $0x4E20, v49;
	v12 =	vld.idx.msk [tilespmem:v15+s2+$0x0], $0xffff;
	[tilespmem:$0x1E910] =	vst v0;
	v0 =	vadd.s32 $0x7530, v44  }
0x851: {  	v22 =	vld.idx.msk [tilespmem:v55+s2+$0x0], $0xffff;
	v55 =	vadd.s32 $0x4E20, v59;
	[tilespmem:$0x1E9C0] =	vst v0;
	v0 =	vadd.s32 $0x7530, v46  }
0x852: {  	v24 =	vld.idx.msk [tilespmem:v18+s2+$0x0], $0xffff;
	v35 =	vadd.s32 $0x4E20, v60;
	[tilespmem:$0x1E9D0] =	vst v0;
	v0 =	vadd.s32 $0x7530, v47  }
0x853: {  	v1 =	vadd.s32 $0x4E20, v43;
	v7 =	vld.idx.msk [tilespmem:v36+s2+$0x0], $0xffff;
	[tilespmem:$0x1E9E0] =	vst v0;
	v0 =	vadd.s32 $0x7530, v9  }
0x854: {  	v26 =	vld.idx.msk [tilespmem:v10+s2+$0x0], $0xffff;
	v10 =	vadd.s32 $0x4E20, v58;
	[tilespmem:$0x1E9F0] =	vst v0;
	v0 =	vadd.s32 $0x7530, v45  }
0x855: {  	v23 =	vld.idx.msk [tilespmem:v48+s2+$0x0], $0xffff;
	v28 =	vmax.f32 v11, v12;
	v11 =	vadd.s32 $0x4E20, v54;
	[tilespmem:$0x1EA00] =	vst v0;
	v0 =	vadd.s32 $0x9C40, v13  }
0x856: {  	v21 =	vld.idx.msk [tilespmem:v55+s2+$0x0], $0xffff;
	v55 =	vadd.s32 $0x4E20, v53;
	[tilespmem:$0x1EAF0] =	vst v0;
	v0 =	vadd.s32 $0x9C40, v44  }
0x857: {  	v30 =	vld.idx.msk [tilespmem:v35+s2+$0x0], $0xffff;
	v2 =	vadd.s32 $0x9C40, v45;
	[tilespmem:$0x1EBA0] =	vst v0;
	v0 =	vadd.s32 $0x4E20, v50  }
0x858: {  	v1 =	vld.idx.msk [tilespmem:v1+s2+$0x0], $0xffff;
	[tilespmem:$0x1EBE0] =	vst v2;
	v2 =	vadd.s32 $0x4E20, v3  }
0x859: {  	v31 =	vmov v3;
	v20 =	vld.idx.msk [tilespmem:v10+s2+$0x0], $0xffff;
	v10 =	vadd.s32 $0x4E20, v52;
	v3 =	vadd.s32 $0xC350, v13  }
0x85a: {  	v12 =	vld.idx.msk [tilespmem:v11+s2+$0x0], $0xffff;
	[tilespmem:$0x1ED20] =	vst v3;
	v3 =	vadd.s32 $0xC350, v9  }
0x85b: {  	v11 =	vld.idx.msk [tilespmem:v55+s2+$0x0], $0xffff;
	[tilespmem:$0x1E680] =	vst v3;
	v3 =	vadd.s32 $0xC350, v45  }
0x85c: {  	[tilespmem:$0x1E6A0] =	vst v3;
	v4 =	vld.idx.msk [tilespmem:v0+s2+$0x0], $0xffff;
	v0 =	vadd.s32 $0xEA60, v13  }
0x85d: {  	v7 =	vmax.f32 v24, v7;
	v2 =	vld.idx.msk [tilespmem:v2+s2+$0x0], $0xffff;
	[tilespmem:$0x1E810] =	vst v0;
	v0 =	vadd.s32 $0xEA60, v19  }
0x85e: {  	v22 =	vmax.f32 v23, v22;
	v23 =	vmax.f32 v26, v27;
	v8 =	vld.idx.msk [tilespmem:v10+s2+$0x0], $0xffff;
	[tilespmem:$0x1E820] =	vst v0;
	v0 =	vadd.s32 $0xEA60, v17  }
0x85f: {  	v5 =	vld.idx.msk [tilespmem:v13+s2+$0x0], $0xffff;
	v26 =	vmax.f32 v29, v30;
	v20 =	vmax.f32 v21, v20;
	[tilespmem:$0x1E840] =	vst v0;
	v0 =	vadd.s32 $0xEA60, v15  }
0x860: {  	v24 =	vld.idx.msk [tilespmem:v45+s2+$0x0], $0xffff;
	v14 =	vmax.f32 v16, v14;
	v16 =	vmax.f32 v26, v20;
	v15 =	vadd.s32 $0x11170, v15;
	[tilespmem:$0x1E850] =	vst v0  }
0x861: {  	v27 =	vld.idx.msk [tilespmem:v39+s2+$0x0], $0xffff;
	v20 =	vadd.s32 $0x7530, v43;
	v11 =	vmax.f32 v12, v11;
	v0 =	vadd.s32 $0xEA60, v18;
	[tilespmem:$0x1EC60] =	vst v15  }
0x862: {  	v3 =	vld.idx.msk [tilespmem:v37+s2+$0x0], $0xffff;
	v11 =	vmax.f32 v14, v11;
	v1 =	vmax.f32 v1, v2;
	[tilespmem:$0x1E870] =	vst v0;
	v0 =	vadd.s32 $0xEA60, v36  }
0x863: {  	v12 =	vld.idx.msk [tilespmem:v40+s2+$0x0], $0xffff;
	v2 =	vmax.f32 v22, v23;
	v4 =	vmax.f32 v8, v4;
	[tilespmem:$0x1E890] =	vst v0;
	v0 =	vadd.s32 $0xEA60, v37  }
0x864: {  	v15 =	vadd.s32 $0x7530, v53;
	v8 =	vld.idx.msk [tilespmem:v41+s2+$0x0], $0xffff;
	v1 =	vmax.f32 v4, v1;
	[tilespmem:$0x1E8B0] =	vst v0;
	v0 =	vadd.s32 $0xEA60, v38  }
0x865: {  	v2 =	vmax.f32 v2, v16;
	v4 =	vld.idx.msk [tilespmem:v44+s2+$0x0], $0xffff;
	v1 =	vmax.f32 v11, v1;
	[tilespmem:$0x1E8D0] =	vst v0;
	v0 =	vadd.s32 $0xEA60, v39  }
0x866: {  	v30 =	vld [tilespmem:$0x1E650];
	v22 =	vadd.s32 $0x7530, v31;
	v1 =	vmax.f32 v2, v1;
	[tilespmem:$0x1E8F0] =	vst v0  }
0x867: {  	v14 =	vld.idx.msk [tilespmem:v46+s2+$0x0], $0xffff;
	v0 =	vadd.s32 $0xEA60, v40;
	[tilespmem:s28+$0xFFFFF600] =	vst v1  }
0x868: {  	v16 =	vld.idx.msk [tilespmem:v47+s2+$0x0], $0xffff;
	[tilespmem:$0x1E900] =	vst v0;
	v0 =	vadd.s32 $0xEA60, v41  }
0x869: {  	v11 =	vadd.s32 $0x7530, v62;
	v23 =	vld.idx.msk [tilespmem:v15+s2+$0x0], $0xffff;
	[tilespmem:$0x1EA10] =	vst v0;
	v0 =	vadd.s32 $0xEA60, v44  }
0x86a: {  	v2 =	vadd.s32 $0x7530, v51;
	v20 =	vld.idx.msk [tilespmem:v20+s2+$0x0], $0xffff;
	v4 =	vmax.f32 v8, v4;
	v8 =	vadd.s32 $0xEA60, v45;
	[tilespmem:$0x1EA20] =	vst v0  }
0x86b: {  	v1 =	vadd.s32 $0x7530, v61;
	v22 =	vld.idx.msk [tilespmem:v22+s2+$0x0], $0xffff;
	v0 =	vadd.s32 $0xEA60, v46;
	[tilespmem:$0x1EA60] =	vst v8  }
0x86c: {  	v8 =	vadd.s32 $0x7530, v57;
	[tilespmem:$0x1EA30] =	vst v0;
	v0 =	vld.idx.msk [tilespmem:v38+s2+$0x0], $0xffff  }
0x86d: {  	v6 =	vadd.s32 $0x7530, v49;
	v15 =	vadd.s32 $0x11170, v45;
	v45 =	vld [tilespmem:$0x1F1A0]  }
0x86e: {  	v11 =	vld.idx.msk [tilespmem:v11+s2+$0x0], $0xffff  }
0x86f: {  	v10 =	vadd.s32 $0x7530, v63;
	v2 =	vld.idx.msk [tilespmem:v2+s2+$0x0], $0xffff  }
0x870: {  	v42 =	vadd.s32 $0x2710, v13;
	v1 =	vld.idx.msk [tilespmem:v1+s2+$0x0], $0xffff  }
0x871: {  	v5 =	vmax.f32 v5, v25;
	v55 =	vadd.s32 $0xC350, v41;
	v8 =	vld.idx.msk [tilespmem:v8+s2+$0x0], $0xffff;
	v0 =	vmax.f32 v3, v0  }
0x872: {  	v3 =	vmax.f32 v5, v28;
	v5 =	vld.idx.msk [tilespmem:v6+s2+$0x0], $0xffff;
	v6 =	vadd.s32 $0x7530, v60;
	v0 =	vmax.f32 v7, v0  }
0x873: {  	v28 =	vld [tilespmem:$0x1E550];
	v7 =	vmax.f32 v27, v12;
	v12 =	vadd.s32 $0xEA60, v47;
	v0 =	vmax.f32 v3, v0  }
0x874: {  	v3 =	vld.idx.msk [tilespmem:v10+s2+$0x0], $0xffff;
	v10 =	vadd.s32 $0x7530, v59;
	[tilespmem:$0x1EA40] =	vst v12;
	v12 =	vadd.s32 $0xEA60, v9;
	v4 =	vmax.f32 v7, v4  }
0x875: {  	v27 =	vld [tilespmem:$0x1E540];
	v7 =	vadd.s32 $0x11170, v13;
	v13 =	vmax.f32 v14, v16;
	v14 =	vadd.s32 $0x11170, v19;
	[tilespmem:$0x1EA50] =	vst v12  }
0x876: {  	v16 =	vadd.s32 $0x11170, v17;
	v17 =	vadd.s32 $0x11170, v37;
	v37 =	vadd.s32 $0x11170, v41;
	v41 =	vld [tilespmem:$0x1F180];
	[tilespmem:$0x1EC00] =	vst v7  }
0x877: {  	v32 =	vadd.s32 $0xC350, v39;
	v34 =	vadd.s32 $0xC350, v46;
	v19 =	vadd.s32 $0x11170, v46;
	v46 =	vld [tilespmem:$0x1E560];
	[tilespmem:$0x1EC20] =	vst v14  }
0x878: {  	v12 =	vadd.s32 $0x7530, v58;
	[tilespmem:$0x1EC40] =	vst v16;
	v16 =	vadd.s32 $0x11170, v18;
	v18 =	vadd.s32 $0x11170, v39;
	v39 =	vld [tilespmem:$0x1F1C0]  }
0x879: {  	v7 =	vadd.s32 $0x7530, v56;
	[tilespmem:$0x1ECC0] =	vst v17;
	v14 =	vld.idx.msk [tilespmem:v6+s2+$0x0], $0xffff  }
0x87a: {  	v35 =	vadd.s32 $0xC350, v47;
	v17 =	vadd.s32 $0x11170, v38;
	[tilespmem:$0x1ED00] =	vst v18;
	v18 =	vadd.s32 $0x11170, v47;
	v47 =	vmovc v28;
	v28 =	vld [tilespmem:$0x1E5B0]  }
0x87b: {  	[tilespmem:$0x1ECE0] =	vst v17;
	v17 =	vadd.s32 $0x7530, v50;
	v10 =	vld.idx.msk [tilespmem:v10+s2+$0x0], $0xffff  }
0x87c: {  	v3 =	vmax.f32 v5, v3;
	v5 =	vld [tilespmem:$0x1F170]  }
0x87d: {  	[tilespmem:$0x1EC80] =	vst v16;
	v16 =	vadd.s32 $0x11170, v36;
	v6 =	vadd.s32 $0x7530, v54;
	v12 =	vld.idx.msk [tilespmem:v12+s2+$0x0], $0xffff  }
0x87e: {  	v2 =	vmax.f32 v11, v2;
	[tilespmem:$0x1ECA0] =	vst v16;
	v16 =	vadd.s32 $0x7530, v52;
	v7 =	vld.idx.msk [tilespmem:v7+s2+$0x0], $0xffff  }
0x87f: {  	v2 =	vmax.f32 v3, v2;
	v3 =	vld [tilespmem:$0x1F190]  }
0x880: {  	v17 =	vld.idx.msk [tilespmem:v17+s2+$0x0], $0xffff  }
0x881: {  	v27 =	vld.idx.msk [tilespmem:v27+s2+$0x0], $0xffff  }
0x882: {  	v21 =	vld.idx.msk [tilespmem:v6+s2+$0x0], $0xffff  }
0x883: {  	v16 =	vld.idx.msk [tilespmem:v16+s2+$0x0], $0xffff  }
0x884: {  	v6 =	vadd.s32 $0x11170, v9;
	v9 =	vld.idx.msk [tilespmem:v9+s2+$0x0], $0xffff  }
0x885: {  	v11 =	vld.idx.msk [tilespmem:v41+s2+$0x0], $0xffff  }
0x886: {  	v1 =	vmax.f32 v1, v14;
	v10 =	vmax.f32 v10, v12;
	v12 =	vld.idx.msk [tilespmem:v39+s2+$0x0], $0xffff  }
0x887: {  	v1 =	vmax.f32 v1, v10;
	v10 =	vld.idx.msk [tilespmem:v45+s2+$0x0], $0xffff  }
0x888: {  	v48 =	vadd.s32 $0xC350, v44;
	v25 =	vadd.s32 $0x9C40, v49;
	v5 =	vld.idx.msk [tilespmem:v5+s2+$0x0], $0xffff  }
0x889: {  	v36 =	vadd.s32 $0x11170, v44;
	v44 =	vmax.f32 v20, v22;
	v9 =	vmax.f32 v9, v24;
	v24 =	vld [tilespmem:$0x1E590]  }
0x88a: {  	v7 =	vmax.f32 v8, v7;
	v8 =	vmax.f32 v21, v23;
	v16 =	vmax.f32 v16, v17;
	v17 =	vmovc v48;
	v48 =	vld [tilespmem:$0x1E5D0]  }
0x88b: {  	v26 =	vadd.s32 $0x9C40, v63;
	v3 =	vld.idx.msk [tilespmem:v3+s2+$0x0], $0xffff;
	v7 =	vmax.f32 v7, v8;
	v8 =	vmax.f32 v16, v44  }
0x88c: {  	v39 =	vadd.s32 $0x9C40, v54;
	v1 =	vmax.f32 v2, v1;
	v44 =	vld [tilespmem:$0x1F1D0];
	v2 =	vmax.f32 v7, v8  }
0x88d: {  	v21 =	vadd.s32 $0x9C40, v43;
	v16 =	vld [tilespmem:$0x1E570];
	v1 =	vmax.f32 v1, v2  }
0x88e: {  	v22 =	vadd.s32 $0x9C40, v31;
	v9 =	vmax.f32 v13, v9;
	v8 =	vld [tilespmem:$0x1F1B0];
	[tilespmem:s28+$0xFFFFF800] =	vst v1  }
0x88f: {  	v4 =	vmax.f32 v4, v9;
	v45 =	vld.idx.msk [tilespmem:v25+s2+$0x0], $0xffff  }
0x890: {  	v0 =	vmax.f32 v0, v4;
	v4 =	vld.idx.msk [tilespmem:v26+s2+$0x0], $0xffff  }
0x891: {  	v7 =	vadd.s32 $0x9C40, v62;
	v14 =	vld.idx.msk [tilespmem:v39+s2+$0x0], $0xffff  }
0x892: {  	[tilespmem:$0x1F1B0] =	vst v17;
	v17 =	vadd.s32 $0x9C40, v57;
	v21 =	vld.idx.msk [tilespmem:v21+s2+$0x0], $0xffff  }
0x893: {  	v22 =	vld.idx.msk [tilespmem:v22+s2+$0x0], $0xffff  }
0x894: {  	v25 =	vld [tilespmem:$0x1E5A0]  }
0x895: {  	v2 =	vadd.s32 $0x9C40, v51;
	v5 =	vmax.f32 v27, v5;
	v39 =	vld [tilespmem:$0x1E610]  }
0x896: {  	v1 =	vadd.s32 $0x9C40, v61;
	v7 =	vld.idx.msk [tilespmem:v7+s2+$0x0], $0xffff  }
0x897: {  	v17 =	vld.idx.msk [tilespmem:v17+s2+$0x0], $0xffff  }
0x898: {  	v33 =	vadd.s32 $0xC350, v40;
	v20 =	vmax.f32 v16, v5;
	v5 =	vmov v34;
	v34 =	vld [tilespmem:$0x1E5F0]  }
0x899: {  	v16 =	vmov v33;
	v33 =	vadd.s32 $0x9C40, v58;
	v13 =	vld.idx.msk [tilespmem:v44+s2+$0x0], $0xffff  }
0x89a: {  	[tilespmem:$0x1F1C0] =	vst v5;
	v5 =	vld.idx.msk [tilespmem:v2+s2+$0x0], $0xffff  }
0x89b: {  	v1 =	vld.idx.msk [tilespmem:v1+s2+$0x0], $0xffff  }
0x89c: {  	v8 =	vld.idx.msk [tilespmem:v8+s2+$0x0], $0xffff  }
0x89d: {  	[tilespmem:s28+$0xFFFFF1F0] =	vst v0;
	v0 =	vld [tilespmem:$0x1E580]  }
0x89e: {  	v3 =	vmax.f32 v11, v3;
	[tilespmem:$0x1F190] =	vst v16;
	v16 =	vadd.s32 $0x9C40, v59;
	v11 =	vld.idx.msk [tilespmem:v33+s2+$0x0], $0xffff  }
0x89f: {  	v38 =	vmov v46;
	v23 =	vld.idx.msk [tilespmem:v42+s2+$0x0], $0xffff  }
0x8a0: {  	[tilespmem:$0x1F170] =	vst v38;
	v38 =	vadd.s32 $0x9C40, v56;
	v24 =	vld.idx.msk [tilespmem:v24+s2+$0x0], $0xffff  }
0x8a1: {  	v28 =	vld.idx.msk [tilespmem:v28+s2+$0x0], $0xffff  }
0x8a2: {  	v41 =	vmov v32;
	v30 =	vld.idx.msk [tilespmem:v30+s2+$0x0], $0xffff  }
0x8a3: {  	v46 =	vadd.s32 $0x9C40, v60;
	[tilespmem:$0x1F180] =	vst v41;
	v41 =	vld.idx.msk [tilespmem:v16+s2+$0x0], $0xffff  }
0x8a4: {  	v44 =	vadd.s32 $0x9C40, v53;
	v4 =	vmax.f32 v45, v4;
	v25 =	vld.idx.msk [tilespmem:v25+s2+$0x0], $0xffff  }
0x8a5: {  	v16 =	vadd.s32 $0x9C40, v52;
	v5 =	vmax.f32 v7, v5;
	v2 =	vmax.f32 v10, v8;
	v10 =	vld.idx.msk [tilespmem:v38+s2+$0x0], $0xffff  }
0x8a6: {  	v4 =	vmax.f32 v4, v5;
	v5 =	vld [tilespmem:$0x1E5E0]  }
0x8a7: {  	v8 =	vmov v35;
	v35 =	vld [tilespmem:$0x1E600]  }
0x8a8: {  	v2 =	vmax.f32 v3, v2;
	v3 =	vld.idx.msk [tilespmem:v46+s2+$0x0], $0xffff  }
0x8a9: {  	[tilespmem:$0x1F1D0] =	vst v8;
	v8 =	vmax.f32 v12, v13;
	v13 =	vld.idx.msk [tilespmem:v44+s2+$0x0], $0xffff  }
0x8aa: {  	v0 =	vmax.f32 v0, v20;
	v20 =	vadd.s32 $0x9C40, v50;
	v16 =	vld.idx.msk [tilespmem:v16+s2+$0x0], $0xffff  }
0x8ab: {  	v7 =	vmax.f32 v41, v11;
	v11 =	vld.idx.msk [tilespmem:v48+s2+$0x0], $0xffff  }
0x8ac: {  	v38 =	vmax.f32 v23, v24;
	v41 =	vmax.f32 v25, v28;
	v25 =	vld [tilespmem:$0x1E620]  }
0x8ad: {  	v12 =	vmax.f32 v38, v41;
	v38 =	vld [tilespmem:$0x1F1E0]  }
0x8ae: {  	v41 =	vld [tilespmem:$0x1E680]  }
0x8af: {  	v20 =	vld.idx.msk [tilespmem:v20+s2+$0x0], $0xffff  }
0x8b0: {  	v1 =	vmax.f32 v1, v3;
	v3 =	vld [tilespmem:$0x1E5C0]  }
0x8b1: {  	v45 =	vmax.f32 v17, v10;
	v10 =	vld.idx.msk [tilespmem:v34+s2+$0x0], $0xffff  }
0x8b2: {  	v46 =	vmax.f32 v14, v13;
	v13 =	vld.idx.msk [tilespmem:v39+s2+$0x0], $0xffff  }
0x8b3: {  	v32 =	vmov v55;
	v26 =	vadd.s32 $0xC350, v49;
	v39 =	vld [tilespmem:$0x1F1F0]  }
0x8b4: {  	[tilespmem:$0x1F1A0] =	vst v32;
	v27 =	vadd.s32 $0xC350, v63;
	v32 =	vmax.f32 v21, v22;
	v5 =	vld.idx.msk [tilespmem:v5+s2+$0x0], $0xffff;
	v55 =	vmax.f32 v16, v20  }
0x8b5: {  	v1 =	vmax.f32 v1, v7;
	v7 =	vmax.f32 v45, v46;
	v9 =	vld.idx.msk [tilespmem:v35+s2+$0x0], $0xffff;
	v33 =	vmax.f32 v55, v32  }
0x8b6: {  	v1 =	vmax.f32 v4, v1;
	v16 =	vadd.s32 $0xC350, v60;
	v25 =	vld.idx.msk [tilespmem:v25+s2+$0x0], $0xffff;
	v4 =	vmax.f32 v7, v33  }
0x8b7: {  	v17 =	vadd.s32 $0xC350, v59;
	v33 =	vld [tilespmem:$0x1E670];
	v1 =	vmax.f32 v1, v4  }
0x8b8: {  	v20 =	vadd.s32 $0xC350, v58;
	v3 =	vld.idx.msk [tilespmem:v3+s2+$0x0], $0xffff;
	[tilespmem:s28+$0xFFFFFA00] =	vst v1  }
0x8b9: {  	v45 =	vadd.s32 $0xC350, v57;
	v42 =	vld.idx.msk [tilespmem:v26+s2+$0x0], $0xffff  }
0x8ba: {  	v48 =	vadd.s32 $0xC350, v54;
	v44 =	vld.idx.msk [tilespmem:v27+s2+$0x0], $0xffff  }
0x8bb: {  	v21 =	vadd.s32 $0xC350, v52;
	v46 =	vld.idx.msk [tilespmem:v16+s2+$0x0], $0xffff  }
0x8bc: {  	v22 =	vadd.s32 $0xC350, v50;
	v16 =	vld.idx.msk [tilespmem:v17+s2+$0x0], $0xffff  }
0x8bd: {  	v23 =	vadd.s32 $0xC350, v43;
	v20 =	vld.idx.msk [tilespmem:v20+s2+$0x0], $0xffff  }
0x8be: {  	v24 =	vadd.s32 $0xC350, v31;
	v5 =	vmax.f32 v5, v10;
	v10 =	vld.idx.msk [tilespmem:v45+s2+$0x0], $0xffff  }
0x8bf: {  	v9 =	vmax.f32 v9, v13;
	v13 =	vld.idx.msk [tilespmem:v48+s2+$0x0], $0xffff  }
0x8c0: {  	v21 =	vld.idx.msk [tilespmem:v21+s2+$0x0], $0xffff  }
0x8c1: {  	v22 =	vld.idx.msk [tilespmem:v22+s2+$0x0], $0xffff  }
0x8c2: {  	v7 =	vadd.s32 $0xC350, v62;
	v23 =	vld.idx.msk [tilespmem:v23+s2+$0x0], $0xffff  }
0x8c3: {  	v4 =	vadd.s32 $0xC350, v51;
	v24 =	vld.idx.msk [tilespmem:v24+s2+$0x0], $0xffff  }
0x8c4: {  	v1 =	vadd.s32 $0xC350, v61;
	v26 =	vld [tilespmem:$0x1E630]  }
0x8c5: {  	v17 =	vadd.s32 $0xC350, v53;
	v27 =	vld [tilespmem:$0x1E640]  }
0x8c6: {  	v45 =	vld [tilespmem:$0x1E690]  }
0x8c7: {  	v7 =	vld.idx.msk [tilespmem:v7+s2+$0x0], $0xffff  }
0x8c8: {  	v4 =	vld.idx.msk [tilespmem:v4+s2+$0x0], $0xffff  }
0x8c9: {  	v1 =	vld.idx.msk [tilespmem:v1+s2+$0x0], $0xffff  }
0x8ca: {  	v17 =	vld.idx.msk [tilespmem:v17+s2+$0x0], $0xffff  }
0x8cb: {  	v34 =	vmax.f32 v21, v22;
	v21 =	vld [tilespmem:$0x1E6C0]  }
0x8cc: {  	v22 =	vld [tilespmem:$0x1E6F0]  }
0x8cd: {  	v55 =	vmax.f32 v16, v20;
	v16 =	vmax.f32 v23, v24;
	v23 =	vld [tilespmem:$0x1E700]  }
0x8ce: {  	v3 =	vmax.f32 v3, v11;
	v11 =	vmax.f32 v42, v44;
	v42 =	vmov v41;
	v41 =	vld [tilespmem:$0x1E770]  }
0x8cf: {  	v26 =	vld.idx.msk [tilespmem:v26+s2+$0x0], $0xffff  }
0x8d0: {  	v3 =	vmax.f32 v3, v5;
	v5 =	vadd.s32 $0xC350, v56;
	v27 =	vld.idx.msk [tilespmem:v27+s2+$0x0], $0xffff  }
0x8d1: {  	v4 =	vmax.f32 v7, v4;
	v7 =	vld [tilespmem:$0x1E660]  }
0x8d2: {  	v14 =	vld.idx.msk [tilespmem:v45+s2+$0x0], $0xffff  }
0x8d3: {  	v4 =	vmax.f32 v11, v4;
	v11 =	vld.idx.msk [tilespmem:v38+s2+$0x0], $0xffff  }
0x8d4: {  	v1 =	vmax.f32 v1, v46;
	v46 =	vld [tilespmem:$0x1E6B0]  }
0x8d5: {  	v5 =	vld.idx.msk [tilespmem:v5+s2+$0x0], $0xffff  }
0x8d6: {  	v38 =	vld [tilespmem:$0x1E740]  }
0x8d7: {  	v32 =	vmax.f32 v13, v17;
	v13 =	vld.idx.msk [tilespmem:v33+s2+$0x0], $0xffff  }
0x8d8: {  	v17 =	vld [tilespmem:$0x1E6A0]  }
0x8d9: {  	v29 =	vadd.s32 $0xEA60, v63;
	v44 =	vmax.f32 v25, v26;
	v26 =	vld [tilespmem:$0x1E710]  }
0x8da: {  	v28 =	vadd.s32 $0xEA60, v49;
	v25 =	vadd.s32 $0x11170, v63;
	v63 =	vld [tilespmem:$0x1E7E0];
	v5 =	vmax.f32 v10, v5  }
0x8db: {  	v35 =	vmax.f32 v34, v16;
	v1 =	vmax.f32 v1, v55;
	v10 =	vld.idx.msk [tilespmem:v39+s2+$0x0], $0xffff;
	v5 =	vmax.f32 v5, v32  }
0x8dc: {  	v20 =	vadd.s32 $0xEA60, v60;
	v1 =	vmax.f32 v4, v1;
	v7 =	vld.idx.msk [tilespmem:v7+s2+$0x0], $0xffff;
	v4 =	vmax.f32 v5, v35  }
0x8dd: {  	v3 =	vmax.f32 v12, v3;
	v33 =	vadd.s32 $0xEA60, v54;
	v12 =	vld.idx.msk [tilespmem:v46+s2+$0x0], $0xffff;
	v1 =	vmax.f32 v1, v4  }
0x8de: {  	v46 =	vmov v21;
	v21 =	vld [tilespmem:$0x1E6D0];
	[tilespmem:s28+$0xFFFFFC00] =	vst v1  }
0x8df: {  	v16 =	vmov v17;
	v5 =	vadd.s32 $0xEA60, v62;
	v17 =	vld.idx.msk [tilespmem:v28+s2+$0x0], $0xffff  }
0x8e0: {  	v4 =	vadd.s32 $0xEA60, v51;
	v48 =	vld.idx.msk [tilespmem:v29+s2+$0x0], $0xffff  }
0x8e1: {  	v32 =	vld.idx.msk [tilespmem:v20+s2+$0x0], $0xffff  }
0x8e2: {  	v1 =	vadd.s32 $0xEA60, v61;
	v10 =	vmax.f32 v11, v10;
	v11 =	vld.idx.msk [tilespmem:v33+s2+$0x0], $0xffff  }
0x8e3: {  	v55 =	vadd.s32 $0xEA60, v57;
	v9 =	vmax.f32 v9, v44;
	v33 =	vld [tilespmem:$0x1E870]  }
0x8e4: {  	v34 =	vadd.s32 $0xEA60, v53;
	[tilespmem:$0x1F1F0] =	vst v16;
	v16 =	vmax.f32 v27, v30;
	v8 =	vmax.f32 v8, v10;
	v5 =	vld.idx.msk [tilespmem:v5+s2+$0x0], $0xffff  }
0x8e5: {  	v35 =	vadd.s32 $0xEA60, v52;
	v7 =	vmax.f32 v7, v13;
	v2 =	vmax.f32 v2, v8;
	v4 =	vld.idx.msk [tilespmem:v4+s2+$0x0], $0xffff  }
0x8e6: {  	v28 =	vmovc v36;
	v36 =	vadd.s32 $0xEA60, v50;
	v7 =	vmax.f32 v16, v7;
	v0 =	vmax.f32 v0, v2;
	v2 =	vld [tilespmem:$0x1F250]  }
0x8e7: {  	v20 =	vadd.s32 $0xEA60, v31;
	v7 =	vmax.f32 v9, v7;
	v1 =	vld.idx.msk [tilespmem:v1+s2+$0x0], $0xffff  }
0x8e8: {  	v3 =	vmax.f32 v3, v7;
	[tilespmem:s29+$0xFFFFFBF0] =	vst v0;
	v0 =	vld.idx.msk [tilespmem:v55+s2+$0x0], $0xffff  }
0x8e9: {  	[tilespmem:s28+$0xFFFFF3F0] =	vst v3;
	v3 =	vmax.f32 v14, v12;
	v12 =	vld.idx.msk [tilespmem:v34+s2+$0x0], $0xffff  }
0x8ea: {  	v14 =	vld.idx.msk [tilespmem:v35+s2+$0x0], $0xffff  }
0x8eb: {  	v9 =	vld.idx.msk [tilespmem:v36+s2+$0x0], $0xffff  }
0x8ec: {  	v20 =	vld.idx.msk [tilespmem:v20+s2+$0x0], $0xffff  }
0x8ed: {  	v13 =	vmax.f32 v17, v48;
	v48 =	vadd.s32 $0x11170, v60;
	v60 =	vld [tilespmem:$0x1E7D0]  }
0x8ee: {  	v17 =	vadd.s32 $0x11170, v52;
	v52 =	vld [tilespmem:$0x1E9A0]  }
0x8ef: {  	v45 =	vmov v21;
	v21 =	vadd.s32 $0xEA60, v59;
	v36 =	vmov v33;
	v33 =	vld [tilespmem:$0x1F240]  }
0x8f0: {  	v22 =	vld.idx.msk [tilespmem:v22+s2+$0x0], $0xffff  }
0x8f1: {  	v16 =	vadd.s32 $0xEA60, v58;
	v23 =	vld.idx.msk [tilespmem:v23+s2+$0x0], $0xffff  }
0x8f2: {  	v26 =	vld.idx.msk [tilespmem:v26+s2+$0x0], $0xffff  }
0x8f3: {  	v7 =	vadd.s32 $0xEA60, v56;
	v10 =	vld.idx.msk [tilespmem:v41+s2+$0x0], $0xffff  }
0x8f4: {  	v8 =	vld.idx.msk [tilespmem:v21+s2+$0x0], $0xffff  }
0x8f5: {  	v21 =	vld [tilespmem:$0x1E6E0]  }
0x8f6: {  	v3 =	vmax.f32 v2, v3;
	v2 =	vld.idx.msk [tilespmem:v16+s2+$0x0], $0xffff  }
0x8f7: {  	v4 =	vmax.f32 v5, v4;
	v5 =	vld [tilespmem:$0x1E720]  }
0x8f8: {  	v16 =	vadd.s32 $0xEA60, v43;
	v7 =	vld.idx.msk [tilespmem:v7+s2+$0x0], $0xffff  }
0x8f9: {  	v4 =	vmax.f32 v13, v4;
	v13 =	vld [tilespmem:$0x1E840]  }
0x8fa: {  	v1 =	vmax.f32 v1, v32;
	v32 =	vld [tilespmem:$0x1E860]  }
0x8fb: {  	[tilespmem:$0x1F1E0] =	vst v42;
	v42 =	vmax.f32 v23, v26;
	v23 =	vld [tilespmem:$0x1E780]  }
0x8fc: {  	v26 =	vld [tilespmem:$0x1E7B0]  }
0x8fd: {  	v16 =	vld.idx.msk [tilespmem:v16+s2+$0x0], $0xffff  }
0x8fe: {  	v2 =	vmax.f32 v8, v2;
	v8 =	vld [tilespmem:$0x1E730]  }
0x8ff: {  	v0 =	vmax.f32 v0, v7;
	v7 =	vmax.f32 v11, v12;
	v11 =	vld.idx.msk [tilespmem:v38+s2+$0x0], $0xffff  }
0x900: {  	v21 =	vld.idx.msk [tilespmem:v21+s2+$0x0], $0xffff  }
0x901: {  	v1 =	vmax.f32 v1, v2;
	v0 =	vmax.f32 v0, v7;
	v7 =	vld [tilespmem:$0x1E750]  }
0x902: {  	v1 =	vmax.f32 v4, v1;
	v4 =	vld [tilespmem:$0x1E760]  }
0x903: {  	v5 =	vld.idx.msk [tilespmem:v5+s2+$0x0], $0xffff  }
0x904: {  	v27 =	vmov v37;
	v37 =	vmax.f32 v16, v20;
	v20 =	vadd.s32 $0x11170, v50;
	v50 =	vld [tilespmem:$0x1E940]  }
0x905: {  	v16 =	vadd.s32 $0x11170, v58;
	v58 =	vadd.s32 $0x11170, v53;
	v53 =	vld [tilespmem:$0x1E9B0]  }
0x906: {  	v23 =	vld.idx.msk [tilespmem:v23+s2+$0x0], $0xffff  }
0x907: {  	v9 =	vmax.f32 v14, v9;
	v26 =	vld.idx.msk [tilespmem:v26+s2+$0x0], $0xffff  }
0x908: {  	v24 =	vadd.s32 $0x11170, v49;
	v2 =	vmax.f32 v9, v37;
	v37 =	vld [tilespmem:$0x1E880]  }
0x909: {  	v39 =	vmax.f32 v21, v22;
	v21 =	vadd.s32 $0x11170, v43;
	v43 =	vld [tilespmem:$0x1E900]  }
0x90a: {  	v49 =	vadd.s32 $0x11170, v59;
	v0 =	vmax.f32 v0, v2;
	v8 =	vld.idx.msk [tilespmem:v8+s2+$0x0], $0xffff  }
0x90b: {  	v0 =	vmax.f32 v1, v0;
	v7 =	vld.idx.msk [tilespmem:v7+s2+$0x0], $0xffff  }
0x90c: {  	[tilespmem:s28+$0xFFFFFE00] =	vst v0;
	v4 =	vld.idx.msk [tilespmem:v4+s2+$0x0], $0xffff  }
0x90d: {  	v44 =	vld.idx.msk [tilespmem:v24+s2+$0x0], $0xffff  }
0x90e: {  	v55 =	vld.idx.msk [tilespmem:v48+s2+$0x0], $0xffff  }
0x90f: {  	v1 =	vadd.s32 $0x11170, v51;
	v51 =	vadd.s32 $0x11170, v57;
	v57 =	vld.idx.msk [tilespmem:v49+s2+$0x0], $0xffff  }
0x910: {  	v2 =	vadd.s32 $0x11170, v62;
	v16 =	vld.idx.msk [tilespmem:v16+s2+$0x0], $0xffff  }
0x911: {  	v14 =	vld.idx.msk [tilespmem:v58+s2+$0x0], $0xffff  }
0x912: {  	v22 =	vadd.s32 $0x11170, v31;
	v17 =	vld.idx.msk [tilespmem:v17+s2+$0x0], $0xffff  }
0x913: {  	v20 =	vld.idx.msk [tilespmem:v20+s2+$0x0], $0xffff  }
0x914: {  	v24 =	vld [tilespmem:$0x1E790]  }
0x915: {  	v0 =	vadd.s32 $0x11170, v61;
	v2 =	vld.idx.msk [tilespmem:v2+s2+$0x0], $0xffff  }
0x916: {  	v21 =	vld.idx.msk [tilespmem:v21+s2+$0x0], $0xffff;
	v5 =	vmax.f32 v5, v8;
	v7 =	vmax.f32 v11, v7  }
0x917: {  	v22 =	vld.idx.msk [tilespmem:v22+s2+$0x0], $0xffff;
	v5 =	vmax.f32 v5, v7;
	v7 =	vadd.s32 $0x11170, v56  }
0x918: {  	v8 =	vld.idx.msk [tilespmem:v25+s2+$0x0], $0xffff;
	v56 =	vadd.s32 $0x11170, v54  }
0x919: {  	v1 =	vld.idx.msk [tilespmem:v1+s2+$0x0], $0xffff  }
0x91a: {  	v0 =	vld.idx.msk [tilespmem:v0+s2+$0x0], $0xffff  }
0x91b: {  	v11 =	vld.idx.msk [tilespmem:v51+s2+$0x0], $0xffff  }
0x91c: {  	v7 =	vld.idx.msk [tilespmem:v7+s2+$0x0], $0xffff  }
0x91d: {  	v4 =	vmax.f32 v4, v10;
	v10 =	vld.idx.msk [tilespmem:v56+s2+$0x0], $0xffff  }
0x91e: {  	v25 =	vld [tilespmem:$0x1E7A0]  }
0x91f: {  	v1 =	vmax.f32 v2, v1;
	v2 =	vld [tilespmem:$0x1E7C0]  }
0x920: {  	v49 =	vld [tilespmem:$0x1E930];
	v59 =	vmax.f32 v57, v16;
	v61 =	vmax.f32 v17, v20  }
0x921: {  	v58 =	vld [tilespmem:$0x1EA10];
	v62 =	vmax.f32 v21, v22;
	v8 =	vmax.f32 v44, v8;
	v0 =	vmax.f32 v0, v55  }
0x922: {  	v51 =	vld [tilespmem:$0x1E960];
	v1 =	vmax.f32 v8, v1;
	v7 =	vmax.f32 v11, v7;
	v10 =	vmax.f32 v10, v14  }
0x923: {  	v57 =	vld [tilespmem:$0x1E9E0];
	v8 =	vmax.f32 v61, v62;
	v0 =	vmax.f32 v0, v59;
	v7 =	vmax.f32 v7, v10  }
0x924: {  	v0 =	vmax.f32 v1, v0;
	v1 =	vmax.f32 v7, v8;
	v8 =	vld [tilespmem:$0x1E810]  }
0x925: {  	v24 =	vld.idx.msk [tilespmem:v24+s2+$0x0], $0xffff  }
0x926: {  	v25 =	vld.idx.msk [tilespmem:v25+s2+$0x0], $0xffff  }
0x927: {  	v2 =	vld.idx.msk [tilespmem:v2+s2+$0x0], $0xffff  }
0x928: {  	v11 =	vld.idx.msk [tilespmem:v60+s2+$0x0], $0xffff  }
0x929: {  	v9 =	vmax.f32 v39, v42;
	v48 =	vmov v8;
	v8 =	vld [tilespmem:$0x1E820]  }
0x92a: {  	v5 =	vmax.f32 v9, v5;
	v9 =	vld.idx.msk [tilespmem:v63+s2+$0x0], $0xffff  }
0x92b: {  	v63 =	vld [tilespmem:$0x1EA30]  }
0x92c: {  	v7 =	vld [tilespmem:$0x1E7F0]  }
0x92d: {  	v12 =	vmax.f32 v23, v24;
	v0 =	vmax.f32 v0, v1;
	v1 =	vld [tilespmem:$0x1E800]  }
0x92e: {  	[tilespmem:s28+$0x0] =	vst v0;
	v0 =	vld [tilespmem:$0x1E830];
	v2 =	vmax.f32 v2, v11;
	v35 =	vmov v8;
	v8 =	vmax.f32 v25, v26  }
0x92f: {  	v4 =	vmax.f32 v4, v12;
	v2 =	vmax.f32 v8, v2;
	v8 =	vld [tilespmem:$0x1E8A0]  }
0x930: {  	v2 =	vmax.f32 v4, v2;
	v4 =	vld [tilespmem:$0x1E8C0]  }
0x931: {  	v2 =	vmax.f32 v5, v2;
	v5 =	vld [tilespmem:$0x1E8E0]  }
0x932: {  	v10 =	vld.idx.msk [tilespmem:v32+s2+$0x0], $0xffff  }
0x933: {  	v11 =	vld.idx.msk [tilespmem:v37+s2+$0x0], $0xffff  }
0x934: {  	v7 =	vld.idx.msk [tilespmem:v7+s2+$0x0], $0xffff  }
0x935: {  	v1 =	vld.idx.msk [tilespmem:v1+s2+$0x0], $0xffff  }
0x936: {  	v0 =	vld.idx.msk [tilespmem:v0+s2+$0x0], $0xffff  }
0x937: {  	v8 =	vld.idx.msk [tilespmem:v8+s2+$0x0], $0xffff  }
0x938: {  	v4 =	vld.idx.msk [tilespmem:v4+s2+$0x0], $0xffff  }
0x939: {  	v5 =	vld.idx.msk [tilespmem:v5+s2+$0x0], $0xffff  }
0x93a: {  	[tilespmem:s28+$0xFFFFF5F0] =	vst v2;
	v2 =	vld [tilespmem:$0x1F200]  }
0x93b: {  	v60 =	vld [tilespmem:$0x1EA20]  }
0x93c: {  	v54 =	vld [tilespmem:$0x1E9C0]  }
0x93d: {  	v62 =	vld [tilespmem:$0x1F230];
	v32 =	vmov v63  }
0x93e: {  	v59 =	vld [tilespmem:$0x1F220]  }
0x93f: {  	v56 =	vld [tilespmem:$0x1E9D0]  }
0x940: {  	[tilespmem:$0x1F230] =	vst v32;
	v32 =	vmov v6;
	v6 =	vld [tilespmem:$0x1EAE0];
	v16 =	vmov v60  }
0x941: {  	[tilespmem:$0x1F220] =	vst v16;
	v16 =	vld [tilespmem:$0x1EA50]  }
0x942: {  	v7 =	vmax.f32 v9, v7;
	v0 =	vmax.f32 v1, v0;
	v2 =	vld.idx.msk [tilespmem:v2+s2+$0x0], $0xffff  }
0x943: {  	v1 =	vmov v43;
	v0 =	vmax.f32 v7, v0;
	v7 =	vld [tilespmem:$0x1E920]  }
0x944: {  	v44 =	vmax.f32 v10, v11;
	[tilespmem:$0x1F200] =	vst v1;
	v1 =	vld [tilespmem:$0x1E910];
	v4 =	vmax.f32 v8, v4  }
0x945: {  	v8 =	vld [tilespmem:$0x1E950];
	v4 =	vmax.f32 v44, v4  }
0x946: {  	v0 =	vmax.f32 v0, v4;
	v4 =	vld [tilespmem:$0x1E970]  }
0x947: {  	v2 =	vmax.f32 v5, v2;
	v5 =	vld [tilespmem:$0x1E980]  }
0x948: {  	v43 =	vld [tilespmem:$0x1F260]  }
0x949: {  	v10 =	vld.idx.msk [tilespmem:v49+s2+$0x0], $0xffff  }
0x94a: {  	v9 =	vld.idx.msk [tilespmem:v51+s2+$0x0], $0xffff  }
0x94b: {  	v7 =	vld.idx.msk [tilespmem:v7+s2+$0x0], $0xffff  }
0x94c: {  	v1 =	vld.idx.msk [tilespmem:v1+s2+$0x0], $0xffff  }
0x94d: {  	v8 =	vld.idx.msk [tilespmem:v8+s2+$0x0], $0xffff  }
0x94e: {  	v4 =	vld.idx.msk [tilespmem:v4+s2+$0x0], $0xffff  }
0x94f: {  	v5 =	vld.idx.msk [tilespmem:v5+s2+$0x0], $0xffff  }
0x950: {  	v11 =	vld.idx.msk [tilespmem:v50+s2+$0x0], $0xffff  }
0x951: {  	v12 =	vld.idx.msk [tilespmem:v52+s2+$0x0], $0xffff  }
0x952: {  	v55 =	vmov v13;
	v13 =	vld.idx.msk [tilespmem:v57+s2+$0x0], $0xffff  }
0x953: {  	v1 =	vmax.f32 v1, v7;
	v7 =	vld [tilespmem:$0x1E990]  }
0x954: {  	v8 =	vmax.f32 v8, v9;
	v4 =	vmax.f32 v4, v5;
	v5 =	vld [tilespmem:$0x1E9F0]  }
0x955: {  	v4 =	vmax.f32 v8, v4;
	v8 =	vld [tilespmem:$0x1EA00]  }
0x956: {  	v49 =	vld [tilespmem:$0x1EA70]  }
0x957: {  	v10 =	vmax.f32 v10, v11;
	v11 =	vld.idx.msk [tilespmem:v53+s2+$0x0], $0xffff  }
0x958: {  	v1 =	vmax.f32 v1, v10;
	v10 =	vld.idx.msk [tilespmem:v54+s2+$0x0], $0xffff  }
0x959: {  	v1 =	vmax.f32 v1, v4;
	v4 =	vld [tilespmem:$0x1F210]  }
0x95a: {  	v9 =	vld.idx.msk [tilespmem:v56+s2+$0x0], $0xffff  }
0x95b: {  	v7 =	vld.idx.msk [tilespmem:v7+s2+$0x0], $0xffff  }
0x95c: {  	v5 =	vld.idx.msk [tilespmem:v5+s2+$0x0], $0xffff  }
0x95d: {  	v17 =	vmov v58;
	v8 =	vld.idx.msk [tilespmem:v8+s2+$0x0], $0xffff  }
0x95e: {  	v52 =	vld [tilespmem:$0x1EB00]  }
0x95f: {  	v10 =	vmax.f32 v11, v10;
	v11 =	vld.idx.msk [tilespmem:v59+s2+$0x0], $0xffff  }
0x960: {  	[tilespmem:$0x1F210] =	vst v17;
	v17 =	vmov v16;
	v16 =	vld [tilespmem:$0x1EA60]  }
0x961: {  	v4 =	vld.idx.msk [tilespmem:v4+s2+$0x0], $0xffff  }
0x962: {  	v9 =	vmax.f32 v9, v13;
	v7 =	vmax.f32 v7, v12;
	v5 =	vmax.f32 v5, v8;
	v8 =	vld [tilespmem:$0x1F280]  }
0x963: {  	v13 =	vld.idx.msk [tilespmem:v43+s2+$0x0], $0xffff;
	v7 =	vmax.f32 v7, v10;
	v5 =	vmax.f32 v9, v5  }
0x964: {  	v5 =	vmax.f32 v7, v5;
	v7 =	vld [tilespmem:$0x1EA90]  }
0x965: {  	v12 =	vld.idx.msk [tilespmem:v33+s2+$0x0], $0xffff;
	v44 =	vmov v16  }
0x966: {  	v10 =	vld.idx.msk [tilespmem:v62+s2+$0x0], $0xffff;
	v4 =	vmax.f32 v4, v11  }
0x967: {  	v2 =	vmax.f32 v2, v4;
	v4 =	vld [tilespmem:$0x1EAB0]  }
0x968: {  	[tilespmem:$0x1F280] =	vst v44;
	v44 =	vmov v6;
	v6 =	vld [tilespmem:$0x1EAF0]  }
0x969: {  	v1 =	vmax.f32 v1, v5;
	v5 =	vld [tilespmem:$0x1EAC0]  }
0x96a: {  	v8 =	vld.idx.msk [tilespmem:v8+s2+$0x0], $0xffff  }
0x96b: {  	v9 =	vld.idx.msk [tilespmem:v49+s2+$0x0], $0xffff  }
0x96c: {  	v7 =	vld.idx.msk [tilespmem:v7+s2+$0x0], $0xffff  }
0x96d: {  	v53 =	vld [tilespmem:$0x1EB10]  }
0x96e: {  	v43 =	vmov v5;
	v5 =	vld [tilespmem:$0x1EAD0]  }
0x96f: {  	v4 =	vld.idx.msk [tilespmem:v4+s2+$0x0], $0xffff;
	[tilespmem:s28+$0xFFFFF7F0] =	vst v1;
	v1 =	vmax.f32 v10, v12;
	v8 =	vmax.f32 v13, v8  }
0x970: {  	v1 =	vmax.f32 v1, v8;
	v8 =	vld [tilespmem:$0x1EB20]  }
0x971: {  	v1 =	vmax.f32 v2, v1;
	v2 =	vmax.f32 v9, v7;
	v7 =	vld [tilespmem:$0x1EB30]  }
0x972: {  	v0 =	vmax.f32 v0, v1;
	v1 =	vld [tilespmem:$0x1EB40];
	_ =	sdelay $0x1  }
0x973: {  	v6 =	vld.idx.msk [tilespmem:v6+s2+$0x0], $0xffff  }
0x974: {  	v10 =	vld.idx.msk [tilespmem:v52+s2+$0x0], $0xffff  }
0x975: {  	v5 =	vld.idx.msk [tilespmem:v5+s2+$0x0], $0xffff  }
0x976: {  	v11 =	vld.idx.msk [tilespmem:v53+s2+$0x0], $0xffff  }
0x977: {  	v8 =	vld.idx.msk [tilespmem:v8+s2+$0x0], $0xffff  }
0x978: {  	v7 =	vld.idx.msk [tilespmem:v7+s2+$0x0], $0xffff  }
0x979: {  	v1 =	vld.idx.msk [tilespmem:v1+s2+$0x0], $0xffff  }
0x97a: {  	[tilespmem:s29+$0xFFFFFDF0] =	vst v0;
	v0 =	vmax.f32 v4, v5;
	v5 =	vmax.f32 v6, v10;
	v6 =	vld [tilespmem:$0x1F270]  }
0x97b: {  	v4 =	vld [tilespmem:$0x1EB50]  }
0x97c: {  	v0 =	vmax.f32 v2, v0;
	v2 =	vld [tilespmem:$0x1EB60];
	_ =	sdelay $0x1  }
0x97d: {  	v0 =	vmax.f32 v3, v0;
	v3 =	vld [tilespmem:$0x1EB70]  }
0x97e: {  	v0 =	vmax.f32 v6, v0;
	v6 =	vld [tilespmem:$0x1EB80]  }
0x97f: {  	v8 =	vmax.f32 v11, v8  }
0x980: {  	v5 =	vmax.f32 v5, v8;
	v8 =	vld [tilespmem:$0x1EBA0]  }
0x981: {  	v1 =	vmax.f32 v7, v1;
	v7 =	vld [tilespmem:$0x1EBB0]  }
0x982: {  	v4 =	vld.idx.msk [tilespmem:v4+s2+$0x0], $0xffff  }
0x983: {  	v2 =	vld.idx.msk [tilespmem:v2+s2+$0x0], $0xffff  }
0x984: {  	v54 =	vld [tilespmem:$0x1EBC0]  }
0x985: {  	v3 =	vld.idx.msk [tilespmem:v3+s2+$0x0], $0xffff  }
0x986: {  	v6 =	vld.idx.msk [tilespmem:v6+s2+$0x0], $0xffff  }
0x987: {  	[tilespmem:s26+$0xFFFFFFF0] =	vst v0;
	v0 =	vld [tilespmem:$0x1EB90]  }
0x988: {  	v2 =	vmax.f32 v4, v2;
	v4 =	vld [tilespmem:$0x1EBD0]  }
0x989: {  	v1 =	vmax.f32 v1, v2;
	v2 =	vld [tilespmem:$0x1EBE0]  }
0x98a: {  	v8 =	vld.idx.msk [tilespmem:v8+s2+$0x0], $0xffff  }
0x98b: {  	v7 =	vld.idx.msk [tilespmem:v7+s2+$0x0], $0xffff  }
0x98c: {  	v9 =	vld.idx.msk [tilespmem:v54+s2+$0x0], $0xffff  }
0x98d: {  	v1 =	vmax.f32 v5, v1;
	v5 =	vld [tilespmem:$0x1EBF0]  }
0x98e: {  	v3 =	vmax.f32 v3, v6;
	v6 =	vld [tilespmem:$0x1EC00]  }
0x98f: {  	v0 =	vld.idx.msk [tilespmem:v0+s2+$0x0], $0xffff  }
0x990: {  	v4 =	vld.idx.msk [tilespmem:v4+s2+$0x0], $0xffff  }
0x991: {  	v2 =	vld.idx.msk [tilespmem:v2+s2+$0x0], $0xffff;
	_ =	sdelay $0x2  }
0x992: {  	v16 =	vmov v6;
	v6 =	vld [tilespmem:$0x1EC10]  }
0x993: {  	v0 =	vmax.f32 v0, v8;
	v8 =	vld [tilespmem:$0x1EC20]  }
0x994: {  	v57 =	vld [tilespmem:$0x1EC70];
	v7 =	vmax.f32 v7, v9;
	v2 =	vmax.f32 v4, v2  }
0x995: {  	v5 =	vld.idx.msk [tilespmem:v5+s2+$0x0], $0xffff;
	v0 =	vmax.f32 v3, v0;
	v2 =	vmax.f32 v7, v2  }
0x996: {  	v0 =	vmax.f32 v0, v2;
	v2 =	vld [tilespmem:$0x1ECD0]  }
0x997: {  	v3 =	vld [tilespmem:$0x1EC30]  }
0x998: {  	[tilespmem:$0x1F260] =	vst v17;
	v17 =	vmov v8;
	v8 =	vld [tilespmem:$0x1EC40]  }
0x999: {  	v4 =	vld [tilespmem:$0x1EC90]  }
0x99a: {  	v6 =	vld.idx.msk [tilespmem:v6+s2+$0x0], $0xffff  }
0x99b: {  	v7 =	vld [tilespmem:$0x1ECB0]  }
0x99c: {  	v0 =	vmax.f32 v1, v0;
	v1 =	vld [tilespmem:$0x1ECF0]  }
0x99d: {  	v31 =	vmov v18;
	v18 =	vmov v8;
	v8 =	vld [tilespmem:$0x1EC50]  }
0x99e: {  	v62 =	vld.idx.msk [tilespmem:v2+s2+$0x0], $0xffff  }
0x99f: {  	v2 =	vmax.f32 v5, v6;
	v5 =	vld [tilespmem:$0x1ECE0]  }
0x9a0: {  	v9 =	vld.idx.msk [tilespmem:v57+s2+$0x0], $0xffff  }
0x9a1: {  	v3 =	vld.idx.msk [tilespmem:v3+s2+$0x0], $0xffff  }
0x9a2: {  	v4 =	vld.idx.msk [tilespmem:v4+s2+$0x0], $0xffff  }
0x9a3: {  	v7 =	vld.idx.msk [tilespmem:v7+s2+$0x0], $0xffff  }
0x9a4: {  	v25 =	vmov v5;
	v5 =	vld.idx.msk [tilespmem:v1+s2+$0x0], $0xffff  }
0x9a5: {  	v8 =	vld.idx.msk [tilespmem:v8+s2+$0x0], $0xffff  }
0x9a6: {  	[tilespmem:s28+$0xFFFFF9F0] =	vst v0;
	v0 =	vld [tilespmem:$0x1ED10];
	_ =	sdelay $0x7  }
0x9a7: {  	v63 =	vld.idx.msk [tilespmem:v0+s2+$0x0], $0xffff;
	v0 =	vmax.f32 v3, v8  }
0x9a8: {  	v8 =	vmax.f32 v2, v0;
	v0 =	vld [tilespmem:$0x1ED30];
	_ =	sdelay $0x7  }
0x9a9: {  	v2 =	vld.idx.msk [tilespmem:v0+s2+$0x0], $0xffff  }
0x9aa: {  	v0 =	vld [tilespmem:$0x1ED40];
	_ =	sdelay $0x2  }
0x9ab: {  	v41 =	vld [tilespmem:$0x1E8D0]  }
0x9ac: {  	v38 =	vld [tilespmem:$0x1E890]  }
0x9ad: {  	v39 =	vld [tilespmem:$0x1E8B0]  }
0x9ae: {  	v42 =	vld [tilespmem:$0x1E8F0]  }
0x9af: {  	v58 =	vld [tilespmem:$0x1EC80]  }
0x9b0: {  	v3 =	vld.idx.msk [tilespmem:v0+s2+$0x0], $0xffff  }
0x9b1: {  	v0 =	vld [tilespmem:$0x1ED50]  }
0x9b2: {  	v14 =	vld [tilespmem:$0x1E850]  }
0x9b3: {  	v1 =	vld [tilespmem:$0x1ED00]  }
0x9b4: {  	v37 =	vmov v38;
	v38 =	vmov v39;
	v39 =	vmov v41;
	v41 =	vld [tilespmem:$0x1EA40]  }
0x9b5: {  	v60 =	vld [tilespmem:$0x1ECC0]  }
0x9b6: {  	v50 =	vld [tilespmem:$0x1EA80];
	v6 =	vmax.f32 v9, v4;
	v7 =	vmax.f32 v7, v62  }
0x9b7: {  	v7 =	vmax.f32 v6, v7;
	v6 =	vld [tilespmem:$0x1ED70]  }
0x9b8: {  	v22 =	vmov v1;
	v1 =	vld [tilespmem:$0x1ED20]  }
0x9b9: {  	v4 =	vld.idx.msk [tilespmem:v0+s2+$0x0], $0xffff  }
0x9ba: {  	v0 =	vld [tilespmem:$0x1ED60]  }
0x9bb: {  	v51 =	vld [tilespmem:$0x1EAA0]  }
0x9bc: {  	s30 =	sadd.s32 $0x2, s30;
	v56 =	vld [tilespmem:$0x1EC60]  }
0x9bd: {  	p0 =	slt.u32 s30, $0x1E;
	v59 =	vld [tilespmem:$0x1ECA0]  }
.Ltmp1:
0x9be: {  	_ = 	snop;
	(pc) =	sbr.rel @p0 .LBB2_6-.Ltmp1, $4  }
0x9bf: {  	v61 =	vmov v42;
	v42 =	vmov v41  }
0x9c0: {  	v40 =	vadd.s32 $0x11170, v40;
	v29 =	vmovc v15;
	v21 =	vmov v19;
	[tilespmem:$0x1F240] =	vst v42;
	v6 =	vld.idx.msk [tilespmem:v6+s2+$0x0], $0xffff;
	v5 =	vmax.f32 v5, v63  }
0x9c1: {  	v20 =	vmovc v58;
	v34 =	vmov v14;
	v24 =	vmov v60;
	v1 =	vld.idx.msk [tilespmem:v1+s2+$0x0], $0xffff;
	[tilespmem:$0x1F250] =	vst v5;
	v5 =	vmax.f32 v8, v7  }
0x9c2: {  	s0 =	sadd.s32 $0x20, s0;
	v26 =	vmovc v40;
	v30 =	vmovc v50;
	v42 =	vmov v51;
	v19 =	vmov v56;
	v23 =	vmov v59;
	s26 =	smov.u32 s29;
	s29 =	smov.u32 s28;
	[tilespmem:$0x1F270] =	vst v5;
	v0 =	vld.idx.msk [tilespmem:v0+s2+$0x0], $0xffff  }
0x9c3: {  	_ =	sdelay $0x3  }
0x9c4: {  	v5 =	vld.idx.msk [tilespmem:v47+s2+$0x0], $0xffff  }
0x9c5: {  	v7 =	vld [tilespmem:$0x1F170]  }
0x9c6: {  	v8 =	vld [tilespmem:$0x1F180]  }
0x9c7: {  	v9 =	vld [tilespmem:$0x1F190]  }
0x9c8: {  	v10 =	vld [tilespmem:$0x1F1A0]  }
0x9c9: {  	v11 =	vld [tilespmem:$0x1F1B0]  }
0x9ca: {  	v12 =	vld [tilespmem:$0x1F1C0]  }
0x9cb: {  	v13 =	vld [tilespmem:$0x1F1D0]  }
0x9cc: {  	v14 =	vld [tilespmem:$0x1F1E0]  }
0x9cd: {  	v15 =	vld [tilespmem:$0x1F1F0]  }
0x9ce: {  	v7 =	vld.idx.msk [tilespmem:v7+s2+$0x0], $0xffff  }
0x9cf: {  	v8 =	vld.idx.msk [tilespmem:v8+s2+$0x0], $0xffff  }
0x9d0: {  	v9 =	vld.idx.msk [tilespmem:v9+s2+$0x0], $0xffff  }
0x9d1: {  	v10 =	vld.idx.msk [tilespmem:v10+s2+$0x0], $0xffff  }
0x9d2: {  	v11 =	vld.idx.msk [tilespmem:v11+s2+$0x0], $0xffff  }
0x9d3: {  	v12 =	vld.idx.msk [tilespmem:v12+s2+$0x0], $0xffff  }
0x9d4: {  	v13 =	vld.idx.msk [tilespmem:v13+s2+$0x0], $0xffff  }
0x9d5: {  	v14 =	vld.idx.msk [tilespmem:v14+s2+$0x0], $0xffff  }
0x9d6: {  	v15 =	vld.idx.msk [tilespmem:v15+s2+$0x0], $0xffff;
	_ =	sdelay $0x1  }
0x9d7: {  	v52 =	vmax.f32 v3, v4;
	v1 =	vmax.f32 v1, v2  }
0x9d8: {  	v1 =	vmax.f32 v1, v52  }
0x9d9: {  	v0 =	vmax.f32 v0, v6;
	v53 =	vmax.f32 v5, v7;
	v54 =	vmax.f32 v8, v9  }
0x9da: {  	v56 =	vmax.f32 v10, v11;
	v57 =	vmax.f32 v12, v13;
	v58 =	vmax.f32 v14, v15  }
0x9db: {  	v0 =	vmax.f32 v0, v53;
	v59 =	vmax.f32 v54, v56;
	v60 =	vmax.f32 v57, v58  }
0x9dc: {  	v0 =	vmax.f32 v1, v0;
	v62 =	vmax.f32 v59, v60  }
0x9dd: {  	v0 =	vmax.f32 v0, v62  }
0x9de: {  	[tilespmem:s29+$0xFFFFFBF0] =	vst v0  }
0x9df: {  	v0 =	vld.idx.msk [tilespmem:v48+s2+$0x0], $0xffff  }
0x9e0: {  	v63 =	vld.idx.msk [tilespmem:v35+s2+$0x0], $0xffff  }
0x9e1: {  	v33 =	vld.idx.msk [tilespmem:v55+s2+$0x0], $0xffff  }
0x9e2: {  	v35 =	vld.idx.msk [tilespmem:v34+s2+$0x0], $0xffff  }
0x9e3: {  	v40 =	vld.idx.msk [tilespmem:v36+s2+$0x0], $0xffff  }
0x9e4: {  	v41 =	vld.idx.msk [tilespmem:v37+s2+$0x0], $0xffff  }
0x9e5: {  	v47 =	vld.idx.msk [tilespmem:v38+s2+$0x0], $0xffff  }
0x9e6: {  	v48 =	vld.idx.msk [tilespmem:v39+s2+$0x0], $0xffff  }
0x9e7: {  	v50 =	vld [tilespmem:$0x1F200]  }
0x9e8: {  	v51 =	vld [tilespmem:$0x1F210]  }
0x9e9: {  	v52 =	vld [tilespmem:$0x1F220]  }
0x9ea: {  	v53 =	vld [tilespmem:$0x1F230]  }
0x9eb: {  	v54 =	vld [tilespmem:$0x1F240]  }
0x9ec: {  	v55 =	vld [tilespmem:$0x1F260]  }
0x9ed: {  	v56 =	vld [tilespmem:$0x1F280]  }
0x9ee: {  	v49 =	vld.idx.msk [tilespmem:v61+s2+$0x0], $0xffff  }
0x9ef: {  	v9 =	vld.idx.msk [tilespmem:v50+s2+$0x0], $0xffff  }
0x9f0: {  	v10 =	vld.idx.msk [tilespmem:v51+s2+$0x0], $0xffff  }
0x9f1: {  	v11 =	vld.idx.msk [tilespmem:v52+s2+$0x0], $0xffff  }
0x9f2: {  	v12 =	vld.idx.msk [tilespmem:v53+s2+$0x0], $0xffff  }
0x9f3: {  	v13 =	vld.idx.msk [tilespmem:v54+s2+$0x0], $0xffff  }
0x9f4: {  	v14 =	vld.idx.msk [tilespmem:v55+s2+$0x0], $0xffff  }
0x9f5: {  	v15 =	vld.idx.msk [tilespmem:v56+s2+$0x0], $0xffff;
	_ =	sdelay $0x2  }
0x9f6: {  	v0 =	vmax.f32 v0, v63;
	v57 =	vmax.f32 v33, v35;
	v59 =	vmax.f32 v40, v41  }
0x9f7: {  	v30 =	vld.idx.msk [tilespmem:v30+s2+$0x0], $0xffff;
	v60 =	vmax.f32 v47, v48;
	v0 =	vmax.f32 v0, v57;
	v61 =	vmax.f32 v49, v9  }
0x9f8: {  	v58 =	vld.idx.msk [tilespmem:v46+s2+$0x0], $0xffff;
	v63 =	vmax.f32 v10, v11;
	v13 =	vmax.f32 v12, v13;
	v15 =	vmax.f32 v14, v15  }
0x9f9: {  	v62 =	vld.idx.msk [tilespmem:v45+s2+$0x0], $0xffff;
	v2 =	vmax.f32 v59, v60;
	v4 =	vmax.f32 v61, v63;
	v33 =	vmax.f32 v13, v15  }
0x9fa: {  	v34 =	vld.idx.msk [tilespmem:v42+s2+$0x0], $0xffff;
	v0 =	vmax.f32 v0, v2;
	v4 =	vmax.f32 v4, v33  }
0x9fb: {  	v36 =	vld.idx.msk [tilespmem:v44+s2+$0x0], $0xffff;
	v0 =	vmax.f32 v0, v4  }
0x9fc: {  	v35 =	vld.idx.msk [tilespmem:v43+s2+$0x0], $0xffff;
	[tilespmem:s29+$0xFFFFFDF0] =	vst v0  }
0x9fd: {  	v0 =	vld.idx.msk [tilespmem:v16+s2+$0x0], $0xffff  }
0x9fe: {  	v37 =	vld.idx.msk [tilespmem:v17+s2+$0x0], $0xffff  }
0x9ff: {  	v38 =	vld.idx.msk [tilespmem:v18+s2+$0x0], $0xffff  }
0xa00: {  	v39 =	vld.idx.msk [tilespmem:v19+s2+$0x0], $0xffff  }
0xa01: {  	v40 =	vld.idx.msk [tilespmem:v20+s2+$0x0], $0xffff  }
0xa02: {  	v41 =	vld.idx.msk [tilespmem:v23+s2+$0x0], $0xffff  }
0xa03: {  	v42 =	vld.idx.msk [tilespmem:v24+s2+$0x0], $0xffff  }
0xa04: {  	v43 =	vld.idx.msk [tilespmem:v25+s2+$0x0], $0xffff  }
0xa05: {  	v44 =	vld.idx.msk [tilespmem:v22+s2+$0x0], $0xffff  }
0xa06: {  	v45 =	vld.idx.msk [tilespmem:v26+s2+$0x0], $0xffff  }
0xa07: {  	v46 =	vld.idx.msk [tilespmem:v27+s2+$0x0], $0xffff  }
0xa08: {  	v47 =	vld.idx.msk [tilespmem:v28+s2+$0x0], $0xffff  }
0xa09: {  	v48 =	vld.idx.msk [tilespmem:v21+s2+$0x0], $0xffff  }
0xa0a: {  	v52 =	vld [tilespmem:$0x1F250]  }
0xa0b: {  	v49 =	vld.idx.msk [tilespmem:v31+s2+$0x0], $0xffff  }
0xa0c: {  	v50 =	vld.idx.msk [tilespmem:v32+s2+$0x0], $0xffff  }
0xa0d: {  	v51 =	vld.idx.msk [tilespmem:v29+s2+$0x0], $0xffff  }
0xa0e: {  	v1 =	vmax.f32 v58, v62;
	v2 =	vmax.f32 v30, v34;
	v53 =	vmax.f32 v35, v36  }
0xa0f: {  	v2 =	vmax.f32 v2, v53;
	v62 =	vld [tilespmem:$0x1F270];
	v1 =	vmax.f32 v52, v1;
	v0 =	vmax.f32 v0, v37  }
0xa10: {  	v54 =	vmax.f32 v38, v39;
	v55 =	vmax.f32 v40, v41;
	v56 =	vmax.f32 v42, v43  }
0xa11: {  	s23 =	sadd.s32 $0x1, s23;
	v57 =	vmax.f32 v44, v45;
	v58 =	vmax.f32 v46, v47;
	v59 =	vmax.f32 v48, v49  }
0xa12: {  	p0 =	sne.s32 s23, $0x5;
	v5 =	vmax.f32 v50, v51;
	v1 =	vmax.f32 v1, v2;
	v0 =	vmax.f32 v0, v54  }
.Ltmp2:
0xa13: {  	v2 =	vmax.f32 v55, v56;
	v60 =	vmax.f32 v57, v58;
	v61 =	vmax.f32 v59, v5;
	(pc) =	sbr.rel @p0 .LBB2_3-.Ltmp2, $4  }
0xa14: {  	s0 =	sadd.s32 s24, s25;
	v1 =	vmax.f32 v62, v1;
	v0 =	vmax.f32 v0, v2;
	v63 =	vmax.f32 v60, v61  }
0xa15: {  	s0 =	sshrl.u32 s0, $0x3;
	[tilespmem:s26+$0xFFFFFFF0] =	vst v1;
	v0 =	vmax.f32 v0, v63  }
0xa16: {  	s0 =	sadd.s32 s1, s0;
	[tilespmem:s29+$0xFFFFFFF0] =	vst v0  }
0xa17: {  	[hbm4b:s0+s10] =	stream.strided.scatter [tilespmem:s18], [sflag:$0x4], $0x1000, s11, s10, $0x38;
	[tilespmem:$0x19880] =	vst v63  }
0xa18: {  	s22 =	sadd.s32 $0x1, s22  }
0xa19: {  	p0 =	sne.s32 s22, $0x4  }
.Ltmp3:
0xa1a: {  	_ = 	snop;
	(pc) =	sbr.rel @p0 .LBB2_2-.Ltmp3, $1  }
0xa1b: {  	_ =	sdelay $0x3  }
0xa1c: {  	s21 =	sadd.s32 $0x1, s21  }
0xa1d: {  	_ =	swait.ge [sflag:s19], $0x1000;
	p0 =	sne.s32 s21, s9  }
.Ltmp4:
0xa1e: {  	[sflag:s19] =	ssyncset.done $0x0;
	(pc) =	sbr.rel @p0 .LBB2_1-.Ltmp4, $4  }
0xa1f: {  	[sflag:s19] =	ssyncadd.s32 $0xFFFFF000  }
0xa20: {  	_ =	swait.ge [sflag:s20], $0x1000  }
0xa21: {  	[sflag:s20] =	ssyncset.done $0x0  }
0xa22: {  	[sflag:s20] =	ssyncadd.s32 $0xFFFFF000  }
0xa23: {  	_ =	sfence.sel $0x180000  }
0xa24: {  	[bflag:$0x0] =	sbarrier.arrive $0xFFFF  }
0xa25: {  	_ =	strace $0x90000047  }
0xa26: {  	[bflag:$0x2] =	sbarrier.arrive $0xFFFF  }
0xa27: {  	p0 =	sne.s32 s3, $0x0;
	s0 =	rddreg [dreg:$0x2]  }
0xa28: {  	s0 =	sadd.s32 @!p0 $0x100000, s0  }
0xa29: {  	[sflag:s0] =	ssyncadd.tile.s32 @!p0 $0x1;
	_ =	shalt  }
.Lfunc_end2:
_tile_overlayer_lowered:
.L_overlay_start_2:
0xa2a: {  	(tag) =	ssettag $0x2  }
0xa2b: {  	s0 =	rddreg [dreg:$0x0];
	s2 =	stileid.u32  }
0xa2c: {  	s1 =	rddreg [dreg:$0x1];
	p0 =	sne.s32 s2, $0x0  }
0xa2d: {  	s3 =	rddreg [dreg:$0x2];
	[bflag:$0x3] =	sbarrier.arrive $0xFFFF;
	s2 =	simm.s32 @!p0 $0x1C05  }
0xa2e: {  	[timem:s3], [sflag:s2] =	dma.local @!p0 [hbm:s0], s1  }
0xa2f: {  	s0 =	simm.s32 @!p0 $0x5  }
0xa30: {  	_ =	swait.ge @!p0 [sflag:s0], s1  }
0xa31: {  	s1 =	ssub.s32 @!p0 $0x0, s1;
	[sflag:s0] =	ssyncset.done @!p0 $0x0  }
0xa32: {  	[sflag:s0] =	ssyncadd.s32 @!p0 s1  }
0xa33: {  	[bflag:$0x3] =	sbarrier.arrive $0xFFFF  }
0xa34: {  	_ =	shalt  }

</sc_bundles>
